<compile_context>
chip_gen: v7x
topology: tpu7x:2x2x1
jax: 0.10.2.dev20260603
libtpu: 0.0.44.dev20260713+nightly
codegen_flags: <defaults>
</compile_context>

<pallas_src>
import functools

import jax
import jax.numpy as jnp
from jax import lax
from jax.experimental import pallas as pl
from jax.experimental.pallas import tpu as pltpu
from jax.experimental.pallas import tpu_sc as plsc

_LANES = 16


@functools.lru_cache(maxsize=None)
def _make_sorted_gather(num_rows, dim, batch):
    info = plsc.get_sparse_core_info()
    nc, ns = info.num_cores, info.num_subcores
    nw = nc * ns
    assert dim == 64 and batch % (nw * 128) == 0
    b_per_w = batch // nw

    mesh = plsc.VectorSubcoreMesh(core_axis_name="c", subcore_axis_name="s")

    @functools.partial(
        pl.kernel,
        mesh=mesh,
        out_type=jax.ShapeDtypeStruct((batch * dim,), jnp.float32),
        scratch_types=[
            pltpu.SMEM((b_per_w,), jnp.int32),
            pltpu.SMEM((b_per_w,), jnp.int32),
            pltpu.SMEM((b_per_w + 1,), jnp.int32),
            pltpu.VMEM((b_per_w,), jnp.int32),
            pltpu.VMEM((10, dim, 128), jnp.float32),
            pltpu.VMEM((b_per_w * dim,), jnp.float32),
        ] + [pltpu.SemaphoreType.DMA] * 11,
        compiler_params=pltpu.CompilerParams(needs_layout_passes=False),
    )
    def gather_kernel(table_hbm, sidx_hbm, out_hbm, idx_s, dj_s, dm_s, idx_v,
                      blk_v, stg_v, *sems_all):
        sems = sems_all[:10]
        aux_sem = sems_all[10]
        wid = lax.axis_index("s") * nc + lax.axis_index("c")
        base = wid * b_per_w
        pltpu.async_copy(sidx_hbm.at[pl.ds(base, b_per_w)], idx_v, aux_sem).wait()

        @pl.loop(0, b_per_w // _LANES)
        def _stage(mc):
            v = idx_v[pl.ds(mc * _LANES, _LANES)]
            for l in range(_LANES):
                idx_s[mc * _LANES + l] = v[l]

        def scan_body(m, carry):
            d, cur_j = carry
            j = lax.shift_right_logical(idx_s[m], 7)
            new = j != cur_j

            @pl.when(new)
            def _():
                dj_s[d] = j
                dm_s[d] = m

            return (d + jnp.where(new, 1, 0), j)

        nd, _ = pl.loop(0, b_per_w, init_carry=(jnp.int32(0), jnp.int32(-1)))(
            scan_body
        )
        dm_s[nd] = b_per_w

        def issue(d, sem):
            @pl.when(d < nd)
            def _():
                j = dj_s[d]
                pltpu.async_copy(
                    table_hbm.at[:, pl.ds(j * 128, 128)],
                    blk_v.at[lax.rem(d, 10)],
                    sem,
                )

        for r in range(10):
            issue(jnp.int32(r), sems[r])

        rows0 = lax.iota(jnp.int32, _LANES)

        @pl.loop(0, nd, step=10)
        def _blocks(d0):
            for r in range(10):
                d = d0 + r

                @pl.when(d < nd)
                def _():
                    slot = lax.rem(d, 10)
                    pltpu.make_async_copy(
                        table_hbm.at[:, pl.ds(0, 128)], blk_v.at[slot], sems[r]
                    ).wait()

                    def extract(m):
                        k = lax.bitwise_and(idx_s[m], 127)
                        cols = jnp.zeros((_LANES,), jnp.int32) + k
                        for q in range(dim // _LANES):
                            stg_v[pl.ds(m * dim + q * _LANES, _LANES)] = (
                                plsc.load_gather(
                                    blk_v.at[slot],
                                    [rows0 + q * _LANES, cols],
                                )
                            )

                    pl.loop(dm_s[d], dm_s[d + 1])(extract)
                    issue(d + 10, sems[r])

        pltpu.sync_copy(stg_v, out_hbm.at[pl.ds(base * dim, b_per_w * dim)])

    return gather_kernel


@functools.lru_cache(maxsize=None)
def _make_unpermute(dim, batch):
    info = plsc.get_sparse_core_info()
    nc, ns = info.num_cores, info.num_subcores
    nw = nc * ns
    b_per_w = batch // nw
    n_cb = b_per_w // 128

    mesh = plsc.VectorSubcoreMesh(core_axis_name="c", subcore_axis_name="s")

    @functools.partial(
        pl.kernel,
        mesh=mesh,
        out_type=jax.ShapeDtypeStruct((batch, dim), jnp.float32),
        scratch_types=[
            pltpu.VMEM((n_cb, 128), jnp.int32),
            pltpu.VMEM((b_per_w, dim), jnp.float32),
            pltpu.SemaphoreType.DMA,
            pltpu.SemaphoreType.DMA,
        ],
        compiler_params=pltpu.CompilerParams(use_tc_tiling_on_sc=False),
    )
    def scatter_kernel(rows_hbm, perm_hbm, out_hbm, perm_v, rows_v, sem,
                       aux_sem):
        wid = lax.axis_index("s") * nc + lax.axis_index("c")
        base = wid * b_per_w
        cp1 = pltpu.async_copy(
            perm_hbm.at[pl.ds(wid * n_cb, n_cb)], perm_v, aux_sem
        )
        cp2 = pltpu.async_copy(rows_hbm.at[pl.ds(base, b_per_w)], rows_v, sem)
        cp1.wait()
        cp2.wait()
        copies = []
        for q in range(n_cb):
            copies.append(
                pltpu.async_copy(
                    rows_v.at[pl.ds(q * 128, 128)],
                    out_hbm.at[perm_v.at[q]],
                    sem,
                )
            )
        for c in copies:
            c.wait()

    return scatter_kernel


def kernel(indices, table):
    batch, = indices.shape
    num_rows, dim = table.shape
    idx32 = indices.astype(jnp.int32)
    pos = lax.iota(jnp.int32, batch)
    sidx, perm = lax.sort([idx32, pos], dimension=0, num_keys=1)
    flat = _make_sorted_gather(num_rows, dim, batch)(
        jnp.swapaxes(table, 0, 1), sidx
    )
    rows_sorted = flat.reshape(batch, dim)
    return _make_unpermute(dim, batch)(rows_sorted, perm.reshape(-1, 128))

# --- scband reference (transcript-rebuilt; emitter-appended) ---
"""Pipeline reference for scband-movie-model-16724602650668 (READ-ONLY COPY).

The authoritative reference and input builder live on the scoring server;
editing this copy changes nothing except your own understanding.
"""

import jax, jax.numpy as jnp
import numpy as np

NUM_EMBEDDINGS = 1000001
EMBED_DIM = 64
BATCH = 16384


def setup_inputs(seed: int = 0) -> dict:
    key = jax.random.key(seed)
    k_idx, k_tab = jax.random.split(key)
    indices = jax.random.randint(k_idx, (BATCH,), 0, NUM_EMBEDDINGS, dtype=jnp.int64 if jax.config.read('jax_enable_x64') else jnp.int32)
    table = jax.random.normal(k_tab, (NUM_EMBEDDINGS, EMBED_DIM), dtype=jnp.float32)
    return {"indices": indices, "table": table}


def reference(indices, table):
    # StringLookup maps strings -> integer ids; here ids are given directly.
    # Embedding layer: row gather from the table.
    return jnp.take(table, indices, axis=0)

if __name__ == "__main__":
    import jax
    _d = setup_inputs()
    print(jax.jit(kernel)(*tuple(_d.values())))

</pallas_src>

<mosaic_0001>
#map = affine_map<(d0, d1) -> (0, 0)>
#map1 = affine_map<(d0, d1) -> (0)>
module attributes {stable_mosaic.version = 14 : i64} {
  func.func @gather_kernel(%arg0: i32, %arg1: i32, %arg2: memref<64x1000001xf32, #tpu.memory_space<hbm>>, %arg3: memref<16384xi32, #tpu.memory_space<hbm>>, %arg4: memref<1048576xf32, #tpu.memory_space<hbm>>, %arg5: memref<512xi32, #tpu.memory_space<smem>>, %arg6: memref<512xi32, #tpu.memory_space<smem>>, %arg7: memref<513xi32, #tpu.memory_space<smem>>, %arg8: memref<512xi32, #tpu.memory_space<vmem>>, %arg9: memref<10x64x128xf32, #tpu.memory_space<vmem>>, %arg10: memref<32768xf32, #tpu.memory_space<vmem>>, %arg11: memref<!tpu.dma_semaphore, #tpu.memory_space<semaphore_mem>>, %arg12: memref<!tpu.dma_semaphore, #tpu.memory_space<semaphore_mem>>, %arg13: memref<!tpu.dma_semaphore, #tpu.memory_space<semaphore_mem>>, %arg14: memref<!tpu.dma_semaphore, #tpu.memory_space<semaphore_mem>>, %arg15: memref<!tpu.dma_semaphore, #tpu.memory_space<semaphore_mem>>, %arg16: memref<!tpu.dma_semaphore, #tpu.memory_space<semaphore_mem>>, %arg17: memref<!tpu.dma_semaphore, #tpu.memory_space<semaphore_mem>>, %arg18: memref<!tpu.dma_semaphore, #tpu.memory_space<semaphore_mem>>, %arg19: memref<!tpu.dma_semaphore, #tpu.memory_space<semaphore_mem>>, %arg20: memref<!tpu.dma_semaphore, #tpu.memory_space<semaphore_mem>>, %arg21: memref<!tpu.dma_semaphore, #tpu.memory_space<semaphore_mem>>) attributes {dimension_semantics = [#tpu.dimension_semantics<core_parallel>, #tpu.dimension_semantics<subcore_parallel>], iteration_bounds = array<i64: 2, 16>, scalar_prefetch = 0 : i64, scratch_operands = 17 : i64, tpu.core_type = #tpu.core_type<sc_vector_subcore>, window_params = [{transform_indices = #map}, {transform_indices = #map1}, {transform_indices = #map1}]} {
    %mul3A = arith.constant 2 : i32
    %mul3A_0 = arith.muli %arg1, %mul3A : i32
    %add3A = arith.addi %mul3A_0, %arg0 : i32
    %mul3A_1 = arith.constant 512 : i32
    %mul3A_2 = arith.muli %add3A, %mul3A_1 : i32
    %dma_start3A = tpu.memref_slice %arg3[%mul3A_2] : memref<16384xi32, #tpu.memory_space<hbm>> -> memref<512xi32, #tpu.memory_space<hbm>>
    %dma_start3A_3 = tpu.memref_slice %arg3[%mul3A_2] : memref<16384xi32, #tpu.memory_space<hbm>> -> memref<512xi32, #tpu.memory_space<hbm>>
    tpu.enqueue_dma source(%dma_start3A_3 : memref<512xi32, #tpu.memory_space<hbm>>) target(%arg8 : memref<512xi32, #tpu.memory_space<vmem>>) target_semaphore(%arg21 : memref<!tpu.dma_semaphore, #tpu.memory_space<semaphore_mem>>)
    %dma_wait3A = tpu.memref_slice %arg3[%mul3A_2] : memref<16384xi32, #tpu.memory_space<hbm>> -> memref<512xi32, #tpu.memory_space<hbm>>
    %dma_wait3A_4 = tpu.memref_slice %arg3[%mul3A_2] : memref<16384xi32, #tpu.memory_space<hbm>> -> memref<512xi32, #tpu.memory_space<hbm>>
    tpu.wait_dma2 semaphore(%arg21 : memref<!tpu.dma_semaphore, #tpu.memory_space<semaphore_mem>>) src(%dma_wait3A_4 : memref<512xi32, #tpu.memory_space<hbm>>) dst(%arg8 : memref<512xi32, #tpu.memory_space<vmem>>)
    %scan3A = arith.constant 0 : i32
    %scan3A_5 = arith.constant 32 : i32
    %scan3A_6 = arith.addi %scan3A, %scan3A_5 : i32
    %scan3A_7 = arith.constant 1 : i32
    scf.for %scan3A_94 = %scan3A to %scan3A_6 step %scan3A_7  : i32 {
      %mul3A_95 = arith.constant 1 : i32
      %mul3A_96 = arith.muli %scan3A_94, %mul3A_95 : i32
      %add3A_97 = arith.constant 0 : i32
      %add3A_98 = arith.addi %add3A_97, %mul3A_96 : i32
      %mul3A_99 = arith.constant 16 : i32
      %mul3A_100 = arith.muli %add3A_98, %mul3A_99 : i32
      %get3A = arith.index_cast %mul3A_100 : i32 to index
      %get3A_101 = tpu.vector_load %arg8[%get3A] {strides = array<i32>} : memref<512xi32, #tpu.memory_space<vmem>>, vector<16xi32>,
      %slice3A = vector.extract_strided_slice %get3A_101 {offsets = [0], sizes = [1], strides = [1]} : vector<16xi32> to vector<1xi32>
      %squeeze3A = vector.extract %slice3A[0] : i32 from vector<1xi32>
      %mul3A_102 = arith.constant 16 : i32
      %mul3A_103 = arith.muli %add3A_98, %mul3A_102 : i32
      %add3A_104 = arith.constant 0 : i32
      %add3A_105 = arith.addi %mul3A_103, %add3A_104 : i32
      %swap3A_106 = arith.index_cast %add3A_105 : i32 to index
      %swap3A_107 = memref.load %arg5[%swap3A_106] : memref<512xi32, #tpu.memory_space<smem>>
      memref.store %squeeze3A, %arg5[%swap3A_106] : memref<512xi32, #tpu.memory_space<smem>>
      %slice3A_108 = vector.extract_strided_slice %get3A_101 {offsets = [1], sizes = [1], strides = [1]} : vector<16xi32> to vector<1xi32>
      %squeeze3A_109 = vector.extract %slice3A_108[0] : i32 from vector<1xi32>
      %mul3A_110 = arith.constant 16 : i32
      %mul3A_111 = arith.muli %add3A_98, %mul3A_110 : i32
      %add3A_112 = arith.constant 1 : i32
      %add3A_113 = arith.addi %mul3A_111, %add3A_112 : i32
      %swap3A_114 = arith.index_cast %add3A_113 : i32 to index
      %swap3A_115 = memref.load %arg5[%swap3A_114] : memref<512xi32, #tpu.memory_space<smem>>
      memref.store %squeeze3A_109, %arg5[%swap3A_114] : memref<512xi32, #tpu.memory_space<smem>>
      %slice3A_116 = vector.extract_strided_slice %get3A_101 {offsets = [2], sizes = [1], strides = [1]} : vector<16xi32> to vector<1xi32>
      %squeeze3A_117 = vector.extract %slice3A_116[0] : i32 from vector<1xi32>
      %mul3A_118 = arith.constant 16 : i32
      %mul3A_119 = arith.muli %add3A_98, %mul3A_118 : i32
      %add3A_120 = arith.constant 2 : i32
      %add3A_121 = arith.addi %mul3A_119, %add3A_120 : i32
      %swap3A_122 = arith.index_cast %add3A_121 : i32 to index
      %swap3A_123 = memref.load %arg5[%swap3A_122] : memref<512xi32, #tpu.memory_space<smem>>
      memref.store %squeeze3A_117, %arg5[%swap3A_122] : memref<512xi32, #tpu.memory_space<smem>>
      %slice3A_124 = vector.extract_strided_slice %get3A_101 {offsets = [3], sizes = [1], strides = [1]} : vector<16xi32> to vector<1xi32>
      %squeeze3A_125 = vector.extract %slice3A_124[0] : i32 from vector<1xi32>
      %mul3A_126 = arith.constant 16 : i32
      %mul3A_127 = arith.muli %add3A_98, %mul3A_126 : i32
      %add3A_128 = arith.constant 3 : i32
      %add3A_129 = arith.addi %mul3A_127, %add3A_128 : i32
      %swap3A_130 = arith.index_cast %add3A_129 : i32 to index
      %swap3A_131 = memref.load %arg5[%swap3A_130] : memref<512xi32, #tpu.memory_space<smem>>
      memref.store %squeeze3A_125, %arg5[%swap3A_130] : memref<512xi32, #tpu.memory_space<smem>>
      %slice3A_132 = vector.extract_strided_slice %get3A_101 {offsets = [4], sizes = [1], strides = [1]} : vector<16xi32> to vector<1xi32>
      %squeeze3A_133 = vector.extract %slice3A_132[0] : i32 from vector<1xi32>
      %mul3A_134 = arith.constant 16 : i32
      %mul3A_135 = arith.muli %add3A_98, %mul3A_134 : i32
      %add3A_136 = arith.constant 4 : i32
      %add3A_137 = arith.addi %mul3A_135, %add3A_136 : i32
      %swap3A_138 = arith.index_cast %add3A_137 : i32 to index
      %swap3A_139 = memref.load %arg5[%swap3A_138] : memref<512xi32, #tpu.memory_space<smem>>
      memref.store %squeeze3A_133, %arg5[%swap3A_138] : memref<512xi32, #tpu.memory_space<smem>>
      %slice3A_140 = vector.extract_strided_slice %get3A_101 {offsets = [5], sizes = [1], strides = [1]} : vector<16xi32> to vector<1xi32>
      %squeeze3A_141 = vector.extract %slice3A_140[0] : i32 from vector<1xi32>
      %mul3A_142 = arith.constant 16 : i32
      %mul3A_143 = arith.muli %add3A_98, %mul3A_142 : i32
      %add3A_144 = arith.constant 5 : i32
      %add3A_145 = arith.addi %mul3A_143, %add3A_144 : i32
      %swap3A_146 = arith.index_cast %add3A_145 : i32 to index
      %swap3A_147 = memref.load %arg5[%swap3A_146] : memref<512xi32, #tpu.memory_space<smem>>
      memref.store %squeeze3A_141, %arg5[%swap3A_146] : memref<512xi32, #tpu.memory_space<smem>>
      %slice3A_148 = vector.extract_strided_slice %get3A_101 {offsets = [6], sizes = [1], strides = [1]} : vector<16xi32> to vector<1xi32>
      %squeeze3A_149 = vector.extract %slice3A_148[0] : i32 from vector<1xi32>
      %mul3A_150 = arith.constant 16 : i32
      %mul3A_151 = arith.muli %add3A_98, %mul3A_150 : i32
      %add3A_152 = arith.constant 6 : i32
      %add3A_153 = arith.addi %mul3A_151, %add3A_152 : i32
      %swap3A_154 = arith.index_cast %add3A_153 : i32 to index
      %swap3A_155 = memref.load %arg5[%swap3A_154] : memref<512xi32, #tpu.memory_space<smem>>
      memref.store %squeeze3A_149, %arg5[%swap3A_154] : memref<512xi32, #tpu.memory_space<smem>>
      %slice3A_156 = vector.extract_strided_slice %get3A_101 {offsets = [7], sizes = [1], strides = [1]} : vector<16xi32> to vector<1xi32>
      %squeeze3A_157 = vector.extract %slice3A_156[0] : i32 from vector<1xi32>
      %mul3A_158 = arith.constant 16 : i32
      %mul3A_159 = arith.muli %add3A_98, %mul3A_158 : i32
      %add3A_160 = arith.constant 7 : i32
      %add3A_161 = arith.addi %mul3A_159, %add3A_160 : i32
      %swap3A_162 = arith.index_cast %add3A_161 : i32 to index
      %swap3A_163 = memref.load %arg5[%swap3A_162] : memref<512xi32, #tpu.memory_space<smem>>
      memref.store %squeeze3A_157, %arg5[%swap3A_162] : memref<512xi32, #tpu.memory_space<smem>>
      %slice3A_164 = vector.extract_strided_slice %get3A_101 {offsets = [8], sizes = [1], strides = [1]} : vector<16xi32> to vector<1xi32>
      %squeeze3A_165 = vector.extract %slice3A_164[0] : i32 from vector<1xi32>
      %mul3A_166 = arith.constant 16 : i32
      %mul3A_167 = arith.muli %add3A_98, %mul3A_166 : i32
      %add3A_168 = arith.constant 8 : i32
      %add3A_169 = arith.addi %mul3A_167, %add3A_168 : i32
      %swap3A_170 = arith.index_cast %add3A_169 : i32 to index
      %swap3A_171 = memref.load %arg5[%swap3A_170] : memref<512xi32, #tpu.memory_space<smem>>
      memref.store %squeeze3A_165, %arg5[%swap3A_170] : memref<512xi32, #tpu.memory_space<smem>>
      %slice3A_172 = vector.extract_strided_slice %get3A_101 {offsets = [9], sizes = [1], strides = [1]} : vector<16xi32> to vector<1xi32>
      %squeeze3A_173 = vector.extract %slice3A_172[0] : i32 from vector<1xi32>
      %mul3A_174 = arith.constant 16 : i32
      %mul3A_175 = arith.muli %add3A_98, %mul3A_174 : i32
      %add3A_176 = arith.constant 9 : i32
      %add3A_177 = arith.addi %mul3A_175, %add3A_176 : i32
      %swap3A_178 = arith.index_cast %add3A_177 : i32 to index
      %swap3A_179 = memref.load %arg5[%swap3A_178] : memref<512xi32, #tpu.memory_space<smem>>
      memref.store %squeeze3A_173, %arg5[%swap3A_178] : memref<512xi32, #tpu.memory_space<smem>>
      %slice3A_180 = vector.extract_strided_slice %get3A_101 {offsets = [10], sizes = [1], strides = [1]} : vector<16xi32> to vector<1xi32>
      %squeeze3A_181 = vector.extract %slice3A_180[0] : i32 from vector<1xi32>
      %mul3A_182 = arith.constant 16 : i32
      %mul3A_183 = arith.muli %add3A_98, %mul3A_182 : i32
      %add3A_184 = arith.constant 10 : i32
      %add3A_185 = arith.addi %mul3A_183, %add3A_184 : i32
      %swap3A_186 = arith.index_cast %add3A_185 : i32 to index
      %swap3A_187 = memref.load %arg5[%swap3A_186] : memref<512xi32, #tpu.memory_space<smem>>
      memref.store %squeeze3A_181, %arg5[%swap3A_186] : memref<512xi32, #tpu.memory_space<smem>>
      %slice3A_188 = vector.extract_strided_slice %get3A_101 {offsets = [11], sizes = [1], strides = [1]} : vector<16xi32> to vector<1xi32>
      %squeeze3A_189 = vector.extract %slice3A_188[0] : i32 from vector<1xi32>
      %mul3A_190 = arith.constant 16 : i32
      %mul3A_191 = arith.muli %add3A_98, %mul3A_190 : i32
      %add3A_192 = arith.constant 11 : i32
      %add3A_193 = arith.addi %mul3A_191, %add3A_192 : i32
      %swap3A_194 = arith.index_cast %add3A_193 : i32 to index
      %swap3A_195 = memref.load %arg5[%swap3A_194] : memref<512xi32, #tpu.memory_space<smem>>
      memref.store %squeeze3A_189, %arg5[%swap3A_194] : memref<512xi32, #tpu.memory_space<smem>>
      %slice3A_196 = vector.extract_strided_slice %get3A_101 {offsets = [12], sizes = [1], strides = [1]} : vector<16xi32> to vector<1xi32>
      %squeeze3A_197 = vector.extract %slice3A_196[0] : i32 from vector<1xi32>
      %mul3A_198 = arith.constant 16 : i32
      %mul3A_199 = arith.muli %add3A_98, %mul3A_198 : i32
      %add3A_200 = arith.constant 12 : i32
      %add3A_201 = arith.addi %mul3A_199, %add3A_200 : i32
      %swap3A_202 = arith.index_cast %add3A_201 : i32 to index
      %swap3A_203 = memref.load %arg5[%swap3A_202] : memref<512xi32, #tpu.memory_space<smem>>
      memref.store %squeeze3A_197, %arg5[%swap3A_202] : memref<512xi32, #tpu.memory_space<smem>>
      %slice3A_204 = vector.extract_strided_slice %get3A_101 {offsets = [13], sizes = [1], strides = [1]} : vector<16xi32> to vector<1xi32>
      %squeeze3A_205 = vector.extract %slice3A_204[0] : i32 from vector<1xi32>
      %mul3A_206 = arith.constant 16 : i32
      %mul3A_207 = arith.muli %add3A_98, %mul3A_206 : i32
      %add3A_208 = arith.constant 13 : i32
      %add3A_209 = arith.addi %mul3A_207, %add3A_208 : i32
      %swap3A_210 = arith.index_cast %add3A_209 : i32 to index
      %swap3A_211 = memref.load %arg5[%swap3A_210] : memref<512xi32, #tpu.memory_space<smem>>
      memref.store %squeeze3A_205, %arg5[%swap3A_210] : memref<512xi32, #tpu.memory_space<smem>>
      %slice3A_212 = vector.extract_strided_slice %get3A_101 {offsets = [14], sizes = [1], strides = [1]} : vector<16xi32> to vector<1xi32>
      %squeeze3A_213 = vector.extract %slice3A_212[0] : i32 from vector<1xi32>
      %mul3A_214 = arith.constant 16 : i32
      %mul3A_215 = arith.muli %add3A_98, %mul3A_214 : i32
      %add3A_216 = arith.constant 14 : i32
      %add3A_217 = arith.addi %mul3A_215, %add3A_216 : i32
      %swap3A_218 = arith.index_cast %add3A_217 : i32 to index
      %swap3A_219 = memref.load %arg5[%swap3A_218] : memref<512xi32, #tpu.memory_space<smem>>
      memref.store %squeeze3A_213, %arg5[%swap3A_218] : memref<512xi32, #tpu.memory_space<smem>>
      %slice3A_220 = vector.extract_strided_slice %get3A_101 {offsets = [15], sizes = [1], strides = [1]} : vector<16xi32> to vector<1xi32>
      %squeeze3A_221 = vector.extract %slice3A_220[0] : i32 from vector<1xi32>
      %mul3A_222 = arith.constant 16 : i32
      %mul3A_223 = arith.muli %add3A_98, %mul3A_222 : i32
      %add3A_224 = arith.constant 15 : i32
      %add3A_225 = arith.addi %mul3A_223, %add3A_224 : i32
      %swap3A_226 = arith.index_cast %add3A_225 : i32 to index
      %swap3A_227 = memref.load %arg5[%swap3A_226] : memref<512xi32, #tpu.memory_space<smem>>
      memref.store %squeeze3A_221, %arg5[%swap3A_226] : memref<512xi32, #tpu.memory_space<smem>>
    }
    %scan3A_8 = arith.constant 32 : i32
    %scan3A_9 = arith.constant 0 : i32
    %scan3A_10 = arith.constant -1 : i32
    %scan3A_11 = arith.constant 0 : i32
    %scan3A_12 = arith.constant 512 : i32
    %scan3A_13 = arith.addi %scan3A_11, %scan3A_12 : i32
    %scan3A_14 = arith.constant 1 : i32
    %scan3A_15:2 = scf.for %scan3A_94 = %scan3A_11 to %scan3A_13 step %scan3A_14 iter_args(%scan3A_95 = %scan3A_9, %scan3A_96 = %scan3A_10) -> (i32, i32)  : i32 {
      %mul3A_97 = arith.constant 1 : i32
      %mul3A_98 = arith.muli %scan3A_94, %mul3A_97 : i32
      %add3A_99 = arith.constant 0 : i32
      %add3A_100 = arith.addi %add3A_99, %mul3A_98 : i32
      %get3A = arith.index_cast %add3A_100 : i32 to index
      %get3A_101 = memref.load %arg5[%get3A] : memref<512xi32, #tpu.memory_space<smem>>
      %shift_right_logical3A = arith.constant 7 : i32
      %shift_right_logical3A_102 = arith.shrui %get3A_101, %shift_right_logical3A : i32
      %ne3A = arith.cmpi ne, %shift_right_logical3A_102, %scan3A_96 : i32
      %convert_element_type3A_103 = arith.extui %ne3A : i1 to i32
      %cond3A_104 = arith.constant 0 : i32
      %cond3A_105 = arith.cmpi ne, %convert_element_type3A_103, %cond3A_104 : i32
      scf.if %cond3A_105 {
        %swap3A_108 = arith.index_cast %scan3A_95 : i32 to index
        %swap3A_109 = memref.load %arg6[%swap3A_108] : memref<512xi32, #tpu.memory_space<smem>>
        memref.store %shift_right_logical3A_102, %arg6[%swap3A_108] : memref<512xi32, #tpu.memory_space<smem>>
        %swap3A_110 = arith.index_cast %scan3A_95 : i32 to index
        %swap3A_111 = memref.load %arg7[%swap3A_110] : memref<513xi32, #tpu.memory_space<smem>>
        memref.store %add3A_100, %arg7[%swap3A_110] : memref<513xi32, #tpu.memory_space<smem>>
      } else {
      }
      %jit3A = arith.constant 1 : i32
      %jit3A_106 = arith.constant 0 : i32
      %select_n3A = arith.select %ne3A, %jit3A, %jit3A_106 : i32
      %add3A_107 = arith.addi %scan3A_95, %select_n3A : i32
      scf.yield %add3A_107, %shift_right_logical3A_102 : i32, i32
    }
    %scan3A_16 = arith.constant 512 : i32
    %swap3A = arith.constant 512 : i32
    %swap3A_17 = arith.index_cast %scan3A_15#0 : i32 to index
    %swap3A_18 = memref.load %arg7[%swap3A_17] : memref<513xi32, #tpu.memory_space<smem>>
    memref.store %swap3A, %arg7[%swap3A_17] : memref<513xi32, #tpu.memory_space<smem>>
    %lt3A = arith.constant 0 : i32
    %lt3A_19 = arith.cmpi slt, %lt3A, %scan3A_15#0 : i32
    %convert_element_type3A = arith.extui %lt3A_19 : i1 to i32
    %cond3A = arith.constant 0 : i32
    %cond3A_20 = arith.constant 0 : i32
    %cond3A_21 = arith.cmpi ne, %convert_element_type3A, %cond3A_20 : i32
    scf.if %cond3A_21 {
      %get3A = arith.index_cast %cond3A : i32 to index
      %get3A_94 = memref.load %arg6[%get3A] : memref<512xi32, #tpu.memory_space<smem>>
      %mul3A_95 = arith.constant 128 : i32
      %mul3A_96 = arith.muli %get3A_94, %mul3A_95 : i32
      %rem3A = arith.constant 10 : i32
      %rem3A_97 = arith.remsi %cond3A, %rem3A : i32
      %dma_start3A_98 = arith.constant 0 : i32
      %dma_start3A_99 = arith.constant 0 : i32
      %dma_start3A_100 = tpu.memref_slice %arg9[%rem3A_97, %dma_start3A_98, %dma_start3A_99] : memref<10x64x128xf32, #tpu.memory_space<vmem>> -> memref<1x64x128xf32, #tpu.memory_space<vmem>>
      %dma_start3A_101 = tpu.memref_squeeze %dma_start3A_100 : memref<1x64x128xf32, #tpu.memory_space<vmem>> -> memref<64x128xf32, #tpu.memory_space<vmem>>
      %dma_start3A_102 = arith.constant 0 : i32
      %dma_start3A_103 = tpu.memref_slice %arg2[%dma_start3A_102, %mul3A_96] : memref<64x1000001xf32, #tpu.memory_space<hbm>> -> memref<64x128xf32, #tpu.memory_space<hbm>>
      %dma_start3A_104 = arith.constant 0 : i32
      %dma_start3A_105 = arith.constant 0 : i32
      %dma_start3A_106 = tpu.memref_slice %arg9[%rem3A_97, %dma_start3A_104, %dma_start3A_105] : memref<10x64x128xf32, #tpu.memory_space<vmem>> -> memref<1x64x128xf32, #tpu.memory_space<vmem>>
      %dma_start3A_107 = tpu.memref_squeeze %dma_start3A_106 : memref<1x64x128xf32, #tpu.memory_space<vmem>> -> memref<64x128xf32, #tpu.memory_space<vmem>>
      %dma_start3A_108 = arith.constant 0 : i32
      %dma_start3A_109 = tpu.memref_slice %arg2[%dma_start3A_108, %mul3A_96] : memref<64x1000001xf32, #tpu.memory_space<hbm>> -> memref<64x128xf32, #tpu.memory_space<hbm>>
      tpu.enqueue_dma source(%dma_start3A_109 : memref<64x128xf32, #tpu.memory_space<hbm>>) target(%dma_start3A_107 : memref<64x128xf32, #tpu.memory_space<vmem>>) target_semaphore(%arg11 : memref<!tpu.dma_semaphore, #tpu.memory_space<semaphore_mem>>)
    } else {
    }
    %lt3A_22 = arith.constant 1 : i32
    %lt3A_23 = arith.cmpi slt, %lt3A_22, %scan3A_15#0 : i32
    %convert_element_type3A_24 = arith.extui %lt3A_23 : i1 to i32
    %cond3A_25 = arith.constant 1 : i32
    %cond3A_26 = arith.constant 0 : i32
    %cond3A_27 = arith.cmpi ne, %convert_element_type3A_24, %cond3A_26 : i32
    scf.if %cond3A_27 {
      %get3A = arith.index_cast %cond3A_25 : i32 to index
      %get3A_94 = memref.load %arg6[%get3A] : memref<512xi32, #tpu.memory_space<smem>>
      %mul3A_95 = arith.constant 128 : i32
      %mul3A_96 = arith.muli %get3A_94, %mul3A_95 : i32
      %rem3A = arith.constant 10 : i32
      %rem3A_97 = arith.remsi %cond3A_25, %rem3A : i32
      %dma_start3A_98 = arith.constant 0 : i32
      %dma_start3A_99 = arith.constant 0 : i32
      %dma_start3A_100 = tpu.memref_slice %arg9[%rem3A_97, %dma_start3A_98, %dma_start3A_99] : memref<10x64x128xf32, #tpu.memory_space<vmem>> -> memref<1x64x128xf32, #tpu.memory_space<vmem>>
      %dma_start3A_101 = tpu.memref_squeeze %dma_start3A_100 : memref<1x64x128xf32, #tpu.memory_space<vmem>> -> memref<64x128xf32, #tpu.memory_space<vmem>>
      %dma_start3A_102 = arith.constant 0 : i32
      %dma_start3A_103 = tpu.memref_slice %arg2[%dma_start3A_102, %mul3A_96] : memref<64x1000001xf32, #tpu.memory_space<hbm>> -> memref<64x128xf32, #tpu.memory_space<hbm>>
      %dma_start3A_104 = arith.constant 0 : i32
      %dma_start3A_105 = arith.constant 0 : i32
      %dma_start3A_106 = tpu.memref_slice %arg9[%rem3A_97, %dma_start3A_104, %dma_start3A_105] : memref<10x64x128xf32, #tpu.memory_space<vmem>> -> memref<1x64x128xf32, #tpu.memory_space<vmem>>
      %dma_start3A_107 = tpu.memref_squeeze %dma_start3A_106 : memref<1x64x128xf32, #tpu.memory_space<vmem>> -> memref<64x128xf32, #tpu.memory_space<vmem>>
      %dma_start3A_108 = arith.constant 0 : i32
      %dma_start3A_109 = tpu.memref_slice %arg2[%dma_start3A_108, %mul3A_96] : memref<64x1000001xf32, #tpu.memory_space<hbm>> -> memref<64x128xf32, #tpu.memory_space<hbm>>
      tpu.enqueue_dma source(%dma_start3A_109 : memref<64x128xf32, #tpu.memory_space<hbm>>) target(%dma_start3A_107 : memref<64x128xf32, #tpu.memory_space<vmem>>) target_semaphore(%arg12 : memref<!tpu.dma_semaphore, #tpu.memory_space<semaphore_mem>>)
    } else {
    }
    %lt3A_28 = arith.constant 2 : i32
    %lt3A_29 = arith.cmpi slt, %lt3A_28, %scan3A_15#0 : i32
    %convert_element_type3A_30 = arith.extui %lt3A_29 : i1 to i32
    %cond3A_31 = arith.constant 2 : i32
    %cond3A_32 = arith.constant 0 : i32
    %cond3A_33 = arith.cmpi ne, %convert_element_type3A_30, %cond3A_32 : i32
    scf.if %cond3A_33 {
      %get3A = arith.index_cast %cond3A_31 : i32 to index
      %get3A_94 = memref.load %arg6[%get3A] : memref<512xi32, #tpu.memory_space<smem>>
      %mul3A_95 = arith.constant 128 : i32
      %mul3A_96 = arith.muli %get3A_94, %mul3A_95 : i32
      %rem3A = arith.constant 10 : i32
      %rem3A_97 = arith.remsi %cond3A_31, %rem3A : i32
      %dma_start3A_98 = arith.constant 0 : i32
      %dma_start3A_99 = arith.constant 0 : i32
      %dma_start3A_100 = tpu.memref_slice %arg9[%rem3A_97, %dma_start3A_98, %dma_start3A_99] : memref<10x64x128xf32, #tpu.memory_space<vmem>> -> memref<1x64x128xf32, #tpu.memory_space<vmem>>
      %dma_start3A_101 = tpu.memref_squeeze %dma_start3A_100 : memref<1x64x128xf32, #tpu.memory_space<vmem>> -> memref<64x128xf32, #tpu.memory_space<vmem>>
      %dma_start3A_102 = arith.constant 0 : i32
      %dma_start3A_103 = tpu.memref_slice %arg2[%dma_start3A_102, %mul3A_96] : memref<64x1000001xf32, #tpu.memory_space<hbm>> -> memref<64x128xf32, #tpu.memory_space<hbm>>
      %dma_start3A_104 = arith.constant 0 : i32
      %dma_start3A_105 = arith.constant 0 : i32
      %dma_start3A_106 = tpu.memref_slice %arg9[%rem3A_97, %dma_start3A_104, %dma_start3A_105] : memref<10x64x128xf32, #tpu.memory_space<vmem>> -> memref<1x64x128xf32, #tpu.memory_space<vmem>>
      %dma_start3A_107 = tpu.memref_squeeze %dma_start3A_106 : memref<1x64x128xf32, #tpu.memory_space<vmem>> -> memref<64x128xf32, #tpu.memory_space<vmem>>
      %dma_start3A_108 = arith.constant 0 : i32
      %dma_start3A_109 = tpu.memref_slice %arg2[%dma_start3A_108, %mul3A_96] : memref<64x1000001xf32, #tpu.memory_space<hbm>> -> memref<64x128xf32, #tpu.memory_space<hbm>>
      tpu.enqueue_dma source(%dma_start3A_109 : memref<64x128xf32, #tpu.memory_space<hbm>>) target(%dma_start3A_107 : memref<64x128xf32, #tpu.memory_space<vmem>>) target_semaphore(%arg13 : memref<!tpu.dma_semaphore, #tpu.memory_space<semaphore_mem>>)
    } else {
    }
    %lt3A_34 = arith.constant 3 : i32
    %lt3A_35 = arith.cmpi slt, %lt3A_34, %scan3A_15#0 : i32
    %convert_element_type3A_36 = arith.extui %lt3A_35 : i1 to i32
    %cond3A_37 = arith.constant 3 : i32
    %cond3A_38 = arith.constant 0 : i32
    %cond3A_39 = arith.cmpi ne, %convert_element_type3A_36, %cond3A_38 : i32
    scf.if %cond3A_39 {
      %get3A = arith.index_cast %cond3A_37 : i32 to index
      %get3A_94 = memref.load %arg6[%get3A] : memref<512xi32, #tpu.memory_space<smem>>
      %mul3A_95 = arith.constant 128 : i32
      %mul3A_96 = arith.muli %get3A_94, %mul3A_95 : i32
      %rem3A = arith.constant 10 : i32
      %rem3A_97 = arith.remsi %cond3A_37, %rem3A : i32
      %dma_start3A_98 = arith.constant 0 : i32
      %dma_start3A_99 = arith.constant 0 : i32
      %dma_start3A_100 = tpu.memref_slice %arg9[%rem3A_97, %dma_start3A_98, %dma_start3A_99] : memref<10x64x128xf32, #tpu.memory_space<vmem>> -> memref<1x64x128xf32, #tpu.memory_space<vmem>>
      %dma_start3A_101 = tpu.memref_squeeze %dma_start3A_100 : memref<1x64x128xf32, #tpu.memory_space<vmem>> -> memref<64x128xf32, #tpu.memory_space<vmem>>
      %dma_start3A_102 = arith.constant 0 : i32
      %dma_start3A_103 = tpu.memref_slice %arg2[%dma_start3A_102, %mul3A_96] : memref<64x1000001xf32, #tpu.memory_space<hbm>> -> memref<64x128xf32, #tpu.memory_space<hbm>>
      %dma_start3A_104 = arith.constant 0 : i32
      %dma_start3A_105 = arith.constant 0 : i32
      %dma_start3A_106 = tpu.memref_slice %arg9[%rem3A_97, %dma_start3A_104, %dma_start3A_105] : memref<10x64x128xf32, #tpu.memory_space<vmem>> -> memref<1x64x128xf32, #tpu.memory_space<vmem>>
      %dma_start3A_107 = tpu.memref_squeeze %dma_start3A_106 : memref<1x64x128xf32, #tpu.memory_space<vmem>> -> memref<64x128xf32, #tpu.memory_space<vmem>>
      %dma_start3A_108 = arith.constant 0 : i32
      %dma_start3A_109 = tpu.memref_slice %arg2[%dma_start3A_108, %mul3A_96] : memref<64x1000001xf32, #tpu.memory_space<hbm>> -> memref<64x128xf32, #tpu.memory_space<hbm>>
      tpu.enqueue_dma source(%dma_start3A_109 : memref<64x128xf32, #tpu.memory_space<hbm>>) target(%dma_start3A_107 : memref<64x128xf32, #tpu.memory_space<vmem>>) target_semaphore(%arg14 : memref<!tpu.dma_semaphore, #tpu.memory_space<semaphore_mem>>)
    } else {
    }
    %lt3A_40 = arith.constant 4 : i32
    %lt3A_41 = arith.cmpi slt, %lt3A_40, %scan3A_15#0 : i32
    %convert_element_type3A_42 = arith.extui %lt3A_41 : i1 to i32
    %cond3A_43 = arith.constant 4 : i32
    %cond3A_44 = arith.constant 0 : i32
    %cond3A_45 = arith.cmpi ne, %convert_element_type3A_42, %cond3A_44 : i32
    scf.if %cond3A_45 {
      %get3A = arith.index_cast %cond3A_43 : i32 to index
      %get3A_94 = memref.load %arg6[%get3A] : memref<512xi32, #tpu.memory_space<smem>>
      %mul3A_95 = arith.constant 128 : i32
      %mul3A_96 = arith.muli %get3A_94, %mul3A_95 : i32
      %rem3A = arith.constant 10 : i32
      %rem3A_97 = arith.remsi %cond3A_43, %rem3A : i32
      %dma_start3A_98 = arith.constant 0 : i32
      %dma_start3A_99 = arith.constant 0 : i32
      %dma_start3A_100 = tpu.memref_slice %arg9[%rem3A_97, %dma_start3A_98, %dma_start3A_99] : memref<10x64x128xf32, #tpu.memory_space<vmem>> -> memref<1x64x128xf32, #tpu.memory_space<vmem>>
      %dma_start3A_101 = tpu.memref_squeeze %dma_start3A_100 : memref<1x64x128xf32, #tpu.memory_space<vmem>> -> memref<64x128xf32, #tpu.memory_space<vmem>>
      %dma_start3A_102 = arith.constant 0 : i32
      %dma_start3A_103 = tpu.memref_slice %arg2[%dma_start3A_102, %mul3A_96] : memref<64x1000001xf32, #tpu.memory_space<hbm>> -> memref<64x128xf32, #tpu.memory_space<hbm>>
      %dma_start3A_104 = arith.constant 0 : i32
      %dma_start3A_105 = arith.constant 0 : i32
      %dma_start3A_106 = tpu.memref_slice %arg9[%rem3A_97, %dma_start3A_104, %dma_start3A_105] : memref<10x64x128xf32, #tpu.memory_space<vmem>> -> memref<1x64x128xf32, #tpu.memory_space<vmem>>
      %dma_start3A_107 = tpu.memref_squeeze %dma_start3A_106 : memref<1x64x128xf32, #tpu.memory_space<vmem>> -> memref<64x128xf32, #tpu.memory_space<vmem>>
      %dma_start3A_108 = arith.constant 0 : i32
      %dma_start3A_109 = tpu.memref_slice %arg2[%dma_start3A_108, %mul3A_96] : memref<64x1000001xf32, #tpu.memory_space<hbm>> -> memref<64x128xf32, #tpu.memory_space<hbm>>
      tpu.enqueue_dma source(%dma_start3A_109 : memref<64x128xf32, #tpu.memory_space<hbm>>) target(%dma_start3A_107 : memref<64x128xf32, #tpu.memory_space<vmem>>) target_semaphore(%arg15 : memref<!tpu.dma_semaphore, #tpu.memory_space<semaphore_mem>>)
    } else {
    }
    %lt3A_46 = arith.constant 5 : i32
    %lt3A_47 = arith.cmpi slt, %lt3A_46, %scan3A_15#0 : i32
    %convert_element_type3A_48 = arith.extui %lt3A_47 : i1 to i32
    %cond3A_49 = arith.constant 5 : i32
    %cond3A_50 = arith.constant 0 : i32
    %cond3A_51 = arith.cmpi ne, %convert_element_type3A_48, %cond3A_50 : i32
    scf.if %cond3A_51 {
      %get3A = arith.index_cast %cond3A_49 : i32 to index
      %get3A_94 = memref.load %arg6[%get3A] : memref<512xi32, #tpu.memory_space<smem>>
      %mul3A_95 = arith.constant 128 : i32
      %mul3A_96 = arith.muli %get3A_94, %mul3A_95 : i32
      %rem3A = arith.constant 10 : i32
      %rem3A_97 = arith.remsi %cond3A_49, %rem3A : i32
      %dma_start3A_98 = arith.constant 0 : i32
      %dma_start3A_99 = arith.constant 0 : i32
      %dma_start3A_100 = tpu.memref_slice %arg9[%rem3A_97, %dma_start3A_98, %dma_start3A_99] : memref<10x64x128xf32, #tpu.memory_space<vmem>> -> memref<1x64x128xf32, #tpu.memory_space<vmem>>
      %dma_start3A_101 = tpu.memref_squeeze %dma_start3A_100 : memref<1x64x128xf32, #tpu.memory_space<vmem>> -> memref<64x128xf32, #tpu.memory_space<vmem>>
      %dma_start3A_102 = arith.constant 0 : i32
      %dma_start3A_103 = tpu.memref_slice %arg2[%dma_start3A_102, %mul3A_96] : memref<64x1000001xf32, #tpu.memory_space<hbm>> -> memref<64x128xf32, #tpu.memory_space<hbm>>
      %dma_start3A_104 = arith.constant 0 : i32
      %dma_start3A_105 = arith.constant 0 : i32
      %dma_start3A_106 = tpu.memref_slice %arg9[%rem3A_97, %dma_start3A_104, %dma_start3A_105] : memref<10x64x128xf32, #tpu.memory_space<vmem>> -> memref<1x64x128xf32, #tpu.memory_space<vmem>>
      %dma_start3A_107 = tpu.memref_squeeze %dma_start3A_106 : memref<1x64x128xf32, #tpu.memory_space<vmem>> -> memref<64x128xf32, #tpu.memory_space<vmem>>
      %dma_start3A_108 = arith.constant 0 : i32
      %dma_start3A_109 = tpu.memref_slice %arg2[%dma_start3A_108, %mul3A_96] : memref<64x1000001xf32, #tpu.memory_space<hbm>> -> memref<64x128xf32, #tpu.memory_space<hbm>>
      tpu.enqueue_dma source(%dma_start3A_109 : memref<64x128xf32, #tpu.memory_space<hbm>>) target(%dma_start3A_107 : memref<64x128xf32, #tpu.memory_space<vmem>>) target_semaphore(%arg16 : memref<!tpu.dma_semaphore, #tpu.memory_space<semaphore_mem>>)
    } else {
    }
    %lt3A_52 = arith.constant 6 : i32
    %lt3A_53 = arith.cmpi slt, %lt3A_52, %scan3A_15#0 : i32
    %convert_element_type3A_54 = arith.extui %lt3A_53 : i1 to i32
    %cond3A_55 = arith.constant 6 : i32
    %cond3A_56 = arith.constant 0 : i32
    %cond3A_57 = arith.cmpi ne, %convert_element_type3A_54, %cond3A_56 : i32
    scf.if %cond3A_57 {
      %get3A = arith.index_cast %cond3A_55 : i32 to index
      %get3A_94 = memref.load %arg6[%get3A] : memref<512xi32, #tpu.memory_space<smem>>
      %mul3A_95 = arith.constant 128 : i32
      %mul3A_96 = arith.muli %get3A_94, %mul3A_95 : i32
      %rem3A = arith.constant 10 : i32
      %rem3A_97 = arith.remsi %cond3A_55, %rem3A : i32
      %dma_start3A_98 = arith.constant 0 : i32
      %dma_start3A_99 = arith.constant 0 : i32
      %dma_start3A_100 = tpu.memref_slice %arg9[%rem3A_97, %dma_start3A_98, %dma_start3A_99] : memref<10x64x128xf32, #tpu.memory_space<vmem>> -> memref<1x64x128xf32, #tpu.memory_space<vmem>>
      %dma_start3A_101 = tpu.memref_squeeze %dma_start3A_100 : memref<1x64x128xf32, #tpu.memory_space<vmem>> -> memref<64x128xf32, #tpu.memory_space<vmem>>
      %dma_start3A_102 = arith.constant 0 : i32
      %dma_start3A_103 = tpu.memref_slice %arg2[%dma_start3A_102, %mul3A_96] : memref<64x1000001xf32, #tpu.memory_space<hbm>> -> memref<64x128xf32, #tpu.memory_space<hbm>>
      %dma_start3A_104 = arith.constant 0 : i32
      %dma_start3A_105 = arith.constant 0 : i32
      %dma_start3A_106 = tpu.memref_slice %arg9[%rem3A_97, %dma_start3A_104, %dma_start3A_105] : memref<10x64x128xf32, #tpu.memory_space<vmem>> -> memref<1x64x128xf32, #tpu.memory_space<vmem>>
      %dma_start3A_107 = tpu.memref_squeeze %dma_start3A_106 : memref<1x64x128xf32, #tpu.memory_space<vmem>> -> memref<64x128xf32, #tpu.memory_space<vmem>>
      %dma_start3A_108 = arith.constant 0 : i32
      %dma_start3A_109 = tpu.memref_slice %arg2[%dma_start3A_108, %mul3A_96] : memref<64x1000001xf32, #tpu.memory_space<hbm>> -> memref<64x128xf32, #tpu.memory_space<hbm>>
      tpu.enqueue_dma source(%dma_start3A_109 : memref<64x128xf32, #tpu.memory_space<hbm>>) target(%dma_start3A_107 : memref<64x128xf32, #tpu.memory_space<vmem>>) target_semaphore(%arg17 : memref<!tpu.dma_semaphore, #tpu.memory_space<semaphore_mem>>)
    } else {
    }
    %lt3A_58 = arith.constant 7 : i32
    %lt3A_59 = arith.cmpi slt, %lt3A_58, %scan3A_15#0 : i32
    %convert_element_type3A_60 = arith.extui %lt3A_59 : i1 to i32
    %cond3A_61 = arith.constant 7 : i32
    %cond3A_62 = arith.constant 0 : i32
    %cond3A_63 = arith.cmpi ne, %convert_element_type3A_60, %cond3A_62 : i32
    scf.if %cond3A_63 {
      %get3A = arith.index_cast %cond3A_61 : i32 to index
      %get3A_94 = memref.load %arg6[%get3A] : memref<512xi32, #tpu.memory_space<smem>>
      %mul3A_95 = arith.constant 128 : i32
      %mul3A_96 = arith.muli %get3A_94, %mul3A_95 : i32
      %rem3A = arith.constant 10 : i32
      %rem3A_97 = arith.remsi %cond3A_61, %rem3A : i32
      %dma_start3A_98 = arith.constant 0 : i32
      %dma_start3A_99 = arith.constant 0 : i32
      %dma_start3A_100 = tpu.memref_slice %arg9[%rem3A_97, %dma_start3A_98, %dma_start3A_99] : memref<10x64x128xf32, #tpu.memory_space<vmem>> -> memref<1x64x128xf32, #tpu.memory_space<vmem>>
      %dma_start3A_101 = tpu.memref_squeeze %dma_start3A_100 : memref<1x64x128xf32, #tpu.memory_space<vmem>> -> memref<64x128xf32, #tpu.memory_space<vmem>>
      %dma_start3A_102 = arith.constant 0 : i32
      %dma_start3A_103 = tpu.memref_slice %arg2[%dma_start3A_102, %mul3A_96] : memref<64x1000001xf32, #tpu.memory_space<hbm>> -> memref<64x128xf32, #tpu.memory_space<hbm>>
      %dma_start3A_104 = arith.constant 0 : i32
      %dma_start3A_105 = arith.constant 0 : i32
      %dma_start3A_106 = tpu.memref_slice %arg9[%rem3A_97, %dma_start3A_104, %dma_start3A_105] : memref<10x64x128xf32, #tpu.memory_space<vmem>> -> memref<1x64x128xf32, #tpu.memory_space<vmem>>
      %dma_start3A_107 = tpu.memref_squeeze %dma_start3A_106 : memref<1x64x128xf32, #tpu.memory_space<vmem>> -> memref<64x128xf32, #tpu.memory_space<vmem>>
      %dma_start3A_108 = arith.constant 0 : i32
      %dma_start3A_109 = tpu.memref_slice %arg2[%dma_start3A_108, %mul3A_96] : memref<64x1000001xf32, #tpu.memory_space<hbm>> -> memref<64x128xf32, #tpu.memory_space<hbm>>
      tpu.enqueue_dma source(%dma_start3A_109 : memref<64x128xf32, #tpu.memory_space<hbm>>) target(%dma_start3A_107 : memref<64x128xf32, #tpu.memory_space<vmem>>) target_semaphore(%arg18 : memref<!tpu.dma_semaphore, #tpu.memory_space<semaphore_mem>>)
    } else {
    }
    %lt3A_64 = arith.constant 8 : i32
    %lt3A_65 = arith.cmpi slt, %lt3A_64, %scan3A_15#0 : i32
    %convert_element_type3A_66 = arith.extui %lt3A_65 : i1 to i32
    %cond3A_67 = arith.constant 8 : i32
    %cond3A_68 = arith.constant 0 : i32
    %cond3A_69 = arith.cmpi ne, %convert_element_type3A_66, %cond3A_68 : i32
    scf.if %cond3A_69 {
      %get3A = arith.index_cast %cond3A_67 : i32 to index
      %get3A_94 = memref.load %arg6[%get3A] : memref<512xi32, #tpu.memory_space<smem>>
      %mul3A_95 = arith.constant 128 : i32
      %mul3A_96 = arith.muli %get3A_94, %mul3A_95 : i32
      %rem3A = arith.constant 10 : i32
      %rem3A_97 = arith.remsi %cond3A_67, %rem3A : i32
      %dma_start3A_98 = arith.constant 0 : i32
      %dma_start3A_99 = arith.constant 0 : i32
      %dma_start3A_100 = tpu.memref_slice %arg9[%rem3A_97, %dma_start3A_98, %dma_start3A_99] : memref<10x64x128xf32, #tpu.memory_space<vmem>> -> memref<1x64x128xf32, #tpu.memory_space<vmem>>
      %dma_start3A_101 = tpu.memref_squeeze %dma_start3A_100 : memref<1x64x128xf32, #tpu.memory_space<vmem>> -> memref<64x128xf32, #tpu.memory_space<vmem>>
      %dma_start3A_102 = arith.constant 0 : i32
      %dma_start3A_103 = tpu.memref_slice %arg2[%dma_start3A_102, %mul3A_96] : memref<64x1000001xf32, #tpu.memory_space<hbm>> -> memref<64x128xf32, #tpu.memory_space<hbm>>
      %dma_start3A_104 = arith.constant 0 : i32
      %dma_start3A_105 = arith.constant 0 : i32
      %dma_start3A_106 = tpu.memref_slice %arg9[%rem3A_97, %dma_start3A_104, %dma_start3A_105] : memref<10x64x128xf32, #tpu.memory_space<vmem>> -> memref<1x64x128xf32, #tpu.memory_space<vmem>>
      %dma_start3A_107 = tpu.memref_squeeze %dma_start3A_106 : memref<1x64x128xf32, #tpu.memory_space<vmem>> -> memref<64x128xf32, #tpu.memory_space<vmem>>
      %dma_start3A_108 = arith.constant 0 : i32
      %dma_start3A_109 = tpu.memref_slice %arg2[%dma_start3A_108, %mul3A_96] : memref<64x1000001xf32, #tpu.memory_space<hbm>> -> memref<64x128xf32, #tpu.memory_space<hbm>>
      tpu.enqueue_dma source(%dma_start3A_109 : memref<64x128xf32, #tpu.memory_space<hbm>>) target(%dma_start3A_107 : memref<64x128xf32, #tpu.memory_space<vmem>>) target_semaphore(%arg19 : memref<!tpu.dma_semaphore, #tpu.memory_space<semaphore_mem>>)
    } else {
    }
    %lt3A_70 = arith.constant 9 : i32
    %lt3A_71 = arith.cmpi slt, %lt3A_70, %scan3A_15#0 : i32
    %convert_element_type3A_72 = arith.extui %lt3A_71 : i1 to i32
    %cond3A_73 = arith.constant 9 : i32
    %cond3A_74 = arith.constant 0 : i32
    %cond3A_75 = arith.cmpi ne, %convert_element_type3A_72, %cond3A_74 : i32
    scf.if %cond3A_75 {
      %get3A = arith.index_cast %cond3A_73 : i32 to index
      %get3A_94 = memref.load %arg6[%get3A] : memref<512xi32, #tpu.memory_space<smem>>
      %mul3A_95 = arith.constant 128 : i32
      %mul3A_96 = arith.muli %get3A_94, %mul3A_95 : i32
      %rem3A = arith.constant 10 : i32
      %rem3A_97 = arith.remsi %cond3A_73, %rem3A : i32
      %dma_start3A_98 = arith.constant 0 : i32
      %dma_start3A_99 = arith.constant 0 : i32
      %dma_start3A_100 = tpu.memref_slice %arg9[%rem3A_97, %dma_start3A_98, %dma_start3A_99] : memref<10x64x128xf32, #tpu.memory_space<vmem>> -> memref<1x64x128xf32, #tpu.memory_space<vmem>>
      %dma_start3A_101 = tpu.memref_squeeze %dma_start3A_100 : memref<1x64x128xf32, #tpu.memory_space<vmem>> -> memref<64x128xf32, #tpu.memory_space<vmem>>
      %dma_start3A_102 = arith.constant 0 : i32
      %dma_start3A_103 = tpu.memref_slice %arg2[%dma_start3A_102, %mul3A_96] : memref<64x1000001xf32, #tpu.memory_space<hbm>> -> memref<64x128xf32, #tpu.memory_space<hbm>>
      %dma_start3A_104 = arith.constant 0 : i32
      %dma_start3A_105 = arith.constant 0 : i32
      %dma_start3A_106 = tpu.memref_slice %arg9[%rem3A_97, %dma_start3A_104, %dma_start3A_105] : memref<10x64x128xf32, #tpu.memory_space<vmem>> -> memref<1x64x128xf32, #tpu.memory_space<vmem>>
      %dma_start3A_107 = tpu.memref_squeeze %dma_start3A_106 : memref<1x64x128xf32, #tpu.memory_space<vmem>> -> memref<64x128xf32, #tpu.memory_space<vmem>>
      %dma_start3A_108 = arith.constant 0 : i32
      %dma_start3A_109 = tpu.memref_slice %arg2[%dma_start3A_108, %mul3A_96] : memref<64x1000001xf32, #tpu.memory_space<hbm>> -> memref<64x128xf32, #tpu.memory_space<hbm>>
      tpu.enqueue_dma source(%dma_start3A_109 : memref<64x128xf32, #tpu.memory_space<hbm>>) target(%dma_start3A_107 : memref<64x128xf32, #tpu.memory_space<vmem>>) target_semaphore(%arg20 : memref<!tpu.dma_semaphore, #tpu.memory_space<semaphore_mem>>)
    } else {
    }
    %iota3A = tpu.iota {dimensions = array<i32: 0>} : vector<16xi32>
    %sub3A = arith.constant 0 : i32
    %sub3A_76 = arith.subi %scan3A_15#0, %sub3A : i32
    %sub3A_77 = arith.constant 10 : i32
    %sub3A_78 = arith.constant 1 : i32
    %sub3A_79 = arith.subi %sub3A_77, %sub3A_78 : i32
    %add3A_80 = arith.addi %sub3A_76, %sub3A_79 : i32
    %div3A = arith.constant 10 : i32
    %div3A_81 = arith.divsi %add3A_80, %div3A : i32
    %while3A = arith.constant 10 : i32
    %while3A_82 = arith.constant 0 : i32
    %while3A_83 = arith.constant 0 : i32
    %while3A_84 = arith.subi %div3A_81, %while3A_83 : i32
    %while3A_85 = arith.addi %while3A_83, %while3A_84 : i32
    %while3A_86 = arith.constant 1 : i32
    %while3A_87 = arith.divsi %while3A_84, %while3A_86 : i32
    %while3A_88 = arith.muli %while3A_87, %while3A_86 : i32
    %while3A_89 = arith.addi %while3A_83, %while3A_88 : i32
    %while3A_90 = arith.constant 1 : i32
    scf.for %while3A_94 = %while3A_83 to %while3A_89 step %while3A_90  : i32 {
      %mul3A_95 = arith.muli %while3A_94, %while3A : i32
      %add3A_96 = arith.addi %while3A_82, %mul3A_95 : i32
      %add3A_97 = arith.constant 0 : i32
      %add3A_98 = arith.addi %add3A_96, %add3A_97 : i32
      %lt3A_99 = arith.cmpi slt, %add3A_98, %scan3A_15#0 : i32
      %convert_element_type3A_100 = arith.extui %lt3A_99 : i1 to i32
      %cond3A_101 = arith.constant 0 : i32
      %cond3A_102 = arith.cmpi ne, %convert_element_type3A_100, %cond3A_101 : i32
      scf.if %cond3A_102 {
        %rem3A = arith.constant 10 : i32
        %rem3A_157 = arith.remsi %add3A_98, %rem3A : i32
        %dma_wait3A_158 = arith.constant 0 : i32
        %dma_wait3A_159 = arith.constant 0 : i32
        %dma_wait3A_160 = tpu.memref_slice %arg9[%rem3A_157, %dma_wait3A_158, %dma_wait3A_159] : memref<10x64x128xf32, #tpu.memory_space<vmem>> -> memref<1x64x128xf32, #tpu.memory_space<vmem>>
        %dma_wait3A_161 = tpu.memref_squeeze %dma_wait3A_160 : memref<1x64x128xf32, #tpu.memory_space<vmem>> -> memref<64x128xf32, #tpu.memory_space<vmem>>
        %dma_wait3A_162 = arith.constant 0 : i32
        %dma_wait3A_163 = arith.constant 0 : i32
        %dma_wait3A_164 = tpu.memref_slice %arg2[%dma_wait3A_162, %dma_wait3A_163] : memref<64x1000001xf32, #tpu.memory_space<hbm>> -> memref<64x128xf32, #tpu.memory_space<hbm>>
        %dma_wait3A_165 = arith.constant 0 : i32
        %dma_wait3A_166 = arith.constant 0 : i32
        %dma_wait3A_167 = tpu.memref_slice %arg9[%rem3A_157, %dma_wait3A_165, %dma_wait3A_166] : memref<10x64x128xf32, #tpu.memory_space<vmem>> -> memref<1x64x128xf32, #tpu.memory_space<vmem>>
        %dma_wait3A_168 = tpu.memref_squeeze %dma_wait3A_167 : memref<1x64x128xf32, #tpu.memory_space<vmem>> -> memref<64x128xf32, #tpu.memory_space<vmem>>
        %dma_wait3A_169 = arith.constant 0 : i32
        %dma_wait3A_170 = arith.constant 0 : i32
        %dma_wait3A_171 = tpu.memref_slice %arg2[%dma_wait3A_169, %dma_wait3A_170] : memref<64x1000001xf32, #tpu.memory_space<hbm>> -> memref<64x128xf32, #tpu.memory_space<hbm>>
        tpu.wait_dma2 semaphore(%arg11 : memref<!tpu.dma_semaphore, #tpu.memory_space<semaphore_mem>>) src(%dma_wait3A_171 : memref<64x128xf32, #tpu.memory_space<hbm>>) dst(%dma_wait3A_168 : memref<64x128xf32, #tpu.memory_space<vmem>>)
        %get3A = arith.index_cast %add3A_98 : i32 to index
        %get3A_172 = memref.load %arg7[%get3A] : memref<513xi32, #tpu.memory_space<smem>>
        %add3A_173 = arith.constant 1 : i32
        %add3A_174 = arith.addi %add3A_98, %add3A_173 : i32
        %get3A_175 = arith.index_cast %add3A_174 : i32 to index
        %get3A_176 = memref.load %arg7[%get3A_175] : memref<513xi32, #tpu.memory_space<smem>>
        %sub3A_177 = arith.subi %get3A_176, %get3A_172 : i32
        %sub3A_178 = arith.constant 1 : i32
        %sub3A_179 = arith.constant 1 : i32
        %sub3A_180 = arith.subi %sub3A_178, %sub3A_179 : i32
        %add3A_181 = arith.addi %sub3A_177, %sub3A_180 : i32
        %div3A_182 = arith.constant 1 : i32
        %div3A_183 = arith.divsi %add3A_181, %div3A_182 : i32
        %while3A_184 = arith.constant 1 : i32
        %while3A_185 = arith.constant 0 : i32
        %while3A_186 = arith.subi %div3A_183, %while3A_185 : i32
        %while3A_187 = arith.addi %while3A_185, %while3A_186 : i32
        %while3A_188 = arith.constant 1 : i32
        %while3A_189 = arith.divsi %while3A_186, %while3A_188 : i32
        %while3A_190 = arith.muli %while3A_189, %while3A_188 : i32
        %while3A_191 = arith.addi %while3A_185, %while3A_190 : i32
        %while3A_192 = arith.constant 1 : i32
        scf.for %while3A_200 = %while3A_185 to %while3A_191 step %while3A_192  : i32 {
          %mul3A_201 = arith.muli %while3A_200, %while3A_184 : i32
          %add3A_202 = arith.addi %get3A_172, %mul3A_201 : i32
          %get3A_203 = arith.index_cast %add3A_202 : i32 to index
          %get3A_204 = memref.load %arg5[%get3A_203] : memref<512xi32, #tpu.memory_space<smem>>
          %and3A = arith.constant 127 : i32
          %and3A_205 = arith.andi %get3A_204, %and3A : i32
          %broadcast_in_dim3A = arith.constant 0 : i32
          %broadcast_in_dim3A_206 = vector.broadcast %broadcast_in_dim3A : i32 to vector<16xi32>
          %add3A_207 = vector.broadcast %and3A_205 : i32 to vector<16xi32>
          %add3A_208 = arith.addi %broadcast_in_dim3A_206, %add3A_207 : vector<16xi32>
          %add3A_209 = arith.constant 0 : i32
          %add3A_210 = vector.broadcast %add3A_209 : i32 to vector<16xi32>
          %add3A_211 = arith.addi %iota3A, %add3A_210 : vector<16xi32>
          %gather3A = arith.constant 0 : i32
          %gather3A_212 = arith.constant 0 : i32
          %gather3A_213 = tpu.memref_slice %arg9[%rem3A_157, %gather3A, %gather3A_212] : memref<10x64x128xf32, #tpu.memory_space<vmem>> -> memref<1x64x128xf32, #tpu.memory_space<vmem>>
          %gather3A_214 = tpu.memref_squeeze %gather3A_213 : memref<1x64x128xf32, #tpu.memory_space<vmem>> -> memref<64x128xf32, #tpu.memory_space<vmem>>
          %gather3A_215 = tpu.vector_load_idx %gather3A_214[%add3A_211, %add3A_208] : memref<64x128xf32, #tpu.memory_space<vmem>>[vector<16xi32>, vector<16xi32>], vector<16xf32>,
          %mul3A_216 = arith.constant 64 : i32
          %mul3A_217 = arith.muli %add3A_202, %mul3A_216 : i32
          %add3A_218 = arith.constant 0 : i32
          %add3A_219 = arith.addi %mul3A_217, %add3A_218 : i32
          %swap3A_220 = arith.index_cast %add3A_219 : i32 to index
          %swap3A_221 = tpu.vector_load %arg10[%swap3A_220] {strides = array<i32>} : memref<32768xf32, #tpu.memory_space<vmem>>, vector<16xf32>,
          tpu.vector_store %arg10[%swap3A_220], %gather3A_215 {strides = array<i32>} : memref<32768xf32, #tpu.memory_space<vmem>>, vector<16xf32>,
          %add3A_222 = arith.constant 16 : i32
          %add3A_223 = vector.broadcast %add3A_222 : i32 to vector<16xi32>
          %add3A_224 = arith.addi %iota3A, %add3A_223 : vector<16xi32>
          %gather3A_225 = arith.constant 0 : i32
          %gather3A_226 = arith.constant 0 : i32
          %gather3A_227 = tpu.memref_slice %arg9[%rem3A_157, %gather3A_225, %gather3A_226] : memref<10x64x128xf32, #tpu.memory_space<vmem>> -> memref<1x64x128xf32, #tpu.memory_space<vmem>>
          %gather3A_228 = tpu.memref_squeeze %gather3A_227 : memref<1x64x128xf32, #tpu.memory_space<vmem>> -> memref<64x128xf32, #tpu.memory_space<vmem>>
          %gather3A_229 = tpu.vector_load_idx %gather3A_228[%add3A_224, %add3A_208] : memref<64x128xf32, #tpu.memory_space<vmem>>[vector<16xi32>, vector<16xi32>], vector<16xf32>,
          %mul3A_230 = arith.constant 64 : i32
          %mul3A_231 = arith.muli %add3A_202, %mul3A_230 : i32
          %add3A_232 = arith.constant 16 : i32
          %add3A_233 = arith.addi %mul3A_231, %add3A_232 : i32
          %swap3A_234 = arith.index_cast %add3A_233 : i32 to index
          %swap3A_235 = tpu.vector_load %arg10[%swap3A_234] {strides = array<i32>} : memref<32768xf32, #tpu.memory_space<vmem>>, vector<16xf32>,
          tpu.vector_store %arg10[%swap3A_234], %gather3A_229 {strides = array<i32>} : memref<32768xf32, #tpu.memory_space<vmem>>, vector<16xf32>,
          %add3A_236 = arith.constant 32 : i32
          %add3A_237 = vector.broadcast %add3A_236 : i32 to vector<16xi32>
          %add3A_238 = arith.addi %iota3A, %add3A_237 : vector<16xi32>
          %gather3A_239 = arith.constant 0 : i32
          %gather3A_240 = arith.constant 0 : i32
          %gather3A_241 = tpu.memref_slice %arg9[%rem3A_157, %gather3A_239, %gather3A_240] : memref<10x64x128xf32, #tpu.memory_space<vmem>> -> memref<1x64x128xf32, #tpu.memory_space<vmem>>
          %gather3A_242 = tpu.memref_squeeze %gather3A_241 : memref<1x64x128xf32, #tpu.memory_space<vmem>> -> memref<64x128xf32, #tpu.memory_space<vmem>>
          %gather3A_243 = tpu.vector_load_idx %gather3A_242[%add3A_238, %add3A_208] : memref<64x128xf32, #tpu.memory_space<vmem>>[vector<16xi32>, vector<16xi32>], vector<16xf32>,
          %mul3A_244 = arith.constant 64 : i32
          %mul3A_245 = arith.muli %add3A_202, %mul3A_244 : i32
          %add3A_246 = arith.constant 32 : i32
          %add3A_247 = arith.addi %mul3A_245, %add3A_246 : i32
          %swap3A_248 = arith.index_cast %add3A_247 : i32 to index
          %swap3A_249 = tpu.vector_load %arg10[%swap3A_248] {strides = array<i32>} : memref<32768xf32, #tpu.memory_space<vmem>>, vector<16xf32>,
          tpu.vector_store %arg10[%swap3A_248], %gather3A_243 {strides = array<i32>} : memref<32768xf32, #tpu.memory_space<vmem>>, vector<16xf32>,
          %add3A_250 = arith.constant 48 : i32
          %add3A_251 = vector.broadcast %add3A_250 : i32 to vector<16xi32>
          %add3A_252 = arith.addi %iota3A, %add3A_251 : vector<16xi32>
          %gather3A_253 = arith.constant 0 : i32
          %gather3A_254 = arith.constant 0 : i32
          %gather3A_255 = tpu.memref_slice %arg9[%rem3A_157, %gather3A_253, %gather3A_254] : memref<10x64x128xf32, #tpu.memory_space<vmem>> -> memref<1x64x128xf32, #tpu.memory_space<vmem>>
          %gather3A_256 = tpu.memref_squeeze %gather3A_255 : memref<1x64x128xf32, #tpu.memory_space<vmem>> -> memref<64x128xf32, #tpu.memory_space<vmem>>
          %gather3A_257 = tpu.vector_load_idx %gather3A_256[%add3A_252, %add3A_208] : memref<64x128xf32, #tpu.memory_space<vmem>>[vector<16xi32>, vector<16xi32>], vector<16xf32>,
          %mul3A_258 = arith.constant 64 : i32
          %mul3A_259 = arith.muli %add3A_202, %mul3A_258 : i32
          %add3A_260 = arith.constant 48 : i32
          %add3A_261 = arith.addi %mul3A_259, %add3A_260 : i32
          %swap3A_262 = arith.index_cast %add3A_261 : i32 to index
          %swap3A_263 = tpu.vector_load %arg10[%swap3A_262] {strides = array<i32>} : memref<32768xf32, #tpu.memory_space<vmem>>, vector<16xf32>,
          tpu.vector_store %arg10[%swap3A_262], %gather3A_257 {strides = array<i32>} : memref<32768xf32, #tpu.memory_space<vmem>>, vector<16xf32>,
        }
        %while3A_193 = arith.constant 1 : i32
        scf.for %while3A_200 = %while3A_191 to %while3A_187 step %while3A_193  : i32 {
          %mul3A_201 = arith.muli %while3A_200, %while3A_184 : i32
          %add3A_202 = arith.addi %get3A_172, %mul3A_201 : i32
          %get3A_203 = arith.index_cast %add3A_202 : i32 to index
          %get3A_204 = memref.load %arg5[%get3A_203] : memref<512xi32, #tpu.memory_space<smem>>
          %and3A = arith.constant 127 : i32
          %and3A_205 = arith.andi %get3A_204, %and3A : i32
          %broadcast_in_dim3A = arith.constant 0 : i32
          %broadcast_in_dim3A_206 = vector.broadcast %broadcast_in_dim3A : i32 to vector<16xi32>
          %add3A_207 = vector.broadcast %and3A_205 : i32 to vector<16xi32>
          %add3A_208 = arith.addi %broadcast_in_dim3A_206, %add3A_207 : vector<16xi32>
          %add3A_209 = arith.constant 0 : i32
          %add3A_210 = vector.broadcast %add3A_209 : i32 to vector<16xi32>
          %add3A_211 = arith.addi %iota3A, %add3A_210 : vector<16xi32>
          %gather3A = arith.constant 0 : i32
          %gather3A_212 = arith.constant 0 : i32
          %gather3A_213 = tpu.memref_slice %arg9[%rem3A_157, %gather3A, %gather3A_212] : memref<10x64x128xf32, #tpu.memory_space<vmem>> -> memref<1x64x128xf32, #tpu.memory_space<vmem>>
          %gather3A_214 = tpu.memref_squeeze %gather3A_213 : memref<1x64x128xf32, #tpu.memory_space<vmem>> -> memref<64x128xf32, #tpu.memory_space<vmem>>
          %gather3A_215 = tpu.vector_load_idx %gather3A_214[%add3A_211, %add3A_208] : memref<64x128xf32, #tpu.memory_space<vmem>>[vector<16xi32>, vector<16xi32>], vector<16xf32>,
          %mul3A_216 = arith.constant 64 : i32
          %mul3A_217 = arith.muli %add3A_202, %mul3A_216 : i32
          %add3A_218 = arith.constant 0 : i32
          %add3A_219 = arith.addi %mul3A_217, %add3A_218 : i32
          %swap3A_220 = arith.index_cast %add3A_219 : i32 to index
          %swap3A_221 = tpu.vector_load %arg10[%swap3A_220] {strides = array<i32>} : memref<32768xf32, #tpu.memory_space<vmem>>, vector<16xf32>,
          tpu.vector_store %arg10[%swap3A_220], %gather3A_215 {strides = array<i32>} : memref<32768xf32, #tpu.memory_space<vmem>>, vector<16xf32>,
          %add3A_222 = arith.constant 16 : i32
          %add3A_223 = vector.broadcast %add3A_222 : i32 to vector<16xi32>
          %add3A_224 = arith.addi %iota3A, %add3A_223 : vector<16xi32>
          %gather3A_225 = arith.constant 0 : i32
          %gather3A_226 = arith.constant 0 : i32
          %gather3A_227 = tpu.memref_slice %arg9[%rem3A_157, %gather3A_225, %gather3A_226] : memref<10x64x128xf32, #tpu.memory_space<vmem>> -> memref<1x64x128xf32, #tpu.memory_space<vmem>>
          %gather3A_228 = tpu.memref_squeeze %gather3A_227 : memref<1x64x128xf32, #tpu.memory_space<vmem>> -> memref<64x128xf32, #tpu.memory_space<vmem>>
          %gather3A_229 = tpu.vector_load_idx %gather3A_228[%add3A_224, %add3A_208] : memref<64x128xf32, #tpu.memory_space<vmem>>[vector<16xi32>, vector<16xi32>], vector<16xf32>,
          %mul3A_230 = arith.constant 64 : i32
          %mul3A_231 = arith.muli %add3A_202, %mul3A_230 : i32
          %add3A_232 = arith.constant 16 : i32
          %add3A_233 = arith.addi %mul3A_231, %add3A_232 : i32
          %swap3A_234 = arith.index_cast %add3A_233 : i32 to index
          %swap3A_235 = tpu.vector_load %arg10[%swap3A_234] {strides = array<i32>} : memref<32768xf32, #tpu.memory_space<vmem>>, vector<16xf32>,
          tpu.vector_store %arg10[%swap3A_234], %gather3A_229 {strides = array<i32>} : memref<32768xf32, #tpu.memory_space<vmem>>, vector<16xf32>,
          %add3A_236 = arith.constant 32 : i32
          %add3A_237 = vector.broadcast %add3A_236 : i32 to vector<16xi32>
          %add3A_238 = arith.addi %iota3A, %add3A_237 : vector<16xi32>
          %gather3A_239 = arith.constant 0 : i32
          %gather3A_240 = arith.constant 0 : i32
          %gather3A_241 = tpu.memref_slice %arg9[%rem3A_157, %gather3A_239, %gather3A_240] : memref<10x64x128xf32, #tpu.memory_space<vmem>> -> memref<1x64x128xf32, #tpu.memory_space<vmem>>
          %gather3A_242 = tpu.memref_squeeze %gather3A_241 : memref<1x64x128xf32, #tpu.memory_space<vmem>> -> memref<64x128xf32, #tpu.memory_space<vmem>>
          %gather3A_243 = tpu.vector_load_idx %gather3A_242[%add3A_238, %add3A_208] : memref<64x128xf32, #tpu.memory_space<vmem>>[vector<16xi32>, vector<16xi32>], vector<16xf32>,
          %mul3A_244 = arith.constant 64 : i32
          %mul3A_245 = arith.muli %add3A_202, %mul3A_244 : i32
          %add3A_246 = arith.constant 32 : i32
          %add3A_247 = arith.addi %mul3A_245, %add3A_246 : i32
          %swap3A_248 = arith.index_cast %add3A_247 : i32 to index
          %swap3A_249 = tpu.vector_load %arg10[%swap3A_248] {strides = array<i32>} : memref<32768xf32, #tpu.memory_space<vmem>>, vector<16xf32>,
          tpu.vector_store %arg10[%swap3A_248], %gather3A_243 {strides = array<i32>} : memref<32768xf32, #tpu.memory_space<vmem>>, vector<16xf32>,
          %add3A_250 = arith.constant 48 : i32
          %add3A_251 = vector.broadcast %add3A_250 : i32 to vector<16xi32>
          %add3A_252 = arith.addi %iota3A, %add3A_251 : vector<16xi32>
          %gather3A_253 = arith.constant 0 : i32
          %gather3A_254 = arith.constant 0 : i32
          %gather3A_255 = tpu.memref_slice %arg9[%rem3A_157, %gather3A_253, %gather3A_254] : memref<10x64x128xf32, #tpu.memory_space<vmem>> -> memref<1x64x128xf32, #tpu.memory_space<vmem>>
          %gather3A_256 = tpu.memref_squeeze %gather3A_255 : memref<1x64x128xf32, #tpu.memory_space<vmem>> -> memref<64x128xf32, #tpu.memory_space<vmem>>
          %gather3A_257 = tpu.vector_load_idx %gather3A_256[%add3A_252, %add3A_208] : memref<64x128xf32, #tpu.memory_space<vmem>>[vector<16xi32>, vector<16xi32>], vector<16xf32>,
          %mul3A_258 = arith.constant 64 : i32
          %mul3A_259 = arith.muli %add3A_202, %mul3A_258 : i32
          %add3A_260 = arith.constant 48 : i32
          %add3A_261 = arith.addi %mul3A_259, %add3A_260 : i32
          %swap3A_262 = arith.index_cast %add3A_261 : i32 to index
          %swap3A_263 = tpu.vector_load %arg10[%swap3A_262] {strides = array<i32>} : memref<32768xf32, #tpu.memory_space<vmem>>, vector<16xf32>,
          tpu.vector_store %arg10[%swap3A_262], %gather3A_257 {strides = array<i32>} : memref<32768xf32, #tpu.memory_space<vmem>>, vector<16xf32>,
        }
        %add3A_194 = arith.constant 10 : i32
        %add3A_195 = arith.addi %add3A_98, %add3A_194 : i32
        %lt3A_196 = arith.cmpi slt, %add3A_195, %scan3A_15#0 : i32
        %convert_element_type3A_197 = arith.extui %lt3A_196 : i1 to i32
        %cond3A_198 = arith.constant 0 : i32
        %cond3A_199 = arith.cmpi ne, %convert_element_type3A_197, %cond3A_198 : i32
        scf.if %cond3A_199 {
          %get3A_200 = arith.index_cast %add3A_195 : i32 to index
          %get3A_201 = memref.load %arg6[%get3A_200] : memref<512xi32, #tpu.memory_space<smem>>
          %mul3A_202 = arith.constant 128 : i32
          %mul3A_203 = arith.muli %get3A_201, %mul3A_202 : i32
          %rem3A_204 = arith.constant 10 : i32
          %rem3A_205 = arith.remsi %add3A_195, %rem3A_204 : i32
          %dma_start3A_206 = arith.constant 0 : i32
          %dma_start3A_207 = arith.constant 0 : i32
          %dma_start3A_208 = tpu.memref_slice %arg9[%rem3A_205, %dma_start3A_206, %dma_start3A_207] : memref<10x64x128xf32, #tpu.memory_space<vmem>> -> memref<1x64x128xf32, #tpu.memory_space<vmem>>
          %dma_start3A_209 = tpu.memref_squeeze %dma_start3A_208 : memref<1x64x128xf32, #tpu.memory_space<vmem>> -> memref<64x128xf32, #tpu.memory_space<vmem>>
          %dma_start3A_210 = arith.constant 0 : i32
          %dma_start3A_211 = tpu.memref_slice %arg2[%dma_start3A_210, %mul3A_203] : memref<64x1000001xf32, #tpu.memory_space<hbm>> -> memref<64x128xf32, #tpu.memory_space<hbm>>
          %dma_start3A_212 = arith.constant 0 : i32
          %dma_start3A_213 = arith.constant 0 : i32
          %dma_start3A_214 = tpu.memref_slice %arg9[%rem3A_205, %dma_start3A_212, %dma_start3A_213] : memref<10x64x128xf32, #tpu.memory_space<vmem>> -> memref<1x64x128xf32, #tpu.memory_space<vmem>>
          %dma_start3A_215 = tpu.memref_squeeze %dma_start3A_214 : memref<1x64x128xf32, #tpu.memory_space<vmem>> -> memref<64x128xf32, #tpu.memory_space<vmem>>
          %dma_start3A_216 = arith.constant 0 : i32
          %dma_start3A_217 = tpu.memref_slice %arg2[%dma_start3A_216, %mul3A_203] : memref<64x1000001xf32, #tpu.memory_space<hbm>> -> memref<64x128xf32, #tpu.memory_space<hbm>>
          tpu.enqueue_dma source(%dma_start3A_217 : memref<64x128xf32, #tpu.memory_space<hbm>>) target(%dma_start3A_215 : memref<64x128xf32, #tpu.memory_space<vmem>>) target_semaphore(%arg11 : memref<!tpu.dma_semaphore, #tpu.memory_space<semaphore_mem>>)
        } else {
        }
      } else {
      }
      %add3A_103 = arith.constant 1 : i32
      %add3A_104 = arith.addi %add3A_96, %add3A_103 : i32
      %lt3A_105 = arith.cmpi slt, %add3A_104, %scan3A_15#0 : i32
      %convert_element_type3A_106 = arith.extui %lt3A_105 : i1 to i32
      %cond3A_107 = arith.constant 0 : i32
      %cond3A_108 = arith.cmpi ne, %convert_element_type3A_106, %cond3A_107 : i32
      scf.if %cond3A_108 {
        %rem3A = arith.constant 10 : i32
        %rem3A_157 = arith.remsi %add3A_104, %rem3A : i32
        %dma_wait3A_158 = arith.constant 0 : i32
        %dma_wait3A_159 = arith.constant 0 : i32
        %dma_wait3A_160 = tpu.memref_slice %arg9[%rem3A_157, %dma_wait3A_158, %dma_wait3A_159] : memref<10x64x128xf32, #tpu.memory_space<vmem>> -> memref<1x64x128xf32, #tpu.memory_space<vmem>>
        %dma_wait3A_161 = tpu.memref_squeeze %dma_wait3A_160 : memref<1x64x128xf32, #tpu.memory_space<vmem>> -> memref<64x128xf32, #tpu.memory_space<vmem>>
        %dma_wait3A_162 = arith.constant 0 : i32
        %dma_wait3A_163 = arith.constant 0 : i32
        %dma_wait3A_164 = tpu.memref_slice %arg2[%dma_wait3A_162, %dma_wait3A_163] : memref<64x1000001xf32, #tpu.memory_space<hbm>> -> memref<64x128xf32, #tpu.memory_space<hbm>>
        %dma_wait3A_165 = arith.constant 0 : i32
        %dma_wait3A_166 = arith.constant 0 : i32
        %dma_wait3A_167 = tpu.memref_slice %arg9[%rem3A_157, %dma_wait3A_165, %dma_wait3A_166] : memref<10x64x128xf32, #tpu.memory_space<vmem>> -> memref<1x64x128xf32, #tpu.memory_space<vmem>>
        %dma_wait3A_168 = tpu.memref_squeeze %dma_wait3A_167 : memref<1x64x128xf32, #tpu.memory_space<vmem>> -> memref<64x128xf32, #tpu.memory_space<vmem>>
        %dma_wait3A_169 = arith.constant 0 : i32
        %dma_wait3A_170 = arith.constant 0 : i32
        %dma_wait3A_171 = tpu.memref_slice %arg2[%dma_wait3A_169, %dma_wait3A_170] : memref<64x1000001xf32, #tpu.memory_space<hbm>> -> memref<64x128xf32, #tpu.memory_space<hbm>>
        tpu.wait_dma2 semaphore(%arg12 : memref<!tpu.dma_semaphore, #tpu.memory_space<semaphore_mem>>) src(%dma_wait3A_171 : memref<64x128xf32, #tpu.memory_space<hbm>>) dst(%dma_wait3A_168 : memref<64x128xf32, #tpu.memory_space<vmem>>)
        %get3A = arith.index_cast %add3A_104 : i32 to index
        %get3A_172 = memref.load %arg7[%get3A] : memref<513xi32, #tpu.memory_space<smem>>
        %add3A_173 = arith.constant 1 : i32
        %add3A_174 = arith.addi %add3A_104, %add3A_173 : i32
        %get3A_175 = arith.index_cast %add3A_174 : i32 to index
        %get3A_176 = memref.load %arg7[%get3A_175] : memref<513xi32, #tpu.memory_space<smem>>
        %sub3A_177 = arith.subi %get3A_176, %get3A_172 : i32
        %sub3A_178 = arith.constant 1 : i32
        %sub3A_179 = arith.constant 1 : i32
        %sub3A_180 = arith.subi %sub3A_178, %sub3A_179 : i32
        %add3A_181 = arith.addi %sub3A_177, %sub3A_180 : i32
        %div3A_182 = arith.constant 1 : i32
        %div3A_183 = arith.divsi %add3A_181, %div3A_182 : i32
        %while3A_184 = arith.constant 1 : i32
        %while3A_185 = arith.constant 0 : i32
        %while3A_186 = arith.subi %div3A_183, %while3A_185 : i32
        %while3A_187 = arith.addi %while3A_185, %while3A_186 : i32
        %while3A_188 = arith.constant 1 : i32
        %while3A_189 = arith.divsi %while3A_186, %while3A_188 : i32
        %while3A_190 = arith.muli %while3A_189, %while3A_188 : i32
        %while3A_191 = arith.addi %while3A_185, %while3A_190 : i32
        %while3A_192 = arith.constant 1 : i32
        scf.for %while3A_200 = %while3A_185 to %while3A_191 step %while3A_192  : i32 {
          %mul3A_201 = arith.muli %while3A_200, %while3A_184 : i32
          %add3A_202 = arith.addi %get3A_172, %mul3A_201 : i32
          %get3A_203 = arith.index_cast %add3A_202 : i32 to index
          %get3A_204 = memref.load %arg5[%get3A_203] : memref<512xi32, #tpu.memory_space<smem>>
          %and3A = arith.constant 127 : i32
          %and3A_205 = arith.andi %get3A_204, %and3A : i32
          %broadcast_in_dim3A = arith.constant 0 : i32
          %broadcast_in_dim3A_206 = vector.broadcast %broadcast_in_dim3A : i32 to vector<16xi32>
          %add3A_207 = vector.broadcast %and3A_205 : i32 to vector<16xi32>
          %add3A_208 = arith.addi %broadcast_in_dim3A_206, %add3A_207 : vector<16xi32>
          %add3A_209 = arith.constant 0 : i32
          %add3A_210 = vector.broadcast %add3A_209 : i32 to vector<16xi32>
          %add3A_211 = arith.addi %iota3A, %add3A_210 : vector<16xi32>
          %gather3A = arith.constant 0 : i32
          %gather3A_212 = arith.constant 0 : i32
          %gather3A_213 = tpu.memref_slice %arg9[%rem3A_157, %gather3A, %gather3A_212] : memref<10x64x128xf32, #tpu.memory_space<vmem>> -> memref<1x64x128xf32, #tpu.memory_space<vmem>>
          %gather3A_214 = tpu.memref_squeeze %gather3A_213 : memref<1x64x128xf32, #tpu.memory_space<vmem>> -> memref<64x128xf32, #tpu.memory_space<vmem>>
          %gather3A_215 = tpu.vector_load_idx %gather3A_214[%add3A_211, %add3A_208] : memref<64x128xf32, #tpu.memory_space<vmem>>[vector<16xi32>, vector<16xi32>], vector<16xf32>,
          %mul3A_216 = arith.constant 64 : i32
          %mul3A_217 = arith.muli %add3A_202, %mul3A_216 : i32
          %add3A_218 = arith.constant 0 : i32
          %add3A_219 = arith.addi %mul3A_217, %add3A_218 : i32
          %swap3A_220 = arith.index_cast %add3A_219 : i32 to index
          %swap3A_221 = tpu.vector_load %arg10[%swap3A_220] {strides = array<i32>} : memref<32768xf32, #tpu.memory_space<vmem>>, vector<16xf32>,
          tpu.vector_store %arg10[%swap3A_220], %gather3A_215 {strides = array<i32>} : memref<32768xf32, #tpu.memory_space<vmem>>, vector<16xf32>,
          %add3A_222 = arith.constant 16 : i32
          %add3A_223 = vector.broadcast %add3A_222 : i32 to vector<16xi32>
          %add3A_224 = arith.addi %iota3A, %add3A_223 : vector<16xi32>
          %gather3A_225 = arith.constant 0 : i32
          %gather3A_226 = arith.constant 0 : i32
          %gather3A_227 = tpu.memref_slice %arg9[%rem3A_157, %gather3A_225, %gather3A_226] : memref<10x64x128xf32, #tpu.memory_space<vmem>> -> memref<1x64x128xf32, #tpu.memory_space<vmem>>
          %gather3A_228 = tpu.memref_squeeze %gather3A_227 : memref<1x64x128xf32, #tpu.memory_space<vmem>> -> memref<64x128xf32, #tpu.memory_space<vmem>>
          %gather3A_229 = tpu.vector_load_idx %gather3A_228[%add3A_224, %add3A_208] : memref<64x128xf32, #tpu.memory_space<vmem>>[vector<16xi32>, vector<16xi32>], vector<16xf32>,
          %mul3A_230 = arith.constant 64 : i32
          %mul3A_231 = arith.muli %add3A_202, %mul3A_230 : i32
          %add3A_232 = arith.constant 16 : i32
          %add3A_233 = arith.addi %mul3A_231, %add3A_232 : i32
          %swap3A_234 = arith.index_cast %add3A_233 : i32 to index
          %swap3A_235 = tpu.vector_load %arg10[%swap3A_234] {strides = array<i32>} : memref<32768xf32, #tpu.memory_space<vmem>>, vector<16xf32>,
          tpu.vector_store %arg10[%swap3A_234], %gather3A_229 {strides = array<i32>} : memref<32768xf32, #tpu.memory_space<vmem>>, vector<16xf32>,
          %add3A_236 = arith.constant 32 : i32
          %add3A_237 = vector.broadcast %add3A_236 : i32 to vector<16xi32>
          %add3A_238 = arith.addi %iota3A, %add3A_237 : vector<16xi32>
          %gather3A_239 = arith.constant 0 : i32
          %gather3A_240 = arith.constant 0 : i32
          %gather3A_241 = tpu.memref_slice %arg9[%rem3A_157, %gather3A_239, %gather3A_240] : memref<10x64x128xf32, #tpu.memory_space<vmem>> -> memref<1x64x128xf32, #tpu.memory_space<vmem>>
          %gather3A_242 = tpu.memref_squeeze %gather3A_241 : memref<1x64x128xf32, #tpu.memory_space<vmem>> -> memref<64x128xf32, #tpu.memory_space<vmem>>
          %gather3A_243 = tpu.vector_load_idx %gather3A_242[%add3A_238, %add3A_208] : memref<64x128xf32, #tpu.memory_space<vmem>>[vector<16xi32>, vector<16xi32>], vector<16xf32>,
          %mul3A_244 = arith.constant 64 : i32
          %mul3A_245 = arith.muli %add3A_202, %mul3A_244 : i32
          %add3A_246 = arith.constant 32 : i32
          %add3A_247 = arith.addi %mul3A_245, %add3A_246 : i32
          %swap3A_248 = arith.index_cast %add3A_247 : i32 to index
          %swap3A_249 = tpu.vector_load %arg10[%swap3A_248] {strides = array<i32>} : memref<32768xf32, #tpu.memory_space<vmem>>, vector<16xf32>,
          tpu.vector_store %arg10[%swap3A_248], %gather3A_243 {strides = array<i32>} : memref<32768xf32, #tpu.memory_space<vmem>>, vector<16xf32>,
          %add3A_250 = arith.constant 48 : i32
          %add3A_251 = vector.broadcast %add3A_250 : i32 to vector<16xi32>
          %add3A_252 = arith.addi %iota3A, %add3A_251 : vector<16xi32>
          %gather3A_253 = arith.constant 0 : i32
          %gather3A_254 = arith.constant 0 : i32
          %gather3A_255 = tpu.memref_slice %arg9[%rem3A_157, %gather3A_253, %gather3A_254] : memref<10x64x128xf32, #tpu.memory_space<vmem>> -> memref<1x64x128xf32, #tpu.memory_space<vmem>>
          %gather3A_256 = tpu.memref_squeeze %gather3A_255 : memref<1x64x128xf32, #tpu.memory_space<vmem>> -> memref<64x128xf32, #tpu.memory_space<vmem>>
          %gather3A_257 = tpu.vector_load_idx %gather3A_256[%add3A_252, %add3A_208] : memref<64x128xf32, #tpu.memory_space<vmem>>[vector<16xi32>, vector<16xi32>], vector<16xf32>,
          %mul3A_258 = arith.constant 64 : i32
          %mul3A_259 = arith.muli %add3A_202, %mul3A_258 : i32
          %add3A_260 = arith.constant 48 : i32
          %add3A_261 = arith.addi %mul3A_259, %add3A_260 : i32
          %swap3A_262 = arith.index_cast %add3A_261 : i32 to index
          %swap3A_263 = tpu.vector_load %arg10[%swap3A_262] {strides = array<i32>} : memref<32768xf32, #tpu.memory_space<vmem>>, vector<16xf32>,
          tpu.vector_store %arg10[%swap3A_262], %gather3A_257 {strides = array<i32>} : memref<32768xf32, #tpu.memory_space<vmem>>, vector<16xf32>,
        }
        %while3A_193 = arith.constant 1 : i32
        scf.for %while3A_200 = %while3A_191 to %while3A_187 step %while3A_193  : i32 {
          %mul3A_201 = arith.muli %while3A_200, %while3A_184 : i32
          %add3A_202 = arith.addi %get3A_172, %mul3A_201 : i32
          %get3A_203 = arith.index_cast %add3A_202 : i32 to index
          %get3A_204 = memref.load %arg5[%get3A_203] : memref<512xi32, #tpu.memory_space<smem>>
          %and3A = arith.constant 127 : i32
          %and3A_205 = arith.andi %get3A_204, %and3A : i32
          %broadcast_in_dim3A = arith.constant 0 : i32
          %broadcast_in_dim3A_206 = vector.broadcast %broadcast_in_dim3A : i32 to vector<16xi32>
          %add3A_207 = vector.broadcast %and3A_205 : i32 to vector<16xi32>
          %add3A_208 = arith.addi %broadcast_in_dim3A_206, %add3A_207 : vector<16xi32>
          %add3A_209 = arith.constant 0 : i32
          %add3A_210 = vector.broadcast %add3A_209 : i32 to vector<16xi32>
          %add3A_211 = arith.addi %iota3A, %add3A_210 : vector<16xi32>
          %gather3A = arith.constant 0 : i32
          %gather3A_212 = arith.constant 0 : i32
          %gather3A_213 = tpu.memref_slice %arg9[%rem3A_157, %gather3A, %gather3A_212] : memref<10x64x128xf32, #tpu.memory_space<vmem>> -> memref<1x64x128xf32, #tpu.memory_space<vmem>>
          %gather3A_214 = tpu.memref_squeeze %gather3A_213 : memref<1x64x128xf32, #tpu.memory_space<vmem>> -> memref<64x128xf32, #tpu.memory_space<vmem>>
          %gather3A_215 = tpu.vector_load_idx %gather3A_214[%add3A_211, %add3A_208] : memref<64x128xf32, #tpu.memory_space<vmem>>[vector<16xi32>, vector<16xi32>], vector<16xf32>,
          %mul3A_216 = arith.constant 64 : i32
          %mul3A_217 = arith.muli %add3A_202, %mul3A_216 : i32
          %add3A_218 = arith.constant 0 : i32
          %add3A_219 = arith.addi %mul3A_217, %add3A_218 : i32
          %swap3A_220 = arith.index_cast %add3A_219 : i32 to index
          %swap3A_221 = tpu.vector_load %arg10[%swap3A_220] {strides = array<i32>} : memref<32768xf32, #tpu.memory_space<vmem>>, vector<16xf32>,
          tpu.vector_store %arg10[%swap3A_220], %gather3A_215 {strides = array<i32>} : memref<32768xf32, #tpu.memory_space<vmem>>, vector<16xf32>,
          %add3A_222 = arith.constant 16 : i32
          %add3A_223 = vector.broadcast %add3A_222 : i32 to vector<16xi32>
          %add3A_224 = arith.addi %iota3A, %add3A_223 : vector<16xi32>
          %gather3A_225 = arith.constant 0 : i32
          %gather3A_226 = arith.constant 0 : i32
          %gather3A_227 = tpu.memref_slice %arg9[%rem3A_157, %gather3A_225, %gather3A_226] : memref<10x64x128xf32, #tpu.memory_space<vmem>> -> memref<1x64x128xf32, #tpu.memory_space<vmem>>
          %gather3A_228 = tpu.memref_squeeze %gather3A_227 : memref<1x64x128xf32, #tpu.memory_space<vmem>> -> memref<64x128xf32, #tpu.memory_space<vmem>>
          %gather3A_229 = tpu.vector_load_idx %gather3A_228[%add3A_224, %add3A_208] : memref<64x128xf32, #tpu.memory_space<vmem>>[vector<16xi32>, vector<16xi32>], vector<16xf32>,
          %mul3A_230 = arith.constant 64 : i32
          %mul3A_231 = arith.muli %add3A_202, %mul3A_230 : i32
          %add3A_232 = arith.constant 16 : i32
          %add3A_233 = arith.addi %mul3A_231, %add3A_232 : i32
          %swap3A_234 = arith.index_cast %add3A_233 : i32 to index
          %swap3A_235 = tpu.vector_load %arg10[%swap3A_234] {strides = array<i32>} : memref<32768xf32, #tpu.memory_space<vmem>>, vector<16xf32>,
          tpu.vector_store %arg10[%swap3A_234], %gather3A_229 {strides = array<i32>} : memref<32768xf32, #tpu.memory_space<vmem>>, vector<16xf32>,
          %add3A_236 = arith.constant 32 : i32
          %add3A_237 = vector.broadcast %add3A_236 : i32 to vector<16xi32>
          %add3A_238 = arith.addi %iota3A, %add3A_237 : vector<16xi32>
          %gather3A_239 = arith.constant 0 : i32
          %gather3A_240 = arith.constant 0 : i32
          %gather3A_241 = tpu.memref_slice %arg9[%rem3A_157, %gather3A_239, %gather3A_240] : memref<10x64x128xf32, #tpu.memory_space<vmem>> -> memref<1x64x128xf32, #tpu.memory_space<vmem>>
          %gather3A_242 = tpu.memref_squeeze %gather3A_241 : memref<1x64x128xf32, #tpu.memory_space<vmem>> -> memref<64x128xf32, #tpu.memory_space<vmem>>
          %gather3A_243 = tpu.vector_load_idx %gather3A_242[%add3A_238, %add3A_208] : memref<64x128xf32, #tpu.memory_space<vmem>>[vector<16xi32>, vector<16xi32>], vector<16xf32>,
          %mul3A_244 = arith.constant 64 : i32
          %mul3A_245 = arith.muli %add3A_202, %mul3A_244 : i32
          %add3A_246 = arith.constant 32 : i32
          %add3A_247 = arith.addi %mul3A_245, %add3A_246 : i32
          %swap3A_248 = arith.index_cast %add3A_247 : i32 to index
          %swap3A_249 = tpu.vector_load %arg10[%swap3A_248] {strides = array<i32>} : memref<32768xf32, #tpu.memory_space<vmem>>, vector<16xf32>,
          tpu.vector_store %arg10[%swap3A_248], %gather3A_243 {strides = array<i32>} : memref<32768xf32, #tpu.memory_space<vmem>>, vector<16xf32>,
          %add3A_250 = arith.constant 48 : i32
          %add3A_251 = vector.broadcast %add3A_250 : i32 to vector<16xi32>
          %add3A_252 = arith.addi %iota3A, %add3A_251 : vector<16xi32>
          %gather3A_253 = arith.constant 0 : i32
          %gather3A_254 = arith.constant 0 : i32
          %gather3A_255 = tpu.memref_slice %arg9[%rem3A_157, %gather3A_253, %gather3A_254] : memref<10x64x128xf32, #tpu.memory_space<vmem>> -> memref<1x64x128xf32, #tpu.memory_space<vmem>>
          %gather3A_256 = tpu.memref_squeeze %gather3A_255 : memref<1x64x128xf32, #tpu.memory_space<vmem>> -> memref<64x128xf32, #tpu.memory_space<vmem>>
          %gather3A_257 = tpu.vector_load_idx %gather3A_256[%add3A_252, %add3A_208] : memref<64x128xf32, #tpu.memory_space<vmem>>[vector<16xi32>, vector<16xi32>], vector<16xf32>,
          %mul3A_258 = arith.constant 64 : i32
          %mul3A_259 = arith.muli %add3A_202, %mul3A_258 : i32
          %add3A_260 = arith.constant 48 : i32
          %add3A_261 = arith.addi %mul3A_259, %add3A_260 : i32
          %swap3A_262 = arith.index_cast %add3A_261 : i32 to index
          %swap3A_263 = tpu.vector_load %arg10[%swap3A_262] {strides = array<i32>} : memref<32768xf32, #tpu.memory_space<vmem>>, vector<16xf32>,
          tpu.vector_store %arg10[%swap3A_262], %gather3A_257 {strides = array<i32>} : memref<32768xf32, #tpu.memory_space<vmem>>, vector<16xf32>,
        }
        %add3A_194 = arith.constant 10 : i32
        %add3A_195 = arith.addi %add3A_104, %add3A_194 : i32
        %lt3A_196 = arith.cmpi slt, %add3A_195, %scan3A_15#0 : i32
        %convert_element_type3A_197 = arith.extui %lt3A_196 : i1 to i32
        %cond3A_198 = arith.constant 0 : i32
        %cond3A_199 = arith.cmpi ne, %convert_element_type3A_197, %cond3A_198 : i32
        scf.if %cond3A_199 {
          %get3A_200 = arith.index_cast %add3A_195 : i32 to index
          %get3A_201 = memref.load %arg6[%get3A_200] : memref<512xi32, #tpu.memory_space<smem>>
          %mul3A_202 = arith.constant 128 : i32
          %mul3A_203 = arith.muli %get3A_201, %mul3A_202 : i32
          %rem3A_204 = arith.constant 10 : i32
          %rem3A_205 = arith.remsi %add3A_195, %rem3A_204 : i32
          %dma_start3A_206 = arith.constant 0 : i32
          %dma_start3A_207 = arith.constant 0 : i32
          %dma_start3A_208 = tpu.memref_slice %arg9[%rem3A_205, %dma_start3A_206, %dma_start3A_207] : memref<10x64x128xf32, #tpu.memory_space<vmem>> -> memref<1x64x128xf32, #tpu.memory_space<vmem>>
          %dma_start3A_209 = tpu.memref_squeeze %dma_start3A_208 : memref<1x64x128xf32, #tpu.memory_space<vmem>> -> memref<64x128xf32, #tpu.memory_space<vmem>>
          %dma_start3A_210 = arith.constant 0 : i32
          %dma_start3A_211 = tpu.memref_slice %arg2[%dma_start3A_210, %mul3A_203] : memref<64x1000001xf32, #tpu.memory_space<hbm>> -> memref<64x128xf32, #tpu.memory_space<hbm>>
          %dma_start3A_212 = arith.constant 0 : i32
          %dma_start3A_213 = arith.constant 0 : i32
          %dma_start3A_214 = tpu.memref_slice %arg9[%rem3A_205, %dma_start3A_212, %dma_start3A_213] : memref<10x64x128xf32, #tpu.memory_space<vmem>> -> memref<1x64x128xf32, #tpu.memory_space<vmem>>
          %dma_start3A_215 = tpu.memref_squeeze %dma_start3A_214 : memref<1x64x128xf32, #tpu.memory_space<vmem>> -> memref<64x128xf32, #tpu.memory_space<vmem>>
          %dma_start3A_216 = arith.constant 0 : i32
          %dma_start3A_217 = tpu.memref_slice %arg2[%dma_start3A_216, %mul3A_203] : memref<64x1000001xf32, #tpu.memory_space<hbm>> -> memref<64x128xf32, #tpu.memory_space<hbm>>
          tpu.enqueue_dma source(%dma_start3A_217 : memref<64x128xf32, #tpu.memory_space<hbm>>) target(%dma_start3A_215 : memref<64x128xf32, #tpu.memory_space<vmem>>) target_semaphore(%arg12 : memref<!tpu.dma_semaphore, #tpu.memory_space<semaphore_mem>>)
        } else {
        }
      } else {
      }
      %add3A_109 = arith.constant 2 : i32
      %add3A_110 = arith.addi %add3A_96, %add3A_109 : i32
      %lt3A_111 = arith.cmpi slt, %add3A_110, %scan3A_15#0 : i32
      %convert_element_type3A_112 = arith.extui %lt3A_111 : i1 to i32
      %cond3A_113 = arith.constant 0 : i32
      %cond3A_114 = arith.cmpi ne, %convert_element_type3A_112, %cond3A_113 : i32
      scf.if %cond3A_114 {
        %rem3A = arith.constant 10 : i32
        %rem3A_157 = arith.remsi %add3A_110, %rem3A : i32
        %dma_wait3A_158 = arith.constant 0 : i32
        %dma_wait3A_159 = arith.constant 0 : i32
        %dma_wait3A_160 = tpu.memref_slice %arg9[%rem3A_157, %dma_wait3A_158, %dma_wait3A_159] : memref<10x64x128xf32, #tpu.memory_space<vmem>> -> memref<1x64x128xf32, #tpu.memory_space<vmem>>
        %dma_wait3A_161 = tpu.memref_squeeze %dma_wait3A_160 : memref<1x64x128xf32, #tpu.memory_space<vmem>> -> memref<64x128xf32, #tpu.memory_space<vmem>>
        %dma_wait3A_162 = arith.constant 0 : i32
        %dma_wait3A_163 = arith.constant 0 : i32
        %dma_wait3A_164 = tpu.memref_slice %arg2[%dma_wait3A_162, %dma_wait3A_163] : memref<64x1000001xf32, #tpu.memory_space<hbm>> -> memref<64x128xf32, #tpu.memory_space<hbm>>
        %dma_wait3A_165 = arith.constant 0 : i32
        %dma_wait3A_166 = arith.constant 0 : i32
        %dma_wait3A_167 = tpu.memref_slice %arg9[%rem3A_157, %dma_wait3A_165, %dma_wait3A_166] : memref<10x64x128xf32, #tpu.memory_space<vmem>> -> memref<1x64x128xf32, #tpu.memory_space<vmem>>
        %dma_wait3A_168 = tpu.memref_squeeze %dma_wait3A_167 : memref<1x64x128xf32, #tpu.memory_space<vmem>> -> memref<64x128xf32, #tpu.memory_space<vmem>>
        %dma_wait3A_169 = arith.constant 0 : i32
        %dma_wait3A_170 = arith.constant 0 : i32
        %dma_wait3A_171 = tpu.memref_slice %arg2[%dma_wait3A_169, %dma_wait3A_170] : memref<64x1000001xf32, #tpu.memory_space<hbm>> -> memref<64x128xf32, #tpu.memory_space<hbm>>
        tpu.wait_dma2 semaphore(%arg13 : memref<!tpu.dma_semaphore, #tpu.memory_space<semaphore_mem>>) src(%dma_wait3A_171 : memref<64x128xf32, #tpu.memory_space<hbm>>) dst(%dma_wait3A_168 : memref<64x128xf32, #tpu.memory_space<vmem>>)
        %get3A = arith.index_cast %add3A_110 : i32 to index
        %get3A_172 = memref.load %arg7[%get3A] : memref<513xi32, #tpu.memory_space<smem>>
        %add3A_173 = arith.constant 1 : i32
        %add3A_174 = arith.addi %add3A_110, %add3A_173 : i32
        %get3A_175 = arith.index_cast %add3A_174 : i32 to index
        %get3A_176 = memref.load %arg7[%get3A_175] : memref<513xi32, #tpu.memory_space<smem>>
        %sub3A_177 = arith.subi %get3A_176, %get3A_172 : i32
        %sub3A_178 = arith.constant 1 : i32
        %sub3A_179 = arith.constant 1 : i32
        %sub3A_180 = arith.subi %sub3A_178, %sub3A_179 : i32
        %add3A_181 = arith.addi %sub3A_177, %sub3A_180 : i32
        %div3A_182 = arith.constant 1 : i32
        %div3A_183 = arith.divsi %add3A_181, %div3A_182 : i32
        %while3A_184 = arith.constant 1 : i32
        %while3A_185 = arith.constant 0 : i32
        %while3A_186 = arith.subi %div3A_183, %while3A_185 : i32
        %while3A_187 = arith.addi %while3A_185, %while3A_186 : i32
        %while3A_188 = arith.constant 1 : i32
        %while3A_189 = arith.divsi %while3A_186, %while3A_188 : i32
        %while3A_190 = arith.muli %while3A_189, %while3A_188 : i32
        %while3A_191 = arith.addi %while3A_185, %while3A_190 : i32
        %while3A_192 = arith.constant 1 : i32
        scf.for %while3A_200 = %while3A_185 to %while3A_191 step %while3A_192  : i32 {
          %mul3A_201 = arith.muli %while3A_200, %while3A_184 : i32
          %add3A_202 = arith.addi %get3A_172, %mul3A_201 : i32
          %get3A_203 = arith.index_cast %add3A_202 : i32 to index
          %get3A_204 = memref.load %arg5[%get3A_203] : memref<512xi32, #tpu.memory_space<smem>>
          %and3A = arith.constant 127 : i32
          %and3A_205 = arith.andi %get3A_204, %and3A : i32
          %broadcast_in_dim3A = arith.constant 0 : i32
          %broadcast_in_dim3A_206 = vector.broadcast %broadcast_in_dim3A : i32 to vector<16xi32>
          %add3A_207 = vector.broadcast %and3A_205 : i32 to vector<16xi32>
          %add3A_208 = arith.addi %broadcast_in_dim3A_206, %add3A_207 : vector<16xi32>
          %add3A_209 = arith.constant 0 : i32
          %add3A_210 = vector.broadcast %add3A_209 : i32 to vector<16xi32>
          %add3A_211 = arith.addi %iota3A, %add3A_210 : vector<16xi32>
          %gather3A = arith.constant 0 : i32
          %gather3A_212 = arith.constant 0 : i32
          %gather3A_213 = tpu.memref_slice %arg9[%rem3A_157, %gather3A, %gather3A_212] : memref<10x64x128xf32, #tpu.memory_space<vmem>> -> memref<1x64x128xf32, #tpu.memory_space<vmem>>
          %gather3A_214 = tpu.memref_squeeze %gather3A_213 : memref<1x64x128xf32, #tpu.memory_space<vmem>> -> memref<64x128xf32, #tpu.memory_space<vmem>>
          %gather3A_215 = tpu.vector_load_idx %gather3A_214[%add3A_211, %add3A_208] : memref<64x128xf32, #tpu.memory_space<vmem>>[vector<16xi32>, vector<16xi32>], vector<16xf32>,
          %mul3A_216 = arith.constant 64 : i32
          %mul3A_217 = arith.muli %add3A_202, %mul3A_216 : i32
          %add3A_218 = arith.constant 0 : i32
          %add3A_219 = arith.addi %mul3A_217, %add3A_218 : i32
          %swap3A_220 = arith.index_cast %add3A_219 : i32 to index
          %swap3A_221 = tpu.vector_load %arg10[%swap3A_220] {strides = array<i32>} : memref<32768xf32, #tpu.memory_space<vmem>>, vector<16xf32>,
          tpu.vector_store %arg10[%swap3A_220], %gather3A_215 {strides = array<i32>} : memref<32768xf32, #tpu.memory_space<vmem>>, vector<16xf32>,
          %add3A_222 = arith.constant 16 : i32
          %add3A_223 = vector.broadcast %add3A_222 : i32 to vector<16xi32>
          %add3A_224 = arith.addi %iota3A, %add3A_223 : vector<16xi32>
          %gather3A_225 = arith.constant 0 : i32
          %gather3A_226 = arith.constant 0 : i32
          %gather3A_227 = tpu.memref_slice %arg9[%rem3A_157, %gather3A_225, %gather3A_226] : memref<10x64x128xf32, #tpu.memory_space<vmem>> -> memref<1x64x128xf32, #tpu.memory_space<vmem>>
          %gather3A_228 = tpu.memref_squeeze %gather3A_227 : memref<1x64x128xf32, #tpu.memory_space<vmem>> -> memref<64x128xf32, #tpu.memory_space<vmem>>
          %gather3A_229 = tpu.vector_load_idx %gather3A_228[%add3A_224, %add3A_208] : memref<64x128xf32, #tpu.memory_space<vmem>>[vector<16xi32>, vector<16xi32>], vector<16xf32>,
          %mul3A_230 = arith.constant 64 : i32
          %mul3A_231 = arith.muli %add3A_202, %mul3A_230 : i32
          %add3A_232 = arith.constant 16 : i32
          %add3A_233 = arith.addi %mul3A_231, %add3A_232 : i32
          %swap3A_234 = arith.index_cast %add3A_233 : i32 to index
          %swap3A_235 = tpu.vector_load %arg10[%swap3A_234] {strides = array<i32>} : memref<32768xf32, #tpu.memory_space<vmem>>, vector<16xf32>,
          tpu.vector_store %arg10[%swap3A_234], %gather3A_229 {strides = array<i32>} : memref<32768xf32, #tpu.memory_space<vmem>>, vector<16xf32>,
          %add3A_236 = arith.constant 32 : i32
          %add3A_237 = vector.broadcast %add3A_236 : i32 to vector<16xi32>
          %add3A_238 = arith.addi %iota3A, %add3A_237 : vector<16xi32>
          %gather3A_239 = arith.constant 0 : i32
          %gather3A_240 = arith.constant 0 : i32
          %gather3A_241 = tpu.memref_slice %arg9[%rem3A_157, %gather3A_239, %gather3A_240] : memref<10x64x128xf32, #tpu.memory_space<vmem>> -> memref<1x64x128xf32, #tpu.memory_space<vmem>>
          %gather3A_242 = tpu.memref_squeeze %gather3A_241 : memref<1x64x128xf32, #tpu.memory_space<vmem>> -> memref<64x128xf32, #tpu.memory_space<vmem>>
          %gather3A_243 = tpu.vector_load_idx %gather3A_242[%add3A_238, %add3A_208] : memref<64x128xf32, #tpu.memory_space<vmem>>[vector<16xi32>, vector<16xi32>], vector<16xf32>,
          %mul3A_244 = arith.constant 64 : i32
          %mul3A_245 = arith.muli %add3A_202, %mul3A_244 : i32
          %add3A_246 = arith.constant 32 : i32
          %add3A_247 = arith.addi %mul3A_245, %add3A_246 : i32
          %swap3A_248 = arith.index_cast %add3A_247 : i32 to index
          %swap3A_249 = tpu.vector_load %arg10[%swap3A_248] {strides = array<i32>} : memref<32768xf32, #tpu.memory_space<vmem>>, vector<16xf32>,
          tpu.vector_store %arg10[%swap3A_248], %gather3A_243 {strides = array<i32>} : memref<32768xf32, #tpu.memory_space<vmem>>, vector<16xf32>,
          %add3A_250 = arith.constant 48 : i32
          %add3A_251 = vector.broadcast %add3A_250 : i32 to vector<16xi32>
          %add3A_252 = arith.addi %iota3A, %add3A_251 : vector<16xi32>
          %gather3A_253 = arith.constant 0 : i32
          %gather3A_254 = arith.constant 0 : i32
          %gather3A_255 = tpu.memref_slice %arg9[%rem3A_157, %gather3A_253, %gather3A_254] : memref<10x64x128xf32, #tpu.memory_space<vmem>> -> memref<1x64x128xf32, #tpu.memory_space<vmem>>
          %gather3A_256 = tpu.memref_squeeze %gather3A_255 : memref<1x64x128xf32, #tpu.memory_space<vmem>> -> memref<64x128xf32, #tpu.memory_space<vmem>>
          %gather3A_257 = tpu.vector_load_idx %gather3A_256[%add3A_252, %add3A_208] : memref<64x128xf32, #tpu.memory_space<vmem>>[vector<16xi32>, vector<16xi32>], vector<16xf32>,
          %mul3A_258 = arith.constant 64 : i32
          %mul3A_259 = arith.muli %add3A_202, %mul3A_258 : i32
          %add3A_260 = arith.constant 48 : i32
          %add3A_261 = arith.addi %mul3A_259, %add3A_260 : i32
          %swap3A_262 = arith.index_cast %add3A_261 : i32 to index
          %swap3A_263 = tpu.vector_load %arg10[%swap3A_262] {strides = array<i32>} : memref<32768xf32, #tpu.memory_space<vmem>>, vector<16xf32>,
          tpu.vector_store %arg10[%swap3A_262], %gather3A_257 {strides = array<i32>} : memref<32768xf32, #tpu.memory_space<vmem>>, vector<16xf32>,
        }
        %while3A_193 = arith.constant 1 : i32
        scf.for %while3A_200 = %while3A_191 to %while3A_187 step %while3A_193  : i32 {
          %mul3A_201 = arith.muli %while3A_200, %while3A_184 : i32
          %add3A_202 = arith.addi %get3A_172, %mul3A_201 : i32
          %get3A_203 = arith.index_cast %add3A_202 : i32 to index
          %get3A_204 = memref.load %arg5[%get3A_203] : memref<512xi32, #tpu.memory_space<smem>>
          %and3A = arith.constant 127 : i32
          %and3A_205 = arith.andi %get3A_204, %and3A : i32
          %broadcast_in_dim3A = arith.constant 0 : i32
          %broadcast_in_dim3A_206 = vector.broadcast %broadcast_in_dim3A : i32 to vector<16xi32>
          %add3A_207 = vector.broadcast %and3A_205 : i32 to vector<16xi32>
          %add3A_208 = arith.addi %broadcast_in_dim3A_206, %add3A_207 : vector<16xi32>
          %add3A_209 = arith.constant 0 : i32
          %add3A_210 = vector.broadcast %add3A_209 : i32 to vector<16xi32>
          %add3A_211 = arith.addi %iota3A, %add3A_210 : vector<16xi32>
          %gather3A = arith.constant 0 : i32
          %gather3A_212 = arith.constant 0 : i32
          %gather3A_213 = tpu.memref_slice %arg9[%rem3A_157, %gather3A, %gather3A_212] : memref<10x64x128xf32, #tpu.memory_space<vmem>> -> memref<1x64x128xf32, #tpu.memory_space<vmem>>
          %gather3A_214 = tpu.memref_squeeze %gather3A_213 : memref<1x64x128xf32, #tpu.memory_space<vmem>> -> memref<64x128xf32, #tpu.memory_space<vmem>>
          %gather3A_215 = tpu.vector_load_idx %gather3A_214[%add3A_211, %add3A_208] : memref<64x128xf32, #tpu.memory_space<vmem>>[vector<16xi32>, vector<16xi32>], vector<16xf32>,
          %mul3A_216 = arith.constant 64 : i32
          %mul3A_217 = arith.muli %add3A_202, %mul3A_216 : i32
          %add3A_218 = arith.constant 0 : i32
          %add3A_219 = arith.addi %mul3A_217, %add3A_218 : i32
          %swap3A_220 = arith.index_cast %add3A_219 : i32 to index
          %swap3A_221 = tpu.vector_load %arg10[%swap3A_220] {strides = array<i32>} : memref<32768xf32, #tpu.memory_space<vmem>>, vector<16xf32>,
          tpu.vector_store %arg10[%swap3A_220], %gather3A_215 {strides = array<i32>} : memref<32768xf32, #tpu.memory_space<vmem>>, vector<16xf32>,
          %add3A_222 = arith.constant 16 : i32
          %add3A_223 = vector.broadcast %add3A_222 : i32 to vector<16xi32>
          %add3A_224 = arith.addi %iota3A, %add3A_223 : vector<16xi32>
          %gather3A_225 = arith.constant 0 : i32
          %gather3A_226 = arith.constant 0 : i32
          %gather3A_227 = tpu.memref_slice %arg9[%rem3A_157, %gather3A_225, %gather3A_226] : memref<10x64x128xf32, #tpu.memory_space<vmem>> -> memref<1x64x128xf32, #tpu.memory_space<vmem>>
          %gather3A_228 = tpu.memref_squeeze %gather3A_227 : memref<1x64x128xf32, #tpu.memory_space<vmem>> -> memref<64x128xf32, #tpu.memory_space<vmem>>
          %gather3A_229 = tpu.vector_load_idx %gather3A_228[%add3A_224, %add3A_208] : memref<64x128xf32, #tpu.memory_space<vmem>>[vector<16xi32>, vector<16xi32>], vector<16xf32>,
          %mul3A_230 = arith.constant 64 : i32
          %mul3A_231 = arith.muli %add3A_202, %mul3A_230 : i32
          %add3A_232 = arith.constant 16 : i32
          %add3A_233 = arith.addi %mul3A_231, %add3A_232 : i32
          %swap3A_234 = arith.index_cast %add3A_233 : i32 to index
          %swap3A_235 = tpu.vector_load %arg10[%swap3A_234] {strides = array<i32>} : memref<32768xf32, #tpu.memory_space<vmem>>, vector<16xf32>,
          tpu.vector_store %arg10[%swap3A_234], %gather3A_229 {strides = array<i32>} : memref<32768xf32, #tpu.memory_space<vmem>>, vector<16xf32>,
          %add3A_236 = arith.constant 32 : i32
          %add3A_237 = vector.broadcast %add3A_236 : i32 to vector<16xi32>
          %add3A_238 = arith.addi %iota3A, %add3A_237 : vector<16xi32>
          %gather3A_239 = arith.constant 0 : i32
          %gather3A_240 = arith.constant 0 : i32
          %gather3A_241 = tpu.memref_slice %arg9[%rem3A_157, %gather3A_239, %gather3A_240] : memref<10x64x128xf32, #tpu.memory_space<vmem>> -> memref<1x64x128xf32, #tpu.memory_space<vmem>>
          %gather3A_242 = tpu.memref_squeeze %gather3A_241 : memref<1x64x128xf32, #tpu.memory_space<vmem>> -> memref<64x128xf32, #tpu.memory_space<vmem>>
          %gather3A_243 = tpu.vector_load_idx %gather3A_242[%add3A_238, %add3A_208] : memref<64x128xf32, #tpu.memory_space<vmem>>[vector<16xi32>, vector<16xi32>], vector<16xf32>,
          %mul3A_244 = arith.constant 64 : i32
          %mul3A_245 = arith.muli %add3A_202, %mul3A_244 : i32
          %add3A_246 = arith.constant 32 : i32
          %add3A_247 = arith.addi %mul3A_245, %add3A_246 : i32
          %swap3A_248 = arith.index_cast %add3A_247 : i32 to index
          %swap3A_249 = tpu.vector_load %arg10[%swap3A_248] {strides = array<i32>} : memref<32768xf32, #tpu.memory_space<vmem>>, vector<16xf32>,
          tpu.vector_store %arg10[%swap3A_248], %gather3A_243 {strides = array<i32>} : memref<32768xf32, #tpu.memory_space<vmem>>, vector<16xf32>,
          %add3A_250 = arith.constant 48 : i32
          %add3A_251 = vector.broadcast %add3A_250 : i32 to vector<16xi32>
          %add3A_252 = arith.addi %iota3A, %add3A_251 : vector<16xi32>
          %gather3A_253 = arith.constant 0 : i32
          %gather3A_254 = arith.constant 0 : i32
          %gather3A_255 = tpu.memref_slice %arg9[%rem3A_157, %gather3A_253, %gather3A_254] : memref<10x64x128xf32, #tpu.memory_space<vmem>> -> memref<1x64x128xf32, #tpu.memory_space<vmem>>
          %gather3A_256 = tpu.memref_squeeze %gather3A_255 : memref<1x64x128xf32, #tpu.memory_space<vmem>> -> memref<64x128xf32, #tpu.memory_space<vmem>>
          %gather3A_257 = tpu.vector_load_idx %gather3A_256[%add3A_252, %add3A_208] : memref<64x128xf32, #tpu.memory_space<vmem>>[vector<16xi32>, vector<16xi32>], vector<16xf32>,
          %mul3A_258 = arith.constant 64 : i32
          %mul3A_259 = arith.muli %add3A_202, %mul3A_258 : i32
          %add3A_260 = arith.constant 48 : i32
          %add3A_261 = arith.addi %mul3A_259, %add3A_260 : i32
          %swap3A_262 = arith.index_cast %add3A_261 : i32 to index
          %swap3A_263 = tpu.vector_load %arg10[%swap3A_262] {strides = array<i32>} : memref<32768xf32, #tpu.memory_space<vmem>>, vector<16xf32>,
          tpu.vector_store %arg10[%swap3A_262], %gather3A_257 {strides = array<i32>} : memref<32768xf32, #tpu.memory_space<vmem>>, vector<16xf32>,
        }
        %add3A_194 = arith.constant 10 : i32
        %add3A_195 = arith.addi %add3A_110, %add3A_194 : i32
        %lt3A_196 = arith.cmpi slt, %add3A_195, %scan3A_15#0 : i32
        %convert_element_type3A_197 = arith.extui %lt3A_196 : i1 to i32
        %cond3A_198 = arith.constant 0 : i32
        %cond3A_199 = arith.cmpi ne, %convert_element_type3A_197, %cond3A_198 : i32
        scf.if %cond3A_199 {
          %get3A_200 = arith.index_cast %add3A_195 : i32 to index
          %get3A_201 = memref.load %arg6[%get3A_200] : memref<512xi32, #tpu.memory_space<smem>>
          %mul3A_202 = arith.constant 128 : i32
          %mul3A_203 = arith.muli %get3A_201, %mul3A_202 : i32
          %rem3A_204 = arith.constant 10 : i32
          %rem3A_205 = arith.remsi %add3A_195, %rem3A_204 : i32
          %dma_start3A_206 = arith.constant 0 : i32
          %dma_start3A_207 = arith.constant 0 : i32
          %dma_start3A_208 = tpu.memref_slice %arg9[%rem3A_205, %dma_start3A_206, %dma_start3A_207] : memref<10x64x128xf32, #tpu.memory_space<vmem>> -> memref<1x64x128xf32, #tpu.memory_space<vmem>>
          %dma_start3A_209 = tpu.memref_squeeze %dma_start3A_208 : memref<1x64x128xf32, #tpu.memory_space<vmem>> -> memref<64x128xf32, #tpu.memory_space<vmem>>
          %dma_start3A_210 = arith.constant 0 : i32
          %dma_start3A_211 = tpu.memref_slice %arg2[%dma_start3A_210, %mul3A_203] : memref<64x1000001xf32, #tpu.memory_space<hbm>> -> memref<64x128xf32, #tpu.memory_space<hbm>>
          %dma_start3A_212 = arith.constant 0 : i32
          %dma_start3A_213 = arith.constant 0 : i32
          %dma_start3A_214 = tpu.memref_slice %arg9[%rem3A_205, %dma_start3A_212, %dma_start3A_213] : memref<10x64x128xf32, #tpu.memory_space<vmem>> -> memref<1x64x128xf32, #tpu.memory_space<vmem>>
          %dma_start3A_215 = tpu.memref_squeeze %dma_start3A_214 : memref<1x64x128xf32, #tpu.memory_space<vmem>> -> memref<64x128xf32, #tpu.memory_space<vmem>>
          %dma_start3A_216 = arith.constant 0 : i32
          %dma_start3A_217 = tpu.memref_slice %arg2[%dma_start3A_216, %mul3A_203] : memref<64x1000001xf32, #tpu.memory_space<hbm>> -> memref<64x128xf32, #tpu.memory_space<hbm>>
          tpu.enqueue_dma source(%dma_start3A_217 : memref<64x128xf32, #tpu.memory_space<hbm>>) target(%dma_start3A_215 : memref<64x128xf32, #tpu.memory_space<vmem>>) target_semaphore(%arg13 : memref<!tpu.dma_semaphore, #tpu.memory_space<semaphore_mem>>)
        } else {
        }
      } else {
      }
      %add3A_115 = arith.constant 3 : i32
      %add3A_116 = arith.addi %add3A_96, %add3A_115 : i32
      %lt3A_117 = arith.cmpi slt, %add3A_116, %scan3A_15#0 : i32
      %convert_element_type3A_118 = arith.extui %lt3A_117 : i1 to i32
      %cond3A_119 = arith.constant 0 : i32
      %cond3A_120 = arith.cmpi ne, %convert_element_type3A_118, %cond3A_119 : i32
      scf.if %cond3A_120 {
        %rem3A = arith.constant 10 : i32
        %rem3A_157 = arith.remsi %add3A_116, %rem3A : i32
        %dma_wait3A_158 = arith.constant 0 : i32
        %dma_wait3A_159 = arith.constant 0 : i32
        %dma_wait3A_160 = tpu.memref_slice %arg9[%rem3A_157, %dma_wait3A_158, %dma_wait3A_159] : memref<10x64x128xf32, #tpu.memory_space<vmem>> -> memref<1x64x128xf32, #tpu.memory_space<vmem>>
        %dma_wait3A_161 = tpu.memref_squeeze %dma_wait3A_160 : memref<1x64x128xf32, #tpu.memory_space<vmem>> -> memref<64x128xf32, #tpu.memory_space<vmem>>
        %dma_wait3A_162 = arith.constant 0 : i32
        %dma_wait3A_163 = arith.constant 0 : i32
        %dma_wait3A_164 = tpu.memref_slice %arg2[%dma_wait3A_162, %dma_wait3A_163] : memref<64x1000001xf32, #tpu.memory_space<hbm>> -> memref<64x128xf32, #tpu.memory_space<hbm>>
        %dma_wait3A_165 = arith.constant 0 : i32
        %dma_wait3A_166 = arith.constant 0 : i32
        %dma_wait3A_167 = tpu.memref_slice %arg9[%rem3A_157, %dma_wait3A_165, %dma_wait3A_166] : memref<10x64x128xf32, #tpu.memory_space<vmem>> -> memref<1x64x128xf32, #tpu.memory_space<vmem>>
        %dma_wait3A_168 = tpu.memref_squeeze %dma_wait3A_167 : memref<1x64x128xf32, #tpu.memory_space<vmem>> -> memref<64x128xf32, #tpu.memory_space<vmem>>
        %dma_wait3A_169 = arith.constant 0 : i32
        %dma_wait3A_170 = arith.constant 0 : i32
        %dma_wait3A_171 = tpu.memref_slice %arg2[%dma_wait3A_169, %dma_wait3A_170] : memref<64x1000001xf32, #tpu.memory_space<hbm>> -> memref<64x128xf32, #tpu.memory_space<hbm>>
        tpu.wait_dma2 semaphore(%arg14 : memref<!tpu.dma_semaphore, #tpu.memory_space<semaphore_mem>>) src(%dma_wait3A_171 : memref<64x128xf32, #tpu.memory_space<hbm>>) dst(%dma_wait3A_168 : memref<64x128xf32, #tpu.memory_space<vmem>>)
        %get3A = arith.index_cast %add3A_116 : i32 to index
        %get3A_172 = memref.load %arg7[%get3A] : memref<513xi32, #tpu.memory_space<smem>>
        %add3A_173 = arith.constant 1 : i32
        %add3A_174 = arith.addi %add3A_116, %add3A_173 : i32
        %get3A_175 = arith.index_cast %add3A_174 : i32 to index
        %get3A_176 = memref.load %arg7[%get3A_175] : memref<513xi32, #tpu.memory_space<smem>>
        %sub3A_177 = arith.subi %get3A_176, %get3A_172 : i32
        %sub3A_178 = arith.constant 1 : i32
        %sub3A_179 = arith.constant 1 : i32
        %sub3A_180 = arith.subi %sub3A_178, %sub3A_179 : i32
        %add3A_181 = arith.addi %sub3A_177, %sub3A_180 : i32
        %div3A_182 = arith.constant 1 : i32
        %div3A_183 = arith.divsi %add3A_181, %div3A_182 : i32
        %while3A_184 = arith.constant 1 : i32
        %while3A_185 = arith.constant 0 : i32
        %while3A_186 = arith.subi %div3A_183, %while3A_185 : i32
        %while3A_187 = arith.addi %while3A_185, %while3A_186 : i32
        %while3A_188 = arith.constant 1 : i32
        %while3A_189 = arith.divsi %while3A_186, %while3A_188 : i32
        %while3A_190 = arith.muli %while3A_189, %while3A_188 : i32
        %while3A_191 = arith.addi %while3A_185, %while3A_190 : i32
        %while3A_192 = arith.constant 1 : i32
        scf.for %while3A_200 = %while3A_185 to %while3A_191 step %while3A_192  : i32 {
          %mul3A_201 = arith.muli %while3A_200, %while3A_184 : i32
          %add3A_202 = arith.addi %get3A_172, %mul3A_201 : i32
          %get3A_203 = arith.index_cast %add3A_202 : i32 to index
          %get3A_204 = memref.load %arg5[%get3A_203] : memref<512xi32, #tpu.memory_space<smem>>
          %and3A = arith.constant 127 : i32
          %and3A_205 = arith.andi %get3A_204, %and3A : i32
          %broadcast_in_dim3A = arith.constant 0 : i32
          %broadcast_in_dim3A_206 = vector.broadcast %broadcast_in_dim3A : i32 to vector<16xi32>
          %add3A_207 = vector.broadcast %and3A_205 : i32 to vector<16xi32>
          %add3A_208 = arith.addi %broadcast_in_dim3A_206, %add3A_207 : vector<16xi32>
          %add3A_209 = arith.constant 0 : i32
          %add3A_210 = vector.broadcast %add3A_209 : i32 to vector<16xi32>
          %add3A_211 = arith.addi %iota3A, %add3A_210 : vector<16xi32>
          %gather3A = arith.constant 0 : i32
          %gather3A_212 = arith.constant 0 : i32
          %gather3A_213 = tpu.memref_slice %arg9[%rem3A_157, %gather3A, %gather3A_212] : memref<10x64x128xf32, #tpu.memory_space<vmem>> -> memref<1x64x128xf32, #tpu.memory_space<vmem>>
          %gather3A_214 = tpu.memref_squeeze %gather3A_213 : memref<1x64x128xf32, #tpu.memory_space<vmem>> -> memref<64x128xf32, #tpu.memory_space<vmem>>
          %gather3A_215 = tpu.vector_load_idx %gather3A_214[%add3A_211, %add3A_208] : memref<64x128xf32, #tpu.memory_space<vmem>>[vector<16xi32>, vector<16xi32>], vector<16xf32>,
          %mul3A_216 = arith.constant 64 : i32
          %mul3A_217 = arith.muli %add3A_202, %mul3A_216 : i32
          %add3A_218 = arith.constant 0 : i32
          %add3A_219 = arith.addi %mul3A_217, %add3A_218 : i32
          %swap3A_220 = arith.index_cast %add3A_219 : i32 to index
          %swap3A_221 = tpu.vector_load %arg10[%swap3A_220] {strides = array<i32>} : memref<32768xf32, #tpu.memory_space<vmem>>, vector<16xf32>,
          tpu.vector_store %arg10[%swap3A_220], %gather3A_215 {strides = array<i32>} : memref<32768xf32, #tpu.memory_space<vmem>>, vector<16xf32>,
          %add3A_222 = arith.constant 16 : i32
          %add3A_223 = vector.broadcast %add3A_222 : i32 to vector<16xi32>
          %add3A_224 = arith.addi %iota3A, %add3A_223 : vector<16xi32>
          %gather3A_225 = arith.constant 0 : i32
          %gather3A_226 = arith.constant 0 : i32
          %gather3A_227 = tpu.memref_slice %arg9[%rem3A_157, %gather3A_225, %gather3A_226] : memref<10x64x128xf32, #tpu.memory_space<vmem>> -> memref<1x64x128xf32, #tpu.memory_space<vmem>>
          %gather3A_228 = tpu.memref_squeeze %gather3A_227 : memref<1x64x128xf32, #tpu.memory_space<vmem>> -> memref<64x128xf32, #tpu.memory_space<vmem>>
          %gather3A_229 = tpu.vector_load_idx %gather3A_228[%add3A_224, %add3A_208] : memref<64x128xf32, #tpu.memory_space<vmem>>[vector<16xi32>, vector<16xi32>], vector<16xf32>,
          %mul3A_230 = arith.constant 64 : i32
          %mul3A_231 = arith.muli %add3A_202, %mul3A_230 : i32
          %add3A_232 = arith.constant 16 : i32
          %add3A_233 = arith.addi %mul3A_231, %add3A_232 : i32
          %swap3A_234 = arith.index_cast %add3A_233 : i32 to index
          %swap3A_235 = tpu.vector_load %arg10[%swap3A_234] {strides = array<i32>} : memref<32768xf32, #tpu.memory_space<vmem>>, vector<16xf32>,
          tpu.vector_store %arg10[%swap3A_234], %gather3A_229 {strides = array<i32>} : memref<32768xf32, #tpu.memory_space<vmem>>, vector<16xf32>,
          %add3A_236 = arith.constant 32 : i32
          %add3A_237 = vector.broadcast %add3A_236 : i32 to vector<16xi32>
          %add3A_238 = arith.addi %iota3A, %add3A_237 : vector<16xi32>
          %gather3A_239 = arith.constant 0 : i32
          %gather3A_240 = arith.constant 0 : i32
          %gather3A_241 = tpu.memref_slice %arg9[%rem3A_157, %gather3A_239, %gather3A_240] : memref<10x64x128xf32, #tpu.memory_space<vmem>> -> memref<1x64x128xf32, #tpu.memory_space<vmem>>
          %gather3A_242 = tpu.memref_squeeze %gather3A_241 : memref<1x64x128xf32, #tpu.memory_space<vmem>> -> memref<64x128xf32, #tpu.memory_space<vmem>>
          %gather3A_243 = tpu.vector_load_idx %gather3A_242[%add3A_238, %add3A_208] : memref<64x128xf32, #tpu.memory_space<vmem>>[vector<16xi32>, vector<16xi32>], vector<16xf32>,
          %mul3A_244 = arith.constant 64 : i32
          %mul3A_245 = arith.muli %add3A_202, %mul3A_244 : i32
          %add3A_246 = arith.constant 32 : i32
          %add3A_247 = arith.addi %mul3A_245, %add3A_246 : i32
          %swap3A_248 = arith.index_cast %add3A_247 : i32 to index
          %swap3A_249 = tpu.vector_load %arg10[%swap3A_248] {strides = array<i32>} : memref<32768xf32, #tpu.memory_space<vmem>>, vector<16xf32>,
          tpu.vector_store %arg10[%swap3A_248], %gather3A_243 {strides = array<i32>} : memref<32768xf32, #tpu.memory_space<vmem>>, vector<16xf32>,
          %add3A_250 = arith.constant 48 : i32
          %add3A_251 = vector.broadcast %add3A_250 : i32 to vector<16xi32>
          %add3A_252 = arith.addi %iota3A, %add3A_251 : vector<16xi32>
          %gather3A_253 = arith.constant 0 : i32
          %gather3A_254 = arith.constant 0 : i32
          %gather3A_255 = tpu.memref_slice %arg9[%rem3A_157, %gather3A_253, %gather3A_254] : memref<10x64x128xf32, #tpu.memory_space<vmem>> -> memref<1x64x128xf32, #tpu.memory_space<vmem>>
          %gather3A_256 = tpu.memref_squeeze %gather3A_255 : memref<1x64x128xf32, #tpu.memory_space<vmem>> -> memref<64x128xf32, #tpu.memory_space<vmem>>
          %gather3A_257 = tpu.vector_load_idx %gather3A_256[%add3A_252, %add3A_208] : memref<64x128xf32, #tpu.memory_space<vmem>>[vector<16xi32>, vector<16xi32>], vector<16xf32>,
          %mul3A_258 = arith.constant 64 : i32
          %mul3A_259 = arith.muli %add3A_202, %mul3A_258 : i32
          %add3A_260 = arith.constant 48 : i32
          %add3A_261 = arith.addi %mul3A_259, %add3A_260 : i32
          %swap3A_262 = arith.index_cast %add3A_261 : i32 to index
          %swap3A_263 = tpu.vector_load %arg10[%swap3A_262] {strides = array<i32>} : memref<32768xf32, #tpu.memory_space<vmem>>, vector<16xf32>,
          tpu.vector_store %arg10[%swap3A_262], %gather3A_257 {strides = array<i32>} : memref<32768xf32, #tpu.memory_space<vmem>>, vector<16xf32>,
        }
        %while3A_193 = arith.constant 1 : i32
        scf.for %while3A_200 = %while3A_191 to %while3A_187 step %while3A_193  : i32 {
          %mul3A_201 = arith.muli %while3A_200, %while3A_184 : i32
          %add3A_202 = arith.addi %get3A_172, %mul3A_201 : i32
          %get3A_203 = arith.index_cast %add3A_202 : i32 to index
          %get3A_204 = memref.load %arg5[%get3A_203] : memref<512xi32, #tpu.memory_space<smem>>
          %and3A = arith.constant 127 : i32
          %and3A_205 = arith.andi %get3A_204, %and3A : i32
          %broadcast_in_dim3A = arith.constant 0 : i32
          %broadcast_in_dim3A_206 = vector.broadcast %broadcast_in_dim3A : i32 to vector<16xi32>
          %add3A_207 = vector.broadcast %and3A_205 : i32 to vector<16xi32>
          %add3A_208 = arith.addi %broadcast_in_dim3A_206, %add3A_207 : vector<16xi32>
          %add3A_209 = arith.constant 0 : i32
          %add3A_210 = vector.broadcast %add3A_209 : i32 to vector<16xi32>
          %add3A_211 = arith.addi %iota3A, %add3A_210 : vector<16xi32>
          %gather3A = arith.constant 0 : i32
          %gather3A_212 = arith.constant 0 : i32
          %gather3A_213 = tpu.memref_slice %arg9[%rem3A_157, %gather3A, %gather3A_212] : memref<10x64x128xf32, #tpu.memory_space<vmem>> -> memref<1x64x128xf32, #tpu.memory_space<vmem>>
          %gather3A_214 = tpu.memref_squeeze %gather3A_213 : memref<1x64x128xf32, #tpu.memory_space<vmem>> -> memref<64x128xf32, #tpu.memory_space<vmem>>
          %gather3A_215 = tpu.vector_load_idx %gather3A_214[%add3A_211, %add3A_208] : memref<64x128xf32, #tpu.memory_space<vmem>>[vector<16xi32>, vector<16xi32>], vector<16xf32>,
          %mul3A_216 = arith.constant 64 : i32
          %mul3A_217 = arith.muli %add3A_202, %mul3A_216 : i32
          %add3A_218 = arith.constant 0 : i32
          %add3A_219 = arith.addi %mul3A_217, %add3A_218 : i32
          %swap3A_220 = arith.index_cast %add3A_219 : i32 to index
          %swap3A_221 = tpu.vector_load %arg10[%swap3A_220] {strides = array<i32>} : memref<32768xf32, #tpu.memory_space<vmem>>, vector<16xf32>,
          tpu.vector_store %arg10[%swap3A_220], %gather3A_215 {strides = array<i32>} : memref<32768xf32, #tpu.memory_space<vmem>>, vector<16xf32>,
          %add3A_222 = arith.constant 16 : i32
          %add3A_223 = vector.broadcast %add3A_222 : i32 to vector<16xi32>
          %add3A_224 = arith.addi %iota3A, %add3A_223 : vector<16xi32>
          %gather3A_225 = arith.constant 0 : i32
          %gather3A_226 = arith.constant 0 : i32
          %gather3A_227 = tpu.memref_slice %arg9[%rem3A_157, %gather3A_225, %gather3A_226] : memref<10x64x128xf32, #tpu.memory_space<vmem>> -> memref<1x64x128xf32, #tpu.memory_space<vmem>>
          %gather3A_228 = tpu.memref_squeeze %gather3A_227 : memref<1x64x128xf32, #tpu.memory_space<vmem>> -> memref<64x128xf32, #tpu.memory_space<vmem>>
          %gather3A_229 = tpu.vector_load_idx %gather3A_228[%add3A_224, %add3A_208] : memref<64x128xf32, #tpu.memory_space<vmem>>[vector<16xi32>, vector<16xi32>], vector<16xf32>,
          %mul3A_230 = arith.constant 64 : i32
          %mul3A_231 = arith.muli %add3A_202, %mul3A_230 : i32
          %add3A_232 = arith.constant 16 : i32
          %add3A_233 = arith.addi %mul3A_231, %add3A_232 : i32
          %swap3A_234 = arith.index_cast %add3A_233 : i32 to index
          %swap3A_235 = tpu.vector_load %arg10[%swap3A_234] {strides = array<i32>} : memref<32768xf32, #tpu.memory_space<vmem>>, vector<16xf32>,
          tpu.vector_store %arg10[%swap3A_234], %gather3A_229 {strides = array<i32>} : memref<32768xf32, #tpu.memory_space<vmem>>, vector<16xf32>,
          %add3A_236 = arith.constant 32 : i32
          %add3A_237 = vector.broadcast %add3A_236 : i32 to vector<16xi32>
          %add3A_238 = arith.addi %iota3A, %add3A_237 : vector<16xi32>
          %gather3A_239 = arith.constant 0 : i32
          %gather3A_240 = arith.constant 0 : i32
          %gather3A_241 = tpu.memref_slice %arg9[%rem3A_157, %gather3A_239, %gather3A_240] : memref<10x64x128xf32, #tpu.memory_space<vmem>> -> memref<1x64x128xf32, #tpu.memory_space<vmem>>
          %gather3A_242 = tpu.memref_squeeze %gather3A_241 : memref<1x64x128xf32, #tpu.memory_space<vmem>> -> memref<64x128xf32, #tpu.memory_space<vmem>>
          %gather3A_243 = tpu.vector_load_idx %gather3A_242[%add3A_238, %add3A_208] : memref<64x128xf32, #tpu.memory_space<vmem>>[vector<16xi32>, vector<16xi32>], vector<16xf32>,
          %mul3A_244 = arith.constant 64 : i32
          %mul3A_245 = arith.muli %add3A_202, %mul3A_244 : i32
          %add3A_246 = arith.constant 32 : i32
          %add3A_247 = arith.addi %mul3A_245, %add3A_246 : i32
          %swap3A_248 = arith.index_cast %add3A_247 : i32 to index
          %swap3A_249 = tpu.vector_load %arg10[%swap3A_248] {strides = array<i32>} : memref<32768xf32, #tpu.memory_space<vmem>>, vector<16xf32>,
          tpu.vector_store %arg10[%swap3A_248], %gather3A_243 {strides = array<i32>} : memref<32768xf32, #tpu.memory_space<vmem>>, vector<16xf32>,
          %add3A_250 = arith.constant 48 : i32
          %add3A_251 = vector.broadcast %add3A_250 : i32 to vector<16xi32>
          %add3A_252 = arith.addi %iota3A, %add3A_251 : vector<16xi32>
          %gather3A_253 = arith.constant 0 : i32
          %gather3A_254 = arith.constant 0 : i32
          %gather3A_255 = tpu.memref_slice %arg9[%rem3A_157, %gather3A_253, %gather3A_254] : memref<10x64x128xf32, #tpu.memory_space<vmem>> -> memref<1x64x128xf32, #tpu.memory_space<vmem>>
          %gather3A_256 = tpu.memref_squeeze %gather3A_255 : memref<1x64x128xf32, #tpu.memory_space<vmem>> -> memref<64x128xf32, #tpu.memory_space<vmem>>
          %gather3A_257 = tpu.vector_load_idx %gather3A_256[%add3A_252, %add3A_208] : memref<64x128xf32, #tpu.memory_space<vmem>>[vector<16xi32>, vector<16xi32>], vector<16xf32>,
          %mul3A_258 = arith.constant 64 : i32
          %mul3A_259 = arith.muli %add3A_202, %mul3A_258 : i32
          %add3A_260 = arith.constant 48 : i32
          %add3A_261 = arith.addi %mul3A_259, %add3A_260 : i32
          %swap3A_262 = arith.index_cast %add3A_261 : i32 to index
          %swap3A_263 = tpu.vector_load %arg10[%swap3A_262] {strides = array<i32>} : memref<32768xf32, #tpu.memory_space<vmem>>, vector<16xf32>,
          tpu.vector_store %arg10[%swap3A_262], %gather3A_257 {strides = array<i32>} : memref<32768xf32, #tpu.memory_space<vmem>>, vector<16xf32>,
        }
        %add3A_194 = arith.constant 10 : i32
        %add3A_195 = arith.addi %add3A_116, %add3A_194 : i32
        %lt3A_196 = arith.cmpi slt, %add3A_195, %scan3A_15#0 : i32
        %convert_element_type3A_197 = arith.extui %lt3A_196 : i1 to i32
        %cond3A_198 = arith.constant 0 : i32
        %cond3A_199 = arith.cmpi ne, %convert_element_type3A_197, %cond3A_198 : i32
        scf.if %cond3A_199 {
          %get3A_200 = arith.index_cast %add3A_195 : i32 to index
          %get3A_201 = memref.load %arg6[%get3A_200] : memref<512xi32, #tpu.memory_space<smem>>
          %mul3A_202 = arith.constant 128 : i32
          %mul3A_203 = arith.muli %get3A_201, %mul3A_202 : i32
          %rem3A_204 = arith.constant 10 : i32
          %rem3A_205 = arith.remsi %add3A_195, %rem3A_204 : i32
          %dma_start3A_206 = arith.constant 0 : i32
          %dma_start3A_207 = arith.constant 0 : i32
          %dma_start3A_208 = tpu.memref_slice %arg9[%rem3A_205, %dma_start3A_206, %dma_start3A_207] : memref<10x64x128xf32, #tpu.memory_space<vmem>> -> memref<1x64x128xf32, #tpu.memory_space<vmem>>
          %dma_start3A_209 = tpu.memref_squeeze %dma_start3A_208 : memref<1x64x128xf32, #tpu.memory_space<vmem>> -> memref<64x128xf32, #tpu.memory_space<vmem>>
          %dma_start3A_210 = arith.constant 0 : i32
          %dma_start3A_211 = tpu.memref_slice %arg2[%dma_start3A_210, %mul3A_203] : memref<64x1000001xf32, #tpu.memory_space<hbm>> -> memref<64x128xf32, #tpu.memory_space<hbm>>
          %dma_start3A_212 = arith.constant 0 : i32
          %dma_start3A_213 = arith.constant 0 : i32
          %dma_start3A_214 = tpu.memref_slice %arg9[%rem3A_205, %dma_start3A_212, %dma_start3A_213] : memref<10x64x128xf32, #tpu.memory_space<vmem>> -> memref<1x64x128xf32, #tpu.memory_space<vmem>>
          %dma_start3A_215 = tpu.memref_squeeze %dma_start3A_214 : memref<1x64x128xf32, #tpu.memory_space<vmem>> -> memref<64x128xf32, #tpu.memory_space<vmem>>
          %dma_start3A_216 = arith.constant 0 : i32
          %dma_start3A_217 = tpu.memref_slice %arg2[%dma_start3A_216, %mul3A_203] : memref<64x1000001xf32, #tpu.memory_space<hbm>> -> memref<64x128xf32, #tpu.memory_space<hbm>>
          tpu.enqueue_dma source(%dma_start3A_217 : memref<64x128xf32, #tpu.memory_space<hbm>>) target(%dma_start3A_215 : memref<64x128xf32, #tpu.memory_space<vmem>>) target_semaphore(%arg14 : memref<!tpu.dma_semaphore, #tpu.memory_space<semaphore_mem>>)
        } else {
        }
      } else {
      }
      %add3A_121 = arith.constant 4 : i32
      %add3A_122 = arith.addi %add3A_96, %add3A_121 : i32
      %lt3A_123 = arith.cmpi slt, %add3A_122, %scan3A_15#0 : i32
      %convert_element_type3A_124 = arith.extui %lt3A_123 : i1 to i32
      %cond3A_125 = arith.constant 0 : i32
      %cond3A_126 = arith.cmpi ne, %convert_element_type3A_124, %cond3A_125 : i32
      scf.if %cond3A_126 {
        %rem3A = arith.constant 10 : i32
        %rem3A_157 = arith.remsi %add3A_122, %rem3A : i32
        %dma_wait3A_158 = arith.constant 0 : i32
        %dma_wait3A_159 = arith.constant 0 : i32
        %dma_wait3A_160 = tpu.memref_slice %arg9[%rem3A_157, %dma_wait3A_158, %dma_wait3A_159] : memref<10x64x128xf32, #tpu.memory_space<vmem>> -> memref<1x64x128xf32, #tpu.memory_space<vmem>>
        %dma_wait3A_161 = tpu.memref_squeeze %dma_wait3A_160 : memref<1x64x128xf32, #tpu.memory_space<vmem>> -> memref<64x128xf32, #tpu.memory_space<vmem>>
        %dma_wait3A_162 = arith.constant 0 : i32
        %dma_wait3A_163 = arith.constant 0 : i32
        %dma_wait3A_164 = tpu.memref_slice %arg2[%dma_wait3A_162, %dma_wait3A_163] : memref<64x1000001xf32, #tpu.memory_space<hbm>> -> memref<64x128xf32, #tpu.memory_space<hbm>>
        %dma_wait3A_165 = arith.constant 0 : i32
        %dma_wait3A_166 = arith.constant 0 : i32
        %dma_wait3A_167 = tpu.memref_slice %arg9[%rem3A_157, %dma_wait3A_165, %dma_wait3A_166] : memref<10x64x128xf32, #tpu.memory_space<vmem>> -> memref<1x64x128xf32, #tpu.memory_space<vmem>>
        %dma_wait3A_168 = tpu.memref_squeeze %dma_wait3A_167 : memref<1x64x128xf32, #tpu.memory_space<vmem>> -> memref<64x128xf32, #tpu.memory_space<vmem>>
        %dma_wait3A_169 = arith.constant 0 : i32
        %dma_wait3A_170 = arith.constant 0 : i32
        %dma_wait3A_171 = tpu.memref_slice %arg2[%dma_wait3A_169, %dma_wait3A_170] : memref<64x1000001xf32, #tpu.memory_space<hbm>> -> memref<64x128xf32, #tpu.memory_space<hbm>>
        tpu.wait_dma2 semaphore(%arg15 : memref<!tpu.dma_semaphore, #tpu.memory_space<semaphore_mem>>) src(%dma_wait3A_171 : memref<64x128xf32, #tpu.memory_space<hbm>>) dst(%dma_wait3A_168 : memref<64x128xf32, #tpu.memory_space<vmem>>)
        %get3A = arith.index_cast %add3A_122 : i32 to index
        %get3A_172 = memref.load %arg7[%get3A] : memref<513xi32, #tpu.memory_space<smem>>
        %add3A_173 = arith.constant 1 : i32
        %add3A_174 = arith.addi %add3A_122, %add3A_173 : i32
        %get3A_175 = arith.index_cast %add3A_174 : i32 to index
        %get3A_176 = memref.load %arg7[%get3A_175] : memref<513xi32, #tpu.memory_space<smem>>
        %sub3A_177 = arith.subi %get3A_176, %get3A_172 : i32
        %sub3A_178 = arith.constant 1 : i32
        %sub3A_179 = arith.constant 1 : i32
        %sub3A_180 = arith.subi %sub3A_178, %sub3A_179 : i32
        %add3A_181 = arith.addi %sub3A_177, %sub3A_180 : i32
        %div3A_182 = arith.constant 1 : i32
        %div3A_183 = arith.divsi %add3A_181, %div3A_182 : i32
        %while3A_184 = arith.constant 1 : i32
        %while3A_185 = arith.constant 0 : i32
        %while3A_186 = arith.subi %div3A_183, %while3A_185 : i32
        %while3A_187 = arith.addi %while3A_185, %while3A_186 : i32
        %while3A_188 = arith.constant 1 : i32
        %while3A_189 = arith.divsi %while3A_186, %while3A_188 : i32
        %while3A_190 = arith.muli %while3A_189, %while3A_188 : i32
        %while3A_191 = arith.addi %while3A_185, %while3A_190 : i32
        %while3A_192 = arith.constant 1 : i32
        scf.for %while3A_200 = %while3A_185 to %while3A_191 step %while3A_192  : i32 {
          %mul3A_201 = arith.muli %while3A_200, %while3A_184 : i32
          %add3A_202 = arith.addi %get3A_172, %mul3A_201 : i32
          %get3A_203 = arith.index_cast %add3A_202 : i32 to index
          %get3A_204 = memref.load %arg5[%get3A_203] : memref<512xi32, #tpu.memory_space<smem>>
          %and3A = arith.constant 127 : i32
          %and3A_205 = arith.andi %get3A_204, %and3A : i32
          %broadcast_in_dim3A = arith.constant 0 : i32
          %broadcast_in_dim3A_206 = vector.broadcast %broadcast_in_dim3A : i32 to vector<16xi32>
          %add3A_207 = vector.broadcast %and3A_205 : i32 to vector<16xi32>
          %add3A_208 = arith.addi %broadcast_in_dim3A_206, %add3A_207 : vector<16xi32>
          %add3A_209 = arith.constant 0 : i32
          %add3A_210 = vector.broadcast %add3A_209 : i32 to vector<16xi32>
          %add3A_211 = arith.addi %iota3A, %add3A_210 : vector<16xi32>
          %gather3A = arith.constant 0 : i32
          %gather3A_212 = arith.constant 0 : i32
          %gather3A_213 = tpu.memref_slice %arg9[%rem3A_157, %gather3A, %gather3A_212] : memref<10x64x128xf32, #tpu.memory_space<vmem>> -> memref<1x64x128xf32, #tpu.memory_space<vmem>>
          %gather3A_214 = tpu.memref_squeeze %gather3A_213 : memref<1x64x128xf32, #tpu.memory_space<vmem>> -> memref<64x128xf32, #tpu.memory_space<vmem>>
          %gather3A_215 = tpu.vector_load_idx %gather3A_214[%add3A_211, %add3A_208] : memref<64x128xf32, #tpu.memory_space<vmem>>[vector<16xi32>, vector<16xi32>], vector<16xf32>,
          %mul3A_216 = arith.constant 64 : i32
          %mul3A_217 = arith.muli %add3A_202, %mul3A_216 : i32
          %add3A_218 = arith.constant 0 : i32
          %add3A_219 = arith.addi %mul3A_217, %add3A_218 : i32
          %swap3A_220 = arith.index_cast %add3A_219 : i32 to index
          %swap3A_221 = tpu.vector_load %arg10[%swap3A_220] {strides = array<i32>} : memref<32768xf32, #tpu.memory_space<vmem>>, vector<16xf32>,
          tpu.vector_store %arg10[%swap3A_220], %gather3A_215 {strides = array<i32>} : memref<32768xf32, #tpu.memory_space<vmem>>, vector<16xf32>,
          %add3A_222 = arith.constant 16 : i32
          %add3A_223 = vector.broadcast %add3A_222 : i32 to vector<16xi32>
          %add3A_224 = arith.addi %iota3A, %add3A_223 : vector<16xi32>
          %gather3A_225 = arith.constant 0 : i32
          %gather3A_226 = arith.constant 0 : i32
          %gather3A_227 = tpu.memref_slice %arg9[%rem3A_157, %gather3A_225, %gather3A_226] : memref<10x64x128xf32, #tpu.memory_space<vmem>> -> memref<1x64x128xf32, #tpu.memory_space<vmem>>
          %gather3A_228 = tpu.memref_squeeze %gather3A_227 : memref<1x64x128xf32, #tpu.memory_space<vmem>> -> memref<64x128xf32, #tpu.memory_space<vmem>>
          %gather3A_229 = tpu.vector_load_idx %gather3A_228[%add3A_224, %add3A_208] : memref<64x128xf32, #tpu.memory_space<vmem>>[vector<16xi32>, vector<16xi32>], vector<16xf32>,
          %mul3A_230 = arith.constant 64 : i32
          %mul3A_231 = arith.muli %add3A_202, %mul3A_230 : i32
          %add3A_232 = arith.constant 16 : i32
          %add3A_233 = arith.addi %mul3A_231, %add3A_232 : i32
          %swap3A_234 = arith.index_cast %add3A_233 : i32 to index
          %swap3A_235 = tpu.vector_load %arg10[%swap3A_234] {strides = array<i32>} : memref<32768xf32, #tpu.memory_space<vmem>>, vector<16xf32>,
          tpu.vector_store %arg10[%swap3A_234], %gather3A_229 {strides = array<i32>} : memref<32768xf32, #tpu.memory_space<vmem>>, vector<16xf32>,
          %add3A_236 = arith.constant 32 : i32
          %add3A_237 = vector.broadcast %add3A_236 : i32 to vector<16xi32>
          %add3A_238 = arith.addi %iota3A, %add3A_237 : vector<16xi32>
          %gather3A_239 = arith.constant 0 : i32
          %gather3A_240 = arith.constant 0 : i32
          %gather3A_241 = tpu.memref_slice %arg9[%rem3A_157, %gather3A_239, %gather3A_240] : memref<10x64x128xf32, #tpu.memory_space<vmem>> -> memref<1x64x128xf32, #tpu.memory_space<vmem>>
          %gather3A_242 = tpu.memref_squeeze %gather3A_241 : memref<1x64x128xf32, #tpu.memory_space<vmem>> -> memref<64x128xf32, #tpu.memory_space<vmem>>
          %gather3A_243 = tpu.vector_load_idx %gather3A_242[%add3A_238, %add3A_208] : memref<64x128xf32, #tpu.memory_space<vmem>>[vector<16xi32>, vector<16xi32>], vector<16xf32>,
          %mul3A_244 = arith.constant 64 : i32
          %mul3A_245 = arith.muli %add3A_202, %mul3A_244 : i32
          %add3A_246 = arith.constant 32 : i32
          %add3A_247 = arith.addi %mul3A_245, %add3A_246 : i32
          %swap3A_248 = arith.index_cast %add3A_247 : i32 to index
          %swap3A_249 = tpu.vector_load %arg10[%swap3A_248] {strides = array<i32>} : memref<32768xf32, #tpu.memory_space<vmem>>, vector<16xf32>,
          tpu.vector_store %arg10[%swap3A_248], %gather3A_243 {strides = array<i32>} : memref<32768xf32, #tpu.memory_space<vmem>>, vector<16xf32>,
          %add3A_250 = arith.constant 48 : i32
          %add3A_251 = vector.broadcast %add3A_250 : i32 to vector<16xi32>
          %add3A_252 = arith.addi %iota3A, %add3A_251 : vector<16xi32>
          %gather3A_253 = arith.constant 0 : i32
          %gather3A_254 = arith.constant 0 : i32
          %gather3A_255 = tpu.memref_slice %arg9[%rem3A_157, %gather3A_253, %gather3A_254] : memref<10x64x128xf32, #tpu.memory_space<vmem>> -> memref<1x64x128xf32, #tpu.memory_space<vmem>>
          %gather3A_256 = tpu.memref_squeeze %gather3A_255 : memref<1x64x128xf32, #tpu.memory_space<vmem>> -> memref<64x128xf32, #tpu.memory_space<vmem>>
          %gather3A_257 = tpu.vector_load_idx %gather3A_256[%add3A_252, %add3A_208] : memref<64x128xf32, #tpu.memory_space<vmem>>[vector<16xi32>, vector<16xi32>], vector<16xf32>,
          %mul3A_258 = arith.constant 64 : i32
          %mul3A_259 = arith.muli %add3A_202, %mul3A_258 : i32
          %add3A_260 = arith.constant 48 : i32
          %add3A_261 = arith.addi %mul3A_259, %add3A_260 : i32
          %swap3A_262 = arith.index_cast %add3A_261 : i32 to index
          %swap3A_263 = tpu.vector_load %arg10[%swap3A_262] {strides = array<i32>} : memref<32768xf32, #tpu.memory_space<vmem>>, vector<16xf32>,
          tpu.vector_store %arg10[%swap3A_262], %gather3A_257 {strides = array<i32>} : memref<32768xf32, #tpu.memory_space<vmem>>, vector<16xf32>,
        }
        %while3A_193 = arith.constant 1 : i32
        scf.for %while3A_200 = %while3A_191 to %while3A_187 step %while3A_193  : i32 {
          %mul3A_201 = arith.muli %while3A_200, %while3A_184 : i32
          %add3A_202 = arith.addi %get3A_172, %mul3A_201 : i32
          %get3A_203 = arith.index_cast %add3A_202 : i32 to index
          %get3A_204 = memref.load %arg5[%get3A_203] : memref<512xi32, #tpu.memory_space<smem>>
          %and3A = arith.constant 127 : i32
          %and3A_205 = arith.andi %get3A_204, %and3A : i32
          %broadcast_in_dim3A = arith.constant 0 : i32
          %broadcast_in_dim3A_206 = vector.broadcast %broadcast_in_dim3A : i32 to vector<16xi32>
          %add3A_207 = vector.broadcast %and3A_205 : i32 to vector<16xi32>
          %add3A_208 = arith.addi %broadcast_in_dim3A_206, %add3A_207 : vector<16xi32>
          %add3A_209 = arith.constant 0 : i32
          %add3A_210 = vector.broadcast %add3A_209 : i32 to vector<16xi32>
          %add3A_211 = arith.addi %iota3A, %add3A_210 : vector<16xi32>
          %gather3A = arith.constant 0 : i32
          %gather3A_212 = arith.constant 0 : i32
          %gather3A_213 = tpu.memref_slice %arg9[%rem3A_157, %gather3A, %gather3A_212] : memref<10x64x128xf32, #tpu.memory_space<vmem>> -> memref<1x64x128xf32, #tpu.memory_space<vmem>>
          %gather3A_214 = tpu.memref_squeeze %gather3A_213 : memref<1x64x128xf32, #tpu.memory_space<vmem>> -> memref<64x128xf32, #tpu.memory_space<vmem>>
          %gather3A_215 = tpu.vector_load_idx %gather3A_214[%add3A_211, %add3A_208] : memref<64x128xf32, #tpu.memory_space<vmem>>[vector<16xi32>, vector<16xi32>], vector<16xf32>,
          %mul3A_216 = arith.constant 64 : i32
          %mul3A_217 = arith.muli %add3A_202, %mul3A_216 : i32
          %add3A_218 = arith.constant 0 : i32
          %add3A_219 = arith.addi %mul3A_217, %add3A_218 : i32
          %swap3A_220 = arith.index_cast %add3A_219 : i32 to index
          %swap3A_221 = tpu.vector_load %arg10[%swap3A_220] {strides = array<i32>} : memref<32768xf32, #tpu.memory_space<vmem>>, vector<16xf32>,
          tpu.vector_store %arg10[%swap3A_220], %gather3A_215 {strides = array<i32>} : memref<32768xf32, #tpu.memory_space<vmem>>, vector<16xf32>,
          %add3A_222 = arith.constant 16 : i32
          %add3A_223 = vector.broadcast %add3A_222 : i32 to vector<16xi32>
          %add3A_224 = arith.addi %iota3A, %add3A_223 : vector<16xi32>
          %gather3A_225 = arith.constant 0 : i32
          %gather3A_226 = arith.constant 0 : i32
          %gather3A_227 = tpu.memref_slice %arg9[%rem3A_157, %gather3A_225, %gather3A_226] : memref<10x64x128xf32, #tpu.memory_space<vmem>> -> memref<1x64x128xf32, #tpu.memory_space<vmem>>
          %gather3A_228 = tpu.memref_squeeze %gather3A_227 : memref<1x64x128xf32, #tpu.memory_space<vmem>> -> memref<64x128xf32, #tpu.memory_space<vmem>>
          %gather3A_229 = tpu.vector_load_idx %gather3A_228[%add3A_224, %add3A_208] : memref<64x128xf32, #tpu.memory_space<vmem>>[vector<16xi32>, vector<16xi32>], vector<16xf32>,
          %mul3A_230 = arith.constant 64 : i32
          %mul3A_231 = arith.muli %add3A_202, %mul3A_230 : i32
          %add3A_232 = arith.constant 16 : i32
          %add3A_233 = arith.addi %mul3A_231, %add3A_232 : i32
          %swap3A_234 = arith.index_cast %add3A_233 : i32 to index
          %swap3A_235 = tpu.vector_load %arg10[%swap3A_234] {strides = array<i32>} : memref<32768xf32, #tpu.memory_space<vmem>>, vector<16xf32>,
          tpu.vector_store %arg10[%swap3A_234], %gather3A_229 {strides = array<i32>} : memref<32768xf32, #tpu.memory_space<vmem>>, vector<16xf32>,
          %add3A_236 = arith.constant 32 : i32
          %add3A_237 = vector.broadcast %add3A_236 : i32 to vector<16xi32>
          %add3A_238 = arith.addi %iota3A, %add3A_237 : vector<16xi32>
          %gather3A_239 = arith.constant 0 : i32
          %gather3A_240 = arith.constant 0 : i32
          %gather3A_241 = tpu.memref_slice %arg9[%rem3A_157, %gather3A_239, %gather3A_240] : memref<10x64x128xf32, #tpu.memory_space<vmem>> -> memref<1x64x128xf32, #tpu.memory_space<vmem>>
          %gather3A_242 = tpu.memref_squeeze %gather3A_241 : memref<1x64x128xf32, #tpu.memory_space<vmem>> -> memref<64x128xf32, #tpu.memory_space<vmem>>
          %gather3A_243 = tpu.vector_load_idx %gather3A_242[%add3A_238, %add3A_208] : memref<64x128xf32, #tpu.memory_space<vmem>>[vector<16xi32>, vector<16xi32>], vector<16xf32>,
          %mul3A_244 = arith.constant 64 : i32
          %mul3A_245 = arith.muli %add3A_202, %mul3A_244 : i32
          %add3A_246 = arith.constant 32 : i32
          %add3A_247 = arith.addi %mul3A_245, %add3A_246 : i32
          %swap3A_248 = arith.index_cast %add3A_247 : i32 to index
          %swap3A_249 = tpu.vector_load %arg10[%swap3A_248] {strides = array<i32>} : memref<32768xf32, #tpu.memory_space<vmem>>, vector<16xf32>,
          tpu.vector_store %arg10[%swap3A_248], %gather3A_243 {strides = array<i32>} : memref<32768xf32, #tpu.memory_space<vmem>>, vector<16xf32>,
          %add3A_250 = arith.constant 48 : i32
          %add3A_251 = vector.broadcast %add3A_250 : i32 to vector<16xi32>
          %add3A_252 = arith.addi %iota3A, %add3A_251 : vector<16xi32>
          %gather3A_253 = arith.constant 0 : i32
          %gather3A_254 = arith.constant 0 : i32
          %gather3A_255 = tpu.memref_slice %arg9[%rem3A_157, %gather3A_253, %gather3A_254] : memref<10x64x128xf32, #tpu.memory_space<vmem>> -> memref<1x64x128xf32, #tpu.memory_space<vmem>>
          %gather3A_256 = tpu.memref_squeeze %gather3A_255 : memref<1x64x128xf32, #tpu.memory_space<vmem>> -> memref<64x128xf32, #tpu.memory_space<vmem>>
          %gather3A_257 = tpu.vector_load_idx %gather3A_256[%add3A_252, %add3A_208] : memref<64x128xf32, #tpu.memory_space<vmem>>[vector<16xi32>, vector<16xi32>], vector<16xf32>,
          %mul3A_258 = arith.constant 64 : i32
          %mul3A_259 = arith.muli %add3A_202, %mul3A_258 : i32
          %add3A_260 = arith.constant 48 : i32
          %add3A_261 = arith.addi %mul3A_259, %add3A_260 : i32
          %swap3A_262 = arith.index_cast %add3A_261 : i32 to index
          %swap3A_263 = tpu.vector_load %arg10[%swap3A_262] {strides = array<i32>} : memref<32768xf32, #tpu.memory_space<vmem>>, vector<16xf32>,
          tpu.vector_store %arg10[%swap3A_262], %gather3A_257 {strides = array<i32>} : memref<32768xf32, #tpu.memory_space<vmem>>, vector<16xf32>,
        }
        %add3A_194 = arith.constant 10 : i32
        %add3A_195 = arith.addi %add3A_122, %add3A_194 : i32
        %lt3A_196 = arith.cmpi slt, %add3A_195, %scan3A_15#0 : i32
        %convert_element_type3A_197 = arith.extui %lt3A_196 : i1 to i32
        %cond3A_198 = arith.constant 0 : i32
        %cond3A_199 = arith.cmpi ne, %convert_element_type3A_197, %cond3A_198 : i32
        scf.if %cond3A_199 {
          %get3A_200 = arith.index_cast %add3A_195 : i32 to index
          %get3A_201 = memref.load %arg6[%get3A_200] : memref<512xi32, #tpu.memory_space<smem>>
          %mul3A_202 = arith.constant 128 : i32
          %mul3A_203 = arith.muli %get3A_201, %mul3A_202 : i32
          %rem3A_204 = arith.constant 10 : i32
          %rem3A_205 = arith.remsi %add3A_195, %rem3A_204 : i32
          %dma_start3A_206 = arith.constant 0 : i32
          %dma_start3A_207 = arith.constant 0 : i32
          %dma_start3A_208 = tpu.memref_slice %arg9[%rem3A_205, %dma_start3A_206, %dma_start3A_207] : memref<10x64x128xf32, #tpu.memory_space<vmem>> -> memref<1x64x128xf32, #tpu.memory_space<vmem>>
          %dma_start3A_209 = tpu.memref_squeeze %dma_start3A_208 : memref<1x64x128xf32, #tpu.memory_space<vmem>> -> memref<64x128xf32, #tpu.memory_space<vmem>>
          %dma_start3A_210 = arith.constant 0 : i32
          %dma_start3A_211 = tpu.memref_slice %arg2[%dma_start3A_210, %mul3A_203] : memref<64x1000001xf32, #tpu.memory_space<hbm>> -> memref<64x128xf32, #tpu.memory_space<hbm>>
          %dma_start3A_212 = arith.constant 0 : i32
          %dma_start3A_213 = arith.constant 0 : i32
          %dma_start3A_214 = tpu.memref_slice %arg9[%rem3A_205, %dma_start3A_212, %dma_start3A_213] : memref<10x64x128xf32, #tpu.memory_space<vmem>> -> memref<1x64x128xf32, #tpu.memory_space<vmem>>
          %dma_start3A_215 = tpu.memref_squeeze %dma_start3A_214 : memref<1x64x128xf32, #tpu.memory_space<vmem>> -> memref<64x128xf32, #tpu.memory_space<vmem>>
          %dma_start3A_216 = arith.constant 0 : i32
          %dma_start3A_217 = tpu.memref_slice %arg2[%dma_start3A_216, %mul3A_203] : memref<64x1000001xf32, #tpu.memory_space<hbm>> -> memref<64x128xf32, #tpu.memory_space<hbm>>
          tpu.enqueue_dma source(%dma_start3A_217 : memref<64x128xf32, #tpu.memory_space<hbm>>) target(%dma_start3A_215 : memref<64x128xf32, #tpu.memory_space<vmem>>) target_semaphore(%arg15 : memref<!tpu.dma_semaphore, #tpu.memory_space<semaphore_mem>>)
        } else {
        }
      } else {
      }
      %add3A_127 = arith.constant 5 : i32
      %add3A_128 = arith.addi %add3A_96, %add3A_127 : i32
      %lt3A_129 = arith.cmpi slt, %add3A_128, %scan3A_15#0 : i32
      %convert_element_type3A_130 = arith.extui %lt3A_129 : i1 to i32
      %cond3A_131 = arith.constant 0 : i32
      %cond3A_132 = arith.cmpi ne, %convert_element_type3A_130, %cond3A_131 : i32
      scf.if %cond3A_132 {
        %rem3A = arith.constant 10 : i32
        %rem3A_157 = arith.remsi %add3A_128, %rem3A : i32
        %dma_wait3A_158 = arith.constant 0 : i32
        %dma_wait3A_159 = arith.constant 0 : i32
        %dma_wait3A_160 = tpu.memref_slice %arg9[%rem3A_157, %dma_wait3A_158, %dma_wait3A_159] : memref<10x64x128xf32, #tpu.memory_space<vmem>> -> memref<1x64x128xf32, #tpu.memory_space<vmem>>
        %dma_wait3A_161 = tpu.memref_squeeze %dma_wait3A_160 : memref<1x64x128xf32, #tpu.memory_space<vmem>> -> memref<64x128xf32, #tpu.memory_space<vmem>>
        %dma_wait3A_162 = arith.constant 0 : i32
        %dma_wait3A_163 = arith.constant 0 : i32
        %dma_wait3A_164 = tpu.memref_slice %arg2[%dma_wait3A_162, %dma_wait3A_163] : memref<64x1000001xf32, #tpu.memory_space<hbm>> -> memref<64x128xf32, #tpu.memory_space<hbm>>
        %dma_wait3A_165 = arith.constant 0 : i32
        %dma_wait3A_166 = arith.constant 0 : i32
        %dma_wait3A_167 = tpu.memref_slice %arg9[%rem3A_157, %dma_wait3A_165, %dma_wait3A_166] : memref<10x64x128xf32, #tpu.memory_space<vmem>> -> memref<1x64x128xf32, #tpu.memory_space<vmem>>
        %dma_wait3A_168 = tpu.memref_squeeze %dma_wait3A_167 : memref<1x64x128xf32, #tpu.memory_space<vmem>> -> memref<64x128xf32, #tpu.memory_space<vmem>>
        %dma_wait3A_169 = arith.constant 0 : i32
        %dma_wait3A_170 = arith.constant 0 : i32
        %dma_wait3A_171 = tpu.memref_slice %arg2[%dma_wait3A_169, %dma_wait3A_170] : memref<64x1000001xf32, #tpu.memory_space<hbm>> -> memref<64x128xf32, #tpu.memory_space<hbm>>
        tpu.wait_dma2 semaphore(%arg16 : memref<!tpu.dma_semaphore, #tpu.memory_space<semaphore_mem>>) src(%dma_wait3A_171 : memref<64x128xf32, #tpu.memory_space<hbm>>) dst(%dma_wait3A_168 : memref<64x128xf32, #tpu.memory_space<vmem>>)
        %get3A = arith.index_cast %add3A_128 : i32 to index
        %get3A_172 = memref.load %arg7[%get3A] : memref<513xi32, #tpu.memory_space<smem>>
        %add3A_173 = arith.constant 1 : i32
        %add3A_174 = arith.addi %add3A_128, %add3A_173 : i32
        %get3A_175 = arith.index_cast %add3A_174 : i32 to index
        %get3A_176 = memref.load %arg7[%get3A_175] : memref<513xi32, #tpu.memory_space<smem>>
        %sub3A_177 = arith.subi %get3A_176, %get3A_172 : i32
        %sub3A_178 = arith.constant 1 : i32
        %sub3A_179 = arith.constant 1 : i32
        %sub3A_180 = arith.subi %sub3A_178, %sub3A_179 : i32
        %add3A_181 = arith.addi %sub3A_177, %sub3A_180 : i32
        %div3A_182 = arith.constant 1 : i32
        %div3A_183 = arith.divsi %add3A_181, %div3A_182 : i32
        %while3A_184 = arith.constant 1 : i32
        %while3A_185 = arith.constant 0 : i32
        %while3A_186 = arith.subi %div3A_183, %while3A_185 : i32
        %while3A_187 = arith.addi %while3A_185, %while3A_186 : i32
        %while3A_188 = arith.constant 1 : i32
        %while3A_189 = arith.divsi %while3A_186, %while3A_188 : i32
        %while3A_190 = arith.muli %while3A_189, %while3A_188 : i32
        %while3A_191 = arith.addi %while3A_185, %while3A_190 : i32
        %while3A_192 = arith.constant 1 : i32
        scf.for %while3A_200 = %while3A_185 to %while3A_191 step %while3A_192  : i32 {
          %mul3A_201 = arith.muli %while3A_200, %while3A_184 : i32
          %add3A_202 = arith.addi %get3A_172, %mul3A_201 : i32
          %get3A_203 = arith.index_cast %add3A_202 : i32 to index
          %get3A_204 = memref.load %arg5[%get3A_203] : memref<512xi32, #tpu.memory_space<smem>>
          %and3A = arith.constant 127 : i32
          %and3A_205 = arith.andi %get3A_204, %and3A : i32
          %broadcast_in_dim3A = arith.constant 0 : i32
          %broadcast_in_dim3A_206 = vector.broadcast %broadcast_in_dim3A : i32 to vector<16xi32>
          %add3A_207 = vector.broadcast %and3A_205 : i32 to vector<16xi32>
          %add3A_208 = arith.addi %broadcast_in_dim3A_206, %add3A_207 : vector<16xi32>
          %add3A_209 = arith.constant 0 : i32
          %add3A_210 = vector.broadcast %add3A_209 : i32 to vector<16xi32>
          %add3A_211 = arith.addi %iota3A, %add3A_210 : vector<16xi32>
          %gather3A = arith.constant 0 : i32
          %gather3A_212 = arith.constant 0 : i32
          %gather3A_213 = tpu.memref_slice %arg9[%rem3A_157, %gather3A, %gather3A_212] : memref<10x64x128xf32, #tpu.memory_space<vmem>> -> memref<1x64x128xf32, #tpu.memory_space<vmem>>
          %gather3A_214 = tpu.memref_squeeze %gather3A_213 : memref<1x64x128xf32, #tpu.memory_space<vmem>> -> memref<64x128xf32, #tpu.memory_space<vmem>>
          %gather3A_215 = tpu.vector_load_idx %gather3A_214[%add3A_211, %add3A_208] : memref<64x128xf32, #tpu.memory_space<vmem>>[vector<16xi32>, vector<16xi32>], vector<16xf32>,
          %mul3A_216 = arith.constant 64 : i32
          %mul3A_217 = arith.muli %add3A_202, %mul3A_216 : i32
          %add3A_218 = arith.constant 0 : i32
          %add3A_219 = arith.addi %mul3A_217, %add3A_218 : i32
          %swap3A_220 = arith.index_cast %add3A_219 : i32 to index
          %swap3A_221 = tpu.vector_load %arg10[%swap3A_220] {strides = array<i32>} : memref<32768xf32, #tpu.memory_space<vmem>>, vector<16xf32>,
          tpu.vector_store %arg10[%swap3A_220], %gather3A_215 {strides = array<i32>} : memref<32768xf32, #tpu.memory_space<vmem>>, vector<16xf32>,
          %add3A_222 = arith.constant 16 : i32
          %add3A_223 = vector.broadcast %add3A_222 : i32 to vector<16xi32>
          %add3A_224 = arith.addi %iota3A, %add3A_223 : vector<16xi32>
          %gather3A_225 = arith.constant 0 : i32
          %gather3A_226 = arith.constant 0 : i32
          %gather3A_227 = tpu.memref_slice %arg9[%rem3A_157, %gather3A_225, %gather3A_226] : memref<10x64x128xf32, #tpu.memory_space<vmem>> -> memref<1x64x128xf32, #tpu.memory_space<vmem>>
          %gather3A_228 = tpu.memref_squeeze %gather3A_227 : memref<1x64x128xf32, #tpu.memory_space<vmem>> -> memref<64x128xf32, #tpu.memory_space<vmem>>
          %gather3A_229 = tpu.vector_load_idx %gather3A_228[%add3A_224, %add3A_208] : memref<64x128xf32, #tpu.memory_space<vmem>>[vector<16xi32>, vector<16xi32>], vector<16xf32>,
          %mul3A_230 = arith.constant 64 : i32
          %mul3A_231 = arith.muli %add3A_202, %mul3A_230 : i32
          %add3A_232 = arith.constant 16 : i32
          %add3A_233 = arith.addi %mul3A_231, %add3A_232 : i32
          %swap3A_234 = arith.index_cast %add3A_233 : i32 to index
          %swap3A_235 = tpu.vector_load %arg10[%swap3A_234] {strides = array<i32>} : memref<32768xf32, #tpu.memory_space<vmem>>, vector<16xf32>,
          tpu.vector_store %arg10[%swap3A_234], %gather3A_229 {strides = array<i32>} : memref<32768xf32, #tpu.memory_space<vmem>>, vector<16xf32>,
          %add3A_236 = arith.constant 32 : i32
          %add3A_237 = vector.broadcast %add3A_236 : i32 to vector<16xi32>
          %add3A_238 = arith.addi %iota3A, %add3A_237 : vector<16xi32>
          %gather3A_239 = arith.constant 0 : i32
          %gather3A_240 = arith.constant 0 : i32
          %gather3A_241 = tpu.memref_slice %arg9[%rem3A_157, %gather3A_239, %gather3A_240] : memref<10x64x128xf32, #tpu.memory_space<vmem>> -> memref<1x64x128xf32, #tpu.memory_space<vmem>>
          %gather3A_242 = tpu.memref_squeeze %gather3A_241 : memref<1x64x128xf32, #tpu.memory_space<vmem>> -> memref<64x128xf32, #tpu.memory_space<vmem>>
          %gather3A_243 = tpu.vector_load_idx %gather3A_242[%add3A_238, %add3A_208] : memref<64x128xf32, #tpu.memory_space<vmem>>[vector<16xi32>, vector<16xi32>], vector<16xf32>,
          %mul3A_244 = arith.constant 64 : i32
          %mul3A_245 = arith.muli %add3A_202, %mul3A_244 : i32
          %add3A_246 = arith.constant 32 : i32
          %add3A_247 = arith.addi %mul3A_245, %add3A_246 : i32
          %swap3A_248 = arith.index_cast %add3A_247 : i32 to index
          %swap3A_249 = tpu.vector_load %arg10[%swap3A_248] {strides = array<i32>} : memref<32768xf32, #tpu.memory_space<vmem>>, vector<16xf32>,
          tpu.vector_store %arg10[%swap3A_248], %gather3A_243 {strides = array<i32>} : memref<32768xf32, #tpu.memory_space<vmem>>, vector<16xf32>,
          %add3A_250 = arith.constant 48 : i32
          %add3A_251 = vector.broadcast %add3A_250 : i32 to vector<16xi32>
          %add3A_252 = arith.addi %iota3A, %add3A_251 : vector<16xi32>
          %gather3A_253 = arith.constant 0 : i32
          %gather3A_254 = arith.constant 0 : i32
          %gather3A_255 = tpu.memref_slice %arg9[%rem3A_157, %gather3A_253, %gather3A_254] : memref<10x64x128xf32, #tpu.memory_space<vmem>> -> memref<1x64x128xf32, #tpu.memory_space<vmem>>
          %gather3A_256 = tpu.memref_squeeze %gather3A_255 : memref<1x64x128xf32, #tpu.memory_space<vmem>> -> memref<64x128xf32, #tpu.memory_space<vmem>>
          %gather3A_257 = tpu.vector_load_idx %gather3A_256[%add3A_252, %add3A_208] : memref<64x128xf32, #tpu.memory_space<vmem>>[vector<16xi32>, vector<16xi32>], vector<16xf32>,
          %mul3A_258 = arith.constant 64 : i32
          %mul3A_259 = arith.muli %add3A_202, %mul3A_258 : i32
          %add3A_260 = arith.constant 48 : i32
          %add3A_261 = arith.addi %mul3A_259, %add3A_260 : i32
          %swap3A_262 = arith.index_cast %add3A_261 : i32 to index
          %swap3A_263 = tpu.vector_load %arg10[%swap3A_262] {strides = array<i32>} : memref<32768xf32, #tpu.memory_space<vmem>>, vector<16xf32>,
          tpu.vector_store %arg10[%swap3A_262], %gather3A_257 {strides = array<i32>} : memref<32768xf32, #tpu.memory_space<vmem>>, vector<16xf32>,
        }
        %while3A_193 = arith.constant 1 : i32
        scf.for %while3A_200 = %while3A_191 to %while3A_187 step %while3A_193  : i32 {
          %mul3A_201 = arith.muli %while3A_200, %while3A_184 : i32
          %add3A_202 = arith.addi %get3A_172, %mul3A_201 : i32
          %get3A_203 = arith.index_cast %add3A_202 : i32 to index
          %get3A_204 = memref.load %arg5[%get3A_203] : memref<512xi32, #tpu.memory_space<smem>>
          %and3A = arith.constant 127 : i32
          %and3A_205 = arith.andi %get3A_204, %and3A : i32
          %broadcast_in_dim3A = arith.constant 0 : i32
          %broadcast_in_dim3A_206 = vector.broadcast %broadcast_in_dim3A : i32 to vector<16xi32>
          %add3A_207 = vector.broadcast %and3A_205 : i32 to vector<16xi32>
          %add3A_208 = arith.addi %broadcast_in_dim3A_206, %add3A_207 : vector<16xi32>
          %add3A_209 = arith.constant 0 : i32
          %add3A_210 = vector.broadcast %add3A_209 : i32 to vector<16xi32>
          %add3A_211 = arith.addi %iota3A, %add3A_210 : vector<16xi32>
          %gather3A = arith.constant 0 : i32
          %gather3A_212 = arith.constant 0 : i32
          %gather3A_213 = tpu.memref_slice %arg9[%rem3A_157, %gather3A, %gather3A_212] : memref<10x64x128xf32, #tpu.memory_space<vmem>> -> memref<1x64x128xf32, #tpu.memory_space<vmem>>
          %gather3A_214 = tpu.memref_squeeze %gather3A_213 : memref<1x64x128xf32, #tpu.memory_space<vmem>> -> memref<64x128xf32, #tpu.memory_space<vmem>>
          %gather3A_215 = tpu.vector_load_idx %gather3A_214[%add3A_211, %add3A_208] : memref<64x128xf32, #tpu.memory_space<vmem>>[vector<16xi32>, vector<16xi32>], vector<16xf32>,
          %mul3A_216 = arith.constant 64 : i32
          %mul3A_217 = arith.muli %add3A_202, %mul3A_216 : i32
          %add3A_218 = arith.constant 0 : i32
          %add3A_219 = arith.addi %mul3A_217, %add3A_218 : i32
          %swap3A_220 = arith.index_cast %add3A_219 : i32 to index
          %swap3A_221 = tpu.vector_load %arg10[%swap3A_220] {strides = array<i32>} : memref<32768xf32, #tpu.memory_space<vmem>>, vector<16xf32>,
          tpu.vector_store %arg10[%swap3A_220], %gather3A_215 {strides = array<i32>} : memref<32768xf32, #tpu.memory_space<vmem>>, vector<16xf32>,
          %add3A_222 = arith.constant 16 : i32
          %add3A_223 = vector.broadcast %add3A_222 : i32 to vector<16xi32>
          %add3A_224 = arith.addi %iota3A, %add3A_223 : vector<16xi32>
          %gather3A_225 = arith.constant 0 : i32
          %gather3A_226 = arith.constant 0 : i32
          %gather3A_227 = tpu.memref_slice %arg9[%rem3A_157, %gather3A_225, %gather3A_226] : memref<10x64x128xf32, #tpu.memory_space<vmem>> -> memref<1x64x128xf32, #tpu.memory_space<vmem>>
          %gather3A_228 = tpu.memref_squeeze %gather3A_227 : memref<1x64x128xf32, #tpu.memory_space<vmem>> -> memref<64x128xf32, #tpu.memory_space<vmem>>
          %gather3A_229 = tpu.vector_load_idx %gather3A_228[%add3A_224, %add3A_208] : memref<64x128xf32, #tpu.memory_space<vmem>>[vector<16xi32>, vector<16xi32>], vector<16xf32>,
          %mul3A_230 = arith.constant 64 : i32
          %mul3A_231 = arith.muli %add3A_202, %mul3A_230 : i32
          %add3A_232 = arith.constant 16 : i32
          %add3A_233 = arith.addi %mul3A_231, %add3A_232 : i32
          %swap3A_234 = arith.index_cast %add3A_233 : i32 to index
          %swap3A_235 = tpu.vector_load %arg10[%swap3A_234] {strides = array<i32>} : memref<32768xf32, #tpu.memory_space<vmem>>, vector<16xf32>,
          tpu.vector_store %arg10[%swap3A_234], %gather3A_229 {strides = array<i32>} : memref<32768xf32, #tpu.memory_space<vmem>>, vector<16xf32>,
          %add3A_236 = arith.constant 32 : i32
          %add3A_237 = vector.broadcast %add3A_236 : i32 to vector<16xi32>
          %add3A_238 = arith.addi %iota3A, %add3A_237 : vector<16xi32>
          %gather3A_239 = arith.constant 0 : i32
          %gather3A_240 = arith.constant 0 : i32
          %gather3A_241 = tpu.memref_slice %arg9[%rem3A_157, %gather3A_239, %gather3A_240] : memref<10x64x128xf32, #tpu.memory_space<vmem>> -> memref<1x64x128xf32, #tpu.memory_space<vmem>>
          %gather3A_242 = tpu.memref_squeeze %gather3A_241 : memref<1x64x128xf32, #tpu.memory_space<vmem>> -> memref<64x128xf32, #tpu.memory_space<vmem>>
          %gather3A_243 = tpu.vector_load_idx %gather3A_242[%add3A_238, %add3A_208] : memref<64x128xf32, #tpu.memory_space<vmem>>[vector<16xi32>, vector<16xi32>], vector<16xf32>,
          %mul3A_244 = arith.constant 64 : i32
          %mul3A_245 = arith.muli %add3A_202, %mul3A_244 : i32
          %add3A_246 = arith.constant 32 : i32
          %add3A_247 = arith.addi %mul3A_245, %add3A_246 : i32
          %swap3A_248 = arith.index_cast %add3A_247 : i32 to index
          %swap3A_249 = tpu.vector_load %arg10[%swap3A_248] {strides = array<i32>} : memref<32768xf32, #tpu.memory_space<vmem>>, vector<16xf32>,
          tpu.vector_store %arg10[%swap3A_248], %gather3A_243 {strides = array<i32>} : memref<32768xf32, #tpu.memory_space<vmem>>, vector<16xf32>,
          %add3A_250 = arith.constant 48 : i32
          %add3A_251 = vector.broadcast %add3A_250 : i32 to vector<16xi32>
          %add3A_252 = arith.addi %iota3A, %add3A_251 : vector<16xi32>
          %gather3A_253 = arith.constant 0 : i32
          %gather3A_254 = arith.constant 0 : i32
          %gather3A_255 = tpu.memref_slice %arg9[%rem3A_157, %gather3A_253, %gather3A_254] : memref<10x64x128xf32, #tpu.memory_space<vmem>> -> memref<1x64x128xf32, #tpu.memory_space<vmem>>
          %gather3A_256 = tpu.memref_squeeze %gather3A_255 : memref<1x64x128xf32, #tpu.memory_space<vmem>> -> memref<64x128xf32, #tpu.memory_space<vmem>>
          %gather3A_257 = tpu.vector_load_idx %gather3A_256[%add3A_252, %add3A_208] : memref<64x128xf32, #tpu.memory_space<vmem>>[vector<16xi32>, vector<16xi32>], vector<16xf32>,
          %mul3A_258 = arith.constant 64 : i32
          %mul3A_259 = arith.muli %add3A_202, %mul3A_258 : i32
          %add3A_260 = arith.constant 48 : i32
          %add3A_261 = arith.addi %mul3A_259, %add3A_260 : i32
          %swap3A_262 = arith.index_cast %add3A_261 : i32 to index
          %swap3A_263 = tpu.vector_load %arg10[%swap3A_262] {strides = array<i32>} : memref<32768xf32, #tpu.memory_space<vmem>>, vector<16xf32>,
          tpu.vector_store %arg10[%swap3A_262], %gather3A_257 {strides = array<i32>} : memref<32768xf32, #tpu.memory_space<vmem>>, vector<16xf32>,
        }
        %add3A_194 = arith.constant 10 : i32
        %add3A_195 = arith.addi %add3A_128, %add3A_194 : i32
        %lt3A_196 = arith.cmpi slt, %add3A_195, %scan3A_15#0 : i32
        %convert_element_type3A_197 = arith.extui %lt3A_196 : i1 to i32
        %cond3A_198 = arith.constant 0 : i32
        %cond3A_199 = arith.cmpi ne, %convert_element_type3A_197, %cond3A_198 : i32
        scf.if %cond3A_199 {
          %get3A_200 = arith.index_cast %add3A_195 : i32 to index
          %get3A_201 = memref.load %arg6[%get3A_200] : memref<512xi32, #tpu.memory_space<smem>>
          %mul3A_202 = arith.constant 128 : i32
          %mul3A_203 = arith.muli %get3A_201, %mul3A_202 : i32
          %rem3A_204 = arith.constant 10 : i32
          %rem3A_205 = arith.remsi %add3A_195, %rem3A_204 : i32
          %dma_start3A_206 = arith.constant 0 : i32
          %dma_start3A_207 = arith.constant 0 : i32
          %dma_start3A_208 = tpu.memref_slice %arg9[%rem3A_205, %dma_start3A_206, %dma_start3A_207] : memref<10x64x128xf32, #tpu.memory_space<vmem>> -> memref<1x64x128xf32, #tpu.memory_space<vmem>>
          %dma_start3A_209 = tpu.memref_squeeze %dma_start3A_208 : memref<1x64x128xf32, #tpu.memory_space<vmem>> -> memref<64x128xf32, #tpu.memory_space<vmem>>
          %dma_start3A_210 = arith.constant 0 : i32
          %dma_start3A_211 = tpu.memref_slice %arg2[%dma_start3A_210, %mul3A_203] : memref<64x1000001xf32, #tpu.memory_space<hbm>> -> memref<64x128xf32, #tpu.memory_space<hbm>>
          %dma_start3A_212 = arith.constant 0 : i32
          %dma_start3A_213 = arith.constant 0 : i32
          %dma_start3A_214 = tpu.memref_slice %arg9[%rem3A_205, %dma_start3A_212, %dma_start3A_213] : memref<10x64x128xf32, #tpu.memory_space<vmem>> -> memref<1x64x128xf32, #tpu.memory_space<vmem>>
          %dma_start3A_215 = tpu.memref_squeeze %dma_start3A_214 : memref<1x64x128xf32, #tpu.memory_space<vmem>> -> memref<64x128xf32, #tpu.memory_space<vmem>>
          %dma_start3A_216 = arith.constant 0 : i32
          %dma_start3A_217 = tpu.memref_slice %arg2[%dma_start3A_216, %mul3A_203] : memref<64x1000001xf32, #tpu.memory_space<hbm>> -> memref<64x128xf32, #tpu.memory_space<hbm>>
          tpu.enqueue_dma source(%dma_start3A_217 : memref<64x128xf32, #tpu.memory_space<hbm>>) target(%dma_start3A_215 : memref<64x128xf32, #tpu.memory_space<vmem>>) target_semaphore(%arg16 : memref<!tpu.dma_semaphore, #tpu.memory_space<semaphore_mem>>)
        } else {
        }
      } else {
      }
      %add3A_133 = arith.constant 6 : i32
      %add3A_134 = arith.addi %add3A_96, %add3A_133 : i32
      %lt3A_135 = arith.cmpi slt, %add3A_134, %scan3A_15#0 : i32
      %convert_element_type3A_136 = arith.extui %lt3A_135 : i1 to i32
      %cond3A_137 = arith.constant 0 : i32
      %cond3A_138 = arith.cmpi ne, %convert_element_type3A_136, %cond3A_137 : i32
      scf.if %cond3A_138 {
        %rem3A = arith.constant 10 : i32
        %rem3A_157 = arith.remsi %add3A_134, %rem3A : i32
        %dma_wait3A_158 = arith.constant 0 : i32
        %dma_wait3A_159 = arith.constant 0 : i32
        %dma_wait3A_160 = tpu.memref_slice %arg9[%rem3A_157, %dma_wait3A_158, %dma_wait3A_159] : memref<10x64x128xf32, #tpu.memory_space<vmem>> -> memref<1x64x128xf32, #tpu.memory_space<vmem>>
        %dma_wait3A_161 = tpu.memref_squeeze %dma_wait3A_160 : memref<1x64x128xf32, #tpu.memory_space<vmem>> -> memref<64x128xf32, #tpu.memory_space<vmem>>
        %dma_wait3A_162 = arith.constant 0 : i32
        %dma_wait3A_163 = arith.constant 0 : i32
        %dma_wait3A_164 = tpu.memref_slice %arg2[%dma_wait3A_162, %dma_wait3A_163] : memref<64x1000001xf32, #tpu.memory_space<hbm>> -> memref<64x128xf32, #tpu.memory_space<hbm>>
        %dma_wait3A_165 = arith.constant 0 : i32
        %dma_wait3A_166 = arith.constant 0 : i32
        %dma_wait3A_167 = tpu.memref_slice %arg9[%rem3A_157, %dma_wait3A_165, %dma_wait3A_166] : memref<10x64x128xf32, #tpu.memory_space<vmem>> -> memref<1x64x128xf32, #tpu.memory_space<vmem>>
        %dma_wait3A_168 = tpu.memref_squeeze %dma_wait3A_167 : memref<1x64x128xf32, #tpu.memory_space<vmem>> -> memref<64x128xf32, #tpu.memory_space<vmem>>
        %dma_wait3A_169 = arith.constant 0 : i32
        %dma_wait3A_170 = arith.constant 0 : i32
        %dma_wait3A_171 = tpu.memref_slice %arg2[%dma_wait3A_169, %dma_wait3A_170] : memref<64x1000001xf32, #tpu.memory_space<hbm>> -> memref<64x128xf32, #tpu.memory_space<hbm>>
        tpu.wait_dma2 semaphore(%arg17 : memref<!tpu.dma_semaphore, #tpu.memory_space<semaphore_mem>>) src(%dma_wait3A_171 : memref<64x128xf32, #tpu.memory_space<hbm>>) dst(%dma_wait3A_168 : memref<64x128xf32, #tpu.memory_space<vmem>>)
        %get3A = arith.index_cast %add3A_134 : i32 to index
        %get3A_172 = memref.load %arg7[%get3A] : memref<513xi32, #tpu.memory_space<smem>>
        %add3A_173 = arith.constant 1 : i32
        %add3A_174 = arith.addi %add3A_134, %add3A_173 : i32
        %get3A_175 = arith.index_cast %add3A_174 : i32 to index
        %get3A_176 = memref.load %arg7[%get3A_175] : memref<513xi32, #tpu.memory_space<smem>>
        %sub3A_177 = arith.subi %get3A_176, %get3A_172 : i32
        %sub3A_178 = arith.constant 1 : i32
        %sub3A_179 = arith.constant 1 : i32
        %sub3A_180 = arith.subi %sub3A_178, %sub3A_179 : i32
        %add3A_181 = arith.addi %sub3A_177, %sub3A_180 : i32
        %div3A_182 = arith.constant 1 : i32
        %div3A_183 = arith.divsi %add3A_181, %div3A_182 : i32
        %while3A_184 = arith.constant 1 : i32
        %while3A_185 = arith.constant 0 : i32
        %while3A_186 = arith.subi %div3A_183, %while3A_185 : i32
        %while3A_187 = arith.addi %while3A_185, %while3A_186 : i32
        %while3A_188 = arith.constant 1 : i32
        %while3A_189 = arith.divsi %while3A_186, %while3A_188 : i32
        %while3A_190 = arith.muli %while3A_189, %while3A_188 : i32
        %while3A_191 = arith.addi %while3A_185, %while3A_190 : i32
        %while3A_192 = arith.constant 1 : i32
        scf.for %while3A_200 = %while3A_185 to %while3A_191 step %while3A_192  : i32 {
          %mul3A_201 = arith.muli %while3A_200, %while3A_184 : i32
          %add3A_202 = arith.addi %get3A_172, %mul3A_201 : i32
          %get3A_203 = arith.index_cast %add3A_202 : i32 to index
          %get3A_204 = memref.load %arg5[%get3A_203] : memref<512xi32, #tpu.memory_space<smem>>
          %and3A = arith.constant 127 : i32
          %and3A_205 = arith.andi %get3A_204, %and3A : i32
          %broadcast_in_dim3A = arith.constant 0 : i32
          %broadcast_in_dim3A_206 = vector.broadcast %broadcast_in_dim3A : i32 to vector<16xi32>
          %add3A_207 = vector.broadcast %and3A_205 : i32 to vector<16xi32>
          %add3A_208 = arith.addi %broadcast_in_dim3A_206, %add3A_207 : vector<16xi32>
          %add3A_209 = arith.constant 0 : i32
          %add3A_210 = vector.broadcast %add3A_209 : i32 to vector<16xi32>
          %add3A_211 = arith.addi %iota3A, %add3A_210 : vector<16xi32>
          %gather3A = arith.constant 0 : i32
          %gather3A_212 = arith.constant 0 : i32
          %gather3A_213 = tpu.memref_slice %arg9[%rem3A_157, %gather3A, %gather3A_212] : memref<10x64x128xf32, #tpu.memory_space<vmem>> -> memref<1x64x128xf32, #tpu.memory_space<vmem>>
          %gather3A_214 = tpu.memref_squeeze %gather3A_213 : memref<1x64x128xf32, #tpu.memory_space<vmem>> -> memref<64x128xf32, #tpu.memory_space<vmem>>
          %gather3A_215 = tpu.vector_load_idx %gather3A_214[%add3A_211, %add3A_208] : memref<64x128xf32, #tpu.memory_space<vmem>>[vector<16xi32>, vector<16xi32>], vector<16xf32>,
          %mul3A_216 = arith.constant 64 : i32
          %mul3A_217 = arith.muli %add3A_202, %mul3A_216 : i32
          %add3A_218 = arith.constant 0 : i32
          %add3A_219 = arith.addi %mul3A_217, %add3A_218 : i32
          %swap3A_220 = arith.index_cast %add3A_219 : i32 to index
          %swap3A_221 = tpu.vector_load %arg10[%swap3A_220] {strides = array<i32>} : memref<32768xf32, #tpu.memory_space<vmem>>, vector<16xf32>,
          tpu.vector_store %arg10[%swap3A_220], %gather3A_215 {strides = array<i32>} : memref<32768xf32, #tpu.memory_space<vmem>>, vector<16xf32>,
          %add3A_222 = arith.constant 16 : i32
          %add3A_223 = vector.broadcast %add3A_222 : i32 to vector<16xi32>
          %add3A_224 = arith.addi %iota3A, %add3A_223 : vector<16xi32>
          %gather3A_225 = arith.constant 0 : i32
          %gather3A_226 = arith.constant 0 : i32
          %gather3A_227 = tpu.memref_slice %arg9[%rem3A_157, %gather3A_225, %gather3A_226] : memref<10x64x128xf32, #tpu.memory_space<vmem>> -> memref<1x64x128xf32, #tpu.memory_space<vmem>>
          %gather3A_228 = tpu.memref_squeeze %gather3A_227 : memref<1x64x128xf32, #tpu.memory_space<vmem>> -> memref<64x128xf32, #tpu.memory_space<vmem>>
          %gather3A_229 = tpu.vector_load_idx %gather3A_228[%add3A_224, %add3A_208] : memref<64x128xf32, #tpu.memory_space<vmem>>[vector<16xi32>, vector<16xi32>], vector<16xf32>,
          %mul3A_230 = arith.constant 64 : i32
          %mul3A_231 = arith.muli %add3A_202, %mul3A_230 : i32
          %add3A_232 = arith.constant 16 : i32
          %add3A_233 = arith.addi %mul3A_231, %add3A_232 : i32
          %swap3A_234 = arith.index_cast %add3A_233 : i32 to index
          %swap3A_235 = tpu.vector_load %arg10[%swap3A_234] {strides = array<i32>} : memref<32768xf32, #tpu.memory_space<vmem>>, vector<16xf32>,
          tpu.vector_store %arg10[%swap3A_234], %gather3A_229 {strides = array<i32>} : memref<32768xf32, #tpu.memory_space<vmem>>, vector<16xf32>,
          %add3A_236 = arith.constant 32 : i32
          %add3A_237 = vector.broadcast %add3A_236 : i32 to vector<16xi32>
          %add3A_238 = arith.addi %iota3A, %add3A_237 : vector<16xi32>
          %gather3A_239 = arith.constant 0 : i32
          %gather3A_240 = arith.constant 0 : i32
          %gather3A_241 = tpu.memref_slice %arg9[%rem3A_157, %gather3A_239, %gather3A_240] : memref<10x64x128xf32, #tpu.memory_space<vmem>> -> memref<1x64x128xf32, #tpu.memory_space<vmem>>
          %gather3A_242 = tpu.memref_squeeze %gather3A_241 : memref<1x64x128xf32, #tpu.memory_space<vmem>> -> memref<64x128xf32, #tpu.memory_space<vmem>>
          %gather3A_243 = tpu.vector_load_idx %gather3A_242[%add3A_238, %add3A_208] : memref<64x128xf32, #tpu.memory_space<vmem>>[vector<16xi32>, vector<16xi32>], vector<16xf32>,
          %mul3A_244 = arith.constant 64 : i32
          %mul3A_245 = arith.muli %add3A_202, %mul3A_244 : i32
          %add3A_246 = arith.constant 32 : i32
          %add3A_247 = arith.addi %mul3A_245, %add3A_246 : i32
          %swap3A_248 = arith.index_cast %add3A_247 : i32 to index
          %swap3A_249 = tpu.vector_load %arg10[%swap3A_248] {strides = array<i32>} : memref<32768xf32, #tpu.memory_space<vmem>>, vector<16xf32>,
          tpu.vector_store %arg10[%swap3A_248], %gather3A_243 {strides = array<i32>} : memref<32768xf32, #tpu.memory_space<vmem>>, vector<16xf32>,
          %add3A_250 = arith.constant 48 : i32
          %add3A_251 = vector.broadcast %add3A_250 : i32 to vector<16xi32>
          %add3A_252 = arith.addi %iota3A, %add3A_251 : vector<16xi32>
          %gather3A_253 = arith.constant 0 : i32
          %gather3A_254 = arith.constant 0 : i32
          %gather3A_255 = tpu.memref_slice %arg9[%rem3A_157, %gather3A_253, %gather3A_254] : memref<10x64x128xf32, #tpu.memory_space<vmem>> -> memref<1x64x128xf32, #tpu.memory_space<vmem>>
          %gather3A_256 = tpu.memref_squeeze %gather3A_255 : memref<1x64x128xf32, #tpu.memory_space<vmem>> -> memref<64x128xf32, #tpu.memory_space<vmem>>
          %gather3A_257 = tpu.vector_load_idx %gather3A_256[%add3A_252, %add3A_208] : memref<64x128xf32, #tpu.memory_space<vmem>>[vector<16xi32>, vector<16xi32>], vector<16xf32>,
          %mul3A_258 = arith.constant 64 : i32
          %mul3A_259 = arith.muli %add3A_202, %mul3A_258 : i32
          %add3A_260 = arith.constant 48 : i32
          %add3A_261 = arith.addi %mul3A_259, %add3A_260 : i32
          %swap3A_262 = arith.index_cast %add3A_261 : i32 to index
          %swap3A_263 = tpu.vector_load %arg10[%swap3A_262] {strides = array<i32>} : memref<32768xf32, #tpu.memory_space<vmem>>, vector<16xf32>,
          tpu.vector_store %arg10[%swap3A_262], %gather3A_257 {strides = array<i32>} : memref<32768xf32, #tpu.memory_space<vmem>>, vector<16xf32>,
        }
        %while3A_193 = arith.constant 1 : i32
        scf.for %while3A_200 = %while3A_191 to %while3A_187 step %while3A_193  : i32 {
          %mul3A_201 = arith.muli %while3A_200, %while3A_184 : i32
          %add3A_202 = arith.addi %get3A_172, %mul3A_201 : i32
          %get3A_203 = arith.index_cast %add3A_202 : i32 to index
          %get3A_204 = memref.load %arg5[%get3A_203] : memref<512xi32, #tpu.memory_space<smem>>
          %and3A = arith.constant 127 : i32
          %and3A_205 = arith.andi %get3A_204, %and3A : i32
          %broadcast_in_dim3A = arith.constant 0 : i32
          %broadcast_in_dim3A_206 = vector.broadcast %broadcast_in_dim3A : i32 to vector<16xi32>
          %add3A_207 = vector.broadcast %and3A_205 : i32 to vector<16xi32>
          %add3A_208 = arith.addi %broadcast_in_dim3A_206, %add3A_207 : vector<16xi32>
          %add3A_209 = arith.constant 0 : i32
          %add3A_210 = vector.broadcast %add3A_209 : i32 to vector<16xi32>
          %add3A_211 = arith.addi %iota3A, %add3A_210 : vector<16xi32>
          %gather3A = arith.constant 0 : i32
          %gather3A_212 = arith.constant 0 : i32
          %gather3A_213 = tpu.memref_slice %arg9[%rem3A_157, %gather3A, %gather3A_212] : memref<10x64x128xf32, #tpu.memory_space<vmem>> -> memref<1x64x128xf32, #tpu.memory_space<vmem>>
          %gather3A_214 = tpu.memref_squeeze %gather3A_213 : memref<1x64x128xf32, #tpu.memory_space<vmem>> -> memref<64x128xf32, #tpu.memory_space<vmem>>
          %gather3A_215 = tpu.vector_load_idx %gather3A_214[%add3A_211, %add3A_208] : memref<64x128xf32, #tpu.memory_space<vmem>>[vector<16xi32>, vector<16xi32>], vector<16xf32>,
          %mul3A_216 = arith.constant 64 : i32
          %mul3A_217 = arith.muli %add3A_202, %mul3A_216 : i32
          %add3A_218 = arith.constant 0 : i32
          %add3A_219 = arith.addi %mul3A_217, %add3A_218 : i32
          %swap3A_220 = arith.index_cast %add3A_219 : i32 to index
          %swap3A_221 = tpu.vector_load %arg10[%swap3A_220] {strides = array<i32>} : memref<32768xf32, #tpu.memory_space<vmem>>, vector<16xf32>,
          tpu.vector_store %arg10[%swap3A_220], %gather3A_215 {strides = array<i32>} : memref<32768xf32, #tpu.memory_space<vmem>>, vector<16xf32>,
          %add3A_222 = arith.constant 16 : i32
          %add3A_223 = vector.broadcast %add3A_222 : i32 to vector<16xi32>
          %add3A_224 = arith.addi %iota3A, %add3A_223 : vector<16xi32>
          %gather3A_225 = arith.constant 0 : i32
          %gather3A_226 = arith.constant 0 : i32
          %gather3A_227 = tpu.memref_slice %arg9[%rem3A_157, %gather3A_225, %gather3A_226] : memref<10x64x128xf32, #tpu.memory_space<vmem>> -> memref<1x64x128xf32, #tpu.memory_space<vmem>>
          %gather3A_228 = tpu.memref_squeeze %gather3A_227 : memref<1x64x128xf32, #tpu.memory_space<vmem>> -> memref<64x128xf32, #tpu.memory_space<vmem>>
          %gather3A_229 = tpu.vector_load_idx %gather3A_228[%add3A_224, %add3A_208] : memref<64x128xf32, #tpu.memory_space<vmem>>[vector<16xi32>, vector<16xi32>], vector<16xf32>,
          %mul3A_230 = arith.constant 64 : i32
          %mul3A_231 = arith.muli %add3A_202, %mul3A_230 : i32
          %add3A_232 = arith.constant 16 : i32
          %add3A_233 = arith.addi %mul3A_231, %add3A_232 : i32
          %swap3A_234 = arith.index_cast %add3A_233 : i32 to index
          %swap3A_235 = tpu.vector_load %arg10[%swap3A_234] {strides = array<i32>} : memref<32768xf32, #tpu.memory_space<vmem>>, vector<16xf32>,
          tpu.vector_store %arg10[%swap3A_234], %gather3A_229 {strides = array<i32>} : memref<32768xf32, #tpu.memory_space<vmem>>, vector<16xf32>,
          %add3A_236 = arith.constant 32 : i32
          %add3A_237 = vector.broadcast %add3A_236 : i32 to vector<16xi32>
          %add3A_238 = arith.addi %iota3A, %add3A_237 : vector<16xi32>
          %gather3A_239 = arith.constant 0 : i32
          %gather3A_240 = arith.constant 0 : i32
          %gather3A_241 = tpu.memref_slice %arg9[%rem3A_157, %gather3A_239, %gather3A_240] : memref<10x64x128xf32, #tpu.memory_space<vmem>> -> memref<1x64x128xf32, #tpu.memory_space<vmem>>
          %gather3A_242 = tpu.memref_squeeze %gather3A_241 : memref<1x64x128xf32, #tpu.memory_space<vmem>> -> memref<64x128xf32, #tpu.memory_space<vmem>>
          %gather3A_243 = tpu.vector_load_idx %gather3A_242[%add3A_238, %add3A_208] : memref<64x128xf32, #tpu.memory_space<vmem>>[vector<16xi32>, vector<16xi32>], vector<16xf32>,
          %mul3A_244 = arith.constant 64 : i32
          %mul3A_245 = arith.muli %add3A_202, %mul3A_244 : i32
          %add3A_246 = arith.constant 32 : i32
          %add3A_247 = arith.addi %mul3A_245, %add3A_246 : i32
          %swap3A_248 = arith.index_cast %add3A_247 : i32 to index
          %swap3A_249 = tpu.vector_load %arg10[%swap3A_248] {strides = array<i32>} : memref<32768xf32, #tpu.memory_space<vmem>>, vector<16xf32>,
          tpu.vector_store %arg10[%swap3A_248], %gather3A_243 {strides = array<i32>} : memref<32768xf32, #tpu.memory_space<vmem>>, vector<16xf32>,
          %add3A_250 = arith.constant 48 : i32
          %add3A_251 = vector.broadcast %add3A_250 : i32 to vector<16xi32>
          %add3A_252 = arith.addi %iota3A, %add3A_251 : vector<16xi32>
          %gather3A_253 = arith.constant 0 : i32
          %gather3A_254 = arith.constant 0 : i32
          %gather3A_255 = tpu.memref_slice %arg9[%rem3A_157, %gather3A_253, %gather3A_254] : memref<10x64x128xf32, #tpu.memory_space<vmem>> -> memref<1x64x128xf32, #tpu.memory_space<vmem>>
          %gather3A_256 = tpu.memref_squeeze %gather3A_255 : memref<1x64x128xf32, #tpu.memory_space<vmem>> -> memref<64x128xf32, #tpu.memory_space<vmem>>
          %gather3A_257 = tpu.vector_load_idx %gather3A_256[%add3A_252, %add3A_208] : memref<64x128xf32, #tpu.memory_space<vmem>>[vector<16xi32>, vector<16xi32>], vector<16xf32>,
          %mul3A_258 = arith.constant 64 : i32
          %mul3A_259 = arith.muli %add3A_202, %mul3A_258 : i32
          %add3A_260 = arith.constant 48 : i32
          %add3A_261 = arith.addi %mul3A_259, %add3A_260 : i32
          %swap3A_262 = arith.index_cast %add3A_261 : i32 to index
          %swap3A_263 = tpu.vector_load %arg10[%swap3A_262] {strides = array<i32>} : memref<32768xf32, #tpu.memory_space<vmem>>, vector<16xf32>,
          tpu.vector_store %arg10[%swap3A_262], %gather3A_257 {strides = array<i32>} : memref<32768xf32, #tpu.memory_space<vmem>>, vector<16xf32>,
        }
        %add3A_194 = arith.constant 10 : i32
        %add3A_195 = arith.addi %add3A_134, %add3A_194 : i32
        %lt3A_196 = arith.cmpi slt, %add3A_195, %scan3A_15#0 : i32
        %convert_element_type3A_197 = arith.extui %lt3A_196 : i1 to i32
        %cond3A_198 = arith.constant 0 : i32
        %cond3A_199 = arith.cmpi ne, %convert_element_type3A_197, %cond3A_198 : i32
        scf.if %cond3A_199 {
          %get3A_200 = arith.index_cast %add3A_195 : i32 to index
          %get3A_201 = memref.load %arg6[%get3A_200] : memref<512xi32, #tpu.memory_space<smem>>
          %mul3A_202 = arith.constant 128 : i32
          %mul3A_203 = arith.muli %get3A_201, %mul3A_202 : i32
          %rem3A_204 = arith.constant 10 : i32
          %rem3A_205 = arith.remsi %add3A_195, %rem3A_204 : i32
          %dma_start3A_206 = arith.constant 0 : i32
          %dma_start3A_207 = arith.constant 0 : i32
          %dma_start3A_208 = tpu.memref_slice %arg9[%rem3A_205, %dma_start3A_206, %dma_start3A_207] : memref<10x64x128xf32, #tpu.memory_space<vmem>> -> memref<1x64x128xf32, #tpu.memory_space<vmem>>
          %dma_start3A_209 = tpu.memref_squeeze %dma_start3A_208 : memref<1x64x128xf32, #tpu.memory_space<vmem>> -> memref<64x128xf32, #tpu.memory_space<vmem>>
          %dma_start3A_210 = arith.constant 0 : i32
          %dma_start3A_211 = tpu.memref_slice %arg2[%dma_start3A_210, %mul3A_203] : memref<64x1000001xf32, #tpu.memory_space<hbm>> -> memref<64x128xf32, #tpu.memory_space<hbm>>
          %dma_start3A_212 = arith.constant 0 : i32
          %dma_start3A_213 = arith.constant 0 : i32
          %dma_start3A_214 = tpu.memref_slice %arg9[%rem3A_205, %dma_start3A_212, %dma_start3A_213] : memref<10x64x128xf32, #tpu.memory_space<vmem>> -> memref<1x64x128xf32, #tpu.memory_space<vmem>>
          %dma_start3A_215 = tpu.memref_squeeze %dma_start3A_214 : memref<1x64x128xf32, #tpu.memory_space<vmem>> -> memref<64x128xf32, #tpu.memory_space<vmem>>
          %dma_start3A_216 = arith.constant 0 : i32
          %dma_start3A_217 = tpu.memref_slice %arg2[%dma_start3A_216, %mul3A_203] : memref<64x1000001xf32, #tpu.memory_space<hbm>> -> memref<64x128xf32, #tpu.memory_space<hbm>>
          tpu.enqueue_dma source(%dma_start3A_217 : memref<64x128xf32, #tpu.memory_space<hbm>>) target(%dma_start3A_215 : memref<64x128xf32, #tpu.memory_space<vmem>>) target_semaphore(%arg17 : memref<!tpu.dma_semaphore, #tpu.memory_space<semaphore_mem>>)
        } else {
        }
      } else {
      }
      %add3A_139 = arith.constant 7 : i32
      %add3A_140 = arith.addi %add3A_96, %add3A_139 : i32
      %lt3A_141 = arith.cmpi slt, %add3A_140, %scan3A_15#0 : i32
      %convert_element_type3A_142 = arith.extui %lt3A_141 : i1 to i32
      %cond3A_143 = arith.constant 0 : i32
      %cond3A_144 = arith.cmpi ne, %convert_element_type3A_142, %cond3A_143 : i32
      scf.if %cond3A_144 {
        %rem3A = arith.constant 10 : i32
        %rem3A_157 = arith.remsi %add3A_140, %rem3A : i32
        %dma_wait3A_158 = arith.constant 0 : i32
        %dma_wait3A_159 = arith.constant 0 : i32
        %dma_wait3A_160 = tpu.memref_slice %arg9[%rem3A_157, %dma_wait3A_158, %dma_wait3A_159] : memref<10x64x128xf32, #tpu.memory_space<vmem>> -> memref<1x64x128xf32, #tpu.memory_space<vmem>>
        %dma_wait3A_161 = tpu.memref_squeeze %dma_wait3A_160 : memref<1x64x128xf32, #tpu.memory_space<vmem>> -> memref<64x128xf32, #tpu.memory_space<vmem>>
        %dma_wait3A_162 = arith.constant 0 : i32
        %dma_wait3A_163 = arith.constant 0 : i32
        %dma_wait3A_164 = tpu.memref_slice %arg2[%dma_wait3A_162, %dma_wait3A_163] : memref<64x1000001xf32, #tpu.memory_space<hbm>> -> memref<64x128xf32, #tpu.memory_space<hbm>>
        %dma_wait3A_165 = arith.constant 0 : i32
        %dma_wait3A_166 = arith.constant 0 : i32
        %dma_wait3A_167 = tpu.memref_slice %arg9[%rem3A_157, %dma_wait3A_165, %dma_wait3A_166] : memref<10x64x128xf32, #tpu.memory_space<vmem>> -> memref<1x64x128xf32, #tpu.memory_space<vmem>>
        %dma_wait3A_168 = tpu.memref_squeeze %dma_wait3A_167 : memref<1x64x128xf32, #tpu.memory_space<vmem>> -> memref<64x128xf32, #tpu.memory_space<vmem>>
        %dma_wait3A_169 = arith.constant 0 : i32
        %dma_wait3A_170 = arith.constant 0 : i32
        %dma_wait3A_171 = tpu.memref_slice %arg2[%dma_wait3A_169, %dma_wait3A_170] : memref<64x1000001xf32, #tpu.memory_space<hbm>> -> memref<64x128xf32, #tpu.memory_space<hbm>>
        tpu.wait_dma2 semaphore(%arg18 : memref<!tpu.dma_semaphore, #tpu.memory_space<semaphore_mem>>) src(%dma_wait3A_171 : memref<64x128xf32, #tpu.memory_space<hbm>>) dst(%dma_wait3A_168 : memref<64x128xf32, #tpu.memory_space<vmem>>)
        %get3A = arith.index_cast %add3A_140 : i32 to index
        %get3A_172 = memref.load %arg7[%get3A] : memref<513xi32, #tpu.memory_space<smem>>
        %add3A_173 = arith.constant 1 : i32
        %add3A_174 = arith.addi %add3A_140, %add3A_173 : i32
        %get3A_175 = arith.index_cast %add3A_174 : i32 to index
        %get3A_176 = memref.load %arg7[%get3A_175] : memref<513xi32, #tpu.memory_space<smem>>
        %sub3A_177 = arith.subi %get3A_176, %get3A_172 : i32
        %sub3A_178 = arith.constant 1 : i32
        %sub3A_179 = arith.constant 1 : i32
        %sub3A_180 = arith.subi %sub3A_178, %sub3A_179 : i32
        %add3A_181 = arith.addi %sub3A_177, %sub3A_180 : i32
        %div3A_182 = arith.constant 1 : i32
        %div3A_183 = arith.divsi %add3A_181, %div3A_182 : i32
        %while3A_184 = arith.constant 1 : i32
        %while3A_185 = arith.constant 0 : i32
        %while3A_186 = arith.subi %div3A_183, %while3A_185 : i32
        %while3A_187 = arith.addi %while3A_185, %while3A_186 : i32
        %while3A_188 = arith.constant 1 : i32
        %while3A_189 = arith.divsi %while3A_186, %while3A_188 : i32
        %while3A_190 = arith.muli %while3A_189, %while3A_188 : i32
        %while3A_191 = arith.addi %while3A_185, %while3A_190 : i32
        %while3A_192 = arith.constant 1 : i32
        scf.for %while3A_200 = %while3A_185 to %while3A_191 step %while3A_192  : i32 {
          %mul3A_201 = arith.muli %while3A_200, %while3A_184 : i32
          %add3A_202 = arith.addi %get3A_172, %mul3A_201 : i32
          %get3A_203 = arith.index_cast %add3A_202 : i32 to index
          %get3A_204 = memref.load %arg5[%get3A_203] : memref<512xi32, #tpu.memory_space<smem>>
          %and3A = arith.constant 127 : i32
          %and3A_205 = arith.andi %get3A_204, %and3A : i32
          %broadcast_in_dim3A = arith.constant 0 : i32
          %broadcast_in_dim3A_206 = vector.broadcast %broadcast_in_dim3A : i32 to vector<16xi32>
          %add3A_207 = vector.broadcast %and3A_205 : i32 to vector<16xi32>
          %add3A_208 = arith.addi %broadcast_in_dim3A_206, %add3A_207 : vector<16xi32>
          %add3A_209 = arith.constant 0 : i32
          %add3A_210 = vector.broadcast %add3A_209 : i32 to vector<16xi32>
          %add3A_211 = arith.addi %iota3A, %add3A_210 : vector<16xi32>
          %gather3A = arith.constant 0 : i32
          %gather3A_212 = arith.constant 0 : i32
          %gather3A_213 = tpu.memref_slice %arg9[%rem3A_157, %gather3A, %gather3A_212] : memref<10x64x128xf32, #tpu.memory_space<vmem>> -> memref<1x64x128xf32, #tpu.memory_space<vmem>>
          %gather3A_214 = tpu.memref_squeeze %gather3A_213 : memref<1x64x128xf32, #tpu.memory_space<vmem>> -> memref<64x128xf32, #tpu.memory_space<vmem>>
          %gather3A_215 = tpu.vector_load_idx %gather3A_214[%add3A_211, %add3A_208] : memref<64x128xf32, #tpu.memory_space<vmem>>[vector<16xi32>, vector<16xi32>], vector<16xf32>,
          %mul3A_216 = arith.constant 64 : i32
          %mul3A_217 = arith.muli %add3A_202, %mul3A_216 : i32
          %add3A_218 = arith.constant 0 : i32
          %add3A_219 = arith.addi %mul3A_217, %add3A_218 : i32
          %swap3A_220 = arith.index_cast %add3A_219 : i32 to index
          %swap3A_221 = tpu.vector_load %arg10[%swap3A_220] {strides = array<i32>} : memref<32768xf32, #tpu.memory_space<vmem>>, vector<16xf32>,
          tpu.vector_store %arg10[%swap3A_220], %gather3A_215 {strides = array<i32>} : memref<32768xf32, #tpu.memory_space<vmem>>, vector<16xf32>,
          %add3A_222 = arith.constant 16 : i32
          %add3A_223 = vector.broadcast %add3A_222 : i32 to vector<16xi32>
          %add3A_224 = arith.addi %iota3A, %add3A_223 : vector<16xi32>
          %gather3A_225 = arith.constant 0 : i32
          %gather3A_226 = arith.constant 0 : i32
          %gather3A_227 = tpu.memref_slice %arg9[%rem3A_157, %gather3A_225, %gather3A_226] : memref<10x64x128xf32, #tpu.memory_space<vmem>> -> memref<1x64x128xf32, #tpu.memory_space<vmem>>
          %gather3A_228 = tpu.memref_squeeze %gather3A_227 : memref<1x64x128xf32, #tpu.memory_space<vmem>> -> memref<64x128xf32, #tpu.memory_space<vmem>>
          %gather3A_229 = tpu.vector_load_idx %gather3A_228[%add3A_224, %add3A_208] : memref<64x128xf32, #tpu.memory_space<vmem>>[vector<16xi32>, vector<16xi32>], vector<16xf32>,
          %mul3A_230 = arith.constant 64 : i32
          %mul3A_231 = arith.muli %add3A_202, %mul3A_230 : i32
          %add3A_232 = arith.constant 16 : i32
          %add3A_233 = arith.addi %mul3A_231, %add3A_232 : i32
          %swap3A_234 = arith.index_cast %add3A_233 : i32 to index
          %swap3A_235 = tpu.vector_load %arg10[%swap3A_234] {strides = array<i32>} : memref<32768xf32, #tpu.memory_space<vmem>>, vector<16xf32>,
          tpu.vector_store %arg10[%swap3A_234], %gather3A_229 {strides = array<i32>} : memref<32768xf32, #tpu.memory_space<vmem>>, vector<16xf32>,
          %add3A_236 = arith.constant 32 : i32
          %add3A_237 = vector.broadcast %add3A_236 : i32 to vector<16xi32>
          %add3A_238 = arith.addi %iota3A, %add3A_237 : vector<16xi32>
          %gather3A_239 = arith.constant 0 : i32
          %gather3A_240 = arith.constant 0 : i32
          %gather3A_241 = tpu.memref_slice %arg9[%rem3A_157, %gather3A_239, %gather3A_240] : memref<10x64x128xf32, #tpu.memory_space<vmem>> -> memref<1x64x128xf32, #tpu.memory_space<vmem>>
          %gather3A_242 = tpu.memref_squeeze %gather3A_241 : memref<1x64x128xf32, #tpu.memory_space<vmem>> -> memref<64x128xf32, #tpu.memory_space<vmem>>
          %gather3A_243 = tpu.vector_load_idx %gather3A_242[%add3A_238, %add3A_208] : memref<64x128xf32, #tpu.memory_space<vmem>>[vector<16xi32>, vector<16xi32>], vector<16xf32>,
          %mul3A_244 = arith.constant 64 : i32
          %mul3A_245 = arith.muli %add3A_202, %mul3A_244 : i32
          %add3A_246 = arith.constant 32 : i32
          %add3A_247 = arith.addi %mul3A_245, %add3A_246 : i32
          %swap3A_248 = arith.index_cast %add3A_247 : i32 to index
          %swap3A_249 = tpu.vector_load %arg10[%swap3A_248] {strides = array<i32>} : memref<32768xf32, #tpu.memory_space<vmem>>, vector<16xf32>,
          tpu.vector_store %arg10[%swap3A_248], %gather3A_243 {strides = array<i32>} : memref<32768xf32, #tpu.memory_space<vmem>>, vector<16xf32>,
          %add3A_250 = arith.constant 48 : i32
          %add3A_251 = vector.broadcast %add3A_250 : i32 to vector<16xi32>
          %add3A_252 = arith.addi %iota3A, %add3A_251 : vector<16xi32>
          %gather3A_253 = arith.constant 0 : i32
          %gather3A_254 = arith.constant 0 : i32
          %gather3A_255 = tpu.memref_slice %arg9[%rem3A_157, %gather3A_253, %gather3A_254] : memref<10x64x128xf32, #tpu.memory_space<vmem>> -> memref<1x64x128xf32, #tpu.memory_space<vmem>>
          %gather3A_256 = tpu.memref_squeeze %gather3A_255 : memref<1x64x128xf32, #tpu.memory_space<vmem>> -> memref<64x128xf32, #tpu.memory_space<vmem>>
          %gather3A_257 = tpu.vector_load_idx %gather3A_256[%add3A_252, %add3A_208] : memref<64x128xf32, #tpu.memory_space<vmem>>[vector<16xi32>, vector<16xi32>], vector<16xf32>,
          %mul3A_258 = arith.constant 64 : i32
          %mul3A_259 = arith.muli %add3A_202, %mul3A_258 : i32
          %add3A_260 = arith.constant 48 : i32
          %add3A_261 = arith.addi %mul3A_259, %add3A_260 : i32
          %swap3A_262 = arith.index_cast %add3A_261 : i32 to index
          %swap3A_263 = tpu.vector_load %arg10[%swap3A_262] {strides = array<i32>} : memref<32768xf32, #tpu.memory_space<vmem>>, vector<16xf32>,
          tpu.vector_store %arg10[%swap3A_262], %gather3A_257 {strides = array<i32>} : memref<32768xf32, #tpu.memory_space<vmem>>, vector<16xf32>,
        }
        %while3A_193 = arith.constant 1 : i32
        scf.for %while3A_200 = %while3A_191 to %while3A_187 step %while3A_193  : i32 {
          %mul3A_201 = arith.muli %while3A_200, %while3A_184 : i32
          %add3A_202 = arith.addi %get3A_172, %mul3A_201 : i32
          %get3A_203 = arith.index_cast %add3A_202 : i32 to index
          %get3A_204 = memref.load %arg5[%get3A_203] : memref<512xi32, #tpu.memory_space<smem>>
          %and3A = arith.constant 127 : i32
          %and3A_205 = arith.andi %get3A_204, %and3A : i32
          %broadcast_in_dim3A = arith.constant 0 : i32
          %broadcast_in_dim3A_206 = vector.broadcast %broadcast_in_dim3A : i32 to vector<16xi32>
          %add3A_207 = vector.broadcast %and3A_205 : i32 to vector<16xi32>
          %add3A_208 = arith.addi %broadcast_in_dim3A_206, %add3A_207 : vector<16xi32>
          %add3A_209 = arith.constant 0 : i32
          %add3A_210 = vector.broadcast %add3A_209 : i32 to vector<16xi32>
          %add3A_211 = arith.addi %iota3A, %add3A_210 : vector<16xi32>
          %gather3A = arith.constant 0 : i32
          %gather3A_212 = arith.constant 0 : i32
          %gather3A_213 = tpu.memref_slice %arg9[%rem3A_157, %gather3A, %gather3A_212] : memref<10x64x128xf32, #tpu.memory_space<vmem>> -> memref<1x64x128xf32, #tpu.memory_space<vmem>>
          %gather3A_214 = tpu.memref_squeeze %gather3A_213 : memref<1x64x128xf32, #tpu.memory_space<vmem>> -> memref<64x128xf32, #tpu.memory_space<vmem>>
          %gather3A_215 = tpu.vector_load_idx %gather3A_214[%add3A_211, %add3A_208] : memref<64x128xf32, #tpu.memory_space<vmem>>[vector<16xi32>, vector<16xi32>], vector<16xf32>,
          %mul3A_216 = arith.constant 64 : i32
          %mul3A_217 = arith.muli %add3A_202, %mul3A_216 : i32
          %add3A_218 = arith.constant 0 : i32
          %add3A_219 = arith.addi %mul3A_217, %add3A_218 : i32
          %swap3A_220 = arith.index_cast %add3A_219 : i32 to index
          %swap3A_221 = tpu.vector_load %arg10[%swap3A_220] {strides = array<i32>} : memref<32768xf32, #tpu.memory_space<vmem>>, vector<16xf32>,
          tpu.vector_store %arg10[%swap3A_220], %gather3A_215 {strides = array<i32>} : memref<32768xf32, #tpu.memory_space<vmem>>, vector<16xf32>,
          %add3A_222 = arith.constant 16 : i32
          %add3A_223 = vector.broadcast %add3A_222 : i32 to vector<16xi32>
          %add3A_224 = arith.addi %iota3A, %add3A_223 : vector<16xi32>
          %gather3A_225 = arith.constant 0 : i32
          %gather3A_226 = arith.constant 0 : i32
          %gather3A_227 = tpu.memref_slice %arg9[%rem3A_157, %gather3A_225, %gather3A_226] : memref<10x64x128xf32, #tpu.memory_space<vmem>> -> memref<1x64x128xf32, #tpu.memory_space<vmem>>
          %gather3A_228 = tpu.memref_squeeze %gather3A_227 : memref<1x64x128xf32, #tpu.memory_space<vmem>> -> memref<64x128xf32, #tpu.memory_space<vmem>>
          %gather3A_229 = tpu.vector_load_idx %gather3A_228[%add3A_224, %add3A_208] : memref<64x128xf32, #tpu.memory_space<vmem>>[vector<16xi32>, vector<16xi32>], vector<16xf32>,
          %mul3A_230 = arith.constant 64 : i32
          %mul3A_231 = arith.muli %add3A_202, %mul3A_230 : i32
          %add3A_232 = arith.constant 16 : i32
          %add3A_233 = arith.addi %mul3A_231, %add3A_232 : i32
          %swap3A_234 = arith.index_cast %add3A_233 : i32 to index
          %swap3A_235 = tpu.vector_load %arg10[%swap3A_234] {strides = array<i32>} : memref<32768xf32, #tpu.memory_space<vmem>>, vector<16xf32>,
          tpu.vector_store %arg10[%swap3A_234], %gather3A_229 {strides = array<i32>} : memref<32768xf32, #tpu.memory_space<vmem>>, vector<16xf32>,
          %add3A_236 = arith.constant 32 : i32
          %add3A_237 = vector.broadcast %add3A_236 : i32 to vector<16xi32>
          %add3A_238 = arith.addi %iota3A, %add3A_237 : vector<16xi32>
          %gather3A_239 = arith.constant 0 : i32
          %gather3A_240 = arith.constant 0 : i32
          %gather3A_241 = tpu.memref_slice %arg9[%rem3A_157, %gather3A_239, %gather3A_240] : memref<10x64x128xf32, #tpu.memory_space<vmem>> -> memref<1x64x128xf32, #tpu.memory_space<vmem>>
          %gather3A_242 = tpu.memref_squeeze %gather3A_241 : memref<1x64x128xf32, #tpu.memory_space<vmem>> -> memref<64x128xf32, #tpu.memory_space<vmem>>
          %gather3A_243 = tpu.vector_load_idx %gather3A_242[%add3A_238, %add3A_208] : memref<64x128xf32, #tpu.memory_space<vmem>>[vector<16xi32>, vector<16xi32>], vector<16xf32>,
          %mul3A_244 = arith.constant 64 : i32
          %mul3A_245 = arith.muli %add3A_202, %mul3A_244 : i32
          %add3A_246 = arith.constant 32 : i32
          %add3A_247 = arith.addi %mul3A_245, %add3A_246 : i32
          %swap3A_248 = arith.index_cast %add3A_247 : i32 to index
          %swap3A_249 = tpu.vector_load %arg10[%swap3A_248] {strides = array<i32>} : memref<32768xf32, #tpu.memory_space<vmem>>, vector<16xf32>,
          tpu.vector_store %arg10[%swap3A_248], %gather3A_243 {strides = array<i32>} : memref<32768xf32, #tpu.memory_space<vmem>>, vector<16xf32>,
          %add3A_250 = arith.constant 48 : i32
          %add3A_251 = vector.broadcast %add3A_250 : i32 to vector<16xi32>
          %add3A_252 = arith.addi %iota3A, %add3A_251 : vector<16xi32>
          %gather3A_253 = arith.constant 0 : i32
          %gather3A_254 = arith.constant 0 : i32
          %gather3A_255 = tpu.memref_slice %arg9[%rem3A_157, %gather3A_253, %gather3A_254] : memref<10x64x128xf32, #tpu.memory_space<vmem>> -> memref<1x64x128xf32, #tpu.memory_space<vmem>>
          %gather3A_256 = tpu.memref_squeeze %gather3A_255 : memref<1x64x128xf32, #tpu.memory_space<vmem>> -> memref<64x128xf32, #tpu.memory_space<vmem>>
          %gather3A_257 = tpu.vector_load_idx %gather3A_256[%add3A_252, %add3A_208] : memref<64x128xf32, #tpu.memory_space<vmem>>[vector<16xi32>, vector<16xi32>], vector<16xf32>,
          %mul3A_258 = arith.constant 64 : i32
          %mul3A_259 = arith.muli %add3A_202, %mul3A_258 : i32
          %add3A_260 = arith.constant 48 : i32
          %add3A_261 = arith.addi %mul3A_259, %add3A_260 : i32
          %swap3A_262 = arith.index_cast %add3A_261 : i32 to index
          %swap3A_263 = tpu.vector_load %arg10[%swap3A_262] {strides = array<i32>} : memref<32768xf32, #tpu.memory_space<vmem>>, vector<16xf32>,
          tpu.vector_store %arg10[%swap3A_262], %gather3A_257 {strides = array<i32>} : memref<32768xf32, #tpu.memory_space<vmem>>, vector<16xf32>,
        }
        %add3A_194 = arith.constant 10 : i32
        %add3A_195 = arith.addi %add3A_140, %add3A_194 : i32
        %lt3A_196 = arith.cmpi slt, %add3A_195, %scan3A_15#0 : i32
        %convert_element_type3A_197 = arith.extui %lt3A_196 : i1 to i32
        %cond3A_198 = arith.constant 0 : i32
        %cond3A_199 = arith.cmpi ne, %convert_element_type3A_197, %cond3A_198 : i32
        scf.if %cond3A_199 {
          %get3A_200 = arith.index_cast %add3A_195 : i32 to index
          %get3A_201 = memref.load %arg6[%get3A_200] : memref<512xi32, #tpu.memory_space<smem>>
          %mul3A_202 = arith.constant 128 : i32
          %mul3A_203 = arith.muli %get3A_201, %mul3A_202 : i32
          %rem3A_204 = arith.constant 10 : i32
          %rem3A_205 = arith.remsi %add3A_195, %rem3A_204 : i32
          %dma_start3A_206 = arith.constant 0 : i32
          %dma_start3A_207 = arith.constant 0 : i32
          %dma_start3A_208 = tpu.memref_slice %arg9[%rem3A_205, %dma_start3A_206, %dma_start3A_207] : memref<10x64x128xf32, #tpu.memory_space<vmem>> -> memref<1x64x128xf32, #tpu.memory_space<vmem>>
          %dma_start3A_209 = tpu.memref_squeeze %dma_start3A_208 : memref<1x64x128xf32, #tpu.memory_space<vmem>> -> memref<64x128xf32, #tpu.memory_space<vmem>>
          %dma_start3A_210 = arith.constant 0 : i32
          %dma_start3A_211 = tpu.memref_slice %arg2[%dma_start3A_210, %mul3A_203] : memref<64x1000001xf32, #tpu.memory_space<hbm>> -> memref<64x128xf32, #tpu.memory_space<hbm>>
          %dma_start3A_212 = arith.constant 0 : i32
          %dma_start3A_213 = arith.constant 0 : i32
          %dma_start3A_214 = tpu.memref_slice %arg9[%rem3A_205, %dma_start3A_212, %dma_start3A_213] : memref<10x64x128xf32, #tpu.memory_space<vmem>> -> memref<1x64x128xf32, #tpu.memory_space<vmem>>
          %dma_start3A_215 = tpu.memref_squeeze %dma_start3A_214 : memref<1x64x128xf32, #tpu.memory_space<vmem>> -> memref<64x128xf32, #tpu.memory_space<vmem>>
          %dma_start3A_216 = arith.constant 0 : i32
          %dma_start3A_217 = tpu.memref_slice %arg2[%dma_start3A_216, %mul3A_203] : memref<64x1000001xf32, #tpu.memory_space<hbm>> -> memref<64x128xf32, #tpu.memory_space<hbm>>
          tpu.enqueue_dma source(%dma_start3A_217 : memref<64x128xf32, #tpu.memory_space<hbm>>) target(%dma_start3A_215 : memref<64x128xf32, #tpu.memory_space<vmem>>) target_semaphore(%arg18 : memref<!tpu.dma_semaphore, #tpu.memory_space<semaphore_mem>>)
        } else {
        }
      } else {
      }
      %add3A_145 = arith.constant 8 : i32
      %add3A_146 = arith.addi %add3A_96, %add3A_145 : i32
      %lt3A_147 = arith.cmpi slt, %add3A_146, %scan3A_15#0 : i32
      %convert_element_type3A_148 = arith.extui %lt3A_147 : i1 to i32
      %cond3A_149 = arith.constant 0 : i32
      %cond3A_150 = arith.cmpi ne, %convert_element_type3A_148, %cond3A_149 : i32
      scf.if %cond3A_150 {
        %rem3A = arith.constant 10 : i32
        %rem3A_157 = arith.remsi %add3A_146, %rem3A : i32
        %dma_wait3A_158 = arith.constant 0 : i32
        %dma_wait3A_159 = arith.constant 0 : i32
        %dma_wait3A_160 = tpu.memref_slice %arg9[%rem3A_157, %dma_wait3A_158, %dma_wait3A_159] : memref<10x64x128xf32, #tpu.memory_space<vmem>> -> memref<1x64x128xf32, #tpu.memory_space<vmem>>
        %dma_wait3A_161 = tpu.memref_squeeze %dma_wait3A_160 : memref<1x64x128xf32, #tpu.memory_space<vmem>> -> memref<64x128xf32, #tpu.memory_space<vmem>>
        %dma_wait3A_162 = arith.constant 0 : i32
        %dma_wait3A_163 = arith.constant 0 : i32
        %dma_wait3A_164 = tpu.memref_slice %arg2[%dma_wait3A_162, %dma_wait3A_163] : memref<64x1000001xf32, #tpu.memory_space<hbm>> -> memref<64x128xf32, #tpu.memory_space<hbm>>
        %dma_wait3A_165 = arith.constant 0 : i32
        %dma_wait3A_166 = arith.constant 0 : i32
        %dma_wait3A_167 = tpu.memref_slice %arg9[%rem3A_157, %dma_wait3A_165, %dma_wait3A_166] : memref<10x64x128xf32, #tpu.memory_space<vmem>> -> memref<1x64x128xf32, #tpu.memory_space<vmem>>
        %dma_wait3A_168 = tpu.memref_squeeze %dma_wait3A_167 : memref<1x64x128xf32, #tpu.memory_space<vmem>> -> memref<64x128xf32, #tpu.memory_space<vmem>>
        %dma_wait3A_169 = arith.constant 0 : i32
        %dma_wait3A_170 = arith.constant 0 : i32
        %dma_wait3A_171 = tpu.memref_slice %arg2[%dma_wait3A_169, %dma_wait3A_170] : memref<64x1000001xf32, #tpu.memory_space<hbm>> -> memref<64x128xf32, #tpu.memory_space<hbm>>
        tpu.wait_dma2 semaphore(%arg19 : memref<!tpu.dma_semaphore, #tpu.memory_space<semaphore_mem>>) src(%dma_wait3A_171 : memref<64x128xf32, #tpu.memory_space<hbm>>) dst(%dma_wait3A_168 : memref<64x128xf32, #tpu.memory_space<vmem>>)
        %get3A = arith.index_cast %add3A_146 : i32 to index
        %get3A_172 = memref.load %arg7[%get3A] : memref<513xi32, #tpu.memory_space<smem>>
        %add3A_173 = arith.constant 1 : i32
        %add3A_174 = arith.addi %add3A_146, %add3A_173 : i32
        %get3A_175 = arith.index_cast %add3A_174 : i32 to index
        %get3A_176 = memref.load %arg7[%get3A_175] : memref<513xi32, #tpu.memory_space<smem>>
        %sub3A_177 = arith.subi %get3A_176, %get3A_172 : i32
        %sub3A_178 = arith.constant 1 : i32
        %sub3A_179 = arith.constant 1 : i32
        %sub3A_180 = arith.subi %sub3A_178, %sub3A_179 : i32
        %add3A_181 = arith.addi %sub3A_177, %sub3A_180 : i32
        %div3A_182 = arith.constant 1 : i32
        %div3A_183 = arith.divsi %add3A_181, %div3A_182 : i32
        %while3A_184 = arith.constant 1 : i32
        %while3A_185 = arith.constant 0 : i32
        %while3A_186 = arith.subi %div3A_183, %while3A_185 : i32
        %while3A_187 = arith.addi %while3A_185, %while3A_186 : i32
        %while3A_188 = arith.constant 1 : i32
        %while3A_189 = arith.divsi %while3A_186, %while3A_188 : i32
        %while3A_190 = arith.muli %while3A_189, %while3A_188 : i32
        %while3A_191 = arith.addi %while3A_185, %while3A_190 : i32
        %while3A_192 = arith.constant 1 : i32
        scf.for %while3A_200 = %while3A_185 to %while3A_191 step %while3A_192  : i32 {
          %mul3A_201 = arith.muli %while3A_200, %while3A_184 : i32
          %add3A_202 = arith.addi %get3A_172, %mul3A_201 : i32
          %get3A_203 = arith.index_cast %add3A_202 : i32 to index
          %get3A_204 = memref.load %arg5[%get3A_203] : memref<512xi32, #tpu.memory_space<smem>>
          %and3A = arith.constant 127 : i32
          %and3A_205 = arith.andi %get3A_204, %and3A : i32
          %broadcast_in_dim3A = arith.constant 0 : i32
          %broadcast_in_dim3A_206 = vector.broadcast %broadcast_in_dim3A : i32 to vector<16xi32>
          %add3A_207 = vector.broadcast %and3A_205 : i32 to vector<16xi32>
          %add3A_208 = arith.addi %broadcast_in_dim3A_206, %add3A_207 : vector<16xi32>
          %add3A_209 = arith.constant 0 : i32
          %add3A_210 = vector.broadcast %add3A_209 : i32 to vector<16xi32>
          %add3A_211 = arith.addi %iota3A, %add3A_210 : vector<16xi32>
          %gather3A = arith.constant 0 : i32
          %gather3A_212 = arith.constant 0 : i32
          %gather3A_213 = tpu.memref_slice %arg9[%rem3A_157, %gather3A, %gather3A_212] : memref<10x64x128xf32, #tpu.memory_space<vmem>> -> memref<1x64x128xf32, #tpu.memory_space<vmem>>
          %gather3A_214 = tpu.memref_squeeze %gather3A_213 : memref<1x64x128xf32, #tpu.memory_space<vmem>> -> memref<64x128xf32, #tpu.memory_space<vmem>>
          %gather3A_215 = tpu.vector_load_idx %gather3A_214[%add3A_211, %add3A_208] : memref<64x128xf32, #tpu.memory_space<vmem>>[vector<16xi32>, vector<16xi32>], vector<16xf32>,
          %mul3A_216 = arith.constant 64 : i32
          %mul3A_217 = arith.muli %add3A_202, %mul3A_216 : i32
          %add3A_218 = arith.constant 0 : i32
          %add3A_219 = arith.addi %mul3A_217, %add3A_218 : i32
          %swap3A_220 = arith.index_cast %add3A_219 : i32 to index
          %swap3A_221 = tpu.vector_load %arg10[%swap3A_220] {strides = array<i32>} : memref<32768xf32, #tpu.memory_space<vmem>>, vector<16xf32>,
          tpu.vector_store %arg10[%swap3A_220], %gather3A_215 {strides = array<i32>} : memref<32768xf32, #tpu.memory_space<vmem>>, vector<16xf32>,
          %add3A_222 = arith.constant 16 : i32
          %add3A_223 = vector.broadcast %add3A_222 : i32 to vector<16xi32>
          %add3A_224 = arith.addi %iota3A, %add3A_223 : vector<16xi32>
          %gather3A_225 = arith.constant 0 : i32
          %gather3A_226 = arith.constant 0 : i32
          %gather3A_227 = tpu.memref_slice %arg9[%rem3A_157, %gather3A_225, %gather3A_226] : memref<10x64x128xf32, #tpu.memory_space<vmem>> -> memref<1x64x128xf32, #tpu.memory_space<vmem>>
          %gather3A_228 = tpu.memref_squeeze %gather3A_227 : memref<1x64x128xf32, #tpu.memory_space<vmem>> -> memref<64x128xf32, #tpu.memory_space<vmem>>
          %gather3A_229 = tpu.vector_load_idx %gather3A_228[%add3A_224, %add3A_208] : memref<64x128xf32, #tpu.memory_space<vmem>>[vector<16xi32>, vector<16xi32>], vector<16xf32>,
          %mul3A_230 = arith.constant 64 : i32
          %mul3A_231 = arith.muli %add3A_202, %mul3A_230 : i32
          %add3A_232 = arith.constant 16 : i32
          %add3A_233 = arith.addi %mul3A_231, %add3A_232 : i32
          %swap3A_234 = arith.index_cast %add3A_233 : i32 to index
          %swap3A_235 = tpu.vector_load %arg10[%swap3A_234] {strides = array<i32>} : memref<32768xf32, #tpu.memory_space<vmem>>, vector<16xf32>,
          tpu.vector_store %arg10[%swap3A_234], %gather3A_229 {strides = array<i32>} : memref<32768xf32, #tpu.memory_space<vmem>>, vector<16xf32>,
          %add3A_236 = arith.constant 32 : i32
          %add3A_237 = vector.broadcast %add3A_236 : i32 to vector<16xi32>
          %add3A_238 = arith.addi %iota3A, %add3A_237 : vector<16xi32>
          %gather3A_239 = arith.constant 0 : i32
          %gather3A_240 = arith.constant 0 : i32
          %gather3A_241 = tpu.memref_slice %arg9[%rem3A_157, %gather3A_239, %gather3A_240] : memref<10x64x128xf32, #tpu.memory_space<vmem>> -> memref<1x64x128xf32, #tpu.memory_space<vmem>>
          %gather3A_242 = tpu.memref_squeeze %gather3A_241 : memref<1x64x128xf32, #tpu.memory_space<vmem>> -> memref<64x128xf32, #tpu.memory_space<vmem>>
          %gather3A_243 = tpu.vector_load_idx %gather3A_242[%add3A_238, %add3A_208] : memref<64x128xf32, #tpu.memory_space<vmem>>[vector<16xi32>, vector<16xi32>], vector<16xf32>,
          %mul3A_244 = arith.constant 64 : i32
          %mul3A_245 = arith.muli %add3A_202, %mul3A_244 : i32
          %add3A_246 = arith.constant 32 : i32
          %add3A_247 = arith.addi %mul3A_245, %add3A_246 : i32
          %swap3A_248 = arith.index_cast %add3A_247 : i32 to index
          %swap3A_249 = tpu.vector_load %arg10[%swap3A_248] {strides = array<i32>} : memref<32768xf32, #tpu.memory_space<vmem>>, vector<16xf32>,
          tpu.vector_store %arg10[%swap3A_248], %gather3A_243 {strides = array<i32>} : memref<32768xf32, #tpu.memory_space<vmem>>, vector<16xf32>,
          %add3A_250 = arith.constant 48 : i32
          %add3A_251 = vector.broadcast %add3A_250 : i32 to vector<16xi32>
          %add3A_252 = arith.addi %iota3A, %add3A_251 : vector<16xi32>
          %gather3A_253 = arith.constant 0 : i32
          %gather3A_254 = arith.constant 0 : i32
          %gather3A_255 = tpu.memref_slice %arg9[%rem3A_157, %gather3A_253, %gather3A_254] : memref<10x64x128xf32, #tpu.memory_space<vmem>> -> memref<1x64x128xf32, #tpu.memory_space<vmem>>
          %gather3A_256 = tpu.memref_squeeze %gather3A_255 : memref<1x64x128xf32, #tpu.memory_space<vmem>> -> memref<64x128xf32, #tpu.memory_space<vmem>>
          %gather3A_257 = tpu.vector_load_idx %gather3A_256[%add3A_252, %add3A_208] : memref<64x128xf32, #tpu.memory_space<vmem>>[vector<16xi32>, vector<16xi32>], vector<16xf32>,
          %mul3A_258 = arith.constant 64 : i32
          %mul3A_259 = arith.muli %add3A_202, %mul3A_258 : i32
          %add3A_260 = arith.constant 48 : i32
          %add3A_261 = arith.addi %mul3A_259, %add3A_260 : i32
          %swap3A_262 = arith.index_cast %add3A_261 : i32 to index
          %swap3A_263 = tpu.vector_load %arg10[%swap3A_262] {strides = array<i32>} : memref<32768xf32, #tpu.memory_space<vmem>>, vector<16xf32>,
          tpu.vector_store %arg10[%swap3A_262], %gather3A_257 {strides = array<i32>} : memref<32768xf32, #tpu.memory_space<vmem>>, vector<16xf32>,
        }
        %while3A_193 = arith.constant 1 : i32
        scf.for %while3A_200 = %while3A_191 to %while3A_187 step %while3A_193  : i32 {
          %mul3A_201 = arith.muli %while3A_200, %while3A_184 : i32
          %add3A_202 = arith.addi %get3A_172, %mul3A_201 : i32
          %get3A_203 = arith.index_cast %add3A_202 : i32 to index
          %get3A_204 = memref.load %arg5[%get3A_203] : memref<512xi32, #tpu.memory_space<smem>>
          %and3A = arith.constant 127 : i32
          %and3A_205 = arith.andi %get3A_204, %and3A : i32
          %broadcast_in_dim3A = arith.constant 0 : i32
          %broadcast_in_dim3A_206 = vector.broadcast %broadcast_in_dim3A : i32 to vector<16xi32>
          %add3A_207 = vector.broadcast %and3A_205 : i32 to vector<16xi32>
          %add3A_208 = arith.addi %broadcast_in_dim3A_206, %add3A_207 : vector<16xi32>
          %add3A_209 = arith.constant 0 : i32
          %add3A_210 = vector.broadcast %add3A_209 : i32 to vector<16xi32>
          %add3A_211 = arith.addi %iota3A, %add3A_210 : vector<16xi32>
          %gather3A = arith.constant 0 : i32
          %gather3A_212 = arith.constant 0 : i32
          %gather3A_213 = tpu.memref_slice %arg9[%rem3A_157, %gather3A, %gather3A_212] : memref<10x64x128xf32, #tpu.memory_space<vmem>> -> memref<1x64x128xf32, #tpu.memory_space<vmem>>
          %gather3A_214 = tpu.memref_squeeze %gather3A_213 : memref<1x64x128xf32, #tpu.memory_space<vmem>> -> memref<64x128xf32, #tpu.memory_space<vmem>>
          %gather3A_215 = tpu.vector_load_idx %gather3A_214[%add3A_211, %add3A_208] : memref<64x128xf32, #tpu.memory_space<vmem>>[vector<16xi32>, vector<16xi32>], vector<16xf32>,
          %mul3A_216 = arith.constant 64 : i32
          %mul3A_217 = arith.muli %add3A_202, %mul3A_216 : i32
          %add3A_218 = arith.constant 0 : i32
          %add3A_219 = arith.addi %mul3A_217, %add3A_218 : i32
          %swap3A_220 = arith.index_cast %add3A_219 : i32 to index
          %swap3A_221 = tpu.vector_load %arg10[%swap3A_220] {strides = array<i32>} : memref<32768xf32, #tpu.memory_space<vmem>>, vector<16xf32>,
          tpu.vector_store %arg10[%swap3A_220], %gather3A_215 {strides = array<i32>} : memref<32768xf32, #tpu.memory_space<vmem>>, vector<16xf32>,
          %add3A_222 = arith.constant 16 : i32
          %add3A_223 = vector.broadcast %add3A_222 : i32 to vector<16xi32>
          %add3A_224 = arith.addi %iota3A, %add3A_223 : vector<16xi32>
          %gather3A_225 = arith.constant 0 : i32
          %gather3A_226 = arith.constant 0 : i32
          %gather3A_227 = tpu.memref_slice %arg9[%rem3A_157, %gather3A_225, %gather3A_226] : memref<10x64x128xf32, #tpu.memory_space<vmem>> -> memref<1x64x128xf32, #tpu.memory_space<vmem>>
          %gather3A_228 = tpu.memref_squeeze %gather3A_227 : memref<1x64x128xf32, #tpu.memory_space<vmem>> -> memref<64x128xf32, #tpu.memory_space<vmem>>
          %gather3A_229 = tpu.vector_load_idx %gather3A_228[%add3A_224, %add3A_208] : memref<64x128xf32, #tpu.memory_space<vmem>>[vector<16xi32>, vector<16xi32>], vector<16xf32>,
          %mul3A_230 = arith.constant 64 : i32
          %mul3A_231 = arith.muli %add3A_202, %mul3A_230 : i32
          %add3A_232 = arith.constant 16 : i32
          %add3A_233 = arith.addi %mul3A_231, %add3A_232 : i32
          %swap3A_234 = arith.index_cast %add3A_233 : i32 to index
          %swap3A_235 = tpu.vector_load %arg10[%swap3A_234] {strides = array<i32>} : memref<32768xf32, #tpu.memory_space<vmem>>, vector<16xf32>,
          tpu.vector_store %arg10[%swap3A_234], %gather3A_229 {strides = array<i32>} : memref<32768xf32, #tpu.memory_space<vmem>>, vector<16xf32>,
          %add3A_236 = arith.constant 32 : i32
          %add3A_237 = vector.broadcast %add3A_236 : i32 to vector<16xi32>
          %add3A_238 = arith.addi %iota3A, %add3A_237 : vector<16xi32>
          %gather3A_239 = arith.constant 0 : i32
          %gather3A_240 = arith.constant 0 : i32
          %gather3A_241 = tpu.memref_slice %arg9[%rem3A_157, %gather3A_239, %gather3A_240] : memref<10x64x128xf32, #tpu.memory_space<vmem>> -> memref<1x64x128xf32, #tpu.memory_space<vmem>>
          %gather3A_242 = tpu.memref_squeeze %gather3A_241 : memref<1x64x128xf32, #tpu.memory_space<vmem>> -> memref<64x128xf32, #tpu.memory_space<vmem>>
          %gather3A_243 = tpu.vector_load_idx %gather3A_242[%add3A_238, %add3A_208] : memref<64x128xf32, #tpu.memory_space<vmem>>[vector<16xi32>, vector<16xi32>], vector<16xf32>,
          %mul3A_244 = arith.constant 64 : i32
          %mul3A_245 = arith.muli %add3A_202, %mul3A_244 : i32
          %add3A_246 = arith.constant 32 : i32
          %add3A_247 = arith.addi %mul3A_245, %add3A_246 : i32
          %swap3A_248 = arith.index_cast %add3A_247 : i32 to index
          %swap3A_249 = tpu.vector_load %arg10[%swap3A_248] {strides = array<i32>} : memref<32768xf32, #tpu.memory_space<vmem>>, vector<16xf32>,
          tpu.vector_store %arg10[%swap3A_248], %gather3A_243 {strides = array<i32>} : memref<32768xf32, #tpu.memory_space<vmem>>, vector<16xf32>,
          %add3A_250 = arith.constant 48 : i32
          %add3A_251 = vector.broadcast %add3A_250 : i32 to vector<16xi32>
          %add3A_252 = arith.addi %iota3A, %add3A_251 : vector<16xi32>
          %gather3A_253 = arith.constant 0 : i32
          %gather3A_254 = arith.constant 0 : i32
          %gather3A_255 = tpu.memref_slice %arg9[%rem3A_157, %gather3A_253, %gather3A_254] : memref<10x64x128xf32, #tpu.memory_space<vmem>> -> memref<1x64x128xf32, #tpu.memory_space<vmem>>
          %gather3A_256 = tpu.memref_squeeze %gather3A_255 : memref<1x64x128xf32, #tpu.memory_space<vmem>> -> memref<64x128xf32, #tpu.memory_space<vmem>>
          %gather3A_257 = tpu.vector_load_idx %gather3A_256[%add3A_252, %add3A_208] : memref<64x128xf32, #tpu.memory_space<vmem>>[vector<16xi32>, vector<16xi32>], vector<16xf32>,
          %mul3A_258 = arith.constant 64 : i32
          %mul3A_259 = arith.muli %add3A_202, %mul3A_258 : i32
          %add3A_260 = arith.constant 48 : i32
          %add3A_261 = arith.addi %mul3A_259, %add3A_260 : i32
          %swap3A_262 = arith.index_cast %add3A_261 : i32 to index
          %swap3A_263 = tpu.vector_load %arg10[%swap3A_262] {strides = array<i32>} : memref<32768xf32, #tpu.memory_space<vmem>>, vector<16xf32>,
          tpu.vector_store %arg10[%swap3A_262], %gather3A_257 {strides = array<i32>} : memref<32768xf32, #tpu.memory_space<vmem>>, vector<16xf32>,
        }
        %add3A_194 = arith.constant 10 : i32
        %add3A_195 = arith.addi %add3A_146, %add3A_194 : i32
        %lt3A_196 = arith.cmpi slt, %add3A_195, %scan3A_15#0 : i32
        %convert_element_type3A_197 = arith.extui %lt3A_196 : i1 to i32
        %cond3A_198 = arith.constant 0 : i32
        %cond3A_199 = arith.cmpi ne, %convert_element_type3A_197, %cond3A_198 : i32
        scf.if %cond3A_199 {
          %get3A_200 = arith.index_cast %add3A_195 : i32 to index
          %get3A_201 = memref.load %arg6[%get3A_200] : memref<512xi32, #tpu.memory_space<smem>>
          %mul3A_202 = arith.constant 128 : i32
          %mul3A_203 = arith.muli %get3A_201, %mul3A_202 : i32
          %rem3A_204 = arith.constant 10 : i32
          %rem3A_205 = arith.remsi %add3A_195, %rem3A_204 : i32
          %dma_start3A_206 = arith.constant 0 : i32
          %dma_start3A_207 = arith.constant 0 : i32
          %dma_start3A_208 = tpu.memref_slice %arg9[%rem3A_205, %dma_start3A_206, %dma_start3A_207] : memref<10x64x128xf32, #tpu.memory_space<vmem>> -> memref<1x64x128xf32, #tpu.memory_space<vmem>>
          %dma_start3A_209 = tpu.memref_squeeze %dma_start3A_208 : memref<1x64x128xf32, #tpu.memory_space<vmem>> -> memref<64x128xf32, #tpu.memory_space<vmem>>
          %dma_start3A_210 = arith.constant 0 : i32
          %dma_start3A_211 = tpu.memref_slice %arg2[%dma_start3A_210, %mul3A_203] : memref<64x1000001xf32, #tpu.memory_space<hbm>> -> memref<64x128xf32, #tpu.memory_space<hbm>>
          %dma_start3A_212 = arith.constant 0 : i32
          %dma_start3A_213 = arith.constant 0 : i32
          %dma_start3A_214 = tpu.memref_slice %arg9[%rem3A_205, %dma_start3A_212, %dma_start3A_213] : memref<10x64x128xf32, #tpu.memory_space<vmem>> -> memref<1x64x128xf32, #tpu.memory_space<vmem>>
          %dma_start3A_215 = tpu.memref_squeeze %dma_start3A_214 : memref<1x64x128xf32, #tpu.memory_space<vmem>> -> memref<64x128xf32, #tpu.memory_space<vmem>>
          %dma_start3A_216 = arith.constant 0 : i32
          %dma_start3A_217 = tpu.memref_slice %arg2[%dma_start3A_216, %mul3A_203] : memref<64x1000001xf32, #tpu.memory_space<hbm>> -> memref<64x128xf32, #tpu.memory_space<hbm>>
          tpu.enqueue_dma source(%dma_start3A_217 : memref<64x128xf32, #tpu.memory_space<hbm>>) target(%dma_start3A_215 : memref<64x128xf32, #tpu.memory_space<vmem>>) target_semaphore(%arg19 : memref<!tpu.dma_semaphore, #tpu.memory_space<semaphore_mem>>)
        } else {
        }
      } else {
      }
      %add3A_151 = arith.constant 9 : i32
      %add3A_152 = arith.addi %add3A_96, %add3A_151 : i32
      %lt3A_153 = arith.cmpi slt, %add3A_152, %scan3A_15#0 : i32
      %convert_element_type3A_154 = arith.extui %lt3A_153 : i1 to i32
      %cond3A_155 = arith.constant 0 : i32
      %cond3A_156 = arith.cmpi ne, %convert_element_type3A_154, %cond3A_155 : i32
      scf.if %cond3A_156 {
        %rem3A = arith.constant 10 : i32
        %rem3A_157 = arith.remsi %add3A_152, %rem3A : i32
        %dma_wait3A_158 = arith.constant 0 : i32
        %dma_wait3A_159 = arith.constant 0 : i32
        %dma_wait3A_160 = tpu.memref_slice %arg9[%rem3A_157, %dma_wait3A_158, %dma_wait3A_159] : memref<10x64x128xf32, #tpu.memory_space<vmem>> -> memref<1x64x128xf32, #tpu.memory_space<vmem>>
        %dma_wait3A_161 = tpu.memref_squeeze %dma_wait3A_160 : memref<1x64x128xf32, #tpu.memory_space<vmem>> -> memref<64x128xf32, #tpu.memory_space<vmem>>
        %dma_wait3A_162 = arith.constant 0 : i32
        %dma_wait3A_163 = arith.constant 0 : i32
        %dma_wait3A_164 = tpu.memref_slice %arg2[%dma_wait3A_162, %dma_wait3A_163] : memref<64x1000001xf32, #tpu.memory_space<hbm>> -> memref<64x128xf32, #tpu.memory_space<hbm>>
        %dma_wait3A_165 = arith.constant 0 : i32
        %dma_wait3A_166 = arith.constant 0 : i32
        %dma_wait3A_167 = tpu.memref_slice %arg9[%rem3A_157, %dma_wait3A_165, %dma_wait3A_166] : memref<10x64x128xf32, #tpu.memory_space<vmem>> -> memref<1x64x128xf32, #tpu.memory_space<vmem>>
        %dma_wait3A_168 = tpu.memref_squeeze %dma_wait3A_167 : memref<1x64x128xf32, #tpu.memory_space<vmem>> -> memref<64x128xf32, #tpu.memory_space<vmem>>
        %dma_wait3A_169 = arith.constant 0 : i32
        %dma_wait3A_170 = arith.constant 0 : i32
        %dma_wait3A_171 = tpu.memref_slice %arg2[%dma_wait3A_169, %dma_wait3A_170] : memref<64x1000001xf32, #tpu.memory_space<hbm>> -> memref<64x128xf32, #tpu.memory_space<hbm>>
        tpu.wait_dma2 semaphore(%arg20 : memref<!tpu.dma_semaphore, #tpu.memory_space<semaphore_mem>>) src(%dma_wait3A_171 : memref<64x128xf32, #tpu.memory_space<hbm>>) dst(%dma_wait3A_168 : memref<64x128xf32, #tpu.memory_space<vmem>>)
        %get3A = arith.index_cast %add3A_152 : i32 to index
        %get3A_172 = memref.load %arg7[%get3A] : memref<513xi32, #tpu.memory_space<smem>>
        %add3A_173 = arith.constant 1 : i32
        %add3A_174 = arith.addi %add3A_152, %add3A_173 : i32
        %get3A_175 = arith.index_cast %add3A_174 : i32 to index
        %get3A_176 = memref.load %arg7[%get3A_175] : memref<513xi32, #tpu.memory_space<smem>>
        %sub3A_177 = arith.subi %get3A_176, %get3A_172 : i32
        %sub3A_178 = arith.constant 1 : i32
        %sub3A_179 = arith.constant 1 : i32
        %sub3A_180 = arith.subi %sub3A_178, %sub3A_179 : i32
        %add3A_181 = arith.addi %sub3A_177, %sub3A_180 : i32
        %div3A_182 = arith.constant 1 : i32
        %div3A_183 = arith.divsi %add3A_181, %div3A_182 : i32
        %while3A_184 = arith.constant 1 : i32
        %while3A_185 = arith.constant 0 : i32
        %while3A_186 = arith.subi %div3A_183, %while3A_185 : i32
        %while3A_187 = arith.addi %while3A_185, %while3A_186 : i32
        %while3A_188 = arith.constant 1 : i32
        %while3A_189 = arith.divsi %while3A_186, %while3A_188 : i32
        %while3A_190 = arith.muli %while3A_189, %while3A_188 : i32
        %while3A_191 = arith.addi %while3A_185, %while3A_190 : i32
        %while3A_192 = arith.constant 1 : i32
        scf.for %while3A_200 = %while3A_185 to %while3A_191 step %while3A_192  : i32 {
          %mul3A_201 = arith.muli %while3A_200, %while3A_184 : i32
          %add3A_202 = arith.addi %get3A_172, %mul3A_201 : i32
          %get3A_203 = arith.index_cast %add3A_202 : i32 to index
          %get3A_204 = memref.load %arg5[%get3A_203] : memref<512xi32, #tpu.memory_space<smem>>
          %and3A = arith.constant 127 : i32
          %and3A_205 = arith.andi %get3A_204, %and3A : i32
          %broadcast_in_dim3A = arith.constant 0 : i32
          %broadcast_in_dim3A_206 = vector.broadcast %broadcast_in_dim3A : i32 to vector<16xi32>
          %add3A_207 = vector.broadcast %and3A_205 : i32 to vector<16xi32>
          %add3A_208 = arith.addi %broadcast_in_dim3A_206, %add3A_207 : vector<16xi32>
          %add3A_209 = arith.constant 0 : i32
          %add3A_210 = vector.broadcast %add3A_209 : i32 to vector<16xi32>
          %add3A_211 = arith.addi %iota3A, %add3A_210 : vector<16xi32>
          %gather3A = arith.constant 0 : i32
          %gather3A_212 = arith.constant 0 : i32
          %gather3A_213 = tpu.memref_slice %arg9[%rem3A_157, %gather3A, %gather3A_212] : memref<10x64x128xf32, #tpu.memory_space<vmem>> -> memref<1x64x128xf32, #tpu.memory_space<vmem>>
          %gather3A_214 = tpu.memref_squeeze %gather3A_213 : memref<1x64x128xf32, #tpu.memory_space<vmem>> -> memref<64x128xf32, #tpu.memory_space<vmem>>
          %gather3A_215 = tpu.vector_load_idx %gather3A_214[%add3A_211, %add3A_208] : memref<64x128xf32, #tpu.memory_space<vmem>>[vector<16xi32>, vector<16xi32>], vector<16xf32>,
          %mul3A_216 = arith.constant 64 : i32
          %mul3A_217 = arith.muli %add3A_202, %mul3A_216 : i32
          %add3A_218 = arith.constant 0 : i32
          %add3A_219 = arith.addi %mul3A_217, %add3A_218 : i32
          %swap3A_220 = arith.index_cast %add3A_219 : i32 to index
          %swap3A_221 = tpu.vector_load %arg10[%swap3A_220] {strides = array<i32>} : memref<32768xf32, #tpu.memory_space<vmem>>, vector<16xf32>,
          tpu.vector_store %arg10[%swap3A_220], %gather3A_215 {strides = array<i32>} : memref<32768xf32, #tpu.memory_space<vmem>>, vector<16xf32>,
          %add3A_222 = arith.constant 16 : i32
          %add3A_223 = vector.broadcast %add3A_222 : i32 to vector<16xi32>
          %add3A_224 = arith.addi %iota3A, %add3A_223 : vector<16xi32>
          %gather3A_225 = arith.constant 0 : i32
          %gather3A_226 = arith.constant 0 : i32
          %gather3A_227 = tpu.memref_slice %arg9[%rem3A_157, %gather3A_225, %gather3A_226] : memref<10x64x128xf32, #tpu.memory_space<vmem>> -> memref<1x64x128xf32, #tpu.memory_space<vmem>>
          %gather3A_228 = tpu.memref_squeeze %gather3A_227 : memref<1x64x128xf32, #tpu.memory_space<vmem>> -> memref<64x128xf32, #tpu.memory_space<vmem>>
          %gather3A_229 = tpu.vector_load_idx %gather3A_228[%add3A_224, %add3A_208] : memref<64x128xf32, #tpu.memory_space<vmem>>[vector<16xi32>, vector<16xi32>], vector<16xf32>,
          %mul3A_230 = arith.constant 64 : i32
          %mul3A_231 = arith.muli %add3A_202, %mul3A_230 : i32
          %add3A_232 = arith.constant 16 : i32
          %add3A_233 = arith.addi %mul3A_231, %add3A_232 : i32
          %swap3A_234 = arith.index_cast %add3A_233 : i32 to index
          %swap3A_235 = tpu.vector_load %arg10[%swap3A_234] {strides = array<i32>} : memref<32768xf32, #tpu.memory_space<vmem>>, vector<16xf32>,
          tpu.vector_store %arg10[%swap3A_234], %gather3A_229 {strides = array<i32>} : memref<32768xf32, #tpu.memory_space<vmem>>, vector<16xf32>,
          %add3A_236 = arith.constant 32 : i32
          %add3A_237 = vector.broadcast %add3A_236 : i32 to vector<16xi32>
          %add3A_238 = arith.addi %iota3A, %add3A_237 : vector<16xi32>
          %gather3A_239 = arith.constant 0 : i32
          %gather3A_240 = arith.constant 0 : i32
          %gather3A_241 = tpu.memref_slice %arg9[%rem3A_157, %gather3A_239, %gather3A_240] : memref<10x64x128xf32, #tpu.memory_space<vmem>> -> memref<1x64x128xf32, #tpu.memory_space<vmem>>
          %gather3A_242 = tpu.memref_squeeze %gather3A_241 : memref<1x64x128xf32, #tpu.memory_space<vmem>> -> memref<64x128xf32, #tpu.memory_space<vmem>>
          %gather3A_243 = tpu.vector_load_idx %gather3A_242[%add3A_238, %add3A_208] : memref<64x128xf32, #tpu.memory_space<vmem>>[vector<16xi32>, vector<16xi32>], vector<16xf32>,
          %mul3A_244 = arith.constant 64 : i32
          %mul3A_245 = arith.muli %add3A_202, %mul3A_244 : i32
          %add3A_246 = arith.constant 32 : i32
          %add3A_247 = arith.addi %mul3A_245, %add3A_246 : i32
          %swap3A_248 = arith.index_cast %add3A_247 : i32 to index
          %swap3A_249 = tpu.vector_load %arg10[%swap3A_248] {strides = array<i32>} : memref<32768xf32, #tpu.memory_space<vmem>>, vector<16xf32>,
          tpu.vector_store %arg10[%swap3A_248], %gather3A_243 {strides = array<i32>} : memref<32768xf32, #tpu.memory_space<vmem>>, vector<16xf32>,
          %add3A_250 = arith.constant 48 : i32
          %add3A_251 = vector.broadcast %add3A_250 : i32 to vector<16xi32>
          %add3A_252 = arith.addi %iota3A, %add3A_251 : vector<16xi32>
          %gather3A_253 = arith.constant 0 : i32
          %gather3A_254 = arith.constant 0 : i32
          %gather3A_255 = tpu.memref_slice %arg9[%rem3A_157, %gather3A_253, %gather3A_254] : memref<10x64x128xf32, #tpu.memory_space<vmem>> -> memref<1x64x128xf32, #tpu.memory_space<vmem>>
          %gather3A_256 = tpu.memref_squeeze %gather3A_255 : memref<1x64x128xf32, #tpu.memory_space<vmem>> -> memref<64x128xf32, #tpu.memory_space<vmem>>
          %gather3A_257 = tpu.vector_load_idx %gather3A_256[%add3A_252, %add3A_208] : memref<64x128xf32, #tpu.memory_space<vmem>>[vector<16xi32>, vector<16xi32>], vector<16xf32>,
          %mul3A_258 = arith.constant 64 : i32
          %mul3A_259 = arith.muli %add3A_202, %mul3A_258 : i32
          %add3A_260 = arith.constant 48 : i32
          %add3A_261 = arith.addi %mul3A_259, %add3A_260 : i32
          %swap3A_262 = arith.index_cast %add3A_261 : i32 to index
          %swap3A_263 = tpu.vector_load %arg10[%swap3A_262] {strides = array<i32>} : memref<32768xf32, #tpu.memory_space<vmem>>, vector<16xf32>,
          tpu.vector_store %arg10[%swap3A_262], %gather3A_257 {strides = array<i32>} : memref<32768xf32, #tpu.memory_space<vmem>>, vector<16xf32>,
        }
        %while3A_193 = arith.constant 1 : i32
        scf.for %while3A_200 = %while3A_191 to %while3A_187 step %while3A_193  : i32 {
          %mul3A_201 = arith.muli %while3A_200, %while3A_184 : i32
          %add3A_202 = arith.addi %get3A_172, %mul3A_201 : i32
          %get3A_203 = arith.index_cast %add3A_202 : i32 to index
          %get3A_204 = memref.load %arg5[%get3A_203] : memref<512xi32, #tpu.memory_space<smem>>
          %and3A = arith.constant 127 : i32
          %and3A_205 = arith.andi %get3A_204, %and3A : i32
          %broadcast_in_dim3A = arith.constant 0 : i32
          %broadcast_in_dim3A_206 = vector.broadcast %broadcast_in_dim3A : i32 to vector<16xi32>
          %add3A_207 = vector.broadcast %and3A_205 : i32 to vector<16xi32>
          %add3A_208 = arith.addi %broadcast_in_dim3A_206, %add3A_207 : vector<16xi32>
          %add3A_209 = arith.constant 0 : i32
          %add3A_210 = vector.broadcast %add3A_209 : i32 to vector<16xi32>
          %add3A_211 = arith.addi %iota3A, %add3A_210 : vector<16xi32>
          %gather3A = arith.constant 0 : i32
          %gather3A_212 = arith.constant 0 : i32
          %gather3A_213 = tpu.memref_slice %arg9[%rem3A_157, %gather3A, %gather3A_212] : memref<10x64x128xf32, #tpu.memory_space<vmem>> -> memref<1x64x128xf32, #tpu.memory_space<vmem>>
          %gather3A_214 = tpu.memref_squeeze %gather3A_213 : memref<1x64x128xf32, #tpu.memory_space<vmem>> -> memref<64x128xf32, #tpu.memory_space<vmem>>
          %gather3A_215 = tpu.vector_load_idx %gather3A_214[%add3A_211, %add3A_208] : memref<64x128xf32, #tpu.memory_space<vmem>>[vector<16xi32>, vector<16xi32>], vector<16xf32>,
          %mul3A_216 = arith.constant 64 : i32
          %mul3A_217 = arith.muli %add3A_202, %mul3A_216 : i32
          %add3A_218 = arith.constant 0 : i32
          %add3A_219 = arith.addi %mul3A_217, %add3A_218 : i32
          %swap3A_220 = arith.index_cast %add3A_219 : i32 to index
          %swap3A_221 = tpu.vector_load %arg10[%swap3A_220] {strides = array<i32>} : memref<32768xf32, #tpu.memory_space<vmem>>, vector<16xf32>,
          tpu.vector_store %arg10[%swap3A_220], %gather3A_215 {strides = array<i32>} : memref<32768xf32, #tpu.memory_space<vmem>>, vector<16xf32>,
          %add3A_222 = arith.constant 16 : i32
          %add3A_223 = vector.broadcast %add3A_222 : i32 to vector<16xi32>
          %add3A_224 = arith.addi %iota3A, %add3A_223 : vector<16xi32>
          %gather3A_225 = arith.constant 0 : i32
          %gather3A_226 = arith.constant 0 : i32
          %gather3A_227 = tpu.memref_slice %arg9[%rem3A_157, %gather3A_225, %gather3A_226] : memref<10x64x128xf32, #tpu.memory_space<vmem>> -> memref<1x64x128xf32, #tpu.memory_space<vmem>>
          %gather3A_228 = tpu.memref_squeeze %gather3A_227 : memref<1x64x128xf32, #tpu.memory_space<vmem>> -> memref<64x128xf32, #tpu.memory_space<vmem>>
          %gather3A_229 = tpu.vector_load_idx %gather3A_228[%add3A_224, %add3A_208] : memref<64x128xf32, #tpu.memory_space<vmem>>[vector<16xi32>, vector<16xi32>], vector<16xf32>,
          %mul3A_230 = arith.constant 64 : i32
          %mul3A_231 = arith.muli %add3A_202, %mul3A_230 : i32
          %add3A_232 = arith.constant 16 : i32
          %add3A_233 = arith.addi %mul3A_231, %add3A_232 : i32
          %swap3A_234 = arith.index_cast %add3A_233 : i32 to index
          %swap3A_235 = tpu.vector_load %arg10[%swap3A_234] {strides = array<i32>} : memref<32768xf32, #tpu.memory_space<vmem>>, vector<16xf32>,
          tpu.vector_store %arg10[%swap3A_234], %gather3A_229 {strides = array<i32>} : memref<32768xf32, #tpu.memory_space<vmem>>, vector<16xf32>,
          %add3A_236 = arith.constant 32 : i32
          %add3A_237 = vector.broadcast %add3A_236 : i32 to vector<16xi32>
          %add3A_238 = arith.addi %iota3A, %add3A_237 : vector<16xi32>
          %gather3A_239 = arith.constant 0 : i32
          %gather3A_240 = arith.constant 0 : i32
          %gather3A_241 = tpu.memref_slice %arg9[%rem3A_157, %gather3A_239, %gather3A_240] : memref<10x64x128xf32, #tpu.memory_space<vmem>> -> memref<1x64x128xf32, #tpu.memory_space<vmem>>
          %gather3A_242 = tpu.memref_squeeze %gather3A_241 : memref<1x64x128xf32, #tpu.memory_space<vmem>> -> memref<64x128xf32, #tpu.memory_space<vmem>>
          %gather3A_243 = tpu.vector_load_idx %gather3A_242[%add3A_238, %add3A_208] : memref<64x128xf32, #tpu.memory_space<vmem>>[vector<16xi32>, vector<16xi32>], vector<16xf32>,
          %mul3A_244 = arith.constant 64 : i32
          %mul3A_245 = arith.muli %add3A_202, %mul3A_244 : i32
          %add3A_246 = arith.constant 32 : i32
          %add3A_247 = arith.addi %mul3A_245, %add3A_246 : i32
          %swap3A_248 = arith.index_cast %add3A_247 : i32 to index
          %swap3A_249 = tpu.vector_load %arg10[%swap3A_248] {strides = array<i32>} : memref<32768xf32, #tpu.memory_space<vmem>>, vector<16xf32>,
          tpu.vector_store %arg10[%swap3A_248], %gather3A_243 {strides = array<i32>} : memref<32768xf32, #tpu.memory_space<vmem>>, vector<16xf32>,
          %add3A_250 = arith.constant 48 : i32
          %add3A_251 = vector.broadcast %add3A_250 : i32 to vector<16xi32>
          %add3A_252 = arith.addi %iota3A, %add3A_251 : vector<16xi32>
          %gather3A_253 = arith.constant 0 : i32
          %gather3A_254 = arith.constant 0 : i32
          %gather3A_255 = tpu.memref_slice %arg9[%rem3A_157, %gather3A_253, %gather3A_254] : memref<10x64x128xf32, #tpu.memory_space<vmem>> -> memref<1x64x128xf32, #tpu.memory_space<vmem>>
          %gather3A_256 = tpu.memref_squeeze %gather3A_255 : memref<1x64x128xf32, #tpu.memory_space<vmem>> -> memref<64x128xf32, #tpu.memory_space<vmem>>
          %gather3A_257 = tpu.vector_load_idx %gather3A_256[%add3A_252, %add3A_208] : memref<64x128xf32, #tpu.memory_space<vmem>>[vector<16xi32>, vector<16xi32>], vector<16xf32>,
          %mul3A_258 = arith.constant 64 : i32
          %mul3A_259 = arith.muli %add3A_202, %mul3A_258 : i32
          %add3A_260 = arith.constant 48 : i32
          %add3A_261 = arith.addi %mul3A_259, %add3A_260 : i32
          %swap3A_262 = arith.index_cast %add3A_261 : i32 to index
          %swap3A_263 = tpu.vector_load %arg10[%swap3A_262] {strides = array<i32>} : memref<32768xf32, #tpu.memory_space<vmem>>, vector<16xf32>,
          tpu.vector_store %arg10[%swap3A_262], %gather3A_257 {strides = array<i32>} : memref<32768xf32, #tpu.memory_space<vmem>>, vector<16xf32>,
        }
        %add3A_194 = arith.constant 10 : i32
        %add3A_195 = arith.addi %add3A_152, %add3A_194 : i32
        %lt3A_196 = arith.cmpi slt, %add3A_195, %scan3A_15#0 : i32
        %convert_element_type3A_197 = arith.extui %lt3A_196 : i1 to i32
        %cond3A_198 = arith.constant 0 : i32
        %cond3A_199 = arith.cmpi ne, %convert_element_type3A_197, %cond3A_198 : i32
        scf.if %cond3A_199 {
          %get3A_200 = arith.index_cast %add3A_195 : i32 to index
          %get3A_201 = memref.load %arg6[%get3A_200] : memref<512xi32, #tpu.memory_space<smem>>
          %mul3A_202 = arith.constant 128 : i32
          %mul3A_203 = arith.muli %get3A_201, %mul3A_202 : i32
          %rem3A_204 = arith.constant 10 : i32
          %rem3A_205 = arith.remsi %add3A_195, %rem3A_204 : i32
          %dma_start3A_206 = arith.constant 0 : i32
          %dma_start3A_207 = arith.constant 0 : i32
          %dma_start3A_208 = tpu.memref_slice %arg9[%rem3A_205, %dma_start3A_206, %dma_start3A_207] : memref<10x64x128xf32, #tpu.memory_space<vmem>> -> memref<1x64x128xf32, #tpu.memory_space<vmem>>
          %dma_start3A_209 = tpu.memref_squeeze %dma_start3A_208 : memref<1x64x128xf32, #tpu.memory_space<vmem>> -> memref<64x128xf32, #tpu.memory_space<vmem>>
          %dma_start3A_210 = arith.constant 0 : i32
          %dma_start3A_211 = tpu.memref_slice %arg2[%dma_start3A_210, %mul3A_203] : memref<64x1000001xf32, #tpu.memory_space<hbm>> -> memref<64x128xf32, #tpu.memory_space<hbm>>
          %dma_start3A_212 = arith.constant 0 : i32
          %dma_start3A_213 = arith.constant 0 : i32
          %dma_start3A_214 = tpu.memref_slice %arg9[%rem3A_205, %dma_start3A_212, %dma_start3A_213] : memref<10x64x128xf32, #tpu.memory_space<vmem>> -> memref<1x64x128xf32, #tpu.memory_space<vmem>>
          %dma_start3A_215 = tpu.memref_squeeze %dma_start3A_214 : memref<1x64x128xf32, #tpu.memory_space<vmem>> -> memref<64x128xf32, #tpu.memory_space<vmem>>
          %dma_start3A_216 = arith.constant 0 : i32
          %dma_start3A_217 = tpu.memref_slice %arg2[%dma_start3A_216, %mul3A_203] : memref<64x1000001xf32, #tpu.memory_space<hbm>> -> memref<64x128xf32, #tpu.memory_space<hbm>>
          tpu.enqueue_dma source(%dma_start3A_217 : memref<64x128xf32, #tpu.memory_space<hbm>>) target(%dma_start3A_215 : memref<64x128xf32, #tpu.memory_space<vmem>>) target_semaphore(%arg20 : memref<!tpu.dma_semaphore, #tpu.memory_space<semaphore_mem>>)
        } else {
        }
      } else {
      }
    }
    %while3A_91 = arith.constant 1 : i32
    scf.for %while3A_94 = %while3A_89 to %while3A_85 step %while3A_91  : i32 {
      %mul3A_95 = arith.muli %while3A_94, %while3A : i32
      %add3A_96 = arith.addi %while3A_82, %mul3A_95 : i32
      %add3A_97 = arith.constant 0 : i32
      %add3A_98 = arith.addi %add3A_96, %add3A_97 : i32
      %lt3A_99 = arith.cmpi slt, %add3A_98, %scan3A_15#0 : i32
      %convert_element_type3A_100 = arith.extui %lt3A_99 : i1 to i32
      %cond3A_101 = arith.constant 0 : i32
      %cond3A_102 = arith.cmpi ne, %convert_element_type3A_100, %cond3A_101 : i32
      scf.if %cond3A_102 {
        %rem3A = arith.constant 10 : i32
        %rem3A_157 = arith.remsi %add3A_98, %rem3A : i32
        %dma_wait3A_158 = arith.constant 0 : i32
        %dma_wait3A_159 = arith.constant 0 : i32
        %dma_wait3A_160 = tpu.memref_slice %arg9[%rem3A_157, %dma_wait3A_158, %dma_wait3A_159] : memref<10x64x128xf32, #tpu.memory_space<vmem>> -> memref<1x64x128xf32, #tpu.memory_space<vmem>>
        %dma_wait3A_161 = tpu.memref_squeeze %dma_wait3A_160 : memref<1x64x128xf32, #tpu.memory_space<vmem>> -> memref<64x128xf32, #tpu.memory_space<vmem>>
        %dma_wait3A_162 = arith.constant 0 : i32
        %dma_wait3A_163 = arith.constant 0 : i32
        %dma_wait3A_164 = tpu.memref_slice %arg2[%dma_wait3A_162, %dma_wait3A_163] : memref<64x1000001xf32, #tpu.memory_space<hbm>> -> memref<64x128xf32, #tpu.memory_space<hbm>>
        %dma_wait3A_165 = arith.constant 0 : i32
        %dma_wait3A_166 = arith.constant 0 : i32
        %dma_wait3A_167 = tpu.memref_slice %arg9[%rem3A_157, %dma_wait3A_165, %dma_wait3A_166] : memref<10x64x128xf32, #tpu.memory_space<vmem>> -> memref<1x64x128xf32, #tpu.memory_space<vmem>>
        %dma_wait3A_168 = tpu.memref_squeeze %dma_wait3A_167 : memref<1x64x128xf32, #tpu.memory_space<vmem>> -> memref<64x128xf32, #tpu.memory_space<vmem>>
        %dma_wait3A_169 = arith.constant 0 : i32
        %dma_wait3A_170 = arith.constant 0 : i32
        %dma_wait3A_171 = tpu.memref_slice %arg2[%dma_wait3A_169, %dma_wait3A_170] : memref<64x1000001xf32, #tpu.memory_space<hbm>> -> memref<64x128xf32, #tpu.memory_space<hbm>>
        tpu.wait_dma2 semaphore(%arg11 : memref<!tpu.dma_semaphore, #tpu.memory_space<semaphore_mem>>) src(%dma_wait3A_171 : memref<64x128xf32, #tpu.memory_space<hbm>>) dst(%dma_wait3A_168 : memref<64x128xf32, #tpu.memory_space<vmem>>)
        %get3A = arith.index_cast %add3A_98 : i32 to index
        %get3A_172 = memref.load %arg7[%get3A] : memref<513xi32, #tpu.memory_space<smem>>
        %add3A_173 = arith.constant 1 : i32
        %add3A_174 = arith.addi %add3A_98, %add3A_173 : i32
        %get3A_175 = arith.index_cast %add3A_174 : i32 to index
        %get3A_176 = memref.load %arg7[%get3A_175] : memref<513xi32, #tpu.memory_space<smem>>
        %sub3A_177 = arith.subi %get3A_176, %get3A_172 : i32
        %sub3A_178 = arith.constant 1 : i32
        %sub3A_179 = arith.constant 1 : i32
        %sub3A_180 = arith.subi %sub3A_178, %sub3A_179 : i32
        %add3A_181 = arith.addi %sub3A_177, %sub3A_180 : i32
        %div3A_182 = arith.constant 1 : i32
        %div3A_183 = arith.divsi %add3A_181, %div3A_182 : i32
        %while3A_184 = arith.constant 1 : i32
        %while3A_185 = arith.constant 0 : i32
        %while3A_186 = arith.subi %div3A_183, %while3A_185 : i32
        %while3A_187 = arith.addi %while3A_185, %while3A_186 : i32
        %while3A_188 = arith.constant 1 : i32
        %while3A_189 = arith.divsi %while3A_186, %while3A_188 : i32
        %while3A_190 = arith.muli %while3A_189, %while3A_188 : i32
        %while3A_191 = arith.addi %while3A_185, %while3A_190 : i32
        %while3A_192 = arith.constant 1 : i32
        scf.for %while3A_200 = %while3A_185 to %while3A_191 step %while3A_192  : i32 {
          %mul3A_201 = arith.muli %while3A_200, %while3A_184 : i32
          %add3A_202 = arith.addi %get3A_172, %mul3A_201 : i32
          %get3A_203 = arith.index_cast %add3A_202 : i32 to index
          %get3A_204 = memref.load %arg5[%get3A_203] : memref<512xi32, #tpu.memory_space<smem>>
          %and3A = arith.constant 127 : i32
          %and3A_205 = arith.andi %get3A_204, %and3A : i32
          %broadcast_in_dim3A = arith.constant 0 : i32
          %broadcast_in_dim3A_206 = vector.broadcast %broadcast_in_dim3A : i32 to vector<16xi32>
          %add3A_207 = vector.broadcast %and3A_205 : i32 to vector<16xi32>
          %add3A_208 = arith.addi %broadcast_in_dim3A_206, %add3A_207 : vector<16xi32>
          %add3A_209 = arith.constant 0 : i32
          %add3A_210 = vector.broadcast %add3A_209 : i32 to vector<16xi32>
          %add3A_211 = arith.addi %iota3A, %add3A_210 : vector<16xi32>
          %gather3A = arith.constant 0 : i32
          %gather3A_212 = arith.constant 0 : i32
          %gather3A_213 = tpu.memref_slice %arg9[%rem3A_157, %gather3A, %gather3A_212] : memref<10x64x128xf32, #tpu.memory_space<vmem>> -> memref<1x64x128xf32, #tpu.memory_space<vmem>>
          %gather3A_214 = tpu.memref_squeeze %gather3A_213 : memref<1x64x128xf32, #tpu.memory_space<vmem>> -> memref<64x128xf32, #tpu.memory_space<vmem>>
          %gather3A_215 = tpu.vector_load_idx %gather3A_214[%add3A_211, %add3A_208] : memref<64x128xf32, #tpu.memory_space<vmem>>[vector<16xi32>, vector<16xi32>], vector<16xf32>,
          %mul3A_216 = arith.constant 64 : i32
          %mul3A_217 = arith.muli %add3A_202, %mul3A_216 : i32
          %add3A_218 = arith.constant 0 : i32
          %add3A_219 = arith.addi %mul3A_217, %add3A_218 : i32
          %swap3A_220 = arith.index_cast %add3A_219 : i32 to index
          %swap3A_221 = tpu.vector_load %arg10[%swap3A_220] {strides = array<i32>} : memref<32768xf32, #tpu.memory_space<vmem>>, vector<16xf32>,
          tpu.vector_store %arg10[%swap3A_220], %gather3A_215 {strides = array<i32>} : memref<32768xf32, #tpu.memory_space<vmem>>, vector<16xf32>,
          %add3A_222 = arith.constant 16 : i32
          %add3A_223 = vector.broadcast %add3A_222 : i32 to vector<16xi32>
          %add3A_224 = arith.addi %iota3A, %add3A_223 : vector<16xi32>
          %gather3A_225 = arith.constant 0 : i32
          %gather3A_226 = arith.constant 0 : i32
          %gather3A_227 = tpu.memref_slice %arg9[%rem3A_157, %gather3A_225, %gather3A_226] : memref<10x64x128xf32, #tpu.memory_space<vmem>> -> memref<1x64x128xf32, #tpu.memory_space<vmem>>
          %gather3A_228 = tpu.memref_squeeze %gather3A_227 : memref<1x64x128xf32, #tpu.memory_space<vmem>> -> memref<64x128xf32, #tpu.memory_space<vmem>>
          %gather3A_229 = tpu.vector_load_idx %gather3A_228[%add3A_224, %add3A_208] : memref<64x128xf32, #tpu.memory_space<vmem>>[vector<16xi32>, vector<16xi32>], vector<16xf32>,
          %mul3A_230 = arith.constant 64 : i32
          %mul3A_231 = arith.muli %add3A_202, %mul3A_230 : i32
          %add3A_232 = arith.constant 16 : i32
          %add3A_233 = arith.addi %mul3A_231, %add3A_232 : i32
          %swap3A_234 = arith.index_cast %add3A_233 : i32 to index
          %swap3A_235 = tpu.vector_load %arg10[%swap3A_234] {strides = array<i32>} : memref<32768xf32, #tpu.memory_space<vmem>>, vector<16xf32>,
          tpu.vector_store %arg10[%swap3A_234], %gather3A_229 {strides = array<i32>} : memref<32768xf32, #tpu.memory_space<vmem>>, vector<16xf32>,
          %add3A_236 = arith.constant 32 : i32
          %add3A_237 = vector.broadcast %add3A_236 : i32 to vector<16xi32>
          %add3A_238 = arith.addi %iota3A, %add3A_237 : vector<16xi32>
          %gather3A_239 = arith.constant 0 : i32
          %gather3A_240 = arith.constant 0 : i32
          %gather3A_241 = tpu.memref_slice %arg9[%rem3A_157, %gather3A_239, %gather3A_240] : memref<10x64x128xf32, #tpu.memory_space<vmem>> -> memref<1x64x128xf32, #tpu.memory_space<vmem>>
          %gather3A_242 = tpu.memref_squeeze %gather3A_241 : memref<1x64x128xf32, #tpu.memory_space<vmem>> -> memref<64x128xf32, #tpu.memory_space<vmem>>
          %gather3A_243 = tpu.vector_load_idx %gather3A_242[%add3A_238, %add3A_208] : memref<64x128xf32, #tpu.memory_space<vmem>>[vector<16xi32>, vector<16xi32>], vector<16xf32>,
          %mul3A_244 = arith.constant 64 : i32
          %mul3A_245 = arith.muli %add3A_202, %mul3A_244 : i32
          %add3A_246 = arith.constant 32 : i32
          %add3A_247 = arith.addi %mul3A_245, %add3A_246 : i32
          %swap3A_248 = arith.index_cast %add3A_247 : i32 to index
          %swap3A_249 = tpu.vector_load %arg10[%swap3A_248] {strides = array<i32>} : memref<32768xf32, #tpu.memory_space<vmem>>, vector<16xf32>,
          tpu.vector_store %arg10[%swap3A_248], %gather3A_243 {strides = array<i32>} : memref<32768xf32, #tpu.memory_space<vmem>>, vector<16xf32>,
          %add3A_250 = arith.constant 48 : i32
          %add3A_251 = vector.broadcast %add3A_250 : i32 to vector<16xi32>
          %add3A_252 = arith.addi %iota3A, %add3A_251 : vector<16xi32>
          %gather3A_253 = arith.constant 0 : i32
          %gather3A_254 = arith.constant 0 : i32
          %gather3A_255 = tpu.memref_slice %arg9[%rem3A_157, %gather3A_253, %gather3A_254] : memref<10x64x128xf32, #tpu.memory_space<vmem>> -> memref<1x64x128xf32, #tpu.memory_space<vmem>>
          %gather3A_256 = tpu.memref_squeeze %gather3A_255 : memref<1x64x128xf32, #tpu.memory_space<vmem>> -> memref<64x128xf32, #tpu.memory_space<vmem>>
          %gather3A_257 = tpu.vector_load_idx %gather3A_256[%add3A_252, %add3A_208] : memref<64x128xf32, #tpu.memory_space<vmem>>[vector<16xi32>, vector<16xi32>], vector<16xf32>,
          %mul3A_258 = arith.constant 64 : i32
          %mul3A_259 = arith.muli %add3A_202, %mul3A_258 : i32
          %add3A_260 = arith.constant 48 : i32
          %add3A_261 = arith.addi %mul3A_259, %add3A_260 : i32
          %swap3A_262 = arith.index_cast %add3A_261 : i32 to index
          %swap3A_263 = tpu.vector_load %arg10[%swap3A_262] {strides = array<i32>} : memref<32768xf32, #tpu.memory_space<vmem>>, vector<16xf32>,
          tpu.vector_store %arg10[%swap3A_262], %gather3A_257 {strides = array<i32>} : memref<32768xf32, #tpu.memory_space<vmem>>, vector<16xf32>,
        }
        %while3A_193 = arith.constant 1 : i32
        scf.for %while3A_200 = %while3A_191 to %while3A_187 step %while3A_193  : i32 {
          %mul3A_201 = arith.muli %while3A_200, %while3A_184 : i32
          %add3A_202 = arith.addi %get3A_172, %mul3A_201 : i32
          %get3A_203 = arith.index_cast %add3A_202 : i32 to index
          %get3A_204 = memref.load %arg5[%get3A_203] : memref<512xi32, #tpu.memory_space<smem>>
          %and3A = arith.constant 127 : i32
          %and3A_205 = arith.andi %get3A_204, %and3A : i32
          %broadcast_in_dim3A = arith.constant 0 : i32
          %broadcast_in_dim3A_206 = vector.broadcast %broadcast_in_dim3A : i32 to vector<16xi32>
          %add3A_207 = vector.broadcast %and3A_205 : i32 to vector<16xi32>
          %add3A_208 = arith.addi %broadcast_in_dim3A_206, %add3A_207 : vector<16xi32>
          %add3A_209 = arith.constant 0 : i32
          %add3A_210 = vector.broadcast %add3A_209 : i32 to vector<16xi32>
          %add3A_211 = arith.addi %iota3A, %add3A_210 : vector<16xi32>
          %gather3A = arith.constant 0 : i32
          %gather3A_212 = arith.constant 0 : i32
          %gather3A_213 = tpu.memref_slice %arg9[%rem3A_157, %gather3A, %gather3A_212] : memref<10x64x128xf32, #tpu.memory_space<vmem>> -> memref<1x64x128xf32, #tpu.memory_space<vmem>>
          %gather3A_214 = tpu.memref_squeeze %gather3A_213 : memref<1x64x128xf32, #tpu.memory_space<vmem>> -> memref<64x128xf32, #tpu.memory_space<vmem>>
          %gather3A_215 = tpu.vector_load_idx %gather3A_214[%add3A_211, %add3A_208] : memref<64x128xf32, #tpu.memory_space<vmem>>[vector<16xi32>, vector<16xi32>], vector<16xf32>,
          %mul3A_216 = arith.constant 64 : i32
          %mul3A_217 = arith.muli %add3A_202, %mul3A_216 : i32
          %add3A_218 = arith.constant 0 : i32
          %add3A_219 = arith.addi %mul3A_217, %add3A_218 : i32
          %swap3A_220 = arith.index_cast %add3A_219 : i32 to index
          %swap3A_221 = tpu.vector_load %arg10[%swap3A_220] {strides = array<i32>} : memref<32768xf32, #tpu.memory_space<vmem>>, vector<16xf32>,
          tpu.vector_store %arg10[%swap3A_220], %gather3A_215 {strides = array<i32>} : memref<32768xf32, #tpu.memory_space<vmem>>, vector<16xf32>,
          %add3A_222 = arith.constant 16 : i32
          %add3A_223 = vector.broadcast %add3A_222 : i32 to vector<16xi32>
          %add3A_224 = arith.addi %iota3A, %add3A_223 : vector<16xi32>
          %gather3A_225 = arith.constant 0 : i32
          %gather3A_226 = arith.constant 0 : i32
          %gather3A_227 = tpu.memref_slice %arg9[%rem3A_157, %gather3A_225, %gather3A_226] : memref<10x64x128xf32, #tpu.memory_space<vmem>> -> memref<1x64x128xf32, #tpu.memory_space<vmem>>
          %gather3A_228 = tpu.memref_squeeze %gather3A_227 : memref<1x64x128xf32, #tpu.memory_space<vmem>> -> memref<64x128xf32, #tpu.memory_space<vmem>>
          %gather3A_229 = tpu.vector_load_idx %gather3A_228[%add3A_224, %add3A_208] : memref<64x128xf32, #tpu.memory_space<vmem>>[vector<16xi32>, vector<16xi32>], vector<16xf32>,
          %mul3A_230 = arith.constant 64 : i32
          %mul3A_231 = arith.muli %add3A_202, %mul3A_230 : i32
          %add3A_232 = arith.constant 16 : i32
          %add3A_233 = arith.addi %mul3A_231, %add3A_232 : i32
          %swap3A_234 = arith.index_cast %add3A_233 : i32 to index
          %swap3A_235 = tpu.vector_load %arg10[%swap3A_234] {strides = array<i32>} : memref<32768xf32, #tpu.memory_space<vmem>>, vector<16xf32>,
          tpu.vector_store %arg10[%swap3A_234], %gather3A_229 {strides = array<i32>} : memref<32768xf32, #tpu.memory_space<vmem>>, vector<16xf32>,
          %add3A_236 = arith.constant 32 : i32
          %add3A_237 = vector.broadcast %add3A_236 : i32 to vector<16xi32>
          %add3A_238 = arith.addi %iota3A, %add3A_237 : vector<16xi32>
          %gather3A_239 = arith.constant 0 : i32
          %gather3A_240 = arith.constant 0 : i32
          %gather3A_241 = tpu.memref_slice %arg9[%rem3A_157, %gather3A_239, %gather3A_240] : memref<10x64x128xf32, #tpu.memory_space<vmem>> -> memref<1x64x128xf32, #tpu.memory_space<vmem>>
          %gather3A_242 = tpu.memref_squeeze %gather3A_241 : memref<1x64x128xf32, #tpu.memory_space<vmem>> -> memref<64x128xf32, #tpu.memory_space<vmem>>
          %gather3A_243 = tpu.vector_load_idx %gather3A_242[%add3A_238, %add3A_208] : memref<64x128xf32, #tpu.memory_space<vmem>>[vector<16xi32>, vector<16xi32>], vector<16xf32>,
          %mul3A_244 = arith.constant 64 : i32
          %mul3A_245 = arith.muli %add3A_202, %mul3A_244 : i32
          %add3A_246 = arith.constant 32 : i32
          %add3A_247 = arith.addi %mul3A_245, %add3A_246 : i32
          %swap3A_248 = arith.index_cast %add3A_247 : i32 to index
          %swap3A_249 = tpu.vector_load %arg10[%swap3A_248] {strides = array<i32>} : memref<32768xf32, #tpu.memory_space<vmem>>, vector<16xf32>,
          tpu.vector_store %arg10[%swap3A_248], %gather3A_243 {strides = array<i32>} : memref<32768xf32, #tpu.memory_space<vmem>>, vector<16xf32>,
          %add3A_250 = arith.constant 48 : i32
          %add3A_251 = vector.broadcast %add3A_250 : i32 to vector<16xi32>
          %add3A_252 = arith.addi %iota3A, %add3A_251 : vector<16xi32>
          %gather3A_253 = arith.constant 0 : i32
          %gather3A_254 = arith.constant 0 : i32
          %gather3A_255 = tpu.memref_slice %arg9[%rem3A_157, %gather3A_253, %gather3A_254] : memref<10x64x128xf32, #tpu.memory_space<vmem>> -> memref<1x64x128xf32, #tpu.memory_space<vmem>>
          %gather3A_256 = tpu.memref_squeeze %gather3A_255 : memref<1x64x128xf32, #tpu.memory_space<vmem>> -> memref<64x128xf32, #tpu.memory_space<vmem>>
          %gather3A_257 = tpu.vector_load_idx %gather3A_256[%add3A_252, %add3A_208] : memref<64x128xf32, #tpu.memory_space<vmem>>[vector<16xi32>, vector<16xi32>], vector<16xf32>,
          %mul3A_258 = arith.constant 64 : i32
          %mul3A_259 = arith.muli %add3A_202, %mul3A_258 : i32
          %add3A_260 = arith.constant 48 : i32
          %add3A_261 = arith.addi %mul3A_259, %add3A_260 : i32
          %swap3A_262 = arith.index_cast %add3A_261 : i32 to index
          %swap3A_263 = tpu.vector_load %arg10[%swap3A_262] {strides = array<i32>} : memref<32768xf32, #tpu.memory_space<vmem>>, vector<16xf32>,
          tpu.vector_store %arg10[%swap3A_262], %gather3A_257 {strides = array<i32>} : memref<32768xf32, #tpu.memory_space<vmem>>, vector<16xf32>,
        }
        %add3A_194 = arith.constant 10 : i32
        %add3A_195 = arith.addi %add3A_98, %add3A_194 : i32
        %lt3A_196 = arith.cmpi slt, %add3A_195, %scan3A_15#0 : i32
        %convert_element_type3A_197 = arith.extui %lt3A_196 : i1 to i32
        %cond3A_198 = arith.constant 0 : i32
        %cond3A_199 = arith.cmpi ne, %convert_element_type3A_197, %cond3A_198 : i32
        scf.if %cond3A_199 {
          %get3A_200 = arith.index_cast %add3A_195 : i32 to index
          %get3A_201 = memref.load %arg6[%get3A_200] : memref<512xi32, #tpu.memory_space<smem>>
          %mul3A_202 = arith.constant 128 : i32
          %mul3A_203 = arith.muli %get3A_201, %mul3A_202 : i32
          %rem3A_204 = arith.constant 10 : i32
          %rem3A_205 = arith.remsi %add3A_195, %rem3A_204 : i32
          %dma_start3A_206 = arith.constant 0 : i32
          %dma_start3A_207 = arith.constant 0 : i32
          %dma_start3A_208 = tpu.memref_slice %arg9[%rem3A_205, %dma_start3A_206, %dma_start3A_207] : memref<10x64x128xf32, #tpu.memory_space<vmem>> -> memref<1x64x128xf32, #tpu.memory_space<vmem>>
          %dma_start3A_209 = tpu.memref_squeeze %dma_start3A_208 : memref<1x64x128xf32, #tpu.memory_space<vmem>> -> memref<64x128xf32, #tpu.memory_space<vmem>>
          %dma_start3A_210 = arith.constant 0 : i32
          %dma_start3A_211 = tpu.memref_slice %arg2[%dma_start3A_210, %mul3A_203] : memref<64x1000001xf32, #tpu.memory_space<hbm>> -> memref<64x128xf32, #tpu.memory_space<hbm>>
          %dma_start3A_212 = arith.constant 0 : i32
          %dma_start3A_213 = arith.constant 0 : i32
          %dma_start3A_214 = tpu.memref_slice %arg9[%rem3A_205, %dma_start3A_212, %dma_start3A_213] : memref<10x64x128xf32, #tpu.memory_space<vmem>> -> memref<1x64x128xf32, #tpu.memory_space<vmem>>
          %dma_start3A_215 = tpu.memref_squeeze %dma_start3A_214 : memref<1x64x128xf32, #tpu.memory_space<vmem>> -> memref<64x128xf32, #tpu.memory_space<vmem>>
          %dma_start3A_216 = arith.constant 0 : i32
          %dma_start3A_217 = tpu.memref_slice %arg2[%dma_start3A_216, %mul3A_203] : memref<64x1000001xf32, #tpu.memory_space<hbm>> -> memref<64x128xf32, #tpu.memory_space<hbm>>
          tpu.enqueue_dma source(%dma_start3A_217 : memref<64x128xf32, #tpu.memory_space<hbm>>) target(%dma_start3A_215 : memref<64x128xf32, #tpu.memory_space<vmem>>) target_semaphore(%arg11 : memref<!tpu.dma_semaphore, #tpu.memory_space<semaphore_mem>>)
        } else {
        }
      } else {
      }
      %add3A_103 = arith.constant 1 : i32
      %add3A_104 = arith.addi %add3A_96, %add3A_103 : i32
      %lt3A_105 = arith.cmpi slt, %add3A_104, %scan3A_15#0 : i32
      %convert_element_type3A_106 = arith.extui %lt3A_105 : i1 to i32
      %cond3A_107 = arith.constant 0 : i32
      %cond3A_108 = arith.cmpi ne, %convert_element_type3A_106, %cond3A_107 : i32
      scf.if %cond3A_108 {
        %rem3A = arith.constant 10 : i32
        %rem3A_157 = arith.remsi %add3A_104, %rem3A : i32
        %dma_wait3A_158 = arith.constant 0 : i32
        %dma_wait3A_159 = arith.constant 0 : i32
        %dma_wait3A_160 = tpu.memref_slice %arg9[%rem3A_157, %dma_wait3A_158, %dma_wait3A_159] : memref<10x64x128xf32, #tpu.memory_space<vmem>> -> memref<1x64x128xf32, #tpu.memory_space<vmem>>
        %dma_wait3A_161 = tpu.memref_squeeze %dma_wait3A_160 : memref<1x64x128xf32, #tpu.memory_space<vmem>> -> memref<64x128xf32, #tpu.memory_space<vmem>>
        %dma_wait3A_162 = arith.constant 0 : i32
        %dma_wait3A_163 = arith.constant 0 : i32
        %dma_wait3A_164 = tpu.memref_slice %arg2[%dma_wait3A_162, %dma_wait3A_163] : memref<64x1000001xf32, #tpu.memory_space<hbm>> -> memref<64x128xf32, #tpu.memory_space<hbm>>
        %dma_wait3A_165 = arith.constant 0 : i32
        %dma_wait3A_166 = arith.constant 0 : i32
        %dma_wait3A_167 = tpu.memref_slice %arg9[%rem3A_157, %dma_wait3A_165, %dma_wait3A_166] : memref<10x64x128xf32, #tpu.memory_space<vmem>> -> memref<1x64x128xf32, #tpu.memory_space<vmem>>
        %dma_wait3A_168 = tpu.memref_squeeze %dma_wait3A_167 : memref<1x64x128xf32, #tpu.memory_space<vmem>> -> memref<64x128xf32, #tpu.memory_space<vmem>>
        %dma_wait3A_169 = arith.constant 0 : i32
        %dma_wait3A_170 = arith.constant 0 : i32
        %dma_wait3A_171 = tpu.memref_slice %arg2[%dma_wait3A_169, %dma_wait3A_170] : memref<64x1000001xf32, #tpu.memory_space<hbm>> -> memref<64x128xf32, #tpu.memory_space<hbm>>
        tpu.wait_dma2 semaphore(%arg12 : memref<!tpu.dma_semaphore, #tpu.memory_space<semaphore_mem>>) src(%dma_wait3A_171 : memref<64x128xf32, #tpu.memory_space<hbm>>) dst(%dma_wait3A_168 : memref<64x128xf32, #tpu.memory_space<vmem>>)
        %get3A = arith.index_cast %add3A_104 : i32 to index
        %get3A_172 = memref.load %arg7[%get3A] : memref<513xi32, #tpu.memory_space<smem>>
        %add3A_173 = arith.constant 1 : i32
        %add3A_174 = arith.addi %add3A_104, %add3A_173 : i32
        %get3A_175 = arith.index_cast %add3A_174 : i32 to index
        %get3A_176 = memref.load %arg7[%get3A_175] : memref<513xi32, #tpu.memory_space<smem>>
        %sub3A_177 = arith.subi %get3A_176, %get3A_172 : i32
        %sub3A_178 = arith.constant 1 : i32
        %sub3A_179 = arith.constant 1 : i32
        %sub3A_180 = arith.subi %sub3A_178, %sub3A_179 : i32
        %add3A_181 = arith.addi %sub3A_177, %sub3A_180 : i32
        %div3A_182 = arith.constant 1 : i32
        %div3A_183 = arith.divsi %add3A_181, %div3A_182 : i32
        %while3A_184 = arith.constant 1 : i32
        %while3A_185 = arith.constant 0 : i32
        %while3A_186 = arith.subi %div3A_183, %while3A_185 : i32
        %while3A_187 = arith.addi %while3A_185, %while3A_186 : i32
        %while3A_188 = arith.constant 1 : i32
        %while3A_189 = arith.divsi %while3A_186, %while3A_188 : i32
        %while3A_190 = arith.muli %while3A_189, %while3A_188 : i32
        %while3A_191 = arith.addi %while3A_185, %while3A_190 : i32
        %while3A_192 = arith.constant 1 : i32
        scf.for %while3A_200 = %while3A_185 to %while3A_191 step %while3A_192  : i32 {
          %mul3A_201 = arith.muli %while3A_200, %while3A_184 : i32
          %add3A_202 = arith.addi %get3A_172, %mul3A_201 : i32
          %get3A_203 = arith.index_cast %add3A_202 : i32 to index
          %get3A_204 = memref.load %arg5[%get3A_203] : memref<512xi32, #tpu.memory_space<smem>>
          %and3A = arith.constant 127 : i32
          %and3A_205 = arith.andi %get3A_204, %and3A : i32
          %broadcast_in_dim3A = arith.constant 0 : i32
          %broadcast_in_dim3A_206 = vector.broadcast %broadcast_in_dim3A : i32 to vector<16xi32>
          %add3A_207 = vector.broadcast %and3A_205 : i32 to vector<16xi32>
          %add3A_208 = arith.addi %broadcast_in_dim3A_206, %add3A_207 : vector<16xi32>
          %add3A_209 = arith.constant 0 : i32
          %add3A_210 = vector.broadcast %add3A_209 : i32 to vector<16xi32>
          %add3A_211 = arith.addi %iota3A, %add3A_210 : vector<16xi32>
          %gather3A = arith.constant 0 : i32
          %gather3A_212 = arith.constant 0 : i32
          %gather3A_213 = tpu.memref_slice %arg9[%rem3A_157, %gather3A, %gather3A_212] : memref<10x64x128xf32, #tpu.memory_space<vmem>> -> memref<1x64x128xf32, #tpu.memory_space<vmem>>
          %gather3A_214 = tpu.memref_squeeze %gather3A_213 : memref<1x64x128xf32, #tpu.memory_space<vmem>> -> memref<64x128xf32, #tpu.memory_space<vmem>>
          %gather3A_215 = tpu.vector_load_idx %gather3A_214[%add3A_211, %add3A_208] : memref<64x128xf32, #tpu.memory_space<vmem>>[vector<16xi32>, vector<16xi32>], vector<16xf32>,
          %mul3A_216 = arith.constant 64 : i32
          %mul3A_217 = arith.muli %add3A_202, %mul3A_216 : i32
          %add3A_218 = arith.constant 0 : i32
          %add3A_219 = arith.addi %mul3A_217, %add3A_218 : i32
          %swap3A_220 = arith.index_cast %add3A_219 : i32 to index
          %swap3A_221 = tpu.vector_load %arg10[%swap3A_220] {strides = array<i32>} : memref<32768xf32, #tpu.memory_space<vmem>>, vector<16xf32>,
          tpu.vector_store %arg10[%swap3A_220], %gather3A_215 {strides = array<i32>} : memref<32768xf32, #tpu.memory_space<vmem>>, vector<16xf32>,
          %add3A_222 = arith.constant 16 : i32
          %add3A_223 = vector.broadcast %add3A_222 : i32 to vector<16xi32>
          %add3A_224 = arith.addi %iota3A, %add3A_223 : vector<16xi32>
          %gather3A_225 = arith.constant 0 : i32
          %gather3A_226 = arith.constant 0 : i32
          %gather3A_227 = tpu.memref_slice %arg9[%rem3A_157, %gather3A_225, %gather3A_226] : memref<10x64x128xf32, #tpu.memory_space<vmem>> -> memref<1x64x128xf32, #tpu.memory_space<vmem>>
          %gather3A_228 = tpu.memref_squeeze %gather3A_227 : memref<1x64x128xf32, #tpu.memory_space<vmem>> -> memref<64x128xf32, #tpu.memory_space<vmem>>
          %gather3A_229 = tpu.vector_load_idx %gather3A_228[%add3A_224, %add3A_208] : memref<64x128xf32, #tpu.memory_space<vmem>>[vector<16xi32>, vector<16xi32>], vector<16xf32>,
          %mul3A_230 = arith.constant 64 : i32
          %mul3A_231 = arith.muli %add3A_202, %mul3A_230 : i32
          %add3A_232 = arith.constant 16 : i32
          %add3A_233 = arith.addi %mul3A_231, %add3A_232 : i32
          %swap3A_234 = arith.index_cast %add3A_233 : i32 to index
          %swap3A_235 = tpu.vector_load %arg10[%swap3A_234] {strides = array<i32>} : memref<32768xf32, #tpu.memory_space<vmem>>, vector<16xf32>,
          tpu.vector_store %arg10[%swap3A_234], %gather3A_229 {strides = array<i32>} : memref<32768xf32, #tpu.memory_space<vmem>>, vector<16xf32>,
          %add3A_236 = arith.constant 32 : i32
          %add3A_237 = vector.broadcast %add3A_236 : i32 to vector<16xi32>
          %add3A_238 = arith.addi %iota3A, %add3A_237 : vector<16xi32>
          %gather3A_239 = arith.constant 0 : i32
          %gather3A_240 = arith.constant 0 : i32
          %gather3A_241 = tpu.memref_slice %arg9[%rem3A_157, %gather3A_239, %gather3A_240] : memref<10x64x128xf32, #tpu.memory_space<vmem>> -> memref<1x64x128xf32, #tpu.memory_space<vmem>>
          %gather3A_242 = tpu.memref_squeeze %gather3A_241 : memref<1x64x128xf32, #tpu.memory_space<vmem>> -> memref<64x128xf32, #tpu.memory_space<vmem>>
          %gather3A_243 = tpu.vector_load_idx %gather3A_242[%add3A_238, %add3A_208] : memref<64x128xf32, #tpu.memory_space<vmem>>[vector<16xi32>, vector<16xi32>], vector<16xf32>,
          %mul3A_244 = arith.constant 64 : i32
          %mul3A_245 = arith.muli %add3A_202, %mul3A_244 : i32
          %add3A_246 = arith.constant 32 : i32
          %add3A_247 = arith.addi %mul3A_245, %add3A_246 : i32
          %swap3A_248 = arith.index_cast %add3A_247 : i32 to index
          %swap3A_249 = tpu.vector_load %arg10[%swap3A_248] {strides = array<i32>} : memref<32768xf32, #tpu.memory_space<vmem>>, vector<16xf32>,
          tpu.vector_store %arg10[%swap3A_248], %gather3A_243 {strides = array<i32>} : memref<32768xf32, #tpu.memory_space<vmem>>, vector<16xf32>,
          %add3A_250 = arith.constant 48 : i32
          %add3A_251 = vector.broadcast %add3A_250 : i32 to vector<16xi32>
          %add3A_252 = arith.addi %iota3A, %add3A_251 : vector<16xi32>
          %gather3A_253 = arith.constant 0 : i32
          %gather3A_254 = arith.constant 0 : i32
          %gather3A_255 = tpu.memref_slice %arg9[%rem3A_157, %gather3A_253, %gather3A_254] : memref<10x64x128xf32, #tpu.memory_space<vmem>> -> memref<1x64x128xf32, #tpu.memory_space<vmem>>
          %gather3A_256 = tpu.memref_squeeze %gather3A_255 : memref<1x64x128xf32, #tpu.memory_space<vmem>> -> memref<64x128xf32, #tpu.memory_space<vmem>>
          %gather3A_257 = tpu.vector_load_idx %gather3A_256[%add3A_252, %add3A_208] : memref<64x128xf32, #tpu.memory_space<vmem>>[vector<16xi32>, vector<16xi32>], vector<16xf32>,
          %mul3A_258 = arith.constant 64 : i32
          %mul3A_259 = arith.muli %add3A_202, %mul3A_258 : i32
          %add3A_260 = arith.constant 48 : i32
          %add3A_261 = arith.addi %mul3A_259, %add3A_260 : i32
          %swap3A_262 = arith.index_cast %add3A_261 : i32 to index
          %swap3A_263 = tpu.vector_load %arg10[%swap3A_262] {strides = array<i32>} : memref<32768xf32, #tpu.memory_space<vmem>>, vector<16xf32>,
          tpu.vector_store %arg10[%swap3A_262], %gather3A_257 {strides = array<i32>} : memref<32768xf32, #tpu.memory_space<vmem>>, vector<16xf32>,
        }
        %while3A_193 = arith.constant 1 : i32
        scf.for %while3A_200 = %while3A_191 to %while3A_187 step %while3A_193  : i32 {
          %mul3A_201 = arith.muli %while3A_200, %while3A_184 : i32
          %add3A_202 = arith.addi %get3A_172, %mul3A_201 : i32
          %get3A_203 = arith.index_cast %add3A_202 : i32 to index
          %get3A_204 = memref.load %arg5[%get3A_203] : memref<512xi32, #tpu.memory_space<smem>>
          %and3A = arith.constant 127 : i32
          %and3A_205 = arith.andi %get3A_204, %and3A : i32
          %broadcast_in_dim3A = arith.constant 0 : i32
          %broadcast_in_dim3A_206 = vector.broadcast %broadcast_in_dim3A : i32 to vector<16xi32>
          %add3A_207 = vector.broadcast %and3A_205 : i32 to vector<16xi32>
          %add3A_208 = arith.addi %broadcast_in_dim3A_206, %add3A_207 : vector<16xi32>
          %add3A_209 = arith.constant 0 : i32
          %add3A_210 = vector.broadcast %add3A_209 : i32 to vector<16xi32>
          %add3A_211 = arith.addi %iota3A, %add3A_210 : vector<16xi32>
          %gather3A = arith.constant 0 : i32
          %gather3A_212 = arith.constant 0 : i32
          %gather3A_213 = tpu.memref_slice %arg9[%rem3A_157, %gather3A, %gather3A_212] : memref<10x64x128xf32, #tpu.memory_space<vmem>> -> memref<1x64x128xf32, #tpu.memory_space<vmem>>
          %gather3A_214 = tpu.memref_squeeze %gather3A_213 : memref<1x64x128xf32, #tpu.memory_space<vmem>> -> memref<64x128xf32, #tpu.memory_space<vmem>>
          %gather3A_215 = tpu.vector_load_idx %gather3A_214[%add3A_211, %add3A_208] : memref<64x128xf32, #tpu.memory_space<vmem>>[vector<16xi32>, vector<16xi32>], vector<16xf32>,
          %mul3A_216 = arith.constant 64 : i32
          %mul3A_217 = arith.muli %add3A_202, %mul3A_216 : i32
          %add3A_218 = arith.constant 0 : i32
          %add3A_219 = arith.addi %mul3A_217, %add3A_218 : i32
          %swap3A_220 = arith.index_cast %add3A_219 : i32 to index
          %swap3A_221 = tpu.vector_load %arg10[%swap3A_220] {strides = array<i32>} : memref<32768xf32, #tpu.memory_space<vmem>>, vector<16xf32>,
          tpu.vector_store %arg10[%swap3A_220], %gather3A_215 {strides = array<i32>} : memref<32768xf32, #tpu.memory_space<vmem>>, vector<16xf32>,
          %add3A_222 = arith.constant 16 : i32
          %add3A_223 = vector.broadcast %add3A_222 : i32 to vector<16xi32>
          %add3A_224 = arith.addi %iota3A, %add3A_223 : vector<16xi32>
          %gather3A_225 = arith.constant 0 : i32
          %gather3A_226 = arith.constant 0 : i32
          %gather3A_227 = tpu.memref_slice %arg9[%rem3A_157, %gather3A_225, %gather3A_226] : memref<10x64x128xf32, #tpu.memory_space<vmem>> -> memref<1x64x128xf32, #tpu.memory_space<vmem>>
          %gather3A_228 = tpu.memref_squeeze %gather3A_227 : memref<1x64x128xf32, #tpu.memory_space<vmem>> -> memref<64x128xf32, #tpu.memory_space<vmem>>
          %gather3A_229 = tpu.vector_load_idx %gather3A_228[%add3A_224, %add3A_208] : memref<64x128xf32, #tpu.memory_space<vmem>>[vector<16xi32>, vector<16xi32>], vector<16xf32>,
          %mul3A_230 = arith.constant 64 : i32
          %mul3A_231 = arith.muli %add3A_202, %mul3A_230 : i32
          %add3A_232 = arith.constant 16 : i32
          %add3A_233 = arith.addi %mul3A_231, %add3A_232 : i32
          %swap3A_234 = arith.index_cast %add3A_233 : i32 to index
          %swap3A_235 = tpu.vector_load %arg10[%swap3A_234] {strides = array<i32>} : memref<32768xf32, #tpu.memory_space<vmem>>, vector<16xf32>,
          tpu.vector_store %arg10[%swap3A_234], %gather3A_229 {strides = array<i32>} : memref<32768xf32, #tpu.memory_space<vmem>>, vector<16xf32>,
          %add3A_236 = arith.constant 32 : i32
          %add3A_237 = vector.broadcast %add3A_236 : i32 to vector<16xi32>
          %add3A_238 = arith.addi %iota3A, %add3A_237 : vector<16xi32>
          %gather3A_239 = arith.constant 0 : i32
          %gather3A_240 = arith.constant 0 : i32
          %gather3A_241 = tpu.memref_slice %arg9[%rem3A_157, %gather3A_239, %gather3A_240] : memref<10x64x128xf32, #tpu.memory_space<vmem>> -> memref<1x64x128xf32, #tpu.memory_space<vmem>>
          %gather3A_242 = tpu.memref_squeeze %gather3A_241 : memref<1x64x128xf32, #tpu.memory_space<vmem>> -> memref<64x128xf32, #tpu.memory_space<vmem>>
          %gather3A_243 = tpu.vector_load_idx %gather3A_242[%add3A_238, %add3A_208] : memref<64x128xf32, #tpu.memory_space<vmem>>[vector<16xi32>, vector<16xi32>], vector<16xf32>,
          %mul3A_244 = arith.constant 64 : i32
          %mul3A_245 = arith.muli %add3A_202, %mul3A_244 : i32
          %add3A_246 = arith.constant 32 : i32
          %add3A_247 = arith.addi %mul3A_245, %add3A_246 : i32
          %swap3A_248 = arith.index_cast %add3A_247 : i32 to index
          %swap3A_249 = tpu.vector_load %arg10[%swap3A_248] {strides = array<i32>} : memref<32768xf32, #tpu.memory_space<vmem>>, vector<16xf32>,
          tpu.vector_store %arg10[%swap3A_248], %gather3A_243 {strides = array<i32>} : memref<32768xf32, #tpu.memory_space<vmem>>, vector<16xf32>,
          %add3A_250 = arith.constant 48 : i32
          %add3A_251 = vector.broadcast %add3A_250 : i32 to vector<16xi32>
          %add3A_252 = arith.addi %iota3A, %add3A_251 : vector<16xi32>
          %gather3A_253 = arith.constant 0 : i32
          %gather3A_254 = arith.constant 0 : i32
          %gather3A_255 = tpu.memref_slice %arg9[%rem3A_157, %gather3A_253, %gather3A_254] : memref<10x64x128xf32, #tpu.memory_space<vmem>> -> memref<1x64x128xf32, #tpu.memory_space<vmem>>
          %gather3A_256 = tpu.memref_squeeze %gather3A_255 : memref<1x64x128xf32, #tpu.memory_space<vmem>> -> memref<64x128xf32, #tpu.memory_space<vmem>>
          %gather3A_257 = tpu.vector_load_idx %gather3A_256[%add3A_252, %add3A_208] : memref<64x128xf32, #tpu.memory_space<vmem>>[vector<16xi32>, vector<16xi32>], vector<16xf32>,
          %mul3A_258 = arith.constant 64 : i32
          %mul3A_259 = arith.muli %add3A_202, %mul3A_258 : i32
          %add3A_260 = arith.constant 48 : i32
          %add3A_261 = arith.addi %mul3A_259, %add3A_260 : i32
          %swap3A_262 = arith.index_cast %add3A_261 : i32 to index
          %swap3A_263 = tpu.vector_load %arg10[%swap3A_262] {strides = array<i32>} : memref<32768xf32, #tpu.memory_space<vmem>>, vector<16xf32>,
          tpu.vector_store %arg10[%swap3A_262], %gather3A_257 {strides = array<i32>} : memref<32768xf32, #tpu.memory_space<vmem>>, vector<16xf32>,
        }
        %add3A_194 = arith.constant 10 : i32
        %add3A_195 = arith.addi %add3A_104, %add3A_194 : i32
        %lt3A_196 = arith.cmpi slt, %add3A_195, %scan3A_15#0 : i32
        %convert_element_type3A_197 = arith.extui %lt3A_196 : i1 to i32
        %cond3A_198 = arith.constant 0 : i32
        %cond3A_199 = arith.cmpi ne, %convert_element_type3A_197, %cond3A_198 : i32
        scf.if %cond3A_199 {
          %get3A_200 = arith.index_cast %add3A_195 : i32 to index
          %get3A_201 = memref.load %arg6[%get3A_200] : memref<512xi32, #tpu.memory_space<smem>>
          %mul3A_202 = arith.constant 128 : i32
          %mul3A_203 = arith.muli %get3A_201, %mul3A_202 : i32
          %rem3A_204 = arith.constant 10 : i32
          %rem3A_205 = arith.remsi %add3A_195, %rem3A_204 : i32
          %dma_start3A_206 = arith.constant 0 : i32
          %dma_start3A_207 = arith.constant 0 : i32
          %dma_start3A_208 = tpu.memref_slice %arg9[%rem3A_205, %dma_start3A_206, %dma_start3A_207] : memref<10x64x128xf32, #tpu.memory_space<vmem>> -> memref<1x64x128xf32, #tpu.memory_space<vmem>>
          %dma_start3A_209 = tpu.memref_squeeze %dma_start3A_208 : memref<1x64x128xf32, #tpu.memory_space<vmem>> -> memref<64x128xf32, #tpu.memory_space<vmem>>
          %dma_start3A_210 = arith.constant 0 : i32
          %dma_start3A_211 = tpu.memref_slice %arg2[%dma_start3A_210, %mul3A_203] : memref<64x1000001xf32, #tpu.memory_space<hbm>> -> memref<64x128xf32, #tpu.memory_space<hbm>>
          %dma_start3A_212 = arith.constant 0 : i32
          %dma_start3A_213 = arith.constant 0 : i32
          %dma_start3A_214 = tpu.memref_slice %arg9[%rem3A_205, %dma_start3A_212, %dma_start3A_213] : memref<10x64x128xf32, #tpu.memory_space<vmem>> -> memref<1x64x128xf32, #tpu.memory_space<vmem>>
          %dma_start3A_215 = tpu.memref_squeeze %dma_start3A_214 : memref<1x64x128xf32, #tpu.memory_space<vmem>> -> memref<64x128xf32, #tpu.memory_space<vmem>>
          %dma_start3A_216 = arith.constant 0 : i32
          %dma_start3A_217 = tpu.memref_slice %arg2[%dma_start3A_216, %mul3A_203] : memref<64x1000001xf32, #tpu.memory_space<hbm>> -> memref<64x128xf32, #tpu.memory_space<hbm>>
          tpu.enqueue_dma source(%dma_start3A_217 : memref<64x128xf32, #tpu.memory_space<hbm>>) target(%dma_start3A_215 : memref<64x128xf32, #tpu.memory_space<vmem>>) target_semaphore(%arg12 : memref<!tpu.dma_semaphore, #tpu.memory_space<semaphore_mem>>)
        } else {
        }
      } else {
      }
      %add3A_109 = arith.constant 2 : i32
      %add3A_110 = arith.addi %add3A_96, %add3A_109 : i32
      %lt3A_111 = arith.cmpi slt, %add3A_110, %scan3A_15#0 : i32
      %convert_element_type3A_112 = arith.extui %lt3A_111 : i1 to i32
      %cond3A_113 = arith.constant 0 : i32
      %cond3A_114 = arith.cmpi ne, %convert_element_type3A_112, %cond3A_113 : i32
      scf.if %cond3A_114 {
        %rem3A = arith.constant 10 : i32
        %rem3A_157 = arith.remsi %add3A_110, %rem3A : i32
        %dma_wait3A_158 = arith.constant 0 : i32
        %dma_wait3A_159 = arith.constant 0 : i32
        %dma_wait3A_160 = tpu.memref_slice %arg9[%rem3A_157, %dma_wait3A_158, %dma_wait3A_159] : memref<10x64x128xf32, #tpu.memory_space<vmem>> -> memref<1x64x128xf32, #tpu.memory_space<vmem>>
        %dma_wait3A_161 = tpu.memref_squeeze %dma_wait3A_160 : memref<1x64x128xf32, #tpu.memory_space<vmem>> -> memref<64x128xf32, #tpu.memory_space<vmem>>
        %dma_wait3A_162 = arith.constant 0 : i32
        %dma_wait3A_163 = arith.constant 0 : i32
        %dma_wait3A_164 = tpu.memref_slice %arg2[%dma_wait3A_162, %dma_wait3A_163] : memref<64x1000001xf32, #tpu.memory_space<hbm>> -> memref<64x128xf32, #tpu.memory_space<hbm>>
        %dma_wait3A_165 = arith.constant 0 : i32
        %dma_wait3A_166 = arith.constant 0 : i32
        %dma_wait3A_167 = tpu.memref_slice %arg9[%rem3A_157, %dma_wait3A_165, %dma_wait3A_166] : memref<10x64x128xf32, #tpu.memory_space<vmem>> -> memref<1x64x128xf32, #tpu.memory_space<vmem>>
        %dma_wait3A_168 = tpu.memref_squeeze %dma_wait3A_167 : memref<1x64x128xf32, #tpu.memory_space<vmem>> -> memref<64x128xf32, #tpu.memory_space<vmem>>
        %dma_wait3A_169 = arith.constant 0 : i32
        %dma_wait3A_170 = arith.constant 0 : i32
        %dma_wait3A_171 = tpu.memref_slice %arg2[%dma_wait3A_169, %dma_wait3A_170] : memref<64x1000001xf32, #tpu.memory_space<hbm>> -> memref<64x128xf32, #tpu.memory_space<hbm>>
        tpu.wait_dma2 semaphore(%arg13 : memref<!tpu.dma_semaphore, #tpu.memory_space<semaphore_mem>>) src(%dma_wait3A_171 : memref<64x128xf32, #tpu.memory_space<hbm>>) dst(%dma_wait3A_168 : memref<64x128xf32, #tpu.memory_space<vmem>>)
        %get3A = arith.index_cast %add3A_110 : i32 to index
        %get3A_172 = memref.load %arg7[%get3A] : memref<513xi32, #tpu.memory_space<smem>>
        %add3A_173 = arith.constant 1 : i32
        %add3A_174 = arith.addi %add3A_110, %add3A_173 : i32
        %get3A_175 = arith.index_cast %add3A_174 : i32 to index
        %get3A_176 = memref.load %arg7[%get3A_175] : memref<513xi32, #tpu.memory_space<smem>>
        %sub3A_177 = arith.subi %get3A_176, %get3A_172 : i32
        %sub3A_178 = arith.constant 1 : i32
        %sub3A_179 = arith.constant 1 : i32
        %sub3A_180 = arith.subi %sub3A_178, %sub3A_179 : i32
        %add3A_181 = arith.addi %sub3A_177, %sub3A_180 : i32
        %div3A_182 = arith.constant 1 : i32
        %div3A_183 = arith.divsi %add3A_181, %div3A_182 : i32
        %while3A_184 = arith.constant 1 : i32
        %while3A_185 = arith.constant 0 : i32
        %while3A_186 = arith.subi %div3A_183, %while3A_185 : i32
        %while3A_187 = arith.addi %while3A_185, %while3A_186 : i32
        %while3A_188 = arith.constant 1 : i32
        %while3A_189 = arith.divsi %while3A_186, %while3A_188 : i32
        %while3A_190 = arith.muli %while3A_189, %while3A_188 : i32
        %while3A_191 = arith.addi %while3A_185, %while3A_190 : i32
        %while3A_192 = arith.constant 1 : i32
        scf.for %while3A_200 = %while3A_185 to %while3A_191 step %while3A_192  : i32 {
          %mul3A_201 = arith.muli %while3A_200, %while3A_184 : i32
          %add3A_202 = arith.addi %get3A_172, %mul3A_201 : i32
          %get3A_203 = arith.index_cast %add3A_202 : i32 to index
          %get3A_204 = memref.load %arg5[%get3A_203] : memref<512xi32, #tpu.memory_space<smem>>
          %and3A = arith.constant 127 : i32
          %and3A_205 = arith.andi %get3A_204, %and3A : i32
          %broadcast_in_dim3A = arith.constant 0 : i32
          %broadcast_in_dim3A_206 = vector.broadcast %broadcast_in_dim3A : i32 to vector<16xi32>
          %add3A_207 = vector.broadcast %and3A_205 : i32 to vector<16xi32>
          %add3A_208 = arith.addi %broadcast_in_dim3A_206, %add3A_207 : vector<16xi32>
          %add3A_209 = arith.constant 0 : i32
          %add3A_210 = vector.broadcast %add3A_209 : i32 to vector<16xi32>
          %add3A_211 = arith.addi %iota3A, %add3A_210 : vector<16xi32>
          %gather3A = arith.constant 0 : i32
          %gather3A_212 = arith.constant 0 : i32
          %gather3A_213 = tpu.memref_slice %arg9[%rem3A_157, %gather3A, %gather3A_212] : memref<10x64x128xf32, #tpu.memory_space<vmem>> -> memref<1x64x128xf32, #tpu.memory_space<vmem>>
          %gather3A_214 = tpu.memref_squeeze %gather3A_213 : memref<1x64x128xf32, #tpu.memory_space<vmem>> -> memref<64x128xf32, #tpu.memory_space<vmem>>
          %gather3A_215 = tpu.vector_load_idx %gather3A_214[%add3A_211, %add3A_208] : memref<64x128xf32, #tpu.memory_space<vmem>>[vector<16xi32>, vector<16xi32>], vector<16xf32>,
          %mul3A_216 = arith.constant 64 : i32
          %mul3A_217 = arith.muli %add3A_202, %mul3A_216 : i32
          %add3A_218 = arith.constant 0 : i32
          %add3A_219 = arith.addi %mul3A_217, %add3A_218 : i32
          %swap3A_220 = arith.index_cast %add3A_219 : i32 to index
          %swap3A_221 = tpu.vector_load %arg10[%swap3A_220] {strides = array<i32>} : memref<32768xf32, #tpu.memory_space<vmem>>, vector<16xf32>,
          tpu.vector_store %arg10[%swap3A_220], %gather3A_215 {strides = array<i32>} : memref<32768xf32, #tpu.memory_space<vmem>>, vector<16xf32>,
          %add3A_222 = arith.constant 16 : i32
          %add3A_223 = vector.broadcast %add3A_222 : i32 to vector<16xi32>
          %add3A_224 = arith.addi %iota3A, %add3A_223 : vector<16xi32>
          %gather3A_225 = arith.constant 0 : i32
          %gather3A_226 = arith.constant 0 : i32
          %gather3A_227 = tpu.memref_slice %arg9[%rem3A_157, %gather3A_225, %gather3A_226] : memref<10x64x128xf32, #tpu.memory_space<vmem>> -> memref<1x64x128xf32, #tpu.memory_space<vmem>>
          %gather3A_228 = tpu.memref_squeeze %gather3A_227 : memref<1x64x128xf32, #tpu.memory_space<vmem>> -> memref<64x128xf32, #tpu.memory_space<vmem>>
          %gather3A_229 = tpu.vector_load_idx %gather3A_228[%add3A_224, %add3A_208] : memref<64x128xf32, #tpu.memory_space<vmem>>[vector<16xi32>, vector<16xi32>], vector<16xf32>,
          %mul3A_230 = arith.constant 64 : i32
          %mul3A_231 = arith.muli %add3A_202, %mul3A_230 : i32
          %add3A_232 = arith.constant 16 : i32
          %add3A_233 = arith.addi %mul3A_231, %add3A_232 : i32
          %swap3A_234 = arith.index_cast %add3A_233 : i32 to index
          %swap3A_235 = tpu.vector_load %arg10[%swap3A_234] {strides = array<i32>} : memref<32768xf32, #tpu.memory_space<vmem>>, vector<16xf32>,
          tpu.vector_store %arg10[%swap3A_234], %gather3A_229 {strides = array<i32>} : memref<32768xf32, #tpu.memory_space<vmem>>, vector<16xf32>,
          %add3A_236 = arith.constant 32 : i32
          %add3A_237 = vector.broadcast %add3A_236 : i32 to vector<16xi32>
          %add3A_238 = arith.addi %iota3A, %add3A_237 : vector<16xi32>
          %gather3A_239 = arith.constant 0 : i32
          %gather3A_240 = arith.constant 0 : i32
          %gather3A_241 = tpu.memref_slice %arg9[%rem3A_157, %gather3A_239, %gather3A_240] : memref<10x64x128xf32, #tpu.memory_space<vmem>> -> memref<1x64x128xf32, #tpu.memory_space<vmem>>
          %gather3A_242 = tpu.memref_squeeze %gather3A_241 : memref<1x64x128xf32, #tpu.memory_space<vmem>> -> memref<64x128xf32, #tpu.memory_space<vmem>>
          %gather3A_243 = tpu.vector_load_idx %gather3A_242[%add3A_238, %add3A_208] : memref<64x128xf32, #tpu.memory_space<vmem>>[vector<16xi32>, vector<16xi32>], vector<16xf32>,
          %mul3A_244 = arith.constant 64 : i32
          %mul3A_245 = arith.muli %add3A_202, %mul3A_244 : i32
          %add3A_246 = arith.constant 32 : i32
          %add3A_247 = arith.addi %mul3A_245, %add3A_246 : i32
          %swap3A_248 = arith.index_cast %add3A_247 : i32 to index
          %swap3A_249 = tpu.vector_load %arg10[%swap3A_248] {strides = array<i32>} : memref<32768xf32, #tpu.memory_space<vmem>>, vector<16xf32>,
          tpu.vector_store %arg10[%swap3A_248], %gather3A_243 {strides = array<i32>} : memref<32768xf32, #tpu.memory_space<vmem>>, vector<16xf32>,
          %add3A_250 = arith.constant 48 : i32
          %add3A_251 = vector.broadcast %add3A_250 : i32 to vector<16xi32>
          %add3A_252 = arith.addi %iota3A, %add3A_251 : vector<16xi32>
          %gather3A_253 = arith.constant 0 : i32
          %gather3A_254 = arith.constant 0 : i32
          %gather3A_255 = tpu.memref_slice %arg9[%rem3A_157, %gather3A_253, %gather3A_254] : memref<10x64x128xf32, #tpu.memory_space<vmem>> -> memref<1x64x128xf32, #tpu.memory_space<vmem>>
          %gather3A_256 = tpu.memref_squeeze %gather3A_255 : memref<1x64x128xf32, #tpu.memory_space<vmem>> -> memref<64x128xf32, #tpu.memory_space<vmem>>
          %gather3A_257 = tpu.vector_load_idx %gather3A_256[%add3A_252, %add3A_208] : memref<64x128xf32, #tpu.memory_space<vmem>>[vector<16xi32>, vector<16xi32>], vector<16xf32>,
          %mul3A_258 = arith.constant 64 : i32
          %mul3A_259 = arith.muli %add3A_202, %mul3A_258 : i32
          %add3A_260 = arith.constant 48 : i32
          %add3A_261 = arith.addi %mul3A_259, %add3A_260 : i32
          %swap3A_262 = arith.index_cast %add3A_261 : i32 to index
          %swap3A_263 = tpu.vector_load %arg10[%swap3A_262] {strides = array<i32>} : memref<32768xf32, #tpu.memory_space<vmem>>, vector<16xf32>,
          tpu.vector_store %arg10[%swap3A_262], %gather3A_257 {strides = array<i32>} : memref<32768xf32, #tpu.memory_space<vmem>>, vector<16xf32>,
        }
        %while3A_193 = arith.constant 1 : i32
        scf.for %while3A_200 = %while3A_191 to %while3A_187 step %while3A_193  : i32 {
          %mul3A_201 = arith.muli %while3A_200, %while3A_184 : i32
          %add3A_202 = arith.addi %get3A_172, %mul3A_201 : i32
          %get3A_203 = arith.index_cast %add3A_202 : i32 to index
          %get3A_204 = memref.load %arg5[%get3A_203] : memref<512xi32, #tpu.memory_space<smem>>
          %and3A = arith.constant 127 : i32
          %and3A_205 = arith.andi %get3A_204, %and3A : i32
          %broadcast_in_dim3A = arith.constant 0 : i32
          %broadcast_in_dim3A_206 = vector.broadcast %broadcast_in_dim3A : i32 to vector<16xi32>
          %add3A_207 = vector.broadcast %and3A_205 : i32 to vector<16xi32>
          %add3A_208 = arith.addi %broadcast_in_dim3A_206, %add3A_207 : vector<16xi32>
          %add3A_209 = arith.constant 0 : i32
          %add3A_210 = vector.broadcast %add3A_209 : i32 to vector<16xi32>
          %add3A_211 = arith.addi %iota3A, %add3A_210 : vector<16xi32>
          %gather3A = arith.constant 0 : i32
          %gather3A_212 = arith.constant 0 : i32
          %gather3A_213 = tpu.memref_slice %arg9[%rem3A_157, %gather3A, %gather3A_212] : memref<10x64x128xf32, #tpu.memory_space<vmem>> -> memref<1x64x128xf32, #tpu.memory_space<vmem>>
          %gather3A_214 = tpu.memref_squeeze %gather3A_213 : memref<1x64x128xf32, #tpu.memory_space<vmem>> -> memref<64x128xf32, #tpu.memory_space<vmem>>
          %gather3A_215 = tpu.vector_load_idx %gather3A_214[%add3A_211, %add3A_208] : memref<64x128xf32, #tpu.memory_space<vmem>>[vector<16xi32>, vector<16xi32>], vector<16xf32>,
          %mul3A_216 = arith.constant 64 : i32
          %mul3A_217 = arith.muli %add3A_202, %mul3A_216 : i32
          %add3A_218 = arith.constant 0 : i32
          %add3A_219 = arith.addi %mul3A_217, %add3A_218 : i32
          %swap3A_220 = arith.index_cast %add3A_219 : i32 to index
          %swap3A_221 = tpu.vector_load %arg10[%swap3A_220] {strides = array<i32>} : memref<32768xf32, #tpu.memory_space<vmem>>, vector<16xf32>,
          tpu.vector_store %arg10[%swap3A_220], %gather3A_215 {strides = array<i32>} : memref<32768xf32, #tpu.memory_space<vmem>>, vector<16xf32>,
          %add3A_222 = arith.constant 16 : i32
          %add3A_223 = vector.broadcast %add3A_222 : i32 to vector<16xi32>
          %add3A_224 = arith.addi %iota3A, %add3A_223 : vector<16xi32>
          %gather3A_225 = arith.constant 0 : i32
          %gather3A_226 = arith.constant 0 : i32
          %gather3A_227 = tpu.memref_slice %arg9[%rem3A_157, %gather3A_225, %gather3A_226] : memref<10x64x128xf32, #tpu.memory_space<vmem>> -> memref<1x64x128xf32, #tpu.memory_space<vmem>>
          %gather3A_228 = tpu.memref_squeeze %gather3A_227 : memref<1x64x128xf32, #tpu.memory_space<vmem>> -> memref<64x128xf32, #tpu.memory_space<vmem>>
          %gather3A_229 = tpu.vector_load_idx %gather3A_228[%add3A_224, %add3A_208] : memref<64x128xf32, #tpu.memory_space<vmem>>[vector<16xi32>, vector<16xi32>], vector<16xf32>,
          %mul3A_230 = arith.constant 64 : i32
          %mul3A_231 = arith.muli %add3A_202, %mul3A_230 : i32
          %add3A_232 = arith.constant 16 : i32
          %add3A_233 = arith.addi %mul3A_231, %add3A_232 : i32
          %swap3A_234 = arith.index_cast %add3A_233 : i32 to index
          %swap3A_235 = tpu.vector_load %arg10[%swap3A_234] {strides = array<i32>} : memref<32768xf32, #tpu.memory_space<vmem>>, vector<16xf32>,
          tpu.vector_store %arg10[%swap3A_234], %gather3A_229 {strides = array<i32>} : memref<32768xf32, #tpu.memory_space<vmem>>, vector<16xf32>,
          %add3A_236 = arith.constant 32 : i32
          %add3A_237 = vector.broadcast %add3A_236 : i32 to vector<16xi32>
          %add3A_238 = arith.addi %iota3A, %add3A_237 : vector<16xi32>
          %gather3A_239 = arith.constant 0 : i32
          %gather3A_240 = arith.constant 0 : i32
          %gather3A_241 = tpu.memref_slice %arg9[%rem3A_157, %gather3A_239, %gather3A_240] : memref<10x64x128xf32, #tpu.memory_space<vmem>> -> memref<1x64x128xf32, #tpu.memory_space<vmem>>
          %gather3A_242 = tpu.memref_squeeze %gather3A_241 : memref<1x64x128xf32, #tpu.memory_space<vmem>> -> memref<64x128xf32, #tpu.memory_space<vmem>>
          %gather3A_243 = tpu.vector_load_idx %gather3A_242[%add3A_238, %add3A_208] : memref<64x128xf32, #tpu.memory_space<vmem>>[vector<16xi32>, vector<16xi32>], vector<16xf32>,
          %mul3A_244 = arith.constant 64 : i32
          %mul3A_245 = arith.muli %add3A_202, %mul3A_244 : i32
          %add3A_246 = arith.constant 32 : i32
          %add3A_247 = arith.addi %mul3A_245, %add3A_246 : i32
          %swap3A_248 = arith.index_cast %add3A_247 : i32 to index
          %swap3A_249 = tpu.vector_load %arg10[%swap3A_248] {strides = array<i32>} : memref<32768xf32, #tpu.memory_space<vmem>>, vector<16xf32>,
          tpu.vector_store %arg10[%swap3A_248], %gather3A_243 {strides = array<i32>} : memref<32768xf32, #tpu.memory_space<vmem>>, vector<16xf32>,
          %add3A_250 = arith.constant 48 : i32
          %add3A_251 = vector.broadcast %add3A_250 : i32 to vector<16xi32>
          %add3A_252 = arith.addi %iota3A, %add3A_251 : vector<16xi32>
          %gather3A_253 = arith.constant 0 : i32
          %gather3A_254 = arith.constant 0 : i32
          %gather3A_255 = tpu.memref_slice %arg9[%rem3A_157, %gather3A_253, %gather3A_254] : memref<10x64x128xf32, #tpu.memory_space<vmem>> -> memref<1x64x128xf32, #tpu.memory_space<vmem>>
          %gather3A_256 = tpu.memref_squeeze %gather3A_255 : memref<1x64x128xf32, #tpu.memory_space<vmem>> -> memref<64x128xf32, #tpu.memory_space<vmem>>
          %gather3A_257 = tpu.vector_load_idx %gather3A_256[%add3A_252, %add3A_208] : memref<64x128xf32, #tpu.memory_space<vmem>>[vector<16xi32>, vector<16xi32>], vector<16xf32>,
          %mul3A_258 = arith.constant 64 : i32
          %mul3A_259 = arith.muli %add3A_202, %mul3A_258 : i32
          %add3A_260 = arith.constant 48 : i32
          %add3A_261 = arith.addi %mul3A_259, %add3A_260 : i32
          %swap3A_262 = arith.index_cast %add3A_261 : i32 to index
          %swap3A_263 = tpu.vector_load %arg10[%swap3A_262] {strides = array<i32>} : memref<32768xf32, #tpu.memory_space<vmem>>, vector<16xf32>,
          tpu.vector_store %arg10[%swap3A_262], %gather3A_257 {strides = array<i32>} : memref<32768xf32, #tpu.memory_space<vmem>>, vector<16xf32>,
        }
        %add3A_194 = arith.constant 10 : i32
        %add3A_195 = arith.addi %add3A_110, %add3A_194 : i32
        %lt3A_196 = arith.cmpi slt, %add3A_195, %scan3A_15#0 : i32
        %convert_element_type3A_197 = arith.extui %lt3A_196 : i1 to i32
        %cond3A_198 = arith.constant 0 : i32
        %cond3A_199 = arith.cmpi ne, %convert_element_type3A_197, %cond3A_198 : i32
        scf.if %cond3A_199 {
          %get3A_200 = arith.index_cast %add3A_195 : i32 to index
          %get3A_201 = memref.load %arg6[%get3A_200] : memref<512xi32, #tpu.memory_space<smem>>
          %mul3A_202 = arith.constant 128 : i32
          %mul3A_203 = arith.muli %get3A_201, %mul3A_202 : i32
          %rem3A_204 = arith.constant 10 : i32
          %rem3A_205 = arith.remsi %add3A_195, %rem3A_204 : i32
          %dma_start3A_206 = arith.constant 0 : i32
          %dma_start3A_207 = arith.constant 0 : i32
          %dma_start3A_208 = tpu.memref_slice %arg9[%rem3A_205, %dma_start3A_206, %dma_start3A_207] : memref<10x64x128xf32, #tpu.memory_space<vmem>> -> memref<1x64x128xf32, #tpu.memory_space<vmem>>
          %dma_start3A_209 = tpu.memref_squeeze %dma_start3A_208 : memref<1x64x128xf32, #tpu.memory_space<vmem>> -> memref<64x128xf32, #tpu.memory_space<vmem>>
          %dma_start3A_210 = arith.constant 0 : i32
          %dma_start3A_211 = tpu.memref_slice %arg2[%dma_start3A_210, %mul3A_203] : memref<64x1000001xf32, #tpu.memory_space<hbm>> -> memref<64x128xf32, #tpu.memory_space<hbm>>
          %dma_start3A_212 = arith.constant 0 : i32
          %dma_start3A_213 = arith.constant 0 : i32
          %dma_start3A_214 = tpu.memref_slice %arg9[%rem3A_205, %dma_start3A_212, %dma_start3A_213] : memref<10x64x128xf32, #tpu.memory_space<vmem>> -> memref<1x64x128xf32, #tpu.memory_space<vmem>>
          %dma_start3A_215 = tpu.memref_squeeze %dma_start3A_214 : memref<1x64x128xf32, #tpu.memory_space<vmem>> -> memref<64x128xf32, #tpu.memory_space<vmem>>
          %dma_start3A_216 = arith.constant 0 : i32
          %dma_start3A_217 = tpu.memref_slice %arg2[%dma_start3A_216, %mul3A_203] : memref<64x1000001xf32, #tpu.memory_space<hbm>> -> memref<64x128xf32, #tpu.memory_space<hbm>>
          tpu.enqueue_dma source(%dma_start3A_217 : memref<64x128xf32, #tpu.memory_space<hbm>>) target(%dma_start3A_215 : memref<64x128xf32, #tpu.memory_space<vmem>>) target_semaphore(%arg13 : memref<!tpu.dma_semaphore, #tpu.memory_space<semaphore_mem>>)
        } else {
        }
      } else {
      }
      %add3A_115 = arith.constant 3 : i32
      %add3A_116 = arith.addi %add3A_96, %add3A_115 : i32
      %lt3A_117 = arith.cmpi slt, %add3A_116, %scan3A_15#0 : i32
      %convert_element_type3A_118 = arith.extui %lt3A_117 : i1 to i32
      %cond3A_119 = arith.constant 0 : i32
      %cond3A_120 = arith.cmpi ne, %convert_element_type3A_118, %cond3A_119 : i32
      scf.if %cond3A_120 {
        %rem3A = arith.constant 10 : i32
        %rem3A_157 = arith.remsi %add3A_116, %rem3A : i32
        %dma_wait3A_158 = arith.constant 0 : i32
        %dma_wait3A_159 = arith.constant 0 : i32
        %dma_wait3A_160 = tpu.memref_slice %arg9[%rem3A_157, %dma_wait3A_158, %dma_wait3A_159] : memref<10x64x128xf32, #tpu.memory_space<vmem>> -> memref<1x64x128xf32, #tpu.memory_space<vmem>>
        %dma_wait3A_161 = tpu.memref_squeeze %dma_wait3A_160 : memref<1x64x128xf32, #tpu.memory_space<vmem>> -> memref<64x128xf32, #tpu.memory_space<vmem>>
        %dma_wait3A_162 = arith.constant 0 : i32
        %dma_wait3A_163 = arith.constant 0 : i32
        %dma_wait3A_164 = tpu.memref_slice %arg2[%dma_wait3A_162, %dma_wait3A_163] : memref<64x1000001xf32, #tpu.memory_space<hbm>> -> memref<64x128xf32, #tpu.memory_space<hbm>>
        %dma_wait3A_165 = arith.constant 0 : i32
        %dma_wait3A_166 = arith.constant 0 : i32
        %dma_wait3A_167 = tpu.memref_slice %arg9[%rem3A_157, %dma_wait3A_165, %dma_wait3A_166] : memref<10x64x128xf32, #tpu.memory_space<vmem>> -> memref<1x64x128xf32, #tpu.memory_space<vmem>>
        %dma_wait3A_168 = tpu.memref_squeeze %dma_wait3A_167 : memref<1x64x128xf32, #tpu.memory_space<vmem>> -> memref<64x128xf32, #tpu.memory_space<vmem>>
        %dma_wait3A_169 = arith.constant 0 : i32
        %dma_wait3A_170 = arith.constant 0 : i32
        %dma_wait3A_171 = tpu.memref_slice %arg2[%dma_wait3A_169, %dma_wait3A_170] : memref<64x1000001xf32, #tpu.memory_space<hbm>> -> memref<64x128xf32, #tpu.memory_space<hbm>>
        tpu.wait_dma2 semaphore(%arg14 : memref<!tpu.dma_semaphore, #tpu.memory_space<semaphore_mem>>) src(%dma_wait3A_171 : memref<64x128xf32, #tpu.memory_space<hbm>>) dst(%dma_wait3A_168 : memref<64x128xf32, #tpu.memory_space<vmem>>)
        %get3A = arith.index_cast %add3A_116 : i32 to index
        %get3A_172 = memref.load %arg7[%get3A] : memref<513xi32, #tpu.memory_space<smem>>
        %add3A_173 = arith.constant 1 : i32
        %add3A_174 = arith.addi %add3A_116, %add3A_173 : i32
        %get3A_175 = arith.index_cast %add3A_174 : i32 to index
        %get3A_176 = memref.load %arg7[%get3A_175] : memref<513xi32, #tpu.memory_space<smem>>
        %sub3A_177 = arith.subi %get3A_176, %get3A_172 : i32
        %sub3A_178 = arith.constant 1 : i32
        %sub3A_179 = arith.constant 1 : i32
        %sub3A_180 = arith.subi %sub3A_178, %sub3A_179 : i32
        %add3A_181 = arith.addi %sub3A_177, %sub3A_180 : i32
        %div3A_182 = arith.constant 1 : i32
        %div3A_183 = arith.divsi %add3A_181, %div3A_182 : i32
        %while3A_184 = arith.constant 1 : i32
        %while3A_185 = arith.constant 0 : i32
        %while3A_186 = arith.subi %div3A_183, %while3A_185 : i32
        %while3A_187 = arith.addi %while3A_185, %while3A_186 : i32
        %while3A_188 = arith.constant 1 : i32
        %while3A_189 = arith.divsi %while3A_186, %while3A_188 : i32
        %while3A_190 = arith.muli %while3A_189, %while3A_188 : i32
        %while3A_191 = arith.addi %while3A_185, %while3A_190 : i32
        %while3A_192 = arith.constant 1 : i32
        scf.for %while3A_200 = %while3A_185 to %while3A_191 step %while3A_192  : i32 {
          %mul3A_201 = arith.muli %while3A_200, %while3A_184 : i32
          %add3A_202 = arith.addi %get3A_172, %mul3A_201 : i32
          %get3A_203 = arith.index_cast %add3A_202 : i32 to index
          %get3A_204 = memref.load %arg5[%get3A_203] : memref<512xi32, #tpu.memory_space<smem>>
          %and3A = arith.constant 127 : i32
          %and3A_205 = arith.andi %get3A_204, %and3A : i32
          %broadcast_in_dim3A = arith.constant 0 : i32
          %broadcast_in_dim3A_206 = vector.broadcast %broadcast_in_dim3A : i32 to vector<16xi32>
          %add3A_207 = vector.broadcast %and3A_205 : i32 to vector<16xi32>
          %add3A_208 = arith.addi %broadcast_in_dim3A_206, %add3A_207 : vector<16xi32>
          %add3A_209 = arith.constant 0 : i32
          %add3A_210 = vector.broadcast %add3A_209 : i32 to vector<16xi32>
          %add3A_211 = arith.addi %iota3A, %add3A_210 : vector<16xi32>
          %gather3A = arith.constant 0 : i32
          %gather3A_212 = arith.constant 0 : i32
          %gather3A_213 = tpu.memref_slice %arg9[%rem3A_157, %gather3A, %gather3A_212] : memref<10x64x128xf32, #tpu.memory_space<vmem>> -> memref<1x64x128xf32, #tpu.memory_space<vmem>>
          %gather3A_214 = tpu.memref_squeeze %gather3A_213 : memref<1x64x128xf32, #tpu.memory_space<vmem>> -> memref<64x128xf32, #tpu.memory_space<vmem>>
          %gather3A_215 = tpu.vector_load_idx %gather3A_214[%add3A_211, %add3A_208] : memref<64x128xf32, #tpu.memory_space<vmem>>[vector<16xi32>, vector<16xi32>], vector<16xf32>,
          %mul3A_216 = arith.constant 64 : i32
          %mul3A_217 = arith.muli %add3A_202, %mul3A_216 : i32
          %add3A_218 = arith.constant 0 : i32
          %add3A_219 = arith.addi %mul3A_217, %add3A_218 : i32
          %swap3A_220 = arith.index_cast %add3A_219 : i32 to index
          %swap3A_221 = tpu.vector_load %arg10[%swap3A_220] {strides = array<i32>} : memref<32768xf32, #tpu.memory_space<vmem>>, vector<16xf32>,
          tpu.vector_store %arg10[%swap3A_220], %gather3A_215 {strides = array<i32>} : memref<32768xf32, #tpu.memory_space<vmem>>, vector<16xf32>,
          %add3A_222 = arith.constant 16 : i32
          %add3A_223 = vector.broadcast %add3A_222 : i32 to vector<16xi32>
          %add3A_224 = arith.addi %iota3A, %add3A_223 : vector<16xi32>
          %gather3A_225 = arith.constant 0 : i32
          %gather3A_226 = arith.constant 0 : i32
          %gather3A_227 = tpu.memref_slice %arg9[%rem3A_157, %gather3A_225, %gather3A_226] : memref<10x64x128xf32, #tpu.memory_space<vmem>> -> memref<1x64x128xf32, #tpu.memory_space<vmem>>
          %gather3A_228 = tpu.memref_squeeze %gather3A_227 : memref<1x64x128xf32, #tpu.memory_space<vmem>> -> memref<64x128xf32, #tpu.memory_space<vmem>>
          %gather3A_229 = tpu.vector_load_idx %gather3A_228[%add3A_224, %add3A_208] : memref<64x128xf32, #tpu.memory_space<vmem>>[vector<16xi32>, vector<16xi32>], vector<16xf32>,
          %mul3A_230 = arith.constant 64 : i32
          %mul3A_231 = arith.muli %add3A_202, %mul3A_230 : i32
          %add3A_232 = arith.constant 16 : i32
          %add3A_233 = arith.addi %mul3A_231, %add3A_232 : i32
          %swap3A_234 = arith.index_cast %add3A_233 : i32 to index
          %swap3A_235 = tpu.vector_load %arg10[%swap3A_234] {strides = array<i32>} : memref<32768xf32, #tpu.memory_space<vmem>>, vector<16xf32>,
          tpu.vector_store %arg10[%swap3A_234], %gather3A_229 {strides = array<i32>} : memref<32768xf32, #tpu.memory_space<vmem>>, vector<16xf32>,
          %add3A_236 = arith.constant 32 : i32
          %add3A_237 = vector.broadcast %add3A_236 : i32 to vector<16xi32>
          %add3A_238 = arith.addi %iota3A, %add3A_237 : vector<16xi32>
          %gather3A_239 = arith.constant 0 : i32
          %gather3A_240 = arith.constant 0 : i32
          %gather3A_241 = tpu.memref_slice %arg9[%rem3A_157, %gather3A_239, %gather3A_240] : memref<10x64x128xf32, #tpu.memory_space<vmem>> -> memref<1x64x128xf32, #tpu.memory_space<vmem>>
          %gather3A_242 = tpu.memref_squeeze %gather3A_241 : memref<1x64x128xf32, #tpu.memory_space<vmem>> -> memref<64x128xf32, #tpu.memory_space<vmem>>
          %gather3A_243 = tpu.vector_load_idx %gather3A_242[%add3A_238, %add3A_208] : memref<64x128xf32, #tpu.memory_space<vmem>>[vector<16xi32>, vector<16xi32>], vector<16xf32>,
          %mul3A_244 = arith.constant 64 : i32
          %mul3A_245 = arith.muli %add3A_202, %mul3A_244 : i32
          %add3A_246 = arith.constant 32 : i32
          %add3A_247 = arith.addi %mul3A_245, %add3A_246 : i32
          %swap3A_248 = arith.index_cast %add3A_247 : i32 to index
          %swap3A_249 = tpu.vector_load %arg10[%swap3A_248] {strides = array<i32>} : memref<32768xf32, #tpu.memory_space<vmem>>, vector<16xf32>,
          tpu.vector_store %arg10[%swap3A_248], %gather3A_243 {strides = array<i32>} : memref<32768xf32, #tpu.memory_space<vmem>>, vector<16xf32>,
          %add3A_250 = arith.constant 48 : i32
          %add3A_251 = vector.broadcast %add3A_250 : i32 to vector<16xi32>
          %add3A_252 = arith.addi %iota3A, %add3A_251 : vector<16xi32>
          %gather3A_253 = arith.constant 0 : i32
          %gather3A_254 = arith.constant 0 : i32
          %gather3A_255 = tpu.memref_slice %arg9[%rem3A_157, %gather3A_253, %gather3A_254] : memref<10x64x128xf32, #tpu.memory_space<vmem>> -> memref<1x64x128xf32, #tpu.memory_space<vmem>>
          %gather3A_256 = tpu.memref_squeeze %gather3A_255 : memref<1x64x128xf32, #tpu.memory_space<vmem>> -> memref<64x128xf32, #tpu.memory_space<vmem>>
          %gather3A_257 = tpu.vector_load_idx %gather3A_256[%add3A_252, %add3A_208] : memref<64x128xf32, #tpu.memory_space<vmem>>[vector<16xi32>, vector<16xi32>], vector<16xf32>,
          %mul3A_258 = arith.constant 64 : i32
          %mul3A_259 = arith.muli %add3A_202, %mul3A_258 : i32
          %add3A_260 = arith.constant 48 : i32
          %add3A_261 = arith.addi %mul3A_259, %add3A_260 : i32
          %swap3A_262 = arith.index_cast %add3A_261 : i32 to index
          %swap3A_263 = tpu.vector_load %arg10[%swap3A_262] {strides = array<i32>} : memref<32768xf32, #tpu.memory_space<vmem>>, vector<16xf32>,
          tpu.vector_store %arg10[%swap3A_262], %gather3A_257 {strides = array<i32>} : memref<32768xf32, #tpu.memory_space<vmem>>, vector<16xf32>,
        }
        %while3A_193 = arith.constant 1 : i32
        scf.for %while3A_200 = %while3A_191 to %while3A_187 step %while3A_193  : i32 {
          %mul3A_201 = arith.muli %while3A_200, %while3A_184 : i32
          %add3A_202 = arith.addi %get3A_172, %mul3A_201 : i32
          %get3A_203 = arith.index_cast %add3A_202 : i32 to index
          %get3A_204 = memref.load %arg5[%get3A_203] : memref<512xi32, #tpu.memory_space<smem>>
          %and3A = arith.constant 127 : i32
          %and3A_205 = arith.andi %get3A_204, %and3A : i32
          %broadcast_in_dim3A = arith.constant 0 : i32
          %broadcast_in_dim3A_206 = vector.broadcast %broadcast_in_dim3A : i32 to vector<16xi32>
          %add3A_207 = vector.broadcast %and3A_205 : i32 to vector<16xi32>
          %add3A_208 = arith.addi %broadcast_in_dim3A_206, %add3A_207 : vector<16xi32>
          %add3A_209 = arith.constant 0 : i32
          %add3A_210 = vector.broadcast %add3A_209 : i32 to vector<16xi32>
          %add3A_211 = arith.addi %iota3A, %add3A_210 : vector<16xi32>
          %gather3A = arith.constant 0 : i32
          %gather3A_212 = arith.constant 0 : i32
          %gather3A_213 = tpu.memref_slice %arg9[%rem3A_157, %gather3A, %gather3A_212] : memref<10x64x128xf32, #tpu.memory_space<vmem>> -> memref<1x64x128xf32, #tpu.memory_space<vmem>>
          %gather3A_214 = tpu.memref_squeeze %gather3A_213 : memref<1x64x128xf32, #tpu.memory_space<vmem>> -> memref<64x128xf32, #tpu.memory_space<vmem>>
          %gather3A_215 = tpu.vector_load_idx %gather3A_214[%add3A_211, %add3A_208] : memref<64x128xf32, #tpu.memory_space<vmem>>[vector<16xi32>, vector<16xi32>], vector<16xf32>,
          %mul3A_216 = arith.constant 64 : i32
          %mul3A_217 = arith.muli %add3A_202, %mul3A_216 : i32
          %add3A_218 = arith.constant 0 : i32
          %add3A_219 = arith.addi %mul3A_217, %add3A_218 : i32
          %swap3A_220 = arith.index_cast %add3A_219 : i32 to index
          %swap3A_221 = tpu.vector_load %arg10[%swap3A_220] {strides = array<i32>} : memref<32768xf32, #tpu.memory_space<vmem>>, vector<16xf32>,
          tpu.vector_store %arg10[%swap3A_220], %gather3A_215 {strides = array<i32>} : memref<32768xf32, #tpu.memory_space<vmem>>, vector<16xf32>,
          %add3A_222 = arith.constant 16 : i32
          %add3A_223 = vector.broadcast %add3A_222 : i32 to vector<16xi32>
          %add3A_224 = arith.addi %iota3A, %add3A_223 : vector<16xi32>
          %gather3A_225 = arith.constant 0 : i32
          %gather3A_226 = arith.constant 0 : i32
          %gather3A_227 = tpu.memref_slice %arg9[%rem3A_157, %gather3A_225, %gather3A_226] : memref<10x64x128xf32, #tpu.memory_space<vmem>> -> memref<1x64x128xf32, #tpu.memory_space<vmem>>
          %gather3A_228 = tpu.memref_squeeze %gather3A_227 : memref<1x64x128xf32, #tpu.memory_space<vmem>> -> memref<64x128xf32, #tpu.memory_space<vmem>>
          %gather3A_229 = tpu.vector_load_idx %gather3A_228[%add3A_224, %add3A_208] : memref<64x128xf32, #tpu.memory_space<vmem>>[vector<16xi32>, vector<16xi32>], vector<16xf32>,
          %mul3A_230 = arith.constant 64 : i32
          %mul3A_231 = arith.muli %add3A_202, %mul3A_230 : i32
          %add3A_232 = arith.constant 16 : i32
          %add3A_233 = arith.addi %mul3A_231, %add3A_232 : i32
          %swap3A_234 = arith.index_cast %add3A_233 : i32 to index
          %swap3A_235 = tpu.vector_load %arg10[%swap3A_234] {strides = array<i32>} : memref<32768xf32, #tpu.memory_space<vmem>>, vector<16xf32>,
          tpu.vector_store %arg10[%swap3A_234], %gather3A_229 {strides = array<i32>} : memref<32768xf32, #tpu.memory_space<vmem>>, vector<16xf32>,
          %add3A_236 = arith.constant 32 : i32
          %add3A_237 = vector.broadcast %add3A_236 : i32 to vector<16xi32>
          %add3A_238 = arith.addi %iota3A, %add3A_237 : vector<16xi32>
          %gather3A_239 = arith.constant 0 : i32
          %gather3A_240 = arith.constant 0 : i32
          %gather3A_241 = tpu.memref_slice %arg9[%rem3A_157, %gather3A_239, %gather3A_240] : memref<10x64x128xf32, #tpu.memory_space<vmem>> -> memref<1x64x128xf32, #tpu.memory_space<vmem>>
          %gather3A_242 = tpu.memref_squeeze %gather3A_241 : memref<1x64x128xf32, #tpu.memory_space<vmem>> -> memref<64x128xf32, #tpu.memory_space<vmem>>
          %gather3A_243 = tpu.vector_load_idx %gather3A_242[%add3A_238, %add3A_208] : memref<64x128xf32, #tpu.memory_space<vmem>>[vector<16xi32>, vector<16xi32>], vector<16xf32>,
          %mul3A_244 = arith.constant 64 : i32
          %mul3A_245 = arith.muli %add3A_202, %mul3A_244 : i32
          %add3A_246 = arith.constant 32 : i32
          %add3A_247 = arith.addi %mul3A_245, %add3A_246 : i32
          %swap3A_248 = arith.index_cast %add3A_247 : i32 to index
          %swap3A_249 = tpu.vector_load %arg10[%swap3A_248] {strides = array<i32>} : memref<32768xf32, #tpu.memory_space<vmem>>, vector<16xf32>,
          tpu.vector_store %arg10[%swap3A_248], %gather3A_243 {strides = array<i32>} : memref<32768xf32, #tpu.memory_space<vmem>>, vector<16xf32>,
          %add3A_250 = arith.constant 48 : i32
          %add3A_251 = vector.broadcast %add3A_250 : i32 to vector<16xi32>
          %add3A_252 = arith.addi %iota3A, %add3A_251 : vector<16xi32>
          %gather3A_253 = arith.constant 0 : i32
          %gather3A_254 = arith.constant 0 : i32
          %gather3A_255 = tpu.memref_slice %arg9[%rem3A_157, %gather3A_253, %gather3A_254] : memref<10x64x128xf32, #tpu.memory_space<vmem>> -> memref<1x64x128xf32, #tpu.memory_space<vmem>>
          %gather3A_256 = tpu.memref_squeeze %gather3A_255 : memref<1x64x128xf32, #tpu.memory_space<vmem>> -> memref<64x128xf32, #tpu.memory_space<vmem>>
          %gather3A_257 = tpu.vector_load_idx %gather3A_256[%add3A_252, %add3A_208] : memref<64x128xf32, #tpu.memory_space<vmem>>[vector<16xi32>, vector<16xi32>], vector<16xf32>,
          %mul3A_258 = arith.constant 64 : i32
          %mul3A_259 = arith.muli %add3A_202, %mul3A_258 : i32
          %add3A_260 = arith.constant 48 : i32
          %add3A_261 = arith.addi %mul3A_259, %add3A_260 : i32
          %swap3A_262 = arith.index_cast %add3A_261 : i32 to index
          %swap3A_263 = tpu.vector_load %arg10[%swap3A_262] {strides = array<i32>} : memref<32768xf32, #tpu.memory_space<vmem>>, vector<16xf32>,
          tpu.vector_store %arg10[%swap3A_262], %gather3A_257 {strides = array<i32>} : memref<32768xf32, #tpu.memory_space<vmem>>, vector<16xf32>,
        }
        %add3A_194 = arith.constant 10 : i32
        %add3A_195 = arith.addi %add3A_116, %add3A_194 : i32
        %lt3A_196 = arith.cmpi slt, %add3A_195, %scan3A_15#0 : i32
        %convert_element_type3A_197 = arith.extui %lt3A_196 : i1 to i32
        %cond3A_198 = arith.constant 0 : i32
        %cond3A_199 = arith.cmpi ne, %convert_element_type3A_197, %cond3A_198 : i32
        scf.if %cond3A_199 {
          %get3A_200 = arith.index_cast %add3A_195 : i32 to index
          %get3A_201 = memref.load %arg6[%get3A_200] : memref<512xi32, #tpu.memory_space<smem>>
          %mul3A_202 = arith.constant 128 : i32
          %mul3A_203 = arith.muli %get3A_201, %mul3A_202 : i32
          %rem3A_204 = arith.constant 10 : i32
          %rem3A_205 = arith.remsi %add3A_195, %rem3A_204 : i32
          %dma_start3A_206 = arith.constant 0 : i32
          %dma_start3A_207 = arith.constant 0 : i32
          %dma_start3A_208 = tpu.memref_slice %arg9[%rem3A_205, %dma_start3A_206, %dma_start3A_207] : memref<10x64x128xf32, #tpu.memory_space<vmem>> -> memref<1x64x128xf32, #tpu.memory_space<vmem>>
          %dma_start3A_209 = tpu.memref_squeeze %dma_start3A_208 : memref<1x64x128xf32, #tpu.memory_space<vmem>> -> memref<64x128xf32, #tpu.memory_space<vmem>>
          %dma_start3A_210 = arith.constant 0 : i32
          %dma_start3A_211 = tpu.memref_slice %arg2[%dma_start3A_210, %mul3A_203] : memref<64x1000001xf32, #tpu.memory_space<hbm>> -> memref<64x128xf32, #tpu.memory_space<hbm>>
          %dma_start3A_212 = arith.constant 0 : i32
          %dma_start3A_213 = arith.constant 0 : i32
          %dma_start3A_214 = tpu.memref_slice %arg9[%rem3A_205, %dma_start3A_212, %dma_start3A_213] : memref<10x64x128xf32, #tpu.memory_space<vmem>> -> memref<1x64x128xf32, #tpu.memory_space<vmem>>
          %dma_start3A_215 = tpu.memref_squeeze %dma_start3A_214 : memref<1x64x128xf32, #tpu.memory_space<vmem>> -> memref<64x128xf32, #tpu.memory_space<vmem>>
          %dma_start3A_216 = arith.constant 0 : i32
          %dma_start3A_217 = tpu.memref_slice %arg2[%dma_start3A_216, %mul3A_203] : memref<64x1000001xf32, #tpu.memory_space<hbm>> -> memref<64x128xf32, #tpu.memory_space<hbm>>
          tpu.enqueue_dma source(%dma_start3A_217 : memref<64x128xf32, #tpu.memory_space<hbm>>) target(%dma_start3A_215 : memref<64x128xf32, #tpu.memory_space<vmem>>) target_semaphore(%arg14 : memref<!tpu.dma_semaphore, #tpu.memory_space<semaphore_mem>>)
        } else {
        }
      } else {
      }
      %add3A_121 = arith.constant 4 : i32
      %add3A_122 = arith.addi %add3A_96, %add3A_121 : i32
      %lt3A_123 = arith.cmpi slt, %add3A_122, %scan3A_15#0 : i32
      %convert_element_type3A_124 = arith.extui %lt3A_123 : i1 to i32
      %cond3A_125 = arith.constant 0 : i32
      %cond3A_126 = arith.cmpi ne, %convert_element_type3A_124, %cond3A_125 : i32
      scf.if %cond3A_126 {
        %rem3A = arith.constant 10 : i32
        %rem3A_157 = arith.remsi %add3A_122, %rem3A : i32
        %dma_wait3A_158 = arith.constant 0 : i32
        %dma_wait3A_159 = arith.constant 0 : i32
        %dma_wait3A_160 = tpu.memref_slice %arg9[%rem3A_157, %dma_wait3A_158, %dma_wait3A_159] : memref<10x64x128xf32, #tpu.memory_space<vmem>> -> memref<1x64x128xf32, #tpu.memory_space<vmem>>
        %dma_wait3A_161 = tpu.memref_squeeze %dma_wait3A_160 : memref<1x64x128xf32, #tpu.memory_space<vmem>> -> memref<64x128xf32, #tpu.memory_space<vmem>>
        %dma_wait3A_162 = arith.constant 0 : i32
        %dma_wait3A_163 = arith.constant 0 : i32
        %dma_wait3A_164 = tpu.memref_slice %arg2[%dma_wait3A_162, %dma_wait3A_163] : memref<64x1000001xf32, #tpu.memory_space<hbm>> -> memref<64x128xf32, #tpu.memory_space<hbm>>
        %dma_wait3A_165 = arith.constant 0 : i32
        %dma_wait3A_166 = arith.constant 0 : i32
        %dma_wait3A_167 = tpu.memref_slice %arg9[%rem3A_157, %dma_wait3A_165, %dma_wait3A_166] : memref<10x64x128xf32, #tpu.memory_space<vmem>> -> memref<1x64x128xf32, #tpu.memory_space<vmem>>
        %dma_wait3A_168 = tpu.memref_squeeze %dma_wait3A_167 : memref<1x64x128xf32, #tpu.memory_space<vmem>> -> memref<64x128xf32, #tpu.memory_space<vmem>>
        %dma_wait3A_169 = arith.constant 0 : i32
        %dma_wait3A_170 = arith.constant 0 : i32
        %dma_wait3A_171 = tpu.memref_slice %arg2[%dma_wait3A_169, %dma_wait3A_170] : memref<64x1000001xf32, #tpu.memory_space<hbm>> -> memref<64x128xf32, #tpu.memory_space<hbm>>
        tpu.wait_dma2 semaphore(%arg15 : memref<!tpu.dma_semaphore, #tpu.memory_space<semaphore_mem>>) src(%dma_wait3A_171 : memref<64x128xf32, #tpu.memory_space<hbm>>) dst(%dma_wait3A_168 : memref<64x128xf32, #tpu.memory_space<vmem>>)
        %get3A = arith.index_cast %add3A_122 : i32 to index
        %get3A_172 = memref.load %arg7[%get3A] : memref<513xi32, #tpu.memory_space<smem>>
        %add3A_173 = arith.constant 1 : i32
        %add3A_174 = arith.addi %add3A_122, %add3A_173 : i32
        %get3A_175 = arith.index_cast %add3A_174 : i32 to index
        %get3A_176 = memref.load %arg7[%get3A_175] : memref<513xi32, #tpu.memory_space<smem>>
        %sub3A_177 = arith.subi %get3A_176, %get3A_172 : i32
        %sub3A_178 = arith.constant 1 : i32
        %sub3A_179 = arith.constant 1 : i32
        %sub3A_180 = arith.subi %sub3A_178, %sub3A_179 : i32
        %add3A_181 = arith.addi %sub3A_177, %sub3A_180 : i32
        %div3A_182 = arith.constant 1 : i32
        %div3A_183 = arith.divsi %add3A_181, %div3A_182 : i32
        %while3A_184 = arith.constant 1 : i32
        %while3A_185 = arith.constant 0 : i32
        %while3A_186 = arith.subi %div3A_183, %while3A_185 : i32
        %while3A_187 = arith.addi %while3A_185, %while3A_186 : i32
        %while3A_188 = arith.constant 1 : i32
        %while3A_189 = arith.divsi %while3A_186, %while3A_188 : i32
        %while3A_190 = arith.muli %while3A_189, %while3A_188 : i32
        %while3A_191 = arith.addi %while3A_185, %while3A_190 : i32
        %while3A_192 = arith.constant 1 : i32
        scf.for %while3A_200 = %while3A_185 to %while3A_191 step %while3A_192  : i32 {
          %mul3A_201 = arith.muli %while3A_200, %while3A_184 : i32
          %add3A_202 = arith.addi %get3A_172, %mul3A_201 : i32
          %get3A_203 = arith.index_cast %add3A_202 : i32 to index
          %get3A_204 = memref.load %arg5[%get3A_203] : memref<512xi32, #tpu.memory_space<smem>>
          %and3A = arith.constant 127 : i32
          %and3A_205 = arith.andi %get3A_204, %and3A : i32
          %broadcast_in_dim3A = arith.constant 0 : i32
          %broadcast_in_dim3A_206 = vector.broadcast %broadcast_in_dim3A : i32 to vector<16xi32>
          %add3A_207 = vector.broadcast %and3A_205 : i32 to vector<16xi32>
          %add3A_208 = arith.addi %broadcast_in_dim3A_206, %add3A_207 : vector<16xi32>
          %add3A_209 = arith.constant 0 : i32
          %add3A_210 = vector.broadcast %add3A_209 : i32 to vector<16xi32>
          %add3A_211 = arith.addi %iota3A, %add3A_210 : vector<16xi32>
          %gather3A = arith.constant 0 : i32
          %gather3A_212 = arith.constant 0 : i32
          %gather3A_213 = tpu.memref_slice %arg9[%rem3A_157, %gather3A, %gather3A_212] : memref<10x64x128xf32, #tpu.memory_space<vmem>> -> memref<1x64x128xf32, #tpu.memory_space<vmem>>
          %gather3A_214 = tpu.memref_squeeze %gather3A_213 : memref<1x64x128xf32, #tpu.memory_space<vmem>> -> memref<64x128xf32, #tpu.memory_space<vmem>>
          %gather3A_215 = tpu.vector_load_idx %gather3A_214[%add3A_211, %add3A_208] : memref<64x128xf32, #tpu.memory_space<vmem>>[vector<16xi32>, vector<16xi32>], vector<16xf32>,
          %mul3A_216 = arith.constant 64 : i32
          %mul3A_217 = arith.muli %add3A_202, %mul3A_216 : i32
          %add3A_218 = arith.constant 0 : i32
          %add3A_219 = arith.addi %mul3A_217, %add3A_218 : i32
          %swap3A_220 = arith.index_cast %add3A_219 : i32 to index
          %swap3A_221 = tpu.vector_load %arg10[%swap3A_220] {strides = array<i32>} : memref<32768xf32, #tpu.memory_space<vmem>>, vector<16xf32>,
          tpu.vector_store %arg10[%swap3A_220], %gather3A_215 {strides = array<i32>} : memref<32768xf32, #tpu.memory_space<vmem>>, vector<16xf32>,
          %add3A_222 = arith.constant 16 : i32
          %add3A_223 = vector.broadcast %add3A_222 : i32 to vector<16xi32>
          %add3A_224 = arith.addi %iota3A, %add3A_223 : vector<16xi32>
          %gather3A_225 = arith.constant 0 : i32
          %gather3A_226 = arith.constant 0 : i32
          %gather3A_227 = tpu.memref_slice %arg9[%rem3A_157, %gather3A_225, %gather3A_226] : memref<10x64x128xf32, #tpu.memory_space<vmem>> -> memref<1x64x128xf32, #tpu.memory_space<vmem>>
          %gather3A_228 = tpu.memref_squeeze %gather3A_227 : memref<1x64x128xf32, #tpu.memory_space<vmem>> -> memref<64x128xf32, #tpu.memory_space<vmem>>
          %gather3A_229 = tpu.vector_load_idx %gather3A_228[%add3A_224, %add3A_208] : memref<64x128xf32, #tpu.memory_space<vmem>>[vector<16xi32>, vector<16xi32>], vector<16xf32>,
          %mul3A_230 = arith.constant 64 : i32
          %mul3A_231 = arith.muli %add3A_202, %mul3A_230 : i32
          %add3A_232 = arith.constant 16 : i32
          %add3A_233 = arith.addi %mul3A_231, %add3A_232 : i32
          %swap3A_234 = arith.index_cast %add3A_233 : i32 to index
          %swap3A_235 = tpu.vector_load %arg10[%swap3A_234] {strides = array<i32>} : memref<32768xf32, #tpu.memory_space<vmem>>, vector<16xf32>,
          tpu.vector_store %arg10[%swap3A_234], %gather3A_229 {strides = array<i32>} : memref<32768xf32, #tpu.memory_space<vmem>>, vector<16xf32>,
          %add3A_236 = arith.constant 32 : i32
          %add3A_237 = vector.broadcast %add3A_236 : i32 to vector<16xi32>
          %add3A_238 = arith.addi %iota3A, %add3A_237 : vector<16xi32>
          %gather3A_239 = arith.constant 0 : i32
          %gather3A_240 = arith.constant 0 : i32
          %gather3A_241 = tpu.memref_slice %arg9[%rem3A_157, %gather3A_239, %gather3A_240] : memref<10x64x128xf32, #tpu.memory_space<vmem>> -> memref<1x64x128xf32, #tpu.memory_space<vmem>>
          %gather3A_242 = tpu.memref_squeeze %gather3A_241 : memref<1x64x128xf32, #tpu.memory_space<vmem>> -> memref<64x128xf32, #tpu.memory_space<vmem>>
          %gather3A_243 = tpu.vector_load_idx %gather3A_242[%add3A_238, %add3A_208] : memref<64x128xf32, #tpu.memory_space<vmem>>[vector<16xi32>, vector<16xi32>], vector<16xf32>,
          %mul3A_244 = arith.constant 64 : i32
          %mul3A_245 = arith.muli %add3A_202, %mul3A_244 : i32
          %add3A_246 = arith.constant 32 : i32
          %add3A_247 = arith.addi %mul3A_245, %add3A_246 : i32
          %swap3A_248 = arith.index_cast %add3A_247 : i32 to index
          %swap3A_249 = tpu.vector_load %arg10[%swap3A_248] {strides = array<i32>} : memref<32768xf32, #tpu.memory_space<vmem>>, vector<16xf32>,
          tpu.vector_store %arg10[%swap3A_248], %gather3A_243 {strides = array<i32>} : memref<32768xf32, #tpu.memory_space<vmem>>, vector<16xf32>,
          %add3A_250 = arith.constant 48 : i32
          %add3A_251 = vector.broadcast %add3A_250 : i32 to vector<16xi32>
          %add3A_252 = arith.addi %iota3A, %add3A_251 : vector<16xi32>
          %gather3A_253 = arith.constant 0 : i32
          %gather3A_254 = arith.constant 0 : i32
          %gather3A_255 = tpu.memref_slice %arg9[%rem3A_157, %gather3A_253, %gather3A_254] : memref<10x64x128xf32, #tpu.memory_space<vmem>> -> memref<1x64x128xf32, #tpu.memory_space<vmem>>
          %gather3A_256 = tpu.memref_squeeze %gather3A_255 : memref<1x64x128xf32, #tpu.memory_space<vmem>> -> memref<64x128xf32, #tpu.memory_space<vmem>>
          %gather3A_257 = tpu.vector_load_idx %gather3A_256[%add3A_252, %add3A_208] : memref<64x128xf32, #tpu.memory_space<vmem>>[vector<16xi32>, vector<16xi32>], vector<16xf32>,
          %mul3A_258 = arith.constant 64 : i32
          %mul3A_259 = arith.muli %add3A_202, %mul3A_258 : i32
          %add3A_260 = arith.constant 48 : i32
          %add3A_261 = arith.addi %mul3A_259, %add3A_260 : i32
          %swap3A_262 = arith.index_cast %add3A_261 : i32 to index
          %swap3A_263 = tpu.vector_load %arg10[%swap3A_262] {strides = array<i32>} : memref<32768xf32, #tpu.memory_space<vmem>>, vector<16xf32>,
          tpu.vector_store %arg10[%swap3A_262], %gather3A_257 {strides = array<i32>} : memref<32768xf32, #tpu.memory_space<vmem>>, vector<16xf32>,
        }
        %while3A_193 = arith.constant 1 : i32
        scf.for %while3A_200 = %while3A_191 to %while3A_187 step %while3A_193  : i32 {
          %mul3A_201 = arith.muli %while3A_200, %while3A_184 : i32
          %add3A_202 = arith.addi %get3A_172, %mul3A_201 : i32
          %get3A_203 = arith.index_cast %add3A_202 : i32 to index
          %get3A_204 = memref.load %arg5[%get3A_203] : memref<512xi32, #tpu.memory_space<smem>>
          %and3A = arith.constant 127 : i32
          %and3A_205 = arith.andi %get3A_204, %and3A : i32
          %broadcast_in_dim3A = arith.constant 0 : i32
          %broadcast_in_dim3A_206 = vector.broadcast %broadcast_in_dim3A : i32 to vector<16xi32>
          %add3A_207 = vector.broadcast %and3A_205 : i32 to vector<16xi32>
          %add3A_208 = arith.addi %broadcast_in_dim3A_206, %add3A_207 : vector<16xi32>
          %add3A_209 = arith.constant 0 : i32
          %add3A_210 = vector.broadcast %add3A_209 : i32 to vector<16xi32>
          %add3A_211 = arith.addi %iota3A, %add3A_210 : vector<16xi32>
          %gather3A = arith.constant 0 : i32
          %gather3A_212 = arith.constant 0 : i32
          %gather3A_213 = tpu.memref_slice %arg9[%rem3A_157, %gather3A, %gather3A_212] : memref<10x64x128xf32, #tpu.memory_space<vmem>> -> memref<1x64x128xf32, #tpu.memory_space<vmem>>
          %gather3A_214 = tpu.memref_squeeze %gather3A_213 : memref<1x64x128xf32, #tpu.memory_space<vmem>> -> memref<64x128xf32, #tpu.memory_space<vmem>>
          %gather3A_215 = tpu.vector_load_idx %gather3A_214[%add3A_211, %add3A_208] : memref<64x128xf32, #tpu.memory_space<vmem>>[vector<16xi32>, vector<16xi32>], vector<16xf32>,
          %mul3A_216 = arith.constant 64 : i32
          %mul3A_217 = arith.muli %add3A_202, %mul3A_216 : i32
          %add3A_218 = arith.constant 0 : i32
          %add3A_219 = arith.addi %mul3A_217, %add3A_218 : i32
          %swap3A_220 = arith.index_cast %add3A_219 : i32 to index
          %swap3A_221 = tpu.vector_load %arg10[%swap3A_220] {strides = array<i32>} : memref<32768xf32, #tpu.memory_space<vmem>>, vector<16xf32>,
          tpu.vector_store %arg10[%swap3A_220], %gather3A_215 {strides = array<i32>} : memref<32768xf32, #tpu.memory_space<vmem>>, vector<16xf32>,
          %add3A_222 = arith.constant 16 : i32
          %add3A_223 = vector.broadcast %add3A_222 : i32 to vector<16xi32>
          %add3A_224 = arith.addi %iota3A, %add3A_223 : vector<16xi32>
          %gather3A_225 = arith.constant 0 : i32
          %gather3A_226 = arith.constant 0 : i32
          %gather3A_227 = tpu.memref_slice %arg9[%rem3A_157, %gather3A_225, %gather3A_226] : memref<10x64x128xf32, #tpu.memory_space<vmem>> -> memref<1x64x128xf32, #tpu.memory_space<vmem>>
          %gather3A_228 = tpu.memref_squeeze %gather3A_227 : memref<1x64x128xf32, #tpu.memory_space<vmem>> -> memref<64x128xf32, #tpu.memory_space<vmem>>
          %gather3A_229 = tpu.vector_load_idx %gather3A_228[%add3A_224, %add3A_208] : memref<64x128xf32, #tpu.memory_space<vmem>>[vector<16xi32>, vector<16xi32>], vector<16xf32>,
          %mul3A_230 = arith.constant 64 : i32
          %mul3A_231 = arith.muli %add3A_202, %mul3A_230 : i32
          %add3A_232 = arith.constant 16 : i32
          %add3A_233 = arith.addi %mul3A_231, %add3A_232 : i32
          %swap3A_234 = arith.index_cast %add3A_233 : i32 to index
          %swap3A_235 = tpu.vector_load %arg10[%swap3A_234] {strides = array<i32>} : memref<32768xf32, #tpu.memory_space<vmem>>, vector<16xf32>,
          tpu.vector_store %arg10[%swap3A_234], %gather3A_229 {strides = array<i32>} : memref<32768xf32, #tpu.memory_space<vmem>>, vector<16xf32>,
          %add3A_236 = arith.constant 32 : i32
          %add3A_237 = vector.broadcast %add3A_236 : i32 to vector<16xi32>
          %add3A_238 = arith.addi %iota3A, %add3A_237 : vector<16xi32>
          %gather3A_239 = arith.constant 0 : i32
          %gather3A_240 = arith.constant 0 : i32
          %gather3A_241 = tpu.memref_slice %arg9[%rem3A_157, %gather3A_239, %gather3A_240] : memref<10x64x128xf32, #tpu.memory_space<vmem>> -> memref<1x64x128xf32, #tpu.memory_space<vmem>>
          %gather3A_242 = tpu.memref_squeeze %gather3A_241 : memref<1x64x128xf32, #tpu.memory_space<vmem>> -> memref<64x128xf32, #tpu.memory_space<vmem>>
          %gather3A_243 = tpu.vector_load_idx %gather3A_242[%add3A_238, %add3A_208] : memref<64x128xf32, #tpu.memory_space<vmem>>[vector<16xi32>, vector<16xi32>], vector<16xf32>,
          %mul3A_244 = arith.constant 64 : i32
          %mul3A_245 = arith.muli %add3A_202, %mul3A_244 : i32
          %add3A_246 = arith.constant 32 : i32
          %add3A_247 = arith.addi %mul3A_245, %add3A_246 : i32
          %swap3A_248 = arith.index_cast %add3A_247 : i32 to index
          %swap3A_249 = tpu.vector_load %arg10[%swap3A_248] {strides = array<i32>} : memref<32768xf32, #tpu.memory_space<vmem>>, vector<16xf32>,
          tpu.vector_store %arg10[%swap3A_248], %gather3A_243 {strides = array<i32>} : memref<32768xf32, #tpu.memory_space<vmem>>, vector<16xf32>,
          %add3A_250 = arith.constant 48 : i32
          %add3A_251 = vector.broadcast %add3A_250 : i32 to vector<16xi32>
          %add3A_252 = arith.addi %iota3A, %add3A_251 : vector<16xi32>
          %gather3A_253 = arith.constant 0 : i32
          %gather3A_254 = arith.constant 0 : i32
          %gather3A_255 = tpu.memref_slice %arg9[%rem3A_157, %gather3A_253, %gather3A_254] : memref<10x64x128xf32, #tpu.memory_space<vmem>> -> memref<1x64x128xf32, #tpu.memory_space<vmem>>
          %gather3A_256 = tpu.memref_squeeze %gather3A_255 : memref<1x64x128xf32, #tpu.memory_space<vmem>> -> memref<64x128xf32, #tpu.memory_space<vmem>>
          %gather3A_257 = tpu.vector_load_idx %gather3A_256[%add3A_252, %add3A_208] : memref<64x128xf32, #tpu.memory_space<vmem>>[vector<16xi32>, vector<16xi32>], vector<16xf32>,
          %mul3A_258 = arith.constant 64 : i32
          %mul3A_259 = arith.muli %add3A_202, %mul3A_258 : i32
          %add3A_260 = arith.constant 48 : i32
          %add3A_261 = arith.addi %mul3A_259, %add3A_260 : i32
          %swap3A_262 = arith.index_cast %add3A_261 : i32 to index
          %swap3A_263 = tpu.vector_load %arg10[%swap3A_262] {strides = array<i32>} : memref<32768xf32, #tpu.memory_space<vmem>>, vector<16xf32>,
          tpu.vector_store %arg10[%swap3A_262], %gather3A_257 {strides = array<i32>} : memref<32768xf32, #tpu.memory_space<vmem>>, vector<16xf32>,
        }
        %add3A_194 = arith.constant 10 : i32
        %add3A_195 = arith.addi %add3A_122, %add3A_194 : i32
        %lt3A_196 = arith.cmpi slt, %add3A_195, %scan3A_15#0 : i32
        %convert_element_type3A_197 = arith.extui %lt3A_196 : i1 to i32
        %cond3A_198 = arith.constant 0 : i32
        %cond3A_199 = arith.cmpi ne, %convert_element_type3A_197, %cond3A_198 : i32
        scf.if %cond3A_199 {
          %get3A_200 = arith.index_cast %add3A_195 : i32 to index
          %get3A_201 = memref.load %arg6[%get3A_200] : memref<512xi32, #tpu.memory_space<smem>>
          %mul3A_202 = arith.constant 128 : i32
          %mul3A_203 = arith.muli %get3A_201, %mul3A_202 : i32
          %rem3A_204 = arith.constant 10 : i32
          %rem3A_205 = arith.remsi %add3A_195, %rem3A_204 : i32
          %dma_start3A_206 = arith.constant 0 : i32
          %dma_start3A_207 = arith.constant 0 : i32
          %dma_start3A_208 = tpu.memref_slice %arg9[%rem3A_205, %dma_start3A_206, %dma_start3A_207] : memref<10x64x128xf32, #tpu.memory_space<vmem>> -> memref<1x64x128xf32, #tpu.memory_space<vmem>>
          %dma_start3A_209 = tpu.memref_squeeze %dma_start3A_208 : memref<1x64x128xf32, #tpu.memory_space<vmem>> -> memref<64x128xf32, #tpu.memory_space<vmem>>
          %dma_start3A_210 = arith.constant 0 : i32
          %dma_start3A_211 = tpu.memref_slice %arg2[%dma_start3A_210, %mul3A_203] : memref<64x1000001xf32, #tpu.memory_space<hbm>> -> memref<64x128xf32, #tpu.memory_space<hbm>>
          %dma_start3A_212 = arith.constant 0 : i32
          %dma_start3A_213 = arith.constant 0 : i32
          %dma_start3A_214 = tpu.memref_slice %arg9[%rem3A_205, %dma_start3A_212, %dma_start3A_213] : memref<10x64x128xf32, #tpu.memory_space<vmem>> -> memref<1x64x128xf32, #tpu.memory_space<vmem>>
          %dma_start3A_215 = tpu.memref_squeeze %dma_start3A_214 : memref<1x64x128xf32, #tpu.memory_space<vmem>> -> memref<64x128xf32, #tpu.memory_space<vmem>>
          %dma_start3A_216 = arith.constant 0 : i32
          %dma_start3A_217 = tpu.memref_slice %arg2[%dma_start3A_216, %mul3A_203] : memref<64x1000001xf32, #tpu.memory_space<hbm>> -> memref<64x128xf32, #tpu.memory_space<hbm>>
          tpu.enqueue_dma source(%dma_start3A_217 : memref<64x128xf32, #tpu.memory_space<hbm>>) target(%dma_start3A_215 : memref<64x128xf32, #tpu.memory_space<vmem>>) target_semaphore(%arg15 : memref<!tpu.dma_semaphore, #tpu.memory_space<semaphore_mem>>)
        } else {
        }
      } else {
      }
      %add3A_127 = arith.constant 5 : i32
      %add3A_128 = arith.addi %add3A_96, %add3A_127 : i32
      %lt3A_129 = arith.cmpi slt, %add3A_128, %scan3A_15#0 : i32
      %convert_element_type3A_130 = arith.extui %lt3A_129 : i1 to i32
      %cond3A_131 = arith.constant 0 : i32
      %cond3A_132 = arith.cmpi ne, %convert_element_type3A_130, %cond3A_131 : i32
      scf.if %cond3A_132 {
        %rem3A = arith.constant 10 : i32
        %rem3A_157 = arith.remsi %add3A_128, %rem3A : i32
        %dma_wait3A_158 = arith.constant 0 : i32
        %dma_wait3A_159 = arith.constant 0 : i32
        %dma_wait3A_160 = tpu.memref_slice %arg9[%rem3A_157, %dma_wait3A_158, %dma_wait3A_159] : memref<10x64x128xf32, #tpu.memory_space<vmem>> -> memref<1x64x128xf32, #tpu.memory_space<vmem>>
        %dma_wait3A_161 = tpu.memref_squeeze %dma_wait3A_160 : memref<1x64x128xf32, #tpu.memory_space<vmem>> -> memref<64x128xf32, #tpu.memory_space<vmem>>
        %dma_wait3A_162 = arith.constant 0 : i32
        %dma_wait3A_163 = arith.constant 0 : i32
        %dma_wait3A_164 = tpu.memref_slice %arg2[%dma_wait3A_162, %dma_wait3A_163] : memref<64x1000001xf32, #tpu.memory_space<hbm>> -> memref<64x128xf32, #tpu.memory_space<hbm>>
        %dma_wait3A_165 = arith.constant 0 : i32
        %dma_wait3A_166 = arith.constant 0 : i32
        %dma_wait3A_167 = tpu.memref_slice %arg9[%rem3A_157, %dma_wait3A_165, %dma_wait3A_166] : memref<10x64x128xf32, #tpu.memory_space<vmem>> -> memref<1x64x128xf32, #tpu.memory_space<vmem>>
        %dma_wait3A_168 = tpu.memref_squeeze %dma_wait3A_167 : memref<1x64x128xf32, #tpu.memory_space<vmem>> -> memref<64x128xf32, #tpu.memory_space<vmem>>
        %dma_wait3A_169 = arith.constant 0 : i32
        %dma_wait3A_170 = arith.constant 0 : i32
        %dma_wait3A_171 = tpu.memref_slice %arg2[%dma_wait3A_169, %dma_wait3A_170] : memref<64x1000001xf32, #tpu.memory_space<hbm>> -> memref<64x128xf32, #tpu.memory_space<hbm>>
        tpu.wait_dma2 semaphore(%arg16 : memref<!tpu.dma_semaphore, #tpu.memory_space<semaphore_mem>>) src(%dma_wait3A_171 : memref<64x128xf32, #tpu.memory_space<hbm>>) dst(%dma_wait3A_168 : memref<64x128xf32, #tpu.memory_space<vmem>>)
        %get3A = arith.index_cast %add3A_128 : i32 to index
        %get3A_172 = memref.load %arg7[%get3A] : memref<513xi32, #tpu.memory_space<smem>>
        %add3A_173 = arith.constant 1 : i32
        %add3A_174 = arith.addi %add3A_128, %add3A_173 : i32
        %get3A_175 = arith.index_cast %add3A_174 : i32 to index
        %get3A_176 = memref.load %arg7[%get3A_175] : memref<513xi32, #tpu.memory_space<smem>>
        %sub3A_177 = arith.subi %get3A_176, %get3A_172 : i32
        %sub3A_178 = arith.constant 1 : i32
        %sub3A_179 = arith.constant 1 : i32
        %sub3A_180 = arith.subi %sub3A_178, %sub3A_179 : i32
        %add3A_181 = arith.addi %sub3A_177, %sub3A_180 : i32
        %div3A_182 = arith.constant 1 : i32
        %div3A_183 = arith.divsi %add3A_181, %div3A_182 : i32
        %while3A_184 = arith.constant 1 : i32
        %while3A_185 = arith.constant 0 : i32
        %while3A_186 = arith.subi %div3A_183, %while3A_185 : i32
        %while3A_187 = arith.addi %while3A_185, %while3A_186 : i32
        %while3A_188 = arith.constant 1 : i32
        %while3A_189 = arith.divsi %while3A_186, %while3A_188 : i32
        %while3A_190 = arith.muli %while3A_189, %while3A_188 : i32
        %while3A_191 = arith.addi %while3A_185, %while3A_190 : i32
        %while3A_192 = arith.constant 1 : i32
        scf.for %while3A_200 = %while3A_185 to %while3A_191 step %while3A_192  : i32 {
          %mul3A_201 = arith.muli %while3A_200, %while3A_184 : i32
          %add3A_202 = arith.addi %get3A_172, %mul3A_201 : i32
          %get3A_203 = arith.index_cast %add3A_202 : i32 to index
          %get3A_204 = memref.load %arg5[%get3A_203] : memref<512xi32, #tpu.memory_space<smem>>
          %and3A = arith.constant 127 : i32
          %and3A_205 = arith.andi %get3A_204, %and3A : i32
          %broadcast_in_dim3A = arith.constant 0 : i32
          %broadcast_in_dim3A_206 = vector.broadcast %broadcast_in_dim3A : i32 to vector<16xi32>
          %add3A_207 = vector.broadcast %and3A_205 : i32 to vector<16xi32>
          %add3A_208 = arith.addi %broadcast_in_dim3A_206, %add3A_207 : vector<16xi32>
          %add3A_209 = arith.constant 0 : i32
          %add3A_210 = vector.broadcast %add3A_209 : i32 to vector<16xi32>
          %add3A_211 = arith.addi %iota3A, %add3A_210 : vector<16xi32>
          %gather3A = arith.constant 0 : i32
          %gather3A_212 = arith.constant 0 : i32
          %gather3A_213 = tpu.memref_slice %arg9[%rem3A_157, %gather3A, %gather3A_212] : memref<10x64x128xf32, #tpu.memory_space<vmem>> -> memref<1x64x128xf32, #tpu.memory_space<vmem>>
          %gather3A_214 = tpu.memref_squeeze %gather3A_213 : memref<1x64x128xf32, #tpu.memory_space<vmem>> -> memref<64x128xf32, #tpu.memory_space<vmem>>
          %gather3A_215 = tpu.vector_load_idx %gather3A_214[%add3A_211, %add3A_208] : memref<64x128xf32, #tpu.memory_space<vmem>>[vector<16xi32>, vector<16xi32>], vector<16xf32>,
          %mul3A_216 = arith.constant 64 : i32
          %mul3A_217 = arith.muli %add3A_202, %mul3A_216 : i32
          %add3A_218 = arith.constant 0 : i32
          %add3A_219 = arith.addi %mul3A_217, %add3A_218 : i32
          %swap3A_220 = arith.index_cast %add3A_219 : i32 to index
          %swap3A_221 = tpu.vector_load %arg10[%swap3A_220] {strides = array<i32>} : memref<32768xf32, #tpu.memory_space<vmem>>, vector<16xf32>,
          tpu.vector_store %arg10[%swap3A_220], %gather3A_215 {strides = array<i32>} : memref<32768xf32, #tpu.memory_space<vmem>>, vector<16xf32>,
          %add3A_222 = arith.constant 16 : i32
          %add3A_223 = vector.broadcast %add3A_222 : i32 to vector<16xi32>
          %add3A_224 = arith.addi %iota3A, %add3A_223 : vector<16xi32>
          %gather3A_225 = arith.constant 0 : i32
          %gather3A_226 = arith.constant 0 : i32
          %gather3A_227 = tpu.memref_slice %arg9[%rem3A_157, %gather3A_225, %gather3A_226] : memref<10x64x128xf32, #tpu.memory_space<vmem>> -> memref<1x64x128xf32, #tpu.memory_space<vmem>>
          %gather3A_228 = tpu.memref_squeeze %gather3A_227 : memref<1x64x128xf32, #tpu.memory_space<vmem>> -> memref<64x128xf32, #tpu.memory_space<vmem>>
          %gather3A_229 = tpu.vector_load_idx %gather3A_228[%add3A_224, %add3A_208] : memref<64x128xf32, #tpu.memory_space<vmem>>[vector<16xi32>, vector<16xi32>], vector<16xf32>,
          %mul3A_230 = arith.constant 64 : i32
          %mul3A_231 = arith.muli %add3A_202, %mul3A_230 : i32
          %add3A_232 = arith.constant 16 : i32
          %add3A_233 = arith.addi %mul3A_231, %add3A_232 : i32
          %swap3A_234 = arith.index_cast %add3A_233 : i32 to index
          %swap3A_235 = tpu.vector_load %arg10[%swap3A_234] {strides = array<i32>} : memref<32768xf32, #tpu.memory_space<vmem>>, vector<16xf32>,
          tpu.vector_store %arg10[%swap3A_234], %gather3A_229 {strides = array<i32>} : memref<32768xf32, #tpu.memory_space<vmem>>, vector<16xf32>,
          %add3A_236 = arith.constant 32 : i32
          %add3A_237 = vector.broadcast %add3A_236 : i32 to vector<16xi32>
          %add3A_238 = arith.addi %iota3A, %add3A_237 : vector<16xi32>
          %gather3A_239 = arith.constant 0 : i32
          %gather3A_240 = arith.constant 0 : i32
          %gather3A_241 = tpu.memref_slice %arg9[%rem3A_157, %gather3A_239, %gather3A_240] : memref<10x64x128xf32, #tpu.memory_space<vmem>> -> memref<1x64x128xf32, #tpu.memory_space<vmem>>
          %gather3A_242 = tpu.memref_squeeze %gather3A_241 : memref<1x64x128xf32, #tpu.memory_space<vmem>> -> memref<64x128xf32, #tpu.memory_space<vmem>>
          %gather3A_243 = tpu.vector_load_idx %gather3A_242[%add3A_238, %add3A_208] : memref<64x128xf32, #tpu.memory_space<vmem>>[vector<16xi32>, vector<16xi32>], vector<16xf32>,
          %mul3A_244 = arith.constant 64 : i32
          %mul3A_245 = arith.muli %add3A_202, %mul3A_244 : i32
          %add3A_246 = arith.constant 32 : i32
          %add3A_247 = arith.addi %mul3A_245, %add3A_246 : i32
          %swap3A_248 = arith.index_cast %add3A_247 : i32 to index
          %swap3A_249 = tpu.vector_load %arg10[%swap3A_248] {strides = array<i32>} : memref<32768xf32, #tpu.memory_space<vmem>>, vector<16xf32>,
          tpu.vector_store %arg10[%swap3A_248], %gather3A_243 {strides = array<i32>} : memref<32768xf32, #tpu.memory_space<vmem>>, vector<16xf32>,
          %add3A_250 = arith.constant 48 : i32
          %add3A_251 = vector.broadcast %add3A_250 : i32 to vector<16xi32>
          %add3A_252 = arith.addi %iota3A, %add3A_251 : vector<16xi32>
          %gather3A_253 = arith.constant 0 : i32
          %gather3A_254 = arith.constant 0 : i32
          %gather3A_255 = tpu.memref_slice %arg9[%rem3A_157, %gather3A_253, %gather3A_254] : memref<10x64x128xf32, #tpu.memory_space<vmem>> -> memref<1x64x128xf32, #tpu.memory_space<vmem>>
          %gather3A_256 = tpu.memref_squeeze %gather3A_255 : memref<1x64x128xf32, #tpu.memory_space<vmem>> -> memref<64x128xf32, #tpu.memory_space<vmem>>
          %gather3A_257 = tpu.vector_load_idx %gather3A_256[%add3A_252, %add3A_208] : memref<64x128xf32, #tpu.memory_space<vmem>>[vector<16xi32>, vector<16xi32>], vector<16xf32>,
          %mul3A_258 = arith.constant 64 : i32
          %mul3A_259 = arith.muli %add3A_202, %mul3A_258 : i32
          %add3A_260 = arith.constant 48 : i32
          %add3A_261 = arith.addi %mul3A_259, %add3A_260 : i32
          %swap3A_262 = arith.index_cast %add3A_261 : i32 to index
          %swap3A_263 = tpu.vector_load %arg10[%swap3A_262] {strides = array<i32>} : memref<32768xf32, #tpu.memory_space<vmem>>, vector<16xf32>,
          tpu.vector_store %arg10[%swap3A_262], %gather3A_257 {strides = array<i32>} : memref<32768xf32, #tpu.memory_space<vmem>>, vector<16xf32>,
        }
        %while3A_193 = arith.constant 1 : i32
        scf.for %while3A_200 = %while3A_191 to %while3A_187 step %while3A_193  : i32 {
          %mul3A_201 = arith.muli %while3A_200, %while3A_184 : i32
          %add3A_202 = arith.addi %get3A_172, %mul3A_201 : i32
          %get3A_203 = arith.index_cast %add3A_202 : i32 to index
          %get3A_204 = memref.load %arg5[%get3A_203] : memref<512xi32, #tpu.memory_space<smem>>
          %and3A = arith.constant 127 : i32
          %and3A_205 = arith.andi %get3A_204, %and3A : i32
          %broadcast_in_dim3A = arith.constant 0 : i32
          %broadcast_in_dim3A_206 = vector.broadcast %broadcast_in_dim3A : i32 to vector<16xi32>
          %add3A_207 = vector.broadcast %and3A_205 : i32 to vector<16xi32>
          %add3A_208 = arith.addi %broadcast_in_dim3A_206, %add3A_207 : vector<16xi32>
          %add3A_209 = arith.constant 0 : i32
          %add3A_210 = vector.broadcast %add3A_209 : i32 to vector<16xi32>
          %add3A_211 = arith.addi %iota3A, %add3A_210 : vector<16xi32>
          %gather3A = arith.constant 0 : i32
          %gather3A_212 = arith.constant 0 : i32
          %gather3A_213 = tpu.memref_slice %arg9[%rem3A_157, %gather3A, %gather3A_212] : memref<10x64x128xf32, #tpu.memory_space<vmem>> -> memref<1x64x128xf32, #tpu.memory_space<vmem>>
          %gather3A_214 = tpu.memref_squeeze %gather3A_213 : memref<1x64x128xf32, #tpu.memory_space<vmem>> -> memref<64x128xf32, #tpu.memory_space<vmem>>
          %gather3A_215 = tpu.vector_load_idx %gather3A_214[%add3A_211, %add3A_208] : memref<64x128xf32, #tpu.memory_space<vmem>>[vector<16xi32>, vector<16xi32>], vector<16xf32>,
          %mul3A_216 = arith.constant 64 : i32
          %mul3A_217 = arith.muli %add3A_202, %mul3A_216 : i32
          %add3A_218 = arith.constant 0 : i32
          %add3A_219 = arith.addi %mul3A_217, %add3A_218 : i32
          %swap3A_220 = arith.index_cast %add3A_219 : i32 to index
          %swap3A_221 = tpu.vector_load %arg10[%swap3A_220] {strides = array<i32>} : memref<32768xf32, #tpu.memory_space<vmem>>, vector<16xf32>,
          tpu.vector_store %arg10[%swap3A_220], %gather3A_215 {strides = array<i32>} : memref<32768xf32, #tpu.memory_space<vmem>>, vector<16xf32>,
          %add3A_222 = arith.constant 16 : i32
          %add3A_223 = vector.broadcast %add3A_222 : i32 to vector<16xi32>
          %add3A_224 = arith.addi %iota3A, %add3A_223 : vector<16xi32>
          %gather3A_225 = arith.constant 0 : i32
          %gather3A_226 = arith.constant 0 : i32
          %gather3A_227 = tpu.memref_slice %arg9[%rem3A_157, %gather3A_225, %gather3A_226] : memref<10x64x128xf32, #tpu.memory_space<vmem>> -> memref<1x64x128xf32, #tpu.memory_space<vmem>>
          %gather3A_228 = tpu.memref_squeeze %gather3A_227 : memref<1x64x128xf32, #tpu.memory_space<vmem>> -> memref<64x128xf32, #tpu.memory_space<vmem>>
          %gather3A_229 = tpu.vector_load_idx %gather3A_228[%add3A_224, %add3A_208] : memref<64x128xf32, #tpu.memory_space<vmem>>[vector<16xi32>, vector<16xi32>], vector<16xf32>,
          %mul3A_230 = arith.constant 64 : i32
          %mul3A_231 = arith.muli %add3A_202, %mul3A_230 : i32
          %add3A_232 = arith.constant 16 : i32
          %add3A_233 = arith.addi %mul3A_231, %add3A_232 : i32
          %swap3A_234 = arith.index_cast %add3A_233 : i32 to index
          %swap3A_235 = tpu.vector_load %arg10[%swap3A_234] {strides = array<i32>} : memref<32768xf32, #tpu.memory_space<vmem>>, vector<16xf32>,
          tpu.vector_store %arg10[%swap3A_234], %gather3A_229 {strides = array<i32>} : memref<32768xf32, #tpu.memory_space<vmem>>, vector<16xf32>,
          %add3A_236 = arith.constant 32 : i32
          %add3A_237 = vector.broadcast %add3A_236 : i32 to vector<16xi32>
          %add3A_238 = arith.addi %iota3A, %add3A_237 : vector<16xi32>
          %gather3A_239 = arith.constant 0 : i32
          %gather3A_240 = arith.constant 0 : i32
          %gather3A_241 = tpu.memref_slice %arg9[%rem3A_157, %gather3A_239, %gather3A_240] : memref<10x64x128xf32, #tpu.memory_space<vmem>> -> memref<1x64x128xf32, #tpu.memory_space<vmem>>
          %gather3A_242 = tpu.memref_squeeze %gather3A_241 : memref<1x64x128xf32, #tpu.memory_space<vmem>> -> memref<64x128xf32, #tpu.memory_space<vmem>>
          %gather3A_243 = tpu.vector_load_idx %gather3A_242[%add3A_238, %add3A_208] : memref<64x128xf32, #tpu.memory_space<vmem>>[vector<16xi32>, vector<16xi32>], vector<16xf32>,
          %mul3A_244 = arith.constant 64 : i32
          %mul3A_245 = arith.muli %add3A_202, %mul3A_244 : i32
          %add3A_246 = arith.constant 32 : i32
          %add3A_247 = arith.addi %mul3A_245, %add3A_246 : i32
          %swap3A_248 = arith.index_cast %add3A_247 : i32 to index
          %swap3A_249 = tpu.vector_load %arg10[%swap3A_248] {strides = array<i32>} : memref<32768xf32, #tpu.memory_space<vmem>>, vector<16xf32>,
          tpu.vector_store %arg10[%swap3A_248], %gather3A_243 {strides = array<i32>} : memref<32768xf32, #tpu.memory_space<vmem>>, vector<16xf32>,
          %add3A_250 = arith.constant 48 : i32
          %add3A_251 = vector.broadcast %add3A_250 : i32 to vector<16xi32>
          %add3A_252 = arith.addi %iota3A, %add3A_251 : vector<16xi32>
          %gather3A_253 = arith.constant 0 : i32
          %gather3A_254 = arith.constant 0 : i32
          %gather3A_255 = tpu.memref_slice %arg9[%rem3A_157, %gather3A_253, %gather3A_254] : memref<10x64x128xf32, #tpu.memory_space<vmem>> -> memref<1x64x128xf32, #tpu.memory_space<vmem>>
          %gather3A_256 = tpu.memref_squeeze %gather3A_255 : memref<1x64x128xf32, #tpu.memory_space<vmem>> -> memref<64x128xf32, #tpu.memory_space<vmem>>
          %gather3A_257 = tpu.vector_load_idx %gather3A_256[%add3A_252, %add3A_208] : memref<64x128xf32, #tpu.memory_space<vmem>>[vector<16xi32>, vector<16xi32>], vector<16xf32>,
          %mul3A_258 = arith.constant 64 : i32
          %mul3A_259 = arith.muli %add3A_202, %mul3A_258 : i32
          %add3A_260 = arith.constant 48 : i32
          %add3A_261 = arith.addi %mul3A_259, %add3A_260 : i32
          %swap3A_262 = arith.index_cast %add3A_261 : i32 to index
          %swap3A_263 = tpu.vector_load %arg10[%swap3A_262] {strides = array<i32>} : memref<32768xf32, #tpu.memory_space<vmem>>, vector<16xf32>,
          tpu.vector_store %arg10[%swap3A_262], %gather3A_257 {strides = array<i32>} : memref<32768xf32, #tpu.memory_space<vmem>>, vector<16xf32>,
        }
        %add3A_194 = arith.constant 10 : i32
        %add3A_195 = arith.addi %add3A_128, %add3A_194 : i32
        %lt3A_196 = arith.cmpi slt, %add3A_195, %scan3A_15#0 : i32
        %convert_element_type3A_197 = arith.extui %lt3A_196 : i1 to i32
        %cond3A_198 = arith.constant 0 : i32
        %cond3A_199 = arith.cmpi ne, %convert_element_type3A_197, %cond3A_198 : i32
        scf.if %cond3A_199 {
          %get3A_200 = arith.index_cast %add3A_195 : i32 to index
          %get3A_201 = memref.load %arg6[%get3A_200] : memref<512xi32, #tpu.memory_space<smem>>
          %mul3A_202 = arith.constant 128 : i32
          %mul3A_203 = arith.muli %get3A_201, %mul3A_202 : i32
          %rem3A_204 = arith.constant 10 : i32
          %rem3A_205 = arith.remsi %add3A_195, %rem3A_204 : i32
          %dma_start3A_206 = arith.constant 0 : i32
          %dma_start3A_207 = arith.constant 0 : i32
          %dma_start3A_208 = tpu.memref_slice %arg9[%rem3A_205, %dma_start3A_206, %dma_start3A_207] : memref<10x64x128xf32, #tpu.memory_space<vmem>> -> memref<1x64x128xf32, #tpu.memory_space<vmem>>
          %dma_start3A_209 = tpu.memref_squeeze %dma_start3A_208 : memref<1x64x128xf32, #tpu.memory_space<vmem>> -> memref<64x128xf32, #tpu.memory_space<vmem>>
          %dma_start3A_210 = arith.constant 0 : i32
          %dma_start3A_211 = tpu.memref_slice %arg2[%dma_start3A_210, %mul3A_203] : memref<64x1000001xf32, #tpu.memory_space<hbm>> -> memref<64x128xf32, #tpu.memory_space<hbm>>
          %dma_start3A_212 = arith.constant 0 : i32
          %dma_start3A_213 = arith.constant 0 : i32
          %dma_start3A_214 = tpu.memref_slice %arg9[%rem3A_205, %dma_start3A_212, %dma_start3A_213] : memref<10x64x128xf32, #tpu.memory_space<vmem>> -> memref<1x64x128xf32, #tpu.memory_space<vmem>>
          %dma_start3A_215 = tpu.memref_squeeze %dma_start3A_214 : memref<1x64x128xf32, #tpu.memory_space<vmem>> -> memref<64x128xf32, #tpu.memory_space<vmem>>
          %dma_start3A_216 = arith.constant 0 : i32
          %dma_start3A_217 = tpu.memref_slice %arg2[%dma_start3A_216, %mul3A_203] : memref<64x1000001xf32, #tpu.memory_space<hbm>> -> memref<64x128xf32, #tpu.memory_space<hbm>>
          tpu.enqueue_dma source(%dma_start3A_217 : memref<64x128xf32, #tpu.memory_space<hbm>>) target(%dma_start3A_215 : memref<64x128xf32, #tpu.memory_space<vmem>>) target_semaphore(%arg16 : memref<!tpu.dma_semaphore, #tpu.memory_space<semaphore_mem>>)
        } else {
        }
      } else {
      }
      %add3A_133 = arith.constant 6 : i32
      %add3A_134 = arith.addi %add3A_96, %add3A_133 : i32
      %lt3A_135 = arith.cmpi slt, %add3A_134, %scan3A_15#0 : i32
      %convert_element_type3A_136 = arith.extui %lt3A_135 : i1 to i32
      %cond3A_137 = arith.constant 0 : i32
      %cond3A_138 = arith.cmpi ne, %convert_element_type3A_136, %cond3A_137 : i32
      scf.if %cond3A_138 {
        %rem3A = arith.constant 10 : i32
        %rem3A_157 = arith.remsi %add3A_134, %rem3A : i32
        %dma_wait3A_158 = arith.constant 0 : i32
        %dma_wait3A_159 = arith.constant 0 : i32
        %dma_wait3A_160 = tpu.memref_slice %arg9[%rem3A_157, %dma_wait3A_158, %dma_wait3A_159] : memref<10x64x128xf32, #tpu.memory_space<vmem>> -> memref<1x64x128xf32, #tpu.memory_space<vmem>>
        %dma_wait3A_161 = tpu.memref_squeeze %dma_wait3A_160 : memref<1x64x128xf32, #tpu.memory_space<vmem>> -> memref<64x128xf32, #tpu.memory_space<vmem>>
        %dma_wait3A_162 = arith.constant 0 : i32
        %dma_wait3A_163 = arith.constant 0 : i32
        %dma_wait3A_164 = tpu.memref_slice %arg2[%dma_wait3A_162, %dma_wait3A_163] : memref<64x1000001xf32, #tpu.memory_space<hbm>> -> memref<64x128xf32, #tpu.memory_space<hbm>>
        %dma_wait3A_165 = arith.constant 0 : i32
        %dma_wait3A_166 = arith.constant 0 : i32
        %dma_wait3A_167 = tpu.memref_slice %arg9[%rem3A_157, %dma_wait3A_165, %dma_wait3A_166] : memref<10x64x128xf32, #tpu.memory_space<vmem>> -> memref<1x64x128xf32, #tpu.memory_space<vmem>>
        %dma_wait3A_168 = tpu.memref_squeeze %dma_wait3A_167 : memref<1x64x128xf32, #tpu.memory_space<vmem>> -> memref<64x128xf32, #tpu.memory_space<vmem>>
        %dma_wait3A_169 = arith.constant 0 : i32
        %dma_wait3A_170 = arith.constant 0 : i32
        %dma_wait3A_171 = tpu.memref_slice %arg2[%dma_wait3A_169, %dma_wait3A_170] : memref<64x1000001xf32, #tpu.memory_space<hbm>> -> memref<64x128xf32, #tpu.memory_space<hbm>>
        tpu.wait_dma2 semaphore(%arg17 : memref<!tpu.dma_semaphore, #tpu.memory_space<semaphore_mem>>) src(%dma_wait3A_171 : memref<64x128xf32, #tpu.memory_space<hbm>>) dst(%dma_wait3A_168 : memref<64x128xf32, #tpu.memory_space<vmem>>)
        %get3A = arith.index_cast %add3A_134 : i32 to index
        %get3A_172 = memref.load %arg7[%get3A] : memref<513xi32, #tpu.memory_space<smem>>
        %add3A_173 = arith.constant 1 : i32
        %add3A_174 = arith.addi %add3A_134, %add3A_173 : i32
        %get3A_175 = arith.index_cast %add3A_174 : i32 to index
        %get3A_176 = memref.load %arg7[%get3A_175] : memref<513xi32, #tpu.memory_space<smem>>
        %sub3A_177 = arith.subi %get3A_176, %get3A_172 : i32
        %sub3A_178 = arith.constant 1 : i32
        %sub3A_179 = arith.constant 1 : i32
        %sub3A_180 = arith.subi %sub3A_178, %sub3A_179 : i32
        %add3A_181 = arith.addi %sub3A_177, %sub3A_180 : i32
        %div3A_182 = arith.constant 1 : i32
        %div3A_183 = arith.divsi %add3A_181, %div3A_182 : i32
        %while3A_184 = arith.constant 1 : i32
        %while3A_185 = arith.constant 0 : i32
        %while3A_186 = arith.subi %div3A_183, %while3A_185 : i32
        %while3A_187 = arith.addi %while3A_185, %while3A_186 : i32
        %while3A_188 = arith.constant 1 : i32
        %while3A_189 = arith.divsi %while3A_186, %while3A_188 : i32
        %while3A_190 = arith.muli %while3A_189, %while3A_188 : i32
        %while3A_191 = arith.addi %while3A_185, %while3A_190 : i32
        %while3A_192 = arith.constant 1 : i32
        scf.for %while3A_200 = %while3A_185 to %while3A_191 step %while3A_192  : i32 {
          %mul3A_201 = arith.muli %while3A_200, %while3A_184 : i32
          %add3A_202 = arith.addi %get3A_172, %mul3A_201 : i32
          %get3A_203 = arith.index_cast %add3A_202 : i32 to index
          %get3A_204 = memref.load %arg5[%get3A_203] : memref<512xi32, #tpu.memory_space<smem>>
          %and3A = arith.constant 127 : i32
          %and3A_205 = arith.andi %get3A_204, %and3A : i32
          %broadcast_in_dim3A = arith.constant 0 : i32
          %broadcast_in_dim3A_206 = vector.broadcast %broadcast_in_dim3A : i32 to vector<16xi32>
          %add3A_207 = vector.broadcast %and3A_205 : i32 to vector<16xi32>
          %add3A_208 = arith.addi %broadcast_in_dim3A_206, %add3A_207 : vector<16xi32>
          %add3A_209 = arith.constant 0 : i32
          %add3A_210 = vector.broadcast %add3A_209 : i32 to vector<16xi32>
          %add3A_211 = arith.addi %iota3A, %add3A_210 : vector<16xi32>
          %gather3A = arith.constant 0 : i32
          %gather3A_212 = arith.constant 0 : i32
          %gather3A_213 = tpu.memref_slice %arg9[%rem3A_157, %gather3A, %gather3A_212] : memref<10x64x128xf32, #tpu.memory_space<vmem>> -> memref<1x64x128xf32, #tpu.memory_space<vmem>>
          %gather3A_214 = tpu.memref_squeeze %gather3A_213 : memref<1x64x128xf32, #tpu.memory_space<vmem>> -> memref<64x128xf32, #tpu.memory_space<vmem>>
          %gather3A_215 = tpu.vector_load_idx %gather3A_214[%add3A_211, %add3A_208] : memref<64x128xf32, #tpu.memory_space<vmem>>[vector<16xi32>, vector<16xi32>], vector<16xf32>,
          %mul3A_216 = arith.constant 64 : i32
          %mul3A_217 = arith.muli %add3A_202, %mul3A_216 : i32
          %add3A_218 = arith.constant 0 : i32
          %add3A_219 = arith.addi %mul3A_217, %add3A_218 : i32
          %swap3A_220 = arith.index_cast %add3A_219 : i32 to index
          %swap3A_221 = tpu.vector_load %arg10[%swap3A_220] {strides = array<i32>} : memref<32768xf32, #tpu.memory_space<vmem>>, vector<16xf32>,
          tpu.vector_store %arg10[%swap3A_220], %gather3A_215 {strides = array<i32>} : memref<32768xf32, #tpu.memory_space<vmem>>, vector<16xf32>,
          %add3A_222 = arith.constant 16 : i32
          %add3A_223 = vector.broadcast %add3A_222 : i32 to vector<16xi32>
          %add3A_224 = arith.addi %iota3A, %add3A_223 : vector<16xi32>
          %gather3A_225 = arith.constant 0 : i32
          %gather3A_226 = arith.constant 0 : i32
          %gather3A_227 = tpu.memref_slice %arg9[%rem3A_157, %gather3A_225, %gather3A_226] : memref<10x64x128xf32, #tpu.memory_space<vmem>> -> memref<1x64x128xf32, #tpu.memory_space<vmem>>
          %gather3A_228 = tpu.memref_squeeze %gather3A_227 : memref<1x64x128xf32, #tpu.memory_space<vmem>> -> memref<64x128xf32, #tpu.memory_space<vmem>>
          %gather3A_229 = tpu.vector_load_idx %gather3A_228[%add3A_224, %add3A_208] : memref<64x128xf32, #tpu.memory_space<vmem>>[vector<16xi32>, vector<16xi32>], vector<16xf32>,
          %mul3A_230 = arith.constant 64 : i32
          %mul3A_231 = arith.muli %add3A_202, %mul3A_230 : i32
          %add3A_232 = arith.constant 16 : i32
          %add3A_233 = arith.addi %mul3A_231, %add3A_232 : i32
          %swap3A_234 = arith.index_cast %add3A_233 : i32 to index
          %swap3A_235 = tpu.vector_load %arg10[%swap3A_234] {strides = array<i32>} : memref<32768xf32, #tpu.memory_space<vmem>>, vector<16xf32>,
          tpu.vector_store %arg10[%swap3A_234], %gather3A_229 {strides = array<i32>} : memref<32768xf32, #tpu.memory_space<vmem>>, vector<16xf32>,
          %add3A_236 = arith.constant 32 : i32
          %add3A_237 = vector.broadcast %add3A_236 : i32 to vector<16xi32>
          %add3A_238 = arith.addi %iota3A, %add3A_237 : vector<16xi32>
          %gather3A_239 = arith.constant 0 : i32
          %gather3A_240 = arith.constant 0 : i32
          %gather3A_241 = tpu.memref_slice %arg9[%rem3A_157, %gather3A_239, %gather3A_240] : memref<10x64x128xf32, #tpu.memory_space<vmem>> -> memref<1x64x128xf32, #tpu.memory_space<vmem>>
          %gather3A_242 = tpu.memref_squeeze %gather3A_241 : memref<1x64x128xf32, #tpu.memory_space<vmem>> -> memref<64x128xf32, #tpu.memory_space<vmem>>
          %gather3A_243 = tpu.vector_load_idx %gather3A_242[%add3A_238, %add3A_208] : memref<64x128xf32, #tpu.memory_space<vmem>>[vector<16xi32>, vector<16xi32>], vector<16xf32>,
          %mul3A_244 = arith.constant 64 : i32
          %mul3A_245 = arith.muli %add3A_202, %mul3A_244 : i32
          %add3A_246 = arith.constant 32 : i32
          %add3A_247 = arith.addi %mul3A_245, %add3A_246 : i32
          %swap3A_248 = arith.index_cast %add3A_247 : i32 to index
          %swap3A_249 = tpu.vector_load %arg10[%swap3A_248] {strides = array<i32>} : memref<32768xf32, #tpu.memory_space<vmem>>, vector<16xf32>,
          tpu.vector_store %arg10[%swap3A_248], %gather3A_243 {strides = array<i32>} : memref<32768xf32, #tpu.memory_space<vmem>>, vector<16xf32>,
          %add3A_250 = arith.constant 48 : i32
          %add3A_251 = vector.broadcast %add3A_250 : i32 to vector<16xi32>
          %add3A_252 = arith.addi %iota3A, %add3A_251 : vector<16xi32>
          %gather3A_253 = arith.constant 0 : i32
          %gather3A_254 = arith.constant 0 : i32
          %gather3A_255 = tpu.memref_slice %arg9[%rem3A_157, %gather3A_253, %gather3A_254] : memref<10x64x128xf32, #tpu.memory_space<vmem>> -> memref<1x64x128xf32, #tpu.memory_space<vmem>>
          %gather3A_256 = tpu.memref_squeeze %gather3A_255 : memref<1x64x128xf32, #tpu.memory_space<vmem>> -> memref<64x128xf32, #tpu.memory_space<vmem>>
          %gather3A_257 = tpu.vector_load_idx %gather3A_256[%add3A_252, %add3A_208] : memref<64x128xf32, #tpu.memory_space<vmem>>[vector<16xi32>, vector<16xi32>], vector<16xf32>,
          %mul3A_258 = arith.constant 64 : i32
          %mul3A_259 = arith.muli %add3A_202, %mul3A_258 : i32
          %add3A_260 = arith.constant 48 : i32
          %add3A_261 = arith.addi %mul3A_259, %add3A_260 : i32
          %swap3A_262 = arith.index_cast %add3A_261 : i32 to index
          %swap3A_263 = tpu.vector_load %arg10[%swap3A_262] {strides = array<i32>} : memref<32768xf32, #tpu.memory_space<vmem>>, vector<16xf32>,
          tpu.vector_store %arg10[%swap3A_262], %gather3A_257 {strides = array<i32>} : memref<32768xf32, #tpu.memory_space<vmem>>, vector<16xf32>,
        }
        %while3A_193 = arith.constant 1 : i32
        scf.for %while3A_200 = %while3A_191 to %while3A_187 step %while3A_193  : i32 {
          %mul3A_201 = arith.muli %while3A_200, %while3A_184 : i32
          %add3A_202 = arith.addi %get3A_172, %mul3A_201 : i32
          %get3A_203 = arith.index_cast %add3A_202 : i32 to index
          %get3A_204 = memref.load %arg5[%get3A_203] : memref<512xi32, #tpu.memory_space<smem>>
          %and3A = arith.constant 127 : i32
          %and3A_205 = arith.andi %get3A_204, %and3A : i32
          %broadcast_in_dim3A = arith.constant 0 : i32
          %broadcast_in_dim3A_206 = vector.broadcast %broadcast_in_dim3A : i32 to vector<16xi32>
          %add3A_207 = vector.broadcast %and3A_205 : i32 to vector<16xi32>
          %add3A_208 = arith.addi %broadcast_in_dim3A_206, %add3A_207 : vector<16xi32>
          %add3A_209 = arith.constant 0 : i32
          %add3A_210 = vector.broadcast %add3A_209 : i32 to vector<16xi32>
          %add3A_211 = arith.addi %iota3A, %add3A_210 : vector<16xi32>
          %gather3A = arith.constant 0 : i32
          %gather3A_212 = arith.constant 0 : i32
          %gather3A_213 = tpu.memref_slice %arg9[%rem3A_157, %gather3A, %gather3A_212] : memref<10x64x128xf32, #tpu.memory_space<vmem>> -> memref<1x64x128xf32, #tpu.memory_space<vmem>>
          %gather3A_214 = tpu.memref_squeeze %gather3A_213 : memref<1x64x128xf32, #tpu.memory_space<vmem>> -> memref<64x128xf32, #tpu.memory_space<vmem>>
          %gather3A_215 = tpu.vector_load_idx %gather3A_214[%add3A_211, %add3A_208] : memref<64x128xf32, #tpu.memory_space<vmem>>[vector<16xi32>, vector<16xi32>], vector<16xf32>,
          %mul3A_216 = arith.constant 64 : i32
          %mul3A_217 = arith.muli %add3A_202, %mul3A_216 : i32
          %add3A_218 = arith.constant 0 : i32
          %add3A_219 = arith.addi %mul3A_217, %add3A_218 : i32
          %swap3A_220 = arith.index_cast %add3A_219 : i32 to index
          %swap3A_221 = tpu.vector_load %arg10[%swap3A_220] {strides = array<i32>} : memref<32768xf32, #tpu.memory_space<vmem>>, vector<16xf32>,
          tpu.vector_store %arg10[%swap3A_220], %gather3A_215 {strides = array<i32>} : memref<32768xf32, #tpu.memory_space<vmem>>, vector<16xf32>,
          %add3A_222 = arith.constant 16 : i32
          %add3A_223 = vector.broadcast %add3A_222 : i32 to vector<16xi32>
          %add3A_224 = arith.addi %iota3A, %add3A_223 : vector<16xi32>
          %gather3A_225 = arith.constant 0 : i32
          %gather3A_226 = arith.constant 0 : i32
          %gather3A_227 = tpu.memref_slice %arg9[%rem3A_157, %gather3A_225, %gather3A_226] : memref<10x64x128xf32, #tpu.memory_space<vmem>> -> memref<1x64x128xf32, #tpu.memory_space<vmem>>
          %gather3A_228 = tpu.memref_squeeze %gather3A_227 : memref<1x64x128xf32, #tpu.memory_space<vmem>> -> memref<64x128xf32, #tpu.memory_space<vmem>>
          %gather3A_229 = tpu.vector_load_idx %gather3A_228[%add3A_224, %add3A_208] : memref<64x128xf32, #tpu.memory_space<vmem>>[vector<16xi32>, vector<16xi32>], vector<16xf32>,
          %mul3A_230 = arith.constant 64 : i32
          %mul3A_231 = arith.muli %add3A_202, %mul3A_230 : i32
          %add3A_232 = arith.constant 16 : i32
          %add3A_233 = arith.addi %mul3A_231, %add3A_232 : i32
          %swap3A_234 = arith.index_cast %add3A_233 : i32 to index
          %swap3A_235 = tpu.vector_load %arg10[%swap3A_234] {strides = array<i32>} : memref<32768xf32, #tpu.memory_space<vmem>>, vector<16xf32>,
          tpu.vector_store %arg10[%swap3A_234], %gather3A_229 {strides = array<i32>} : memref<32768xf32, #tpu.memory_space<vmem>>, vector<16xf32>,
          %add3A_236 = arith.constant 32 : i32
          %add3A_237 = vector.broadcast %add3A_236 : i32 to vector<16xi32>
          %add3A_238 = arith.addi %iota3A, %add3A_237 : vector<16xi32>
          %gather3A_239 = arith.constant 0 : i32
          %gather3A_240 = arith.constant 0 : i32
          %gather3A_241 = tpu.memref_slice %arg9[%rem3A_157, %gather3A_239, %gather3A_240] : memref<10x64x128xf32, #tpu.memory_space<vmem>> -> memref<1x64x128xf32, #tpu.memory_space<vmem>>
          %gather3A_242 = tpu.memref_squeeze %gather3A_241 : memref<1x64x128xf32, #tpu.memory_space<vmem>> -> memref<64x128xf32, #tpu.memory_space<vmem>>
          %gather3A_243 = tpu.vector_load_idx %gather3A_242[%add3A_238, %add3A_208] : memref<64x128xf32, #tpu.memory_space<vmem>>[vector<16xi32>, vector<16xi32>], vector<16xf32>,
          %mul3A_244 = arith.constant 64 : i32
          %mul3A_245 = arith.muli %add3A_202, %mul3A_244 : i32
          %add3A_246 = arith.constant 32 : i32
          %add3A_247 = arith.addi %mul3A_245, %add3A_246 : i32
          %swap3A_248 = arith.index_cast %add3A_247 : i32 to index
          %swap3A_249 = tpu.vector_load %arg10[%swap3A_248] {strides = array<i32>} : memref<32768xf32, #tpu.memory_space<vmem>>, vector<16xf32>,
          tpu.vector_store %arg10[%swap3A_248], %gather3A_243 {strides = array<i32>} : memref<32768xf32, #tpu.memory_space<vmem>>, vector<16xf32>,
          %add3A_250 = arith.constant 48 : i32
          %add3A_251 = vector.broadcast %add3A_250 : i32 to vector<16xi32>
          %add3A_252 = arith.addi %iota3A, %add3A_251 : vector<16xi32>
          %gather3A_253 = arith.constant 0 : i32
          %gather3A_254 = arith.constant 0 : i32
          %gather3A_255 = tpu.memref_slice %arg9[%rem3A_157, %gather3A_253, %gather3A_254] : memref<10x64x128xf32, #tpu.memory_space<vmem>> -> memref<1x64x128xf32, #tpu.memory_space<vmem>>
          %gather3A_256 = tpu.memref_squeeze %gather3A_255 : memref<1x64x128xf32, #tpu.memory_space<vmem>> -> memref<64x128xf32, #tpu.memory_space<vmem>>
          %gather3A_257 = tpu.vector_load_idx %gather3A_256[%add3A_252, %add3A_208] : memref<64x128xf32, #tpu.memory_space<vmem>>[vector<16xi32>, vector<16xi32>], vector<16xf32>,
          %mul3A_258 = arith.constant 64 : i32
          %mul3A_259 = arith.muli %add3A_202, %mul3A_258 : i32
          %add3A_260 = arith.constant 48 : i32
          %add3A_261 = arith.addi %mul3A_259, %add3A_260 : i32
          %swap3A_262 = arith.index_cast %add3A_261 : i32 to index
          %swap3A_263 = tpu.vector_load %arg10[%swap3A_262] {strides = array<i32>} : memref<32768xf32, #tpu.memory_space<vmem>>, vector<16xf32>,
          tpu.vector_store %arg10[%swap3A_262], %gather3A_257 {strides = array<i32>} : memref<32768xf32, #tpu.memory_space<vmem>>, vector<16xf32>,
        }
        %add3A_194 = arith.constant 10 : i32
        %add3A_195 = arith.addi %add3A_134, %add3A_194 : i32
        %lt3A_196 = arith.cmpi slt, %add3A_195, %scan3A_15#0 : i32
        %convert_element_type3A_197 = arith.extui %lt3A_196 : i1 to i32
        %cond3A_198 = arith.constant 0 : i32
        %cond3A_199 = arith.cmpi ne, %convert_element_type3A_197, %cond3A_198 : i32
        scf.if %cond3A_199 {
          %get3A_200 = arith.index_cast %add3A_195 : i32 to index
          %get3A_201 = memref.load %arg6[%get3A_200] : memref<512xi32, #tpu.memory_space<smem>>
          %mul3A_202 = arith.constant 128 : i32
          %mul3A_203 = arith.muli %get3A_201, %mul3A_202 : i32
          %rem3A_204 = arith.constant 10 : i32
          %rem3A_205 = arith.remsi %add3A_195, %rem3A_204 : i32
          %dma_start3A_206 = arith.constant 0 : i32
          %dma_start3A_207 = arith.constant 0 : i32
          %dma_start3A_208 = tpu.memref_slice %arg9[%rem3A_205, %dma_start3A_206, %dma_start3A_207] : memref<10x64x128xf32, #tpu.memory_space<vmem>> -> memref<1x64x128xf32, #tpu.memory_space<vmem>>
          %dma_start3A_209 = tpu.memref_squeeze %dma_start3A_208 : memref<1x64x128xf32, #tpu.memory_space<vmem>> -> memref<64x128xf32, #tpu.memory_space<vmem>>
          %dma_start3A_210 = arith.constant 0 : i32
          %dma_start3A_211 = tpu.memref_slice %arg2[%dma_start3A_210, %mul3A_203] : memref<64x1000001xf32, #tpu.memory_space<hbm>> -> memref<64x128xf32, #tpu.memory_space<hbm>>
          %dma_start3A_212 = arith.constant 0 : i32
          %dma_start3A_213 = arith.constant 0 : i32
          %dma_start3A_214 = tpu.memref_slice %arg9[%rem3A_205, %dma_start3A_212, %dma_start3A_213] : memref<10x64x128xf32, #tpu.memory_space<vmem>> -> memref<1x64x128xf32, #tpu.memory_space<vmem>>
          %dma_start3A_215 = tpu.memref_squeeze %dma_start3A_214 : memref<1x64x128xf32, #tpu.memory_space<vmem>> -> memref<64x128xf32, #tpu.memory_space<vmem>>
          %dma_start3A_216 = arith.constant 0 : i32
          %dma_start3A_217 = tpu.memref_slice %arg2[%dma_start3A_216, %mul3A_203] : memref<64x1000001xf32, #tpu.memory_space<hbm>> -> memref<64x128xf32, #tpu.memory_space<hbm>>
          tpu.enqueue_dma source(%dma_start3A_217 : memref<64x128xf32, #tpu.memory_space<hbm>>) target(%dma_start3A_215 : memref<64x128xf32, #tpu.memory_space<vmem>>) target_semaphore(%arg17 : memref<!tpu.dma_semaphore, #tpu.memory_space<semaphore_mem>>)
        } else {
        }
      } else {
      }
      %add3A_139 = arith.constant 7 : i32
      %add3A_140 = arith.addi %add3A_96, %add3A_139 : i32
      %lt3A_141 = arith.cmpi slt, %add3A_140, %scan3A_15#0 : i32
      %convert_element_type3A_142 = arith.extui %lt3A_141 : i1 to i32
      %cond3A_143 = arith.constant 0 : i32
      %cond3A_144 = arith.cmpi ne, %convert_element_type3A_142, %cond3A_143 : i32
      scf.if %cond3A_144 {
        %rem3A = arith.constant 10 : i32
        %rem3A_157 = arith.remsi %add3A_140, %rem3A : i32
        %dma_wait3A_158 = arith.constant 0 : i32
        %dma_wait3A_159 = arith.constant 0 : i32
        %dma_wait3A_160 = tpu.memref_slice %arg9[%rem3A_157, %dma_wait3A_158, %dma_wait3A_159] : memref<10x64x128xf32, #tpu.memory_space<vmem>> -> memref<1x64x128xf32, #tpu.memory_space<vmem>>
        %dma_wait3A_161 = tpu.memref_squeeze %dma_wait3A_160 : memref<1x64x128xf32, #tpu.memory_space<vmem>> -> memref<64x128xf32, #tpu.memory_space<vmem>>
        %dma_wait3A_162 = arith.constant 0 : i32
        %dma_wait3A_163 = arith.constant 0 : i32
        %dma_wait3A_164 = tpu.memref_slice %arg2[%dma_wait3A_162, %dma_wait3A_163] : memref<64x1000001xf32, #tpu.memory_space<hbm>> -> memref<64x128xf32, #tpu.memory_space<hbm>>
        %dma_wait3A_165 = arith.constant 0 : i32
        %dma_wait3A_166 = arith.constant 0 : i32
        %dma_wait3A_167 = tpu.memref_slice %arg9[%rem3A_157, %dma_wait3A_165, %dma_wait3A_166] : memref<10x64x128xf32, #tpu.memory_space<vmem>> -> memref<1x64x128xf32, #tpu.memory_space<vmem>>
        %dma_wait3A_168 = tpu.memref_squeeze %dma_wait3A_167 : memref<1x64x128xf32, #tpu.memory_space<vmem>> -> memref<64x128xf32, #tpu.memory_space<vmem>>
        %dma_wait3A_169 = arith.constant 0 : i32
        %dma_wait3A_170 = arith.constant 0 : i32
        %dma_wait3A_171 = tpu.memref_slice %arg2[%dma_wait3A_169, %dma_wait3A_170] : memref<64x1000001xf32, #tpu.memory_space<hbm>> -> memref<64x128xf32, #tpu.memory_space<hbm>>
        tpu.wait_dma2 semaphore(%arg18 : memref<!tpu.dma_semaphore, #tpu.memory_space<semaphore_mem>>) src(%dma_wait3A_171 : memref<64x128xf32, #tpu.memory_space<hbm>>) dst(%dma_wait3A_168 : memref<64x128xf32, #tpu.memory_space<vmem>>)
        %get3A = arith.index_cast %add3A_140 : i32 to index
        %get3A_172 = memref.load %arg7[%get3A] : memref<513xi32, #tpu.memory_space<smem>>
        %add3A_173 = arith.constant 1 : i32
        %add3A_174 = arith.addi %add3A_140, %add3A_173 : i32
        %get3A_175 = arith.index_cast %add3A_174 : i32 to index
        %get3A_176 = memref.load %arg7[%get3A_175] : memref<513xi32, #tpu.memory_space<smem>>
        %sub3A_177 = arith.subi %get3A_176, %get3A_172 : i32
        %sub3A_178 = arith.constant 1 : i32
        %sub3A_179 = arith.constant 1 : i32
        %sub3A_180 = arith.subi %sub3A_178, %sub3A_179 : i32
        %add3A_181 = arith.addi %sub3A_177, %sub3A_180 : i32
        %div3A_182 = arith.constant 1 : i32
        %div3A_183 = arith.divsi %add3A_181, %div3A_182 : i32
        %while3A_184 = arith.constant 1 : i32
        %while3A_185 = arith.constant 0 : i32
        %while3A_186 = arith.subi %div3A_183, %while3A_185 : i32
        %while3A_187 = arith.addi %while3A_185, %while3A_186 : i32
        %while3A_188 = arith.constant 1 : i32
        %while3A_189 = arith.divsi %while3A_186, %while3A_188 : i32
        %while3A_190 = arith.muli %while3A_189, %while3A_188 : i32
        %while3A_191 = arith.addi %while3A_185, %while3A_190 : i32
        %while3A_192 = arith.constant 1 : i32
        scf.for %while3A_200 = %while3A_185 to %while3A_191 step %while3A_192  : i32 {
          %mul3A_201 = arith.muli %while3A_200, %while3A_184 : i32
          %add3A_202 = arith.addi %get3A_172, %mul3A_201 : i32
          %get3A_203 = arith.index_cast %add3A_202 : i32 to index
          %get3A_204 = memref.load %arg5[%get3A_203] : memref<512xi32, #tpu.memory_space<smem>>
          %and3A = arith.constant 127 : i32
          %and3A_205 = arith.andi %get3A_204, %and3A : i32
          %broadcast_in_dim3A = arith.constant 0 : i32
          %broadcast_in_dim3A_206 = vector.broadcast %broadcast_in_dim3A : i32 to vector<16xi32>
          %add3A_207 = vector.broadcast %and3A_205 : i32 to vector<16xi32>
          %add3A_208 = arith.addi %broadcast_in_dim3A_206, %add3A_207 : vector<16xi32>
          %add3A_209 = arith.constant 0 : i32
          %add3A_210 = vector.broadcast %add3A_209 : i32 to vector<16xi32>
          %add3A_211 = arith.addi %iota3A, %add3A_210 : vector<16xi32>
          %gather3A = arith.constant 0 : i32
          %gather3A_212 = arith.constant 0 : i32
          %gather3A_213 = tpu.memref_slice %arg9[%rem3A_157, %gather3A, %gather3A_212] : memref<10x64x128xf32, #tpu.memory_space<vmem>> -> memref<1x64x128xf32, #tpu.memory_space<vmem>>
          %gather3A_214 = tpu.memref_squeeze %gather3A_213 : memref<1x64x128xf32, #tpu.memory_space<vmem>> -> memref<64x128xf32, #tpu.memory_space<vmem>>
          %gather3A_215 = tpu.vector_load_idx %gather3A_214[%add3A_211, %add3A_208] : memref<64x128xf32, #tpu.memory_space<vmem>>[vector<16xi32>, vector<16xi32>], vector<16xf32>,
          %mul3A_216 = arith.constant 64 : i32
          %mul3A_217 = arith.muli %add3A_202, %mul3A_216 : i32
          %add3A_218 = arith.constant 0 : i32
          %add3A_219 = arith.addi %mul3A_217, %add3A_218 : i32
          %swap3A_220 = arith.index_cast %add3A_219 : i32 to index
          %swap3A_221 = tpu.vector_load %arg10[%swap3A_220] {strides = array<i32>} : memref<32768xf32, #tpu.memory_space<vmem>>, vector<16xf32>,
          tpu.vector_store %arg10[%swap3A_220], %gather3A_215 {strides = array<i32>} : memref<32768xf32, #tpu.memory_space<vmem>>, vector<16xf32>,
          %add3A_222 = arith.constant 16 : i32
          %add3A_223 = vector.broadcast %add3A_222 : i32 to vector<16xi32>
          %add3A_224 = arith.addi %iota3A, %add3A_223 : vector<16xi32>
          %gather3A_225 = arith.constant 0 : i32
          %gather3A_226 = arith.constant 0 : i32
          %gather3A_227 = tpu.memref_slice %arg9[%rem3A_157, %gather3A_225, %gather3A_226] : memref<10x64x128xf32, #tpu.memory_space<vmem>> -> memref<1x64x128xf32, #tpu.memory_space<vmem>>
          %gather3A_228 = tpu.memref_squeeze %gather3A_227 : memref<1x64x128xf32, #tpu.memory_space<vmem>> -> memref<64x128xf32, #tpu.memory_space<vmem>>
          %gather3A_229 = tpu.vector_load_idx %gather3A_228[%add3A_224, %add3A_208] : memref<64x128xf32, #tpu.memory_space<vmem>>[vector<16xi32>, vector<16xi32>], vector<16xf32>,
          %mul3A_230 = arith.constant 64 : i32
          %mul3A_231 = arith.muli %add3A_202, %mul3A_230 : i32
          %add3A_232 = arith.constant 16 : i32
          %add3A_233 = arith.addi %mul3A_231, %add3A_232 : i32
          %swap3A_234 = arith.index_cast %add3A_233 : i32 to index
          %swap3A_235 = tpu.vector_load %arg10[%swap3A_234] {strides = array<i32>} : memref<32768xf32, #tpu.memory_space<vmem>>, vector<16xf32>,
          tpu.vector_store %arg10[%swap3A_234], %gather3A_229 {strides = array<i32>} : memref<32768xf32, #tpu.memory_space<vmem>>, vector<16xf32>,
          %add3A_236 = arith.constant 32 : i32
          %add3A_237 = vector.broadcast %add3A_236 : i32 to vector<16xi32>
          %add3A_238 = arith.addi %iota3A, %add3A_237 : vector<16xi32>
          %gather3A_239 = arith.constant 0 : i32
          %gather3A_240 = arith.constant 0 : i32
          %gather3A_241 = tpu.memref_slice %arg9[%rem3A_157, %gather3A_239, %gather3A_240] : memref<10x64x128xf32, #tpu.memory_space<vmem>> -> memref<1x64x128xf32, #tpu.memory_space<vmem>>
          %gather3A_242 = tpu.memref_squeeze %gather3A_241 : memref<1x64x128xf32, #tpu.memory_space<vmem>> -> memref<64x128xf32, #tpu.memory_space<vmem>>
          %gather3A_243 = tpu.vector_load_idx %gather3A_242[%add3A_238, %add3A_208] : memref<64x128xf32, #tpu.memory_space<vmem>>[vector<16xi32>, vector<16xi32>], vector<16xf32>,
          %mul3A_244 = arith.constant 64 : i32
          %mul3A_245 = arith.muli %add3A_202, %mul3A_244 : i32
          %add3A_246 = arith.constant 32 : i32
          %add3A_247 = arith.addi %mul3A_245, %add3A_246 : i32
          %swap3A_248 = arith.index_cast %add3A_247 : i32 to index
          %swap3A_249 = tpu.vector_load %arg10[%swap3A_248] {strides = array<i32>} : memref<32768xf32, #tpu.memory_space<vmem>>, vector<16xf32>,
          tpu.vector_store %arg10[%swap3A_248], %gather3A_243 {strides = array<i32>} : memref<32768xf32, #tpu.memory_space<vmem>>, vector<16xf32>,
          %add3A_250 = arith.constant 48 : i32
          %add3A_251 = vector.broadcast %add3A_250 : i32 to vector<16xi32>
          %add3A_252 = arith.addi %iota3A, %add3A_251 : vector<16xi32>
          %gather3A_253 = arith.constant 0 : i32
          %gather3A_254 = arith.constant 0 : i32
          %gather3A_255 = tpu.memref_slice %arg9[%rem3A_157, %gather3A_253, %gather3A_254] : memref<10x64x128xf32, #tpu.memory_space<vmem>> -> memref<1x64x128xf32, #tpu.memory_space<vmem>>
          %gather3A_256 = tpu.memref_squeeze %gather3A_255 : memref<1x64x128xf32, #tpu.memory_space<vmem>> -> memref<64x128xf32, #tpu.memory_space<vmem>>
          %gather3A_257 = tpu.vector_load_idx %gather3A_256[%add3A_252, %add3A_208] : memref<64x128xf32, #tpu.memory_space<vmem>>[vector<16xi32>, vector<16xi32>], vector<16xf32>,
          %mul3A_258 = arith.constant 64 : i32
          %mul3A_259 = arith.muli %add3A_202, %mul3A_258 : i32
          %add3A_260 = arith.constant 48 : i32
          %add3A_261 = arith.addi %mul3A_259, %add3A_260 : i32
          %swap3A_262 = arith.index_cast %add3A_261 : i32 to index
          %swap3A_263 = tpu.vector_load %arg10[%swap3A_262] {strides = array<i32>} : memref<32768xf32, #tpu.memory_space<vmem>>, vector<16xf32>,
          tpu.vector_store %arg10[%swap3A_262], %gather3A_257 {strides = array<i32>} : memref<32768xf32, #tpu.memory_space<vmem>>, vector<16xf32>,
        }
        %while3A_193 = arith.constant 1 : i32
        scf.for %while3A_200 = %while3A_191 to %while3A_187 step %while3A_193  : i32 {
          %mul3A_201 = arith.muli %while3A_200, %while3A_184 : i32
          %add3A_202 = arith.addi %get3A_172, %mul3A_201 : i32
          %get3A_203 = arith.index_cast %add3A_202 : i32 to index
          %get3A_204 = memref.load %arg5[%get3A_203] : memref<512xi32, #tpu.memory_space<smem>>
          %and3A = arith.constant 127 : i32
          %and3A_205 = arith.andi %get3A_204, %and3A : i32
          %broadcast_in_dim3A = arith.constant 0 : i32
          %broadcast_in_dim3A_206 = vector.broadcast %broadcast_in_dim3A : i32 to vector<16xi32>
          %add3A_207 = vector.broadcast %and3A_205 : i32 to vector<16xi32>
          %add3A_208 = arith.addi %broadcast_in_dim3A_206, %add3A_207 : vector<16xi32>
          %add3A_209 = arith.constant 0 : i32
          %add3A_210 = vector.broadcast %add3A_209 : i32 to vector<16xi32>
          %add3A_211 = arith.addi %iota3A, %add3A_210 : vector<16xi32>
          %gather3A = arith.constant 0 : i32
          %gather3A_212 = arith.constant 0 : i32
          %gather3A_213 = tpu.memref_slice %arg9[%rem3A_157, %gather3A, %gather3A_212] : memref<10x64x128xf32, #tpu.memory_space<vmem>> -> memref<1x64x128xf32, #tpu.memory_space<vmem>>
          %gather3A_214 = tpu.memref_squeeze %gather3A_213 : memref<1x64x128xf32, #tpu.memory_space<vmem>> -> memref<64x128xf32, #tpu.memory_space<vmem>>
          %gather3A_215 = tpu.vector_load_idx %gather3A_214[%add3A_211, %add3A_208] : memref<64x128xf32, #tpu.memory_space<vmem>>[vector<16xi32>, vector<16xi32>], vector<16xf32>,
          %mul3A_216 = arith.constant 64 : i32
          %mul3A_217 = arith.muli %add3A_202, %mul3A_216 : i32
          %add3A_218 = arith.constant 0 : i32
          %add3A_219 = arith.addi %mul3A_217, %add3A_218 : i32
          %swap3A_220 = arith.index_cast %add3A_219 : i32 to index
          %swap3A_221 = tpu.vector_load %arg10[%swap3A_220] {strides = array<i32>} : memref<32768xf32, #tpu.memory_space<vmem>>, vector<16xf32>,
          tpu.vector_store %arg10[%swap3A_220], %gather3A_215 {strides = array<i32>} : memref<32768xf32, #tpu.memory_space<vmem>>, vector<16xf32>,
          %add3A_222 = arith.constant 16 : i32
          %add3A_223 = vector.broadcast %add3A_222 : i32 to vector<16xi32>
          %add3A_224 = arith.addi %iota3A, %add3A_223 : vector<16xi32>
          %gather3A_225 = arith.constant 0 : i32
          %gather3A_226 = arith.constant 0 : i32
          %gather3A_227 = tpu.memref_slice %arg9[%rem3A_157, %gather3A_225, %gather3A_226] : memref<10x64x128xf32, #tpu.memory_space<vmem>> -> memref<1x64x128xf32, #tpu.memory_space<vmem>>
          %gather3A_228 = tpu.memref_squeeze %gather3A_227 : memref<1x64x128xf32, #tpu.memory_space<vmem>> -> memref<64x128xf32, #tpu.memory_space<vmem>>
          %gather3A_229 = tpu.vector_load_idx %gather3A_228[%add3A_224, %add3A_208] : memref<64x128xf32, #tpu.memory_space<vmem>>[vector<16xi32>, vector<16xi32>], vector<16xf32>,
          %mul3A_230 = arith.constant 64 : i32
          %mul3A_231 = arith.muli %add3A_202, %mul3A_230 : i32
          %add3A_232 = arith.constant 16 : i32
          %add3A_233 = arith.addi %mul3A_231, %add3A_232 : i32
          %swap3A_234 = arith.index_cast %add3A_233 : i32 to index
          %swap3A_235 = tpu.vector_load %arg10[%swap3A_234] {strides = array<i32>} : memref<32768xf32, #tpu.memory_space<vmem>>, vector<16xf32>,
          tpu.vector_store %arg10[%swap3A_234], %gather3A_229 {strides = array<i32>} : memref<32768xf32, #tpu.memory_space<vmem>>, vector<16xf32>,
          %add3A_236 = arith.constant 32 : i32
          %add3A_237 = vector.broadcast %add3A_236 : i32 to vector<16xi32>
          %add3A_238 = arith.addi %iota3A, %add3A_237 : vector<16xi32>
          %gather3A_239 = arith.constant 0 : i32
          %gather3A_240 = arith.constant 0 : i32
          %gather3A_241 = tpu.memref_slice %arg9[%rem3A_157, %gather3A_239, %gather3A_240] : memref<10x64x128xf32, #tpu.memory_space<vmem>> -> memref<1x64x128xf32, #tpu.memory_space<vmem>>
          %gather3A_242 = tpu.memref_squeeze %gather3A_241 : memref<1x64x128xf32, #tpu.memory_space<vmem>> -> memref<64x128xf32, #tpu.memory_space<vmem>>
          %gather3A_243 = tpu.vector_load_idx %gather3A_242[%add3A_238, %add3A_208] : memref<64x128xf32, #tpu.memory_space<vmem>>[vector<16xi32>, vector<16xi32>], vector<16xf32>,
          %mul3A_244 = arith.constant 64 : i32
          %mul3A_245 = arith.muli %add3A_202, %mul3A_244 : i32
          %add3A_246 = arith.constant 32 : i32
          %add3A_247 = arith.addi %mul3A_245, %add3A_246 : i32
          %swap3A_248 = arith.index_cast %add3A_247 : i32 to index
          %swap3A_249 = tpu.vector_load %arg10[%swap3A_248] {strides = array<i32>} : memref<32768xf32, #tpu.memory_space<vmem>>, vector<16xf32>,
          tpu.vector_store %arg10[%swap3A_248], %gather3A_243 {strides = array<i32>} : memref<32768xf32, #tpu.memory_space<vmem>>, vector<16xf32>,
          %add3A_250 = arith.constant 48 : i32
          %add3A_251 = vector.broadcast %add3A_250 : i32 to vector<16xi32>
          %add3A_252 = arith.addi %iota3A, %add3A_251 : vector<16xi32>
          %gather3A_253 = arith.constant 0 : i32
          %gather3A_254 = arith.constant 0 : i32
          %gather3A_255 = tpu.memref_slice %arg9[%rem3A_157, %gather3A_253, %gather3A_254] : memref<10x64x128xf32, #tpu.memory_space<vmem>> -> memref<1x64x128xf32, #tpu.memory_space<vmem>>
          %gather3A_256 = tpu.memref_squeeze %gather3A_255 : memref<1x64x128xf32, #tpu.memory_space<vmem>> -> memref<64x128xf32, #tpu.memory_space<vmem>>
          %gather3A_257 = tpu.vector_load_idx %gather3A_256[%add3A_252, %add3A_208] : memref<64x128xf32, #tpu.memory_space<vmem>>[vector<16xi32>, vector<16xi32>], vector<16xf32>,
          %mul3A_258 = arith.constant 64 : i32
          %mul3A_259 = arith.muli %add3A_202, %mul3A_258 : i32
          %add3A_260 = arith.constant 48 : i32
          %add3A_261 = arith.addi %mul3A_259, %add3A_260 : i32
          %swap3A_262 = arith.index_cast %add3A_261 : i32 to index
          %swap3A_263 = tpu.vector_load %arg10[%swap3A_262] {strides = array<i32>} : memref<32768xf32, #tpu.memory_space<vmem>>, vector<16xf32>,
          tpu.vector_store %arg10[%swap3A_262], %gather3A_257 {strides = array<i32>} : memref<32768xf32, #tpu.memory_space<vmem>>, vector<16xf32>,
        }
        %add3A_194 = arith.constant 10 : i32
        %add3A_195 = arith.addi %add3A_140, %add3A_194 : i32
        %lt3A_196 = arith.cmpi slt, %add3A_195, %scan3A_15#0 : i32
        %convert_element_type3A_197 = arith.extui %lt3A_196 : i1 to i32
        %cond3A_198 = arith.constant 0 : i32
        %cond3A_199 = arith.cmpi ne, %convert_element_type3A_197, %cond3A_198 : i32
        scf.if %cond3A_199 {
          %get3A_200 = arith.index_cast %add3A_195 : i32 to index
          %get3A_201 = memref.load %arg6[%get3A_200] : memref<512xi32, #tpu.memory_space<smem>>
          %mul3A_202 = arith.constant 128 : i32
          %mul3A_203 = arith.muli %get3A_201, %mul3A_202 : i32
          %rem3A_204 = arith.constant 10 : i32
          %rem3A_205 = arith.remsi %add3A_195, %rem3A_204 : i32
          %dma_start3A_206 = arith.constant 0 : i32
          %dma_start3A_207 = arith.constant 0 : i32
          %dma_start3A_208 = tpu.memref_slice %arg9[%rem3A_205, %dma_start3A_206, %dma_start3A_207] : memref<10x64x128xf32, #tpu.memory_space<vmem>> -> memref<1x64x128xf32, #tpu.memory_space<vmem>>
          %dma_start3A_209 = tpu.memref_squeeze %dma_start3A_208 : memref<1x64x128xf32, #tpu.memory_space<vmem>> -> memref<64x128xf32, #tpu.memory_space<vmem>>
          %dma_start3A_210 = arith.constant 0 : i32
          %dma_start3A_211 = tpu.memref_slice %arg2[%dma_start3A_210, %mul3A_203] : memref<64x1000001xf32, #tpu.memory_space<hbm>> -> memref<64x128xf32, #tpu.memory_space<hbm>>
          %dma_start3A_212 = arith.constant 0 : i32
          %dma_start3A_213 = arith.constant 0 : i32
          %dma_start3A_214 = tpu.memref_slice %arg9[%rem3A_205, %dma_start3A_212, %dma_start3A_213] : memref<10x64x128xf32, #tpu.memory_space<vmem>> -> memref<1x64x128xf32, #tpu.memory_space<vmem>>
          %dma_start3A_215 = tpu.memref_squeeze %dma_start3A_214 : memref<1x64x128xf32, #tpu.memory_space<vmem>> -> memref<64x128xf32, #tpu.memory_space<vmem>>
          %dma_start3A_216 = arith.constant 0 : i32
          %dma_start3A_217 = tpu.memref_slice %arg2[%dma_start3A_216, %mul3A_203] : memref<64x1000001xf32, #tpu.memory_space<hbm>> -> memref<64x128xf32, #tpu.memory_space<hbm>>
          tpu.enqueue_dma source(%dma_start3A_217 : memref<64x128xf32, #tpu.memory_space<hbm>>) target(%dma_start3A_215 : memref<64x128xf32, #tpu.memory_space<vmem>>) target_semaphore(%arg18 : memref<!tpu.dma_semaphore, #tpu.memory_space<semaphore_mem>>)
        } else {
        }
      } else {
      }
      %add3A_145 = arith.constant 8 : i32
      %add3A_146 = arith.addi %add3A_96, %add3A_145 : i32
      %lt3A_147 = arith.cmpi slt, %add3A_146, %scan3A_15#0 : i32
      %convert_element_type3A_148 = arith.extui %lt3A_147 : i1 to i32
      %cond3A_149 = arith.constant 0 : i32
      %cond3A_150 = arith.cmpi ne, %convert_element_type3A_148, %cond3A_149 : i32
      scf.if %cond3A_150 {
        %rem3A = arith.constant 10 : i32
        %rem3A_157 = arith.remsi %add3A_146, %rem3A : i32
        %dma_wait3A_158 = arith.constant 0 : i32
        %dma_wait3A_159 = arith.constant 0 : i32
        %dma_wait3A_160 = tpu.memref_slice %arg9[%rem3A_157, %dma_wait3A_158, %dma_wait3A_159] : memref<10x64x128xf32, #tpu.memory_space<vmem>> -> memref<1x64x128xf32, #tpu.memory_space<vmem>>
        %dma_wait3A_161 = tpu.memref_squeeze %dma_wait3A_160 : memref<1x64x128xf32, #tpu.memory_space<vmem>> -> memref<64x128xf32, #tpu.memory_space<vmem>>
        %dma_wait3A_162 = arith.constant 0 : i32
        %dma_wait3A_163 = arith.constant 0 : i32
        %dma_wait3A_164 = tpu.memref_slice %arg2[%dma_wait3A_162, %dma_wait3A_163] : memref<64x1000001xf32, #tpu.memory_space<hbm>> -> memref<64x128xf32, #tpu.memory_space<hbm>>
        %dma_wait3A_165 = arith.constant 0 : i32
        %dma_wait3A_166 = arith.constant 0 : i32
        %dma_wait3A_167 = tpu.memref_slice %arg9[%rem3A_157, %dma_wait3A_165, %dma_wait3A_166] : memref<10x64x128xf32, #tpu.memory_space<vmem>> -> memref<1x64x128xf32, #tpu.memory_space<vmem>>
        %dma_wait3A_168 = tpu.memref_squeeze %dma_wait3A_167 : memref<1x64x128xf32, #tpu.memory_space<vmem>> -> memref<64x128xf32, #tpu.memory_space<vmem>>
        %dma_wait3A_169 = arith.constant 0 : i32
        %dma_wait3A_170 = arith.constant 0 : i32
        %dma_wait3A_171 = tpu.memref_slice %arg2[%dma_wait3A_169, %dma_wait3A_170] : memref<64x1000001xf32, #tpu.memory_space<hbm>> -> memref<64x128xf32, #tpu.memory_space<hbm>>
        tpu.wait_dma2 semaphore(%arg19 : memref<!tpu.dma_semaphore, #tpu.memory_space<semaphore_mem>>) src(%dma_wait3A_171 : memref<64x128xf32, #tpu.memory_space<hbm>>) dst(%dma_wait3A_168 : memref<64x128xf32, #tpu.memory_space<vmem>>)
        %get3A = arith.index_cast %add3A_146 : i32 to index
        %get3A_172 = memref.load %arg7[%get3A] : memref<513xi32, #tpu.memory_space<smem>>
        %add3A_173 = arith.constant 1 : i32
        %add3A_174 = arith.addi %add3A_146, %add3A_173 : i32
        %get3A_175 = arith.index_cast %add3A_174 : i32 to index
        %get3A_176 = memref.load %arg7[%get3A_175] : memref<513xi32, #tpu.memory_space<smem>>
        %sub3A_177 = arith.subi %get3A_176, %get3A_172 : i32
        %sub3A_178 = arith.constant 1 : i32
        %sub3A_179 = arith.constant 1 : i32
        %sub3A_180 = arith.subi %sub3A_178, %sub3A_179 : i32
        %add3A_181 = arith.addi %sub3A_177, %sub3A_180 : i32
        %div3A_182 = arith.constant 1 : i32
        %div3A_183 = arith.divsi %add3A_181, %div3A_182 : i32
        %while3A_184 = arith.constant 1 : i32
        %while3A_185 = arith.constant 0 : i32
        %while3A_186 = arith.subi %div3A_183, %while3A_185 : i32
        %while3A_187 = arith.addi %while3A_185, %while3A_186 : i32
        %while3A_188 = arith.constant 1 : i32
        %while3A_189 = arith.divsi %while3A_186, %while3A_188 : i32
        %while3A_190 = arith.muli %while3A_189, %while3A_188 : i32
        %while3A_191 = arith.addi %while3A_185, %while3A_190 : i32
        %while3A_192 = arith.constant 1 : i32
        scf.for %while3A_200 = %while3A_185 to %while3A_191 step %while3A_192  : i32 {
          %mul3A_201 = arith.muli %while3A_200, %while3A_184 : i32
          %add3A_202 = arith.addi %get3A_172, %mul3A_201 : i32
          %get3A_203 = arith.index_cast %add3A_202 : i32 to index
          %get3A_204 = memref.load %arg5[%get3A_203] : memref<512xi32, #tpu.memory_space<smem>>
          %and3A = arith.constant 127 : i32
          %and3A_205 = arith.andi %get3A_204, %and3A : i32
          %broadcast_in_dim3A = arith.constant 0 : i32
          %broadcast_in_dim3A_206 = vector.broadcast %broadcast_in_dim3A : i32 to vector<16xi32>
          %add3A_207 = vector.broadcast %and3A_205 : i32 to vector<16xi32>
          %add3A_208 = arith.addi %broadcast_in_dim3A_206, %add3A_207 : vector<16xi32>
          %add3A_209 = arith.constant 0 : i32
          %add3A_210 = vector.broadcast %add3A_209 : i32 to vector<16xi32>
          %add3A_211 = arith.addi %iota3A, %add3A_210 : vector<16xi32>
          %gather3A = arith.constant 0 : i32
          %gather3A_212 = arith.constant 0 : i32
          %gather3A_213 = tpu.memref_slice %arg9[%rem3A_157, %gather3A, %gather3A_212] : memref<10x64x128xf32, #tpu.memory_space<vmem>> -> memref<1x64x128xf32, #tpu.memory_space<vmem>>
          %gather3A_214 = tpu.memref_squeeze %gather3A_213 : memref<1x64x128xf32, #tpu.memory_space<vmem>> -> memref<64x128xf32, #tpu.memory_space<vmem>>
          %gather3A_215 = tpu.vector_load_idx %gather3A_214[%add3A_211, %add3A_208] : memref<64x128xf32, #tpu.memory_space<vmem>>[vector<16xi32>, vector<16xi32>], vector<16xf32>,
          %mul3A_216 = arith.constant 64 : i32
          %mul3A_217 = arith.muli %add3A_202, %mul3A_216 : i32
          %add3A_218 = arith.constant 0 : i32
          %add3A_219 = arith.addi %mul3A_217, %add3A_218 : i32
          %swap3A_220 = arith.index_cast %add3A_219 : i32 to index
          %swap3A_221 = tpu.vector_load %arg10[%swap3A_220] {strides = array<i32>} : memref<32768xf32, #tpu.memory_space<vmem>>, vector<16xf32>,
          tpu.vector_store %arg10[%swap3A_220], %gather3A_215 {strides = array<i32>} : memref<32768xf32, #tpu.memory_space<vmem>>, vector<16xf32>,
          %add3A_222 = arith.constant 16 : i32
          %add3A_223 = vector.broadcast %add3A_222 : i32 to vector<16xi32>
          %add3A_224 = arith.addi %iota3A, %add3A_223 : vector<16xi32>
          %gather3A_225 = arith.constant 0 : i32
          %gather3A_226 = arith.constant 0 : i32
          %gather3A_227 = tpu.memref_slice %arg9[%rem3A_157, %gather3A_225, %gather3A_226] : memref<10x64x128xf32, #tpu.memory_space<vmem>> -> memref<1x64x128xf32, #tpu.memory_space<vmem>>
          %gather3A_228 = tpu.memref_squeeze %gather3A_227 : memref<1x64x128xf32, #tpu.memory_space<vmem>> -> memref<64x128xf32, #tpu.memory_space<vmem>>
          %gather3A_229 = tpu.vector_load_idx %gather3A_228[%add3A_224, %add3A_208] : memref<64x128xf32, #tpu.memory_space<vmem>>[vector<16xi32>, vector<16xi32>], vector<16xf32>,
          %mul3A_230 = arith.constant 64 : i32
          %mul3A_231 = arith.muli %add3A_202, %mul3A_230 : i32
          %add3A_232 = arith.constant 16 : i32
          %add3A_233 = arith.addi %mul3A_231, %add3A_232 : i32
          %swap3A_234 = arith.index_cast %add3A_233 : i32 to index
          %swap3A_235 = tpu.vector_load %arg10[%swap3A_234] {strides = array<i32>} : memref<32768xf32, #tpu.memory_space<vmem>>, vector<16xf32>,
          tpu.vector_store %arg10[%swap3A_234], %gather3A_229 {strides = array<i32>} : memref<32768xf32, #tpu.memory_space<vmem>>, vector<16xf32>,
          %add3A_236 = arith.constant 32 : i32
          %add3A_237 = vector.broadcast %add3A_236 : i32 to vector<16xi32>
          %add3A_238 = arith.addi %iota3A, %add3A_237 : vector<16xi32>
          %gather3A_239 = arith.constant 0 : i32
          %gather3A_240 = arith.constant 0 : i32
          %gather3A_241 = tpu.memref_slice %arg9[%rem3A_157, %gather3A_239, %gather3A_240] : memref<10x64x128xf32, #tpu.memory_space<vmem>> -> memref<1x64x128xf32, #tpu.memory_space<vmem>>
          %gather3A_242 = tpu.memref_squeeze %gather3A_241 : memref<1x64x128xf32, #tpu.memory_space<vmem>> -> memref<64x128xf32, #tpu.memory_space<vmem>>
          %gather3A_243 = tpu.vector_load_idx %gather3A_242[%add3A_238, %add3A_208] : memref<64x128xf32, #tpu.memory_space<vmem>>[vector<16xi32>, vector<16xi32>], vector<16xf32>,
          %mul3A_244 = arith.constant 64 : i32
          %mul3A_245 = arith.muli %add3A_202, %mul3A_244 : i32
          %add3A_246 = arith.constant 32 : i32
          %add3A_247 = arith.addi %mul3A_245, %add3A_246 : i32
          %swap3A_248 = arith.index_cast %add3A_247 : i32 to index
          %swap3A_249 = tpu.vector_load %arg10[%swap3A_248] {strides = array<i32>} : memref<32768xf32, #tpu.memory_space<vmem>>, vector<16xf32>,
          tpu.vector_store %arg10[%swap3A_248], %gather3A_243 {strides = array<i32>} : memref<32768xf32, #tpu.memory_space<vmem>>, vector<16xf32>,
          %add3A_250 = arith.constant 48 : i32
          %add3A_251 = vector.broadcast %add3A_250 : i32 to vector<16xi32>
          %add3A_252 = arith.addi %iota3A, %add3A_251 : vector<16xi32>
          %gather3A_253 = arith.constant 0 : i32
          %gather3A_254 = arith.constant 0 : i32
          %gather3A_255 = tpu.memref_slice %arg9[%rem3A_157, %gather3A_253, %gather3A_254] : memref<10x64x128xf32, #tpu.memory_space<vmem>> -> memref<1x64x128xf32, #tpu.memory_space<vmem>>
          %gather3A_256 = tpu.memref_squeeze %gather3A_255 : memref<1x64x128xf32, #tpu.memory_space<vmem>> -> memref<64x128xf32, #tpu.memory_space<vmem>>
          %gather3A_257 = tpu.vector_load_idx %gather3A_256[%add3A_252, %add3A_208] : memref<64x128xf32, #tpu.memory_space<vmem>>[vector<16xi32>, vector<16xi32>], vector<16xf32>,
          %mul3A_258 = arith.constant 64 : i32
          %mul3A_259 = arith.muli %add3A_202, %mul3A_258 : i32
          %add3A_260 = arith.constant 48 : i32
          %add3A_261 = arith.addi %mul3A_259, %add3A_260 : i32
          %swap3A_262 = arith.index_cast %add3A_261 : i32 to index
          %swap3A_263 = tpu.vector_load %arg10[%swap3A_262] {strides = array<i32>} : memref<32768xf32, #tpu.memory_space<vmem>>, vector<16xf32>,
          tpu.vector_store %arg10[%swap3A_262], %gather3A_257 {strides = array<i32>} : memref<32768xf32, #tpu.memory_space<vmem>>, vector<16xf32>,
        }
        %while3A_193 = arith.constant 1 : i32
        scf.for %while3A_200 = %while3A_191 to %while3A_187 step %while3A_193  : i32 {
          %mul3A_201 = arith.muli %while3A_200, %while3A_184 : i32
          %add3A_202 = arith.addi %get3A_172, %mul3A_201 : i32
          %get3A_203 = arith.index_cast %add3A_202 : i32 to index
          %get3A_204 = memref.load %arg5[%get3A_203] : memref<512xi32, #tpu.memory_space<smem>>
          %and3A = arith.constant 127 : i32
          %and3A_205 = arith.andi %get3A_204, %and3A : i32
          %broadcast_in_dim3A = arith.constant 0 : i32
          %broadcast_in_dim3A_206 = vector.broadcast %broadcast_in_dim3A : i32 to vector<16xi32>
          %add3A_207 = vector.broadcast %and3A_205 : i32 to vector<16xi32>
          %add3A_208 = arith.addi %broadcast_in_dim3A_206, %add3A_207 : vector<16xi32>
          %add3A_209 = arith.constant 0 : i32
          %add3A_210 = vector.broadcast %add3A_209 : i32 to vector<16xi32>
          %add3A_211 = arith.addi %iota3A, %add3A_210 : vector<16xi32>
          %gather3A = arith.constant 0 : i32
          %gather3A_212 = arith.constant 0 : i32
          %gather3A_213 = tpu.memref_slice %arg9[%rem3A_157, %gather3A, %gather3A_212] : memref<10x64x128xf32, #tpu.memory_space<vmem>> -> memref<1x64x128xf32, #tpu.memory_space<vmem>>
          %gather3A_214 = tpu.memref_squeeze %gather3A_213 : memref<1x64x128xf32, #tpu.memory_space<vmem>> -> memref<64x128xf32, #tpu.memory_space<vmem>>
          %gather3A_215 = tpu.vector_load_idx %gather3A_214[%add3A_211, %add3A_208] : memref<64x128xf32, #tpu.memory_space<vmem>>[vector<16xi32>, vector<16xi32>], vector<16xf32>,
          %mul3A_216 = arith.constant 64 : i32
          %mul3A_217 = arith.muli %add3A_202, %mul3A_216 : i32
          %add3A_218 = arith.constant 0 : i32
          %add3A_219 = arith.addi %mul3A_217, %add3A_218 : i32
          %swap3A_220 = arith.index_cast %add3A_219 : i32 to index
          %swap3A_221 = tpu.vector_load %arg10[%swap3A_220] {strides = array<i32>} : memref<32768xf32, #tpu.memory_space<vmem>>, vector<16xf32>,
          tpu.vector_store %arg10[%swap3A_220], %gather3A_215 {strides = array<i32>} : memref<32768xf32, #tpu.memory_space<vmem>>, vector<16xf32>,
          %add3A_222 = arith.constant 16 : i32
          %add3A_223 = vector.broadcast %add3A_222 : i32 to vector<16xi32>
          %add3A_224 = arith.addi %iota3A, %add3A_223 : vector<16xi32>
          %gather3A_225 = arith.constant 0 : i32
          %gather3A_226 = arith.constant 0 : i32
          %gather3A_227 = tpu.memref_slice %arg9[%rem3A_157, %gather3A_225, %gather3A_226] : memref<10x64x128xf32, #tpu.memory_space<vmem>> -> memref<1x64x128xf32, #tpu.memory_space<vmem>>
          %gather3A_228 = tpu.memref_squeeze %gather3A_227 : memref<1x64x128xf32, #tpu.memory_space<vmem>> -> memref<64x128xf32, #tpu.memory_space<vmem>>
          %gather3A_229 = tpu.vector_load_idx %gather3A_228[%add3A_224, %add3A_208] : memref<64x128xf32, #tpu.memory_space<vmem>>[vector<16xi32>, vector<16xi32>], vector<16xf32>,
          %mul3A_230 = arith.constant 64 : i32
          %mul3A_231 = arith.muli %add3A_202, %mul3A_230 : i32
          %add3A_232 = arith.constant 16 : i32
          %add3A_233 = arith.addi %mul3A_231, %add3A_232 : i32
          %swap3A_234 = arith.index_cast %add3A_233 : i32 to index
          %swap3A_235 = tpu.vector_load %arg10[%swap3A_234] {strides = array<i32>} : memref<32768xf32, #tpu.memory_space<vmem>>, vector<16xf32>,
          tpu.vector_store %arg10[%swap3A_234], %gather3A_229 {strides = array<i32>} : memref<32768xf32, #tpu.memory_space<vmem>>, vector<16xf32>,
          %add3A_236 = arith.constant 32 : i32
          %add3A_237 = vector.broadcast %add3A_236 : i32 to vector<16xi32>
          %add3A_238 = arith.addi %iota3A, %add3A_237 : vector<16xi32>
          %gather3A_239 = arith.constant 0 : i32
          %gather3A_240 = arith.constant 0 : i32
          %gather3A_241 = tpu.memref_slice %arg9[%rem3A_157, %gather3A_239, %gather3A_240] : memref<10x64x128xf32, #tpu.memory_space<vmem>> -> memref<1x64x128xf32, #tpu.memory_space<vmem>>
          %gather3A_242 = tpu.memref_squeeze %gather3A_241 : memref<1x64x128xf32, #tpu.memory_space<vmem>> -> memref<64x128xf32, #tpu.memory_space<vmem>>
          %gather3A_243 = tpu.vector_load_idx %gather3A_242[%add3A_238, %add3A_208] : memref<64x128xf32, #tpu.memory_space<vmem>>[vector<16xi32>, vector<16xi32>], vector<16xf32>,
          %mul3A_244 = arith.constant 64 : i32
          %mul3A_245 = arith.muli %add3A_202, %mul3A_244 : i32
          %add3A_246 = arith.constant 32 : i32
          %add3A_247 = arith.addi %mul3A_245, %add3A_246 : i32
          %swap3A_248 = arith.index_cast %add3A_247 : i32 to index
          %swap3A_249 = tpu.vector_load %arg10[%swap3A_248] {strides = array<i32>} : memref<32768xf32, #tpu.memory_space<vmem>>, vector<16xf32>,
          tpu.vector_store %arg10[%swap3A_248], %gather3A_243 {strides = array<i32>} : memref<32768xf32, #tpu.memory_space<vmem>>, vector<16xf32>,
          %add3A_250 = arith.constant 48 : i32
          %add3A_251 = vector.broadcast %add3A_250 : i32 to vector<16xi32>
          %add3A_252 = arith.addi %iota3A, %add3A_251 : vector<16xi32>
          %gather3A_253 = arith.constant 0 : i32
          %gather3A_254 = arith.constant 0 : i32
          %gather3A_255 = tpu.memref_slice %arg9[%rem3A_157, %gather3A_253, %gather3A_254] : memref<10x64x128xf32, #tpu.memory_space<vmem>> -> memref<1x64x128xf32, #tpu.memory_space<vmem>>
          %gather3A_256 = tpu.memref_squeeze %gather3A_255 : memref<1x64x128xf32, #tpu.memory_space<vmem>> -> memref<64x128xf32, #tpu.memory_space<vmem>>
          %gather3A_257 = tpu.vector_load_idx %gather3A_256[%add3A_252, %add3A_208] : memref<64x128xf32, #tpu.memory_space<vmem>>[vector<16xi32>, vector<16xi32>], vector<16xf32>,
          %mul3A_258 = arith.constant 64 : i32
          %mul3A_259 = arith.muli %add3A_202, %mul3A_258 : i32
          %add3A_260 = arith.constant 48 : i32
          %add3A_261 = arith.addi %mul3A_259, %add3A_260 : i32
          %swap3A_262 = arith.index_cast %add3A_261 : i32 to index
          %swap3A_263 = tpu.vector_load %arg10[%swap3A_262] {strides = array<i32>} : memref<32768xf32, #tpu.memory_space<vmem>>, vector<16xf32>,
          tpu.vector_store %arg10[%swap3A_262], %gather3A_257 {strides = array<i32>} : memref<32768xf32, #tpu.memory_space<vmem>>, vector<16xf32>,
        }
        %add3A_194 = arith.constant 10 : i32
        %add3A_195 = arith.addi %add3A_146, %add3A_194 : i32
        %lt3A_196 = arith.cmpi slt, %add3A_195, %scan3A_15#0 : i32
        %convert_element_type3A_197 = arith.extui %lt3A_196 : i1 to i32
        %cond3A_198 = arith.constant 0 : i32
        %cond3A_199 = arith.cmpi ne, %convert_element_type3A_197, %cond3A_198 : i32
        scf.if %cond3A_199 {
          %get3A_200 = arith.index_cast %add3A_195 : i32 to index
          %get3A_201 = memref.load %arg6[%get3A_200] : memref<512xi32, #tpu.memory_space<smem>>
          %mul3A_202 = arith.constant 128 : i32
          %mul3A_203 = arith.muli %get3A_201, %mul3A_202 : i32
          %rem3A_204 = arith.constant 10 : i32
          %rem3A_205 = arith.remsi %add3A_195, %rem3A_204 : i32
          %dma_start3A_206 = arith.constant 0 : i32
          %dma_start3A_207 = arith.constant 0 : i32
          %dma_start3A_208 = tpu.memref_slice %arg9[%rem3A_205, %dma_start3A_206, %dma_start3A_207] : memref<10x64x128xf32, #tpu.memory_space<vmem>> -> memref<1x64x128xf32, #tpu.memory_space<vmem>>
          %dma_start3A_209 = tpu.memref_squeeze %dma_start3A_208 : memref<1x64x128xf32, #tpu.memory_space<vmem>> -> memref<64x128xf32, #tpu.memory_space<vmem>>
          %dma_start3A_210 = arith.constant 0 : i32
          %dma_start3A_211 = tpu.memref_slice %arg2[%dma_start3A_210, %mul3A_203] : memref<64x1000001xf32, #tpu.memory_space<hbm>> -> memref<64x128xf32, #tpu.memory_space<hbm>>
          %dma_start3A_212 = arith.constant 0 : i32
          %dma_start3A_213 = arith.constant 0 : i32
          %dma_start3A_214 = tpu.memref_slice %arg9[%rem3A_205, %dma_start3A_212, %dma_start3A_213] : memref<10x64x128xf32, #tpu.memory_space<vmem>> -> memref<1x64x128xf32, #tpu.memory_space<vmem>>
          %dma_start3A_215 = tpu.memref_squeeze %dma_start3A_214 : memref<1x64x128xf32, #tpu.memory_space<vmem>> -> memref<64x128xf32, #tpu.memory_space<vmem>>
          %dma_start3A_216 = arith.constant 0 : i32
          %dma_start3A_217 = tpu.memref_slice %arg2[%dma_start3A_216, %mul3A_203] : memref<64x1000001xf32, #tpu.memory_space<hbm>> -> memref<64x128xf32, #tpu.memory_space<hbm>>
          tpu.enqueue_dma source(%dma_start3A_217 : memref<64x128xf32, #tpu.memory_space<hbm>>) target(%dma_start3A_215 : memref<64x128xf32, #tpu.memory_space<vmem>>) target_semaphore(%arg19 : memref<!tpu.dma_semaphore, #tpu.memory_space<semaphore_mem>>)
        } else {
        }
      } else {
      }
      %add3A_151 = arith.constant 9 : i32
      %add3A_152 = arith.addi %add3A_96, %add3A_151 : i32
      %lt3A_153 = arith.cmpi slt, %add3A_152, %scan3A_15#0 : i32
      %convert_element_type3A_154 = arith.extui %lt3A_153 : i1 to i32
      %cond3A_155 = arith.constant 0 : i32
      %cond3A_156 = arith.cmpi ne, %convert_element_type3A_154, %cond3A_155 : i32
      scf.if %cond3A_156 {
        %rem3A = arith.constant 10 : i32
        %rem3A_157 = arith.remsi %add3A_152, %rem3A : i32
        %dma_wait3A_158 = arith.constant 0 : i32
        %dma_wait3A_159 = arith.constant 0 : i32
        %dma_wait3A_160 = tpu.memref_slice %arg9[%rem3A_157, %dma_wait3A_158, %dma_wait3A_159] : memref<10x64x128xf32, #tpu.memory_space<vmem>> -> memref<1x64x128xf32, #tpu.memory_space<vmem>>
        %dma_wait3A_161 = tpu.memref_squeeze %dma_wait3A_160 : memref<1x64x128xf32, #tpu.memory_space<vmem>> -> memref<64x128xf32, #tpu.memory_space<vmem>>
        %dma_wait3A_162 = arith.constant 0 : i32
        %dma_wait3A_163 = arith.constant 0 : i32
        %dma_wait3A_164 = tpu.memref_slice %arg2[%dma_wait3A_162, %dma_wait3A_163] : memref<64x1000001xf32, #tpu.memory_space<hbm>> -> memref<64x128xf32, #tpu.memory_space<hbm>>
        %dma_wait3A_165 = arith.constant 0 : i32
        %dma_wait3A_166 = arith.constant 0 : i32
        %dma_wait3A_167 = tpu.memref_slice %arg9[%rem3A_157, %dma_wait3A_165, %dma_wait3A_166] : memref<10x64x128xf32, #tpu.memory_space<vmem>> -> memref<1x64x128xf32, #tpu.memory_space<vmem>>
        %dma_wait3A_168 = tpu.memref_squeeze %dma_wait3A_167 : memref<1x64x128xf32, #tpu.memory_space<vmem>> -> memref<64x128xf32, #tpu.memory_space<vmem>>
        %dma_wait3A_169 = arith.constant 0 : i32
        %dma_wait3A_170 = arith.constant 0 : i32
        %dma_wait3A_171 = tpu.memref_slice %arg2[%dma_wait3A_169, %dma_wait3A_170] : memref<64x1000001xf32, #tpu.memory_space<hbm>> -> memref<64x128xf32, #tpu.memory_space<hbm>>
        tpu.wait_dma2 semaphore(%arg20 : memref<!tpu.dma_semaphore, #tpu.memory_space<semaphore_mem>>) src(%dma_wait3A_171 : memref<64x128xf32, #tpu.memory_space<hbm>>) dst(%dma_wait3A_168 : memref<64x128xf32, #tpu.memory_space<vmem>>)
        %get3A = arith.index_cast %add3A_152 : i32 to index
        %get3A_172 = memref.load %arg7[%get3A] : memref<513xi32, #tpu.memory_space<smem>>
        %add3A_173 = arith.constant 1 : i32
        %add3A_174 = arith.addi %add3A_152, %add3A_173 : i32
        %get3A_175 = arith.index_cast %add3A_174 : i32 to index
        %get3A_176 = memref.load %arg7[%get3A_175] : memref<513xi32, #tpu.memory_space<smem>>
        %sub3A_177 = arith.subi %get3A_176, %get3A_172 : i32
        %sub3A_178 = arith.constant 1 : i32
        %sub3A_179 = arith.constant 1 : i32
        %sub3A_180 = arith.subi %sub3A_178, %sub3A_179 : i32
        %add3A_181 = arith.addi %sub3A_177, %sub3A_180 : i32
        %div3A_182 = arith.constant 1 : i32
        %div3A_183 = arith.divsi %add3A_181, %div3A_182 : i32
        %while3A_184 = arith.constant 1 : i32
        %while3A_185 = arith.constant 0 : i32
        %while3A_186 = arith.subi %div3A_183, %while3A_185 : i32
        %while3A_187 = arith.addi %while3A_185, %while3A_186 : i32
        %while3A_188 = arith.constant 1 : i32
        %while3A_189 = arith.divsi %while3A_186, %while3A_188 : i32
        %while3A_190 = arith.muli %while3A_189, %while3A_188 : i32
        %while3A_191 = arith.addi %while3A_185, %while3A_190 : i32
        %while3A_192 = arith.constant 1 : i32
        scf.for %while3A_200 = %while3A_185 to %while3A_191 step %while3A_192  : i32 {
          %mul3A_201 = arith.muli %while3A_200, %while3A_184 : i32
          %add3A_202 = arith.addi %get3A_172, %mul3A_201 : i32
          %get3A_203 = arith.index_cast %add3A_202 : i32 to index
          %get3A_204 = memref.load %arg5[%get3A_203] : memref<512xi32, #tpu.memory_space<smem>>
          %and3A = arith.constant 127 : i32
          %and3A_205 = arith.andi %get3A_204, %and3A : i32
          %broadcast_in_dim3A = arith.constant 0 : i32
          %broadcast_in_dim3A_206 = vector.broadcast %broadcast_in_dim3A : i32 to vector<16xi32>
          %add3A_207 = vector.broadcast %and3A_205 : i32 to vector<16xi32>
          %add3A_208 = arith.addi %broadcast_in_dim3A_206, %add3A_207 : vector<16xi32>
          %add3A_209 = arith.constant 0 : i32
          %add3A_210 = vector.broadcast %add3A_209 : i32 to vector<16xi32>
          %add3A_211 = arith.addi %iota3A, %add3A_210 : vector<16xi32>
          %gather3A = arith.constant 0 : i32
          %gather3A_212 = arith.constant 0 : i32
          %gather3A_213 = tpu.memref_slice %arg9[%rem3A_157, %gather3A, %gather3A_212] : memref<10x64x128xf32, #tpu.memory_space<vmem>> -> memref<1x64x128xf32, #tpu.memory_space<vmem>>
          %gather3A_214 = tpu.memref_squeeze %gather3A_213 : memref<1x64x128xf32, #tpu.memory_space<vmem>> -> memref<64x128xf32, #tpu.memory_space<vmem>>
          %gather3A_215 = tpu.vector_load_idx %gather3A_214[%add3A_211, %add3A_208] : memref<64x128xf32, #tpu.memory_space<vmem>>[vector<16xi32>, vector<16xi32>], vector<16xf32>,
          %mul3A_216 = arith.constant 64 : i32
          %mul3A_217 = arith.muli %add3A_202, %mul3A_216 : i32
          %add3A_218 = arith.constant 0 : i32
          %add3A_219 = arith.addi %mul3A_217, %add3A_218 : i32
          %swap3A_220 = arith.index_cast %add3A_219 : i32 to index
          %swap3A_221 = tpu.vector_load %arg10[%swap3A_220] {strides = array<i32>} : memref<32768xf32, #tpu.memory_space<vmem>>, vector<16xf32>,
          tpu.vector_store %arg10[%swap3A_220], %gather3A_215 {strides = array<i32>} : memref<32768xf32, #tpu.memory_space<vmem>>, vector<16xf32>,
          %add3A_222 = arith.constant 16 : i32
          %add3A_223 = vector.broadcast %add3A_222 : i32 to vector<16xi32>
          %add3A_224 = arith.addi %iota3A, %add3A_223 : vector<16xi32>
          %gather3A_225 = arith.constant 0 : i32
          %gather3A_226 = arith.constant 0 : i32
          %gather3A_227 = tpu.memref_slice %arg9[%rem3A_157, %gather3A_225, %gather3A_226] : memref<10x64x128xf32, #tpu.memory_space<vmem>> -> memref<1x64x128xf32, #tpu.memory_space<vmem>>
          %gather3A_228 = tpu.memref_squeeze %gather3A_227 : memref<1x64x128xf32, #tpu.memory_space<vmem>> -> memref<64x128xf32, #tpu.memory_space<vmem>>
          %gather3A_229 = tpu.vector_load_idx %gather3A_228[%add3A_224, %add3A_208] : memref<64x128xf32, #tpu.memory_space<vmem>>[vector<16xi32>, vector<16xi32>], vector<16xf32>,
          %mul3A_230 = arith.constant 64 : i32
          %mul3A_231 = arith.muli %add3A_202, %mul3A_230 : i32
          %add3A_232 = arith.constant 16 : i32
          %add3A_233 = arith.addi %mul3A_231, %add3A_232 : i32
          %swap3A_234 = arith.index_cast %add3A_233 : i32 to index
          %swap3A_235 = tpu.vector_load %arg10[%swap3A_234] {strides = array<i32>} : memref<32768xf32, #tpu.memory_space<vmem>>, vector<16xf32>,
          tpu.vector_store %arg10[%swap3A_234], %gather3A_229 {strides = array<i32>} : memref<32768xf32, #tpu.memory_space<vmem>>, vector<16xf32>,
          %add3A_236 = arith.constant 32 : i32
          %add3A_237 = vector.broadcast %add3A_236 : i32 to vector<16xi32>
          %add3A_238 = arith.addi %iota3A, %add3A_237 : vector<16xi32>
          %gather3A_239 = arith.constant 0 : i32
          %gather3A_240 = arith.constant 0 : i32
          %gather3A_241 = tpu.memref_slice %arg9[%rem3A_157, %gather3A_239, %gather3A_240] : memref<10x64x128xf32, #tpu.memory_space<vmem>> -> memref<1x64x128xf32, #tpu.memory_space<vmem>>
          %gather3A_242 = tpu.memref_squeeze %gather3A_241 : memref<1x64x128xf32, #tpu.memory_space<vmem>> -> memref<64x128xf32, #tpu.memory_space<vmem>>
          %gather3A_243 = tpu.vector_load_idx %gather3A_242[%add3A_238, %add3A_208] : memref<64x128xf32, #tpu.memory_space<vmem>>[vector<16xi32>, vector<16xi32>], vector<16xf32>,
          %mul3A_244 = arith.constant 64 : i32
          %mul3A_245 = arith.muli %add3A_202, %mul3A_244 : i32
          %add3A_246 = arith.constant 32 : i32
          %add3A_247 = arith.addi %mul3A_245, %add3A_246 : i32
          %swap3A_248 = arith.index_cast %add3A_247 : i32 to index
          %swap3A_249 = tpu.vector_load %arg10[%swap3A_248] {strides = array<i32>} : memref<32768xf32, #tpu.memory_space<vmem>>, vector<16xf32>,
          tpu.vector_store %arg10[%swap3A_248], %gather3A_243 {strides = array<i32>} : memref<32768xf32, #tpu.memory_space<vmem>>, vector<16xf32>,
          %add3A_250 = arith.constant 48 : i32
          %add3A_251 = vector.broadcast %add3A_250 : i32 to vector<16xi32>
          %add3A_252 = arith.addi %iota3A, %add3A_251 : vector<16xi32>
          %gather3A_253 = arith.constant 0 : i32
          %gather3A_254 = arith.constant 0 : i32
          %gather3A_255 = tpu.memref_slice %arg9[%rem3A_157, %gather3A_253, %gather3A_254] : memref<10x64x128xf32, #tpu.memory_space<vmem>> -> memref<1x64x128xf32, #tpu.memory_space<vmem>>
          %gather3A_256 = tpu.memref_squeeze %gather3A_255 : memref<1x64x128xf32, #tpu.memory_space<vmem>> -> memref<64x128xf32, #tpu.memory_space<vmem>>
          %gather3A_257 = tpu.vector_load_idx %gather3A_256[%add3A_252, %add3A_208] : memref<64x128xf32, #tpu.memory_space<vmem>>[vector<16xi32>, vector<16xi32>], vector<16xf32>,
          %mul3A_258 = arith.constant 64 : i32
          %mul3A_259 = arith.muli %add3A_202, %mul3A_258 : i32
          %add3A_260 = arith.constant 48 : i32
          %add3A_261 = arith.addi %mul3A_259, %add3A_260 : i32
          %swap3A_262 = arith.index_cast %add3A_261 : i32 to index
          %swap3A_263 = tpu.vector_load %arg10[%swap3A_262] {strides = array<i32>} : memref<32768xf32, #tpu.memory_space<vmem>>, vector<16xf32>,
          tpu.vector_store %arg10[%swap3A_262], %gather3A_257 {strides = array<i32>} : memref<32768xf32, #tpu.memory_space<vmem>>, vector<16xf32>,
        }
        %while3A_193 = arith.constant 1 : i32
        scf.for %while3A_200 = %while3A_191 to %while3A_187 step %while3A_193  : i32 {
          %mul3A_201 = arith.muli %while3A_200, %while3A_184 : i32
          %add3A_202 = arith.addi %get3A_172, %mul3A_201 : i32
          %get3A_203 = arith.index_cast %add3A_202 : i32 to index
          %get3A_204 = memref.load %arg5[%get3A_203] : memref<512xi32, #tpu.memory_space<smem>>
          %and3A = arith.constant 127 : i32
          %and3A_205 = arith.andi %get3A_204, %and3A : i32
          %broadcast_in_dim3A = arith.constant 0 : i32
          %broadcast_in_dim3A_206 = vector.broadcast %broadcast_in_dim3A : i32 to vector<16xi32>
          %add3A_207 = vector.broadcast %and3A_205 : i32 to vector<16xi32>
          %add3A_208 = arith.addi %broadcast_in_dim3A_206, %add3A_207 : vector<16xi32>
          %add3A_209 = arith.constant 0 : i32
          %add3A_210 = vector.broadcast %add3A_209 : i32 to vector<16xi32>
          %add3A_211 = arith.addi %iota3A, %add3A_210 : vector<16xi32>
          %gather3A = arith.constant 0 : i32
          %gather3A_212 = arith.constant 0 : i32
          %gather3A_213 = tpu.memref_slice %arg9[%rem3A_157, %gather3A, %gather3A_212] : memref<10x64x128xf32, #tpu.memory_space<vmem>> -> memref<1x64x128xf32, #tpu.memory_space<vmem>>
          %gather3A_214 = tpu.memref_squeeze %gather3A_213 : memref<1x64x128xf32, #tpu.memory_space<vmem>> -> memref<64x128xf32, #tpu.memory_space<vmem>>
          %gather3A_215 = tpu.vector_load_idx %gather3A_214[%add3A_211, %add3A_208] : memref<64x128xf32, #tpu.memory_space<vmem>>[vector<16xi32>, vector<16xi32>], vector<16xf32>,
          %mul3A_216 = arith.constant 64 : i32
          %mul3A_217 = arith.muli %add3A_202, %mul3A_216 : i32
          %add3A_218 = arith.constant 0 : i32
          %add3A_219 = arith.addi %mul3A_217, %add3A_218 : i32
          %swap3A_220 = arith.index_cast %add3A_219 : i32 to index
          %swap3A_221 = tpu.vector_load %arg10[%swap3A_220] {strides = array<i32>} : memref<32768xf32, #tpu.memory_space<vmem>>, vector<16xf32>,
          tpu.vector_store %arg10[%swap3A_220], %gather3A_215 {strides = array<i32>} : memref<32768xf32, #tpu.memory_space<vmem>>, vector<16xf32>,
          %add3A_222 = arith.constant 16 : i32
          %add3A_223 = vector.broadcast %add3A_222 : i32 to vector<16xi32>
          %add3A_224 = arith.addi %iota3A, %add3A_223 : vector<16xi32>
          %gather3A_225 = arith.constant 0 : i32
          %gather3A_226 = arith.constant 0 : i32
          %gather3A_227 = tpu.memref_slice %arg9[%rem3A_157, %gather3A_225, %gather3A_226] : memref<10x64x128xf32, #tpu.memory_space<vmem>> -> memref<1x64x128xf32, #tpu.memory_space<vmem>>
          %gather3A_228 = tpu.memref_squeeze %gather3A_227 : memref<1x64x128xf32, #tpu.memory_space<vmem>> -> memref<64x128xf32, #tpu.memory_space<vmem>>
          %gather3A_229 = tpu.vector_load_idx %gather3A_228[%add3A_224, %add3A_208] : memref<64x128xf32, #tpu.memory_space<vmem>>[vector<16xi32>, vector<16xi32>], vector<16xf32>,
          %mul3A_230 = arith.constant 64 : i32
          %mul3A_231 = arith.muli %add3A_202, %mul3A_230 : i32
          %add3A_232 = arith.constant 16 : i32
          %add3A_233 = arith.addi %mul3A_231, %add3A_232 : i32
          %swap3A_234 = arith.index_cast %add3A_233 : i32 to index
          %swap3A_235 = tpu.vector_load %arg10[%swap3A_234] {strides = array<i32>} : memref<32768xf32, #tpu.memory_space<vmem>>, vector<16xf32>,
          tpu.vector_store %arg10[%swap3A_234], %gather3A_229 {strides = array<i32>} : memref<32768xf32, #tpu.memory_space<vmem>>, vector<16xf32>,
          %add3A_236 = arith.constant 32 : i32
          %add3A_237 = vector.broadcast %add3A_236 : i32 to vector<16xi32>
          %add3A_238 = arith.addi %iota3A, %add3A_237 : vector<16xi32>
          %gather3A_239 = arith.constant 0 : i32
          %gather3A_240 = arith.constant 0 : i32
          %gather3A_241 = tpu.memref_slice %arg9[%rem3A_157, %gather3A_239, %gather3A_240] : memref<10x64x128xf32, #tpu.memory_space<vmem>> -> memref<1x64x128xf32, #tpu.memory_space<vmem>>
          %gather3A_242 = tpu.memref_squeeze %gather3A_241 : memref<1x64x128xf32, #tpu.memory_space<vmem>> -> memref<64x128xf32, #tpu.memory_space<vmem>>
          %gather3A_243 = tpu.vector_load_idx %gather3A_242[%add3A_238, %add3A_208] : memref<64x128xf32, #tpu.memory_space<vmem>>[vector<16xi32>, vector<16xi32>], vector<16xf32>,
          %mul3A_244 = arith.constant 64 : i32
          %mul3A_245 = arith.muli %add3A_202, %mul3A_244 : i32
          %add3A_246 = arith.constant 32 : i32
          %add3A_247 = arith.addi %mul3A_245, %add3A_246 : i32
          %swap3A_248 = arith.index_cast %add3A_247 : i32 to index
          %swap3A_249 = tpu.vector_load %arg10[%swap3A_248] {strides = array<i32>} : memref<32768xf32, #tpu.memory_space<vmem>>, vector<16xf32>,
          tpu.vector_store %arg10[%swap3A_248], %gather3A_243 {strides = array<i32>} : memref<32768xf32, #tpu.memory_space<vmem>>, vector<16xf32>,
          %add3A_250 = arith.constant 48 : i32
          %add3A_251 = vector.broadcast %add3A_250 : i32 to vector<16xi32>
          %add3A_252 = arith.addi %iota3A, %add3A_251 : vector<16xi32>
          %gather3A_253 = arith.constant 0 : i32
          %gather3A_254 = arith.constant 0 : i32
          %gather3A_255 = tpu.memref_slice %arg9[%rem3A_157, %gather3A_253, %gather3A_254] : memref<10x64x128xf32, #tpu.memory_space<vmem>> -> memref<1x64x128xf32, #tpu.memory_space<vmem>>
          %gather3A_256 = tpu.memref_squeeze %gather3A_255 : memref<1x64x128xf32, #tpu.memory_space<vmem>> -> memref<64x128xf32, #tpu.memory_space<vmem>>
          %gather3A_257 = tpu.vector_load_idx %gather3A_256[%add3A_252, %add3A_208] : memref<64x128xf32, #tpu.memory_space<vmem>>[vector<16xi32>, vector<16xi32>], vector<16xf32>,
          %mul3A_258 = arith.constant 64 : i32
          %mul3A_259 = arith.muli %add3A_202, %mul3A_258 : i32
          %add3A_260 = arith.constant 48 : i32
          %add3A_261 = arith.addi %mul3A_259, %add3A_260 : i32
          %swap3A_262 = arith.index_cast %add3A_261 : i32 to index
          %swap3A_263 = tpu.vector_load %arg10[%swap3A_262] {strides = array<i32>} : memref<32768xf32, #tpu.memory_space<vmem>>, vector<16xf32>,
          tpu.vector_store %arg10[%swap3A_262], %gather3A_257 {strides = array<i32>} : memref<32768xf32, #tpu.memory_space<vmem>>, vector<16xf32>,
        }
        %add3A_194 = arith.constant 10 : i32
        %add3A_195 = arith.addi %add3A_152, %add3A_194 : i32
        %lt3A_196 = arith.cmpi slt, %add3A_195, %scan3A_15#0 : i32
        %convert_element_type3A_197 = arith.extui %lt3A_196 : i1 to i32
        %cond3A_198 = arith.constant 0 : i32
        %cond3A_199 = arith.cmpi ne, %convert_element_type3A_197, %cond3A_198 : i32
        scf.if %cond3A_199 {
          %get3A_200 = arith.index_cast %add3A_195 : i32 to index
          %get3A_201 = memref.load %arg6[%get3A_200] : memref<512xi32, #tpu.memory_space<smem>>
          %mul3A_202 = arith.constant 128 : i32
          %mul3A_203 = arith.muli %get3A_201, %mul3A_202 : i32
          %rem3A_204 = arith.constant 10 : i32
          %rem3A_205 = arith.remsi %add3A_195, %rem3A_204 : i32
          %dma_start3A_206 = arith.constant 0 : i32
          %dma_start3A_207 = arith.constant 0 : i32
          %dma_start3A_208 = tpu.memref_slice %arg9[%rem3A_205, %dma_start3A_206, %dma_start3A_207] : memref<10x64x128xf32, #tpu.memory_space<vmem>> -> memref<1x64x128xf32, #tpu.memory_space<vmem>>
          %dma_start3A_209 = tpu.memref_squeeze %dma_start3A_208 : memref<1x64x128xf32, #tpu.memory_space<vmem>> -> memref<64x128xf32, #tpu.memory_space<vmem>>
          %dma_start3A_210 = arith.constant 0 : i32
          %dma_start3A_211 = tpu.memref_slice %arg2[%dma_start3A_210, %mul3A_203] : memref<64x1000001xf32, #tpu.memory_space<hbm>> -> memref<64x128xf32, #tpu.memory_space<hbm>>
          %dma_start3A_212 = arith.constant 0 : i32
          %dma_start3A_213 = arith.constant 0 : i32
          %dma_start3A_214 = tpu.memref_slice %arg9[%rem3A_205, %dma_start3A_212, %dma_start3A_213] : memref<10x64x128xf32, #tpu.memory_space<vmem>> -> memref<1x64x128xf32, #tpu.memory_space<vmem>>
          %dma_start3A_215 = tpu.memref_squeeze %dma_start3A_214 : memref<1x64x128xf32, #tpu.memory_space<vmem>> -> memref<64x128xf32, #tpu.memory_space<vmem>>
          %dma_start3A_216 = arith.constant 0 : i32
          %dma_start3A_217 = tpu.memref_slice %arg2[%dma_start3A_216, %mul3A_203] : memref<64x1000001xf32, #tpu.memory_space<hbm>> -> memref<64x128xf32, #tpu.memory_space<hbm>>
          tpu.enqueue_dma source(%dma_start3A_217 : memref<64x128xf32, #tpu.memory_space<hbm>>) target(%dma_start3A_215 : memref<64x128xf32, #tpu.memory_space<vmem>>) target_semaphore(%arg20 : memref<!tpu.dma_semaphore, #tpu.memory_space<semaphore_mem>>)
        } else {
        }
      } else {
      }
    }
    %mul3A_92 = arith.constant 64 : i32
    %mul3A_93 = arith.muli %mul3A_2, %mul3A_92 : i32
    "tpu.region"() ({
      %run_scoped3A = tpu.sem_alloc : memref<!tpu.dma_semaphore, #tpu.memory_space<semaphore_mem>>
      %dma_start3A_94 = tpu.memref_slice %arg4[%mul3A_93] : memref<1048576xf32, #tpu.memory_space<hbm>> -> memref<32768xf32, #tpu.memory_space<hbm>>
      %dma_start3A_95 = tpu.memref_slice %arg4[%mul3A_93] : memref<1048576xf32, #tpu.memory_space<hbm>> -> memref<32768xf32, #tpu.memory_space<hbm>>
      tpu.enqueue_dma source(%arg10 : memref<32768xf32, #tpu.memory_space<vmem>>) target(%dma_start3A_95 : memref<32768xf32, #tpu.memory_space<hbm>>) target_semaphore(%run_scoped3A : memref<!tpu.dma_semaphore, #tpu.memory_space<semaphore_mem>>)
      %dma_wait3A_96 = tpu.memref_slice %arg4[%mul3A_93] : memref<1048576xf32, #tpu.memory_space<hbm>> -> memref<32768xf32, #tpu.memory_space<hbm>>
      %dma_wait3A_97 = tpu.memref_slice %arg4[%mul3A_93] : memref<1048576xf32, #tpu.memory_space<hbm>> -> memref<32768xf32, #tpu.memory_space<hbm>>
      tpu.wait_dma2 semaphore(%run_scoped3A : memref<!tpu.dma_semaphore, #tpu.memory_space<semaphore_mem>>) src(%arg10 : memref<32768xf32, #tpu.memory_space<vmem>>) dst(%dma_wait3A_97 : memref<32768xf32, #tpu.memory_space<hbm>>)
      tpu.yield
    }) : () -> ()
    return
  }
}

#map = affine_map<(d0, d1) -> (0, 0)>
module attributes {stable_mosaic.version = 14 : i64} {
  func.func @scatter_kernel(%arg0: i32, %arg1: i32, %arg2: memref<16384x64xf32, #tpu.memory_space<hbm>>, %arg3: memref<128x128xi32, #tpu.memory_space<hbm>>, %arg4: memref<16384x64xf32, #tpu.memory_space<hbm>>, %arg5: memref<4x128xi32, #tpu.memory_space<vmem>>, %arg6: memref<512x64xf32, #tpu.memory_space<vmem>>, %arg7: memref<!tpu.dma_semaphore, #tpu.memory_space<semaphore_mem>>, %arg8: memref<!tpu.dma_semaphore, #tpu.memory_space<semaphore_mem>>) attributes {dimension_semantics = [#tpu.dimension_semantics<core_parallel>, #tpu.dimension_semantics<subcore_parallel>], iteration_bounds = array<i64: 2, 16>, scalar_prefetch = 0 : i64, scratch_operands = 4 : i64, tpu.core_type = #tpu.core_type<sc_vector_subcore>, window_params = [{transform_indices = #map}, {transform_indices = #map}, {transform_indices = #map}]} {
    %mul3A = arith.constant 2 : i32
    %mul3A_0 = arith.muli %arg1, %mul3A : i32
    %add3A = arith.addi %mul3A_0, %arg0 : i32
    %mul3A_1 = arith.constant 512 : i32
    %mul3A_2 = arith.muli %add3A, %mul3A_1 : i32
    %mul3A_3 = arith.constant 4 : i32
    %mul3A_4 = arith.muli %add3A, %mul3A_3 : i32
    %dma_start3A = arith.constant 0 : i32
    %dma_start3A_5 = tpu.memref_slice %arg3[%mul3A_4, %dma_start3A] : memref<128x128xi32, #tpu.memory_space<hbm>> -> memref<4x128xi32, #tpu.memory_space<hbm>>
    %dma_start3A_6 = arith.constant 0 : i32
    %dma_start3A_7 = tpu.memref_slice %arg3[%mul3A_4, %dma_start3A_6] : memref<128x128xi32, #tpu.memory_space<hbm>> -> memref<4x128xi32, #tpu.memory_space<hbm>>
    tpu.enqueue_dma source(%dma_start3A_7 : memref<4x128xi32, #tpu.memory_space<hbm>>) target(%arg5 : memref<4x128xi32, #tpu.memory_space<vmem>>) target_semaphore(%arg8 : memref<!tpu.dma_semaphore, #tpu.memory_space<semaphore_mem>>)
    %dma_start3A_8 = arith.constant 0 : i32
    %dma_start3A_9 = tpu.memref_slice %arg2[%mul3A_2, %dma_start3A_8] : memref<16384x64xf32, #tpu.memory_space<hbm>> -> memref<512x64xf32, #tpu.memory_space<hbm>>
    %dma_start3A_10 = arith.constant 0 : i32
    %dma_start3A_11 = tpu.memref_slice %arg2[%mul3A_2, %dma_start3A_10] : memref<16384x64xf32, #tpu.memory_space<hbm>> -> memref<512x64xf32, #tpu.memory_space<hbm>>
    tpu.enqueue_dma source(%dma_start3A_11 : memref<512x64xf32, #tpu.memory_space<hbm>>) target(%arg6 : memref<512x64xf32, #tpu.memory_space<vmem>>) target_semaphore(%arg7 : memref<!tpu.dma_semaphore, #tpu.memory_space<semaphore_mem>>)
    %dma_wait3A = arith.constant 0 : i32
    %dma_wait3A_12 = tpu.memref_slice %arg3[%mul3A_4, %dma_wait3A] : memref<128x128xi32, #tpu.memory_space<hbm>> -> memref<4x128xi32, #tpu.memory_space<hbm>>
    %dma_wait3A_13 = arith.constant 0 : i32
    %dma_wait3A_14 = tpu.memref_slice %arg3[%mul3A_4, %dma_wait3A_13] : memref<128x128xi32, #tpu.memory_space<hbm>> -> memref<4x128xi32, #tpu.memory_space<hbm>>
    tpu.wait_dma2 semaphore(%arg8 : memref<!tpu.dma_semaphore, #tpu.memory_space<semaphore_mem>>) src(%dma_wait3A_14 : memref<4x128xi32, #tpu.memory_space<hbm>>) dst(%arg5 : memref<4x128xi32, #tpu.memory_space<vmem>>)
    %dma_wait3A_15 = arith.constant 0 : i32
    %dma_wait3A_16 = tpu.memref_slice %arg2[%mul3A_2, %dma_wait3A_15] : memref<16384x64xf32, #tpu.memory_space<hbm>> -> memref<512x64xf32, #tpu.memory_space<hbm>>
    %dma_wait3A_17 = arith.constant 0 : i32
    %dma_wait3A_18 = tpu.memref_slice %arg2[%mul3A_2, %dma_wait3A_17] : memref<16384x64xf32, #tpu.memory_space<hbm>> -> memref<512x64xf32, #tpu.memory_space<hbm>>
    tpu.wait_dma2 semaphore(%arg7 : memref<!tpu.dma_semaphore, #tpu.memory_space<semaphore_mem>>) src(%dma_wait3A_18 : memref<512x64xf32, #tpu.memory_space<hbm>>) dst(%arg6 : memref<512x64xf32, #tpu.memory_space<vmem>>)
    %dma_start3A_19 = arith.constant 0 : i32
    %dma_start3A_20 = arith.constant 0 : i32
    %dma_start3A_21 = arith.constant 0 : i32
    %dma_start3A_22 = tpu.memref_slice %arg6[%dma_start3A_20, %dma_start3A_21] : memref<512x64xf32, #tpu.memory_space<vmem>> -> memref<128x64xf32, #tpu.memory_space<vmem>>
    %dma_start3A_23 = arith.constant 0 : i32
    %dma_start3A_24 = tpu.memref_slice %arg5[%dma_start3A_19, %dma_start3A_23] : memref<4x128xi32, #tpu.memory_space<vmem>> -> memref<1x128xi32, #tpu.memory_space<vmem>>
    %dma_start3A_25 = tpu.memref_squeeze %dma_start3A_24 : memref<1x128xi32, #tpu.memory_space<vmem>> -> memref<128xi32, #tpu.memory_space<vmem>>
    %dma_start3A_26 = arith.constant 0 : i32
    %dma_start3A_27 = arith.constant 0 : i32
    %dma_start3A_28 = tpu.memref_slice %arg4[%dma_start3A_26, %dma_start3A_27] : memref<16384x64xf32, #tpu.memory_space<hbm>> -> memref<16384x64xf32, #tpu.memory_space<hbm>>
    tpu.enqueue_indirect_dma source(%dma_start3A_22 : memref<128x64xf32, #tpu.memory_space<vmem>>) target(%dma_start3A_28 : memref<16384x64xf32, #tpu.memory_space<hbm>>) offsets(%dma_start3A_25 : memref<128xi32, #tpu.memory_space<vmem>>) semaphore(%arg7 : memref<!tpu.dma_semaphore, #tpu.memory_space<semaphore_mem>>)
    %dma_start3A_29 = arith.constant 1 : i32
    %dma_start3A_30 = arith.constant 128 : i32
    %dma_start3A_31 = arith.constant 0 : i32
    %dma_start3A_32 = tpu.memref_slice %arg6[%dma_start3A_30, %dma_start3A_31] : memref<512x64xf32, #tpu.memory_space<vmem>> -> memref<128x64xf32, #tpu.memory_space<vmem>>
    %dma_start3A_33 = arith.constant 0 : i32
    %dma_start3A_34 = tpu.memref_slice %arg5[%dma_start3A_29, %dma_start3A_33] : memref<4x128xi32, #tpu.memory_space<vmem>> -> memref<1x128xi32, #tpu.memory_space<vmem>>
    %dma_start3A_35 = tpu.memref_squeeze %dma_start3A_34 : memref<1x128xi32, #tpu.memory_space<vmem>> -> memref<128xi32, #tpu.memory_space<vmem>>
    %dma_start3A_36 = arith.constant 0 : i32
    %dma_start3A_37 = arith.constant 0 : i32
    %dma_start3A_38 = tpu.memref_slice %arg4[%dma_start3A_36, %dma_start3A_37] : memref<16384x64xf32, #tpu.memory_space<hbm>> -> memref<16384x64xf32, #tpu.memory_space<hbm>>
    tpu.enqueue_indirect_dma source(%dma_start3A_32 : memref<128x64xf32, #tpu.memory_space<vmem>>) target(%dma_start3A_38 : memref<16384x64xf32, #tpu.memory_space<hbm>>) offsets(%dma_start3A_35 : memref<128xi32, #tpu.memory_space<vmem>>) semaphore(%arg7 : memref<!tpu.dma_semaphore, #tpu.memory_space<semaphore_mem>>)
    %dma_start3A_39 = arith.constant 2 : i32
    %dma_start3A_40 = arith.constant 256 : i32
    %dma_start3A_41 = arith.constant 0 : i32
    %dma_start3A_42 = tpu.memref_slice %arg6[%dma_start3A_40, %dma_start3A_41] : memref<512x64xf32, #tpu.memory_space<vmem>> -> memref<128x64xf32, #tpu.memory_space<vmem>>
    %dma_start3A_43 = arith.constant 0 : i32
    %dma_start3A_44 = tpu.memref_slice %arg5[%dma_start3A_39, %dma_start3A_43] : memref<4x128xi32, #tpu.memory_space<vmem>> -> memref<1x128xi32, #tpu.memory_space<vmem>>
    %dma_start3A_45 = tpu.memref_squeeze %dma_start3A_44 : memref<1x128xi32, #tpu.memory_space<vmem>> -> memref<128xi32, #tpu.memory_space<vmem>>
    %dma_start3A_46 = arith.constant 0 : i32
    %dma_start3A_47 = arith.constant 0 : i32
    %dma_start3A_48 = tpu.memref_slice %arg4[%dma_start3A_46, %dma_start3A_47] : memref<16384x64xf32, #tpu.memory_space<hbm>> -> memref<16384x64xf32, #tpu.memory_space<hbm>>
    tpu.enqueue_indirect_dma source(%dma_start3A_42 : memref<128x64xf32, #tpu.memory_space<vmem>>) target(%dma_start3A_48 : memref<16384x64xf32, #tpu.memory_space<hbm>>) offsets(%dma_start3A_45 : memref<128xi32, #tpu.memory_space<vmem>>) semaphore(%arg7 : memref<!tpu.dma_semaphore, #tpu.memory_space<semaphore_mem>>)
    %dma_start3A_49 = arith.constant 3 : i32
    %dma_start3A_50 = arith.constant 384 : i32
    %dma_start3A_51 = arith.constant 0 : i32
    %dma_start3A_52 = tpu.memref_slice %arg6[%dma_start3A_50, %dma_start3A_51] : memref<512x64xf32, #tpu.memory_space<vmem>> -> memref<128x64xf32, #tpu.memory_space<vmem>>
    %dma_start3A_53 = arith.constant 0 : i32
    %dma_start3A_54 = tpu.memref_slice %arg5[%dma_start3A_49, %dma_start3A_53] : memref<4x128xi32, #tpu.memory_space<vmem>> -> memref<1x128xi32, #tpu.memory_space<vmem>>
    %dma_start3A_55 = tpu.memref_squeeze %dma_start3A_54 : memref<1x128xi32, #tpu.memory_space<vmem>> -> memref<128xi32, #tpu.memory_space<vmem>>
    %dma_start3A_56 = arith.constant 0 : i32
    %dma_start3A_57 = arith.constant 0 : i32
    %dma_start3A_58 = tpu.memref_slice %arg4[%dma_start3A_56, %dma_start3A_57] : memref<16384x64xf32, #tpu.memory_space<hbm>> -> memref<16384x64xf32, #tpu.memory_space<hbm>>
    tpu.enqueue_indirect_dma source(%dma_start3A_52 : memref<128x64xf32, #tpu.memory_space<vmem>>) target(%dma_start3A_58 : memref<16384x64xf32, #tpu.memory_space<hbm>>) offsets(%dma_start3A_55 : memref<128xi32, #tpu.memory_space<vmem>>) semaphore(%arg7 : memref<!tpu.dma_semaphore, #tpu.memory_space<semaphore_mem>>)
    %dma_wait3A_59 = arith.constant 0 : i32
    %dma_wait3A_60 = arith.constant 0 : i32
    %dma_wait3A_61 = arith.constant 0 : i32
    %dma_wait3A_62 = tpu.memref_slice %arg6[%dma_wait3A_60, %dma_wait3A_61] : memref<512x64xf32, #tpu.memory_space<vmem>> -> memref<128x64xf32, #tpu.memory_space<vmem>>
    %dma_wait3A_63 = arith.constant 0 : i32
    %dma_wait3A_64 = tpu.memref_slice %arg5[%dma_wait3A_59, %dma_wait3A_63] : memref<4x128xi32, #tpu.memory_space<vmem>> -> memref<1x128xi32, #tpu.memory_space<vmem>>
    %dma_wait3A_65 = tpu.memref_squeeze %dma_wait3A_64 : memref<1x128xi32, #tpu.memory_space<vmem>> -> memref<128xi32, #tpu.memory_space<vmem>>
    %dma_wait3A_66 = arith.constant 0 : i32
    %dma_wait3A_67 = arith.constant 0 : i32
    %dma_wait3A_68 = tpu.memref_slice %arg4[%dma_wait3A_66, %dma_wait3A_67] : memref<16384x64xf32, #tpu.memory_space<hbm>> -> memref<16384x64xf32, #tpu.memory_space<hbm>>
    tpu.wait_indirect_dma semaphore(%arg7 : memref<!tpu.dma_semaphore, #tpu.memory_space<semaphore_mem>>) src(%dma_wait3A_62 : memref<128x64xf32, #tpu.memory_space<vmem>>) dst(%dma_wait3A_68 : memref<16384x64xf32, #tpu.memory_space<hbm>>)
    %dma_wait3A_69 = arith.constant 1 : i32
    %dma_wait3A_70 = arith.constant 128 : i32
    %dma_wait3A_71 = arith.constant 0 : i32
    %dma_wait3A_72 = tpu.memref_slice %arg6[%dma_wait3A_70, %dma_wait3A_71] : memref<512x64xf32, #tpu.memory_space<vmem>> -> memref<128x64xf32, #tpu.memory_space<vmem>>
    %dma_wait3A_73 = arith.constant 0 : i32
    %dma_wait3A_74 = tpu.memref_slice %arg5[%dma_wait3A_69, %dma_wait3A_73] : memref<4x128xi32, #tpu.memory_space<vmem>> -> memref<1x128xi32, #tpu.memory_space<vmem>>
    %dma_wait3A_75 = tpu.memref_squeeze %dma_wait3A_74 : memref<1x128xi32, #tpu.memory_space<vmem>> -> memref<128xi32, #tpu.memory_space<vmem>>
    %dma_wait3A_76 = arith.constant 0 : i32
    %dma_wait3A_77 = arith.constant 0 : i32
    %dma_wait3A_78 = tpu.memref_slice %arg4[%dma_wait3A_76, %dma_wait3A_77] : memref<16384x64xf32, #tpu.memory_space<hbm>> -> memref<16384x64xf32, #tpu.memory_space<hbm>>
    tpu.wait_indirect_dma semaphore(%arg7 : memref<!tpu.dma_semaphore, #tpu.memory_space<semaphore_mem>>) src(%dma_wait3A_72 : memref<128x64xf32, #tpu.memory_space<vmem>>) dst(%dma_wait3A_78 : memref<16384x64xf32, #tpu.memory_space<hbm>>)
    %dma_wait3A_79 = arith.constant 2 : i32
    %dma_wait3A_80 = arith.constant 256 : i32
    %dma_wait3A_81 = arith.constant 0 : i32
    %dma_wait3A_82 = tpu.memref_slice %arg6[%dma_wait3A_80, %dma_wait3A_81] : memref<512x64xf32, #tpu.memory_space<vmem>> -> memref<128x64xf32, #tpu.memory_space<vmem>>
    %dma_wait3A_83 = arith.constant 0 : i32
    %dma_wait3A_84 = tpu.memref_slice %arg5[%dma_wait3A_79, %dma_wait3A_83] : memref<4x128xi32, #tpu.memory_space<vmem>> -> memref<1x128xi32, #tpu.memory_space<vmem>>
    %dma_wait3A_85 = tpu.memref_squeeze %dma_wait3A_84 : memref<1x128xi32, #tpu.memory_space<vmem>> -> memref<128xi32, #tpu.memory_space<vmem>>
    %dma_wait3A_86 = arith.constant 0 : i32
    %dma_wait3A_87 = arith.constant 0 : i32
    %dma_wait3A_88 = tpu.memref_slice %arg4[%dma_wait3A_86, %dma_wait3A_87] : memref<16384x64xf32, #tpu.memory_space<hbm>> -> memref<16384x64xf32, #tpu.memory_space<hbm>>
    tpu.wait_indirect_dma semaphore(%arg7 : memref<!tpu.dma_semaphore, #tpu.memory_space<semaphore_mem>>) src(%dma_wait3A_82 : memref<128x64xf32, #tpu.memory_space<vmem>>) dst(%dma_wait3A_88 : memref<16384x64xf32, #tpu.memory_space<hbm>>)
    %dma_wait3A_89 = arith.constant 3 : i32
    %dma_wait3A_90 = arith.constant 384 : i32
    %dma_wait3A_91 = arith.constant 0 : i32
    %dma_wait3A_92 = tpu.memref_slice %arg6[%dma_wait3A_90, %dma_wait3A_91] : memref<512x64xf32, #tpu.memory_space<vmem>> -> memref<128x64xf32, #tpu.memory_space<vmem>>
    %dma_wait3A_93 = arith.constant 0 : i32
    %dma_wait3A_94 = tpu.memref_slice %arg5[%dma_wait3A_89, %dma_wait3A_93] : memref<4x128xi32, #tpu.memory_space<vmem>> -> memref<1x128xi32, #tpu.memory_space<vmem>>
    %dma_wait3A_95 = tpu.memref_squeeze %dma_wait3A_94 : memref<1x128xi32, #tpu.memory_space<vmem>> -> memref<128xi32, #tpu.memory_space<vmem>>
    %dma_wait3A_96 = arith.constant 0 : i32
    %dma_wait3A_97 = arith.constant 0 : i32
    %dma_wait3A_98 = tpu.memref_slice %arg4[%dma_wait3A_96, %dma_wait3A_97] : memref<16384x64xf32, #tpu.memory_space<hbm>> -> memref<16384x64xf32, #tpu.memory_space<hbm>>
    tpu.wait_indirect_dma semaphore(%arg7 : memref<!tpu.dma_semaphore, #tpu.memory_space<semaphore_mem>>) src(%dma_wait3A_92 : memref<128x64xf32, #tpu.memory_space<vmem>>) dst(%dma_wait3A_98 : memref<16384x64xf32, #tpu.memory_space<hbm>>)
    return
  }
}

</mosaic_0001>

<sc_bundles>
// kernel: kernel.4.cloned.1.call-start
scs
__scs_entry_jumppad:
0x0: {  	(pc) =	sbr.rel $0x88, $3  }
0x1: {  	(tag) =	ssettag $0x0;
	lr =	simm.s32 $0x1  }
0x2: {  	[smem:$0x3F9F] =	sst lr;
	_ =	strace $0xD0000000  }
0x3: {  	_ = 	snop  }
0x4: {  	_ = 	snop  }
0x5: {  	_ = 	snop  }
0x6: {  	_ = 	snop  }
0x7: {  	_ = 	snop  }
__scs_overlays_trampoline_lowered:
0x8: {  	[smem:$0x3FAE] =	sst s0  }
0x9: {  	[smem:$0x3FAF] =	sst s1  }
0xa: {  	[smem:$0x3FB0] =	sst s2  }
0xb: {  	[smem:$0x3FB1] =	sst s3  }
0xc: {  	[smem:$0x3FB2] =	sst s4  }
0xd: {  	[smem:$0x3FB3] =	sst s5  }
0xe: {  	[smem:$0x3FB4] =	sst s6  }
0xf: {  	[smem:$0x3FB5] =	sst s7  }
0x10: {  	[smem:$0x3FB6] =	sst s8  }
0x11: {  	[smem:$0x3FB7] =	sst s9;
	s0 =	simm.s32 @!p0 $0x0  }
0x12: {  	s1 =	sld [smem:$0x3F9D];
	s0 =	simm.s32 @p0 $0x1  }
0x13: {  	[smem:$0x3FB8] =	sst s0;
	s0 =	simm.s32 @!p1 $0x0  }
0x14: {  	s2 =	sld [smem:$0x3F9C];
	s0 =	simm.s32 @p1 $0x1  }
0x15: {  	[smem:$0x3FB9] =	sst s0;
	s0 =	simm.s32 @!p2 $0x0  }
0x16: {  	s3 =	sld [smem:$0x3FDB];
	s0 =	simm.s32 @p2 $0x1  }
0x17: {  	s4 =	simm.s32 $0x1BF5;
	[smem:$0x3FBB] =	sst s0  }
0x18: {  	s0 =	sld [smem:$0x3F9E];
	_ =	swait.ge [sflag:s4], $0x0  }
0x19: {  	s7 =	sld [smem:$0x3F9F]  }
0x1a: {  	s8 =	sadd.s32 $0xFFFFE003, lr  }
0x1b: {  	s9 =	sadd.s32 $0xFFFFFEF7, lr;
	s5 =	simm.s32 $0xFFFFFFFF;
	p2 =	slt.u32 s8, $0xFFFFF086  }
0x1c: {  	p1 =	slt.u32 s9, $0xF7A;
	s5 =	simm.s32 @!p2 $0x0  }
0x1d: {  	s5 =	simm.s32 @p1 $0x1;
	p0 =	seq.s32 s7, s2  }
0x1e: {  	s7 =	smul.u32 @!p0 $0xF7A, s2;
	p2 =	seq.s32 @!p0 s5, $0x0  }
0x1f: {  	s9 =	smul.u32 $0xF7A, s1;
	s8 =	simm.s32 @!p0 $0x1BF5;
	p2 =	por !p2, p0  }
0x20: {  	[sflag:s8] =	ssyncset.s32 @!p0 $0xFFFFF086;
	s6 =	sadd.s32 @!p0 s3, s7;
	s7 =	simm.s32 @!p0 $0x108  }
0x21: {  	s3 =	sadd.s32 s3, s9;
	s6 =	sadd.s32 @!p0 $0x88, s6;
	s7 =	simm.s32 @p2 $0x1082  }
0x22: {  	[simem:s7], [sflag:s8] =	dma.local @!p0 [hbm:s6], $0xF7A  }
0x23: {  	s9 =	sor.u32 $0xD0000000, s2;
	s6 =	simm.s32 $0x108;
	_ =	swait.ge @!p0 [sflag:s8], $0x0  }
0x24: {  	s3 =	sadd.s32 $0x88, s3;
	s6 =	simm.s32 @!p1 $0x1082;
	[sflag:s4] =	ssyncset.s32 $0xFFFFF086  }
0x25: {  	[simem:s6], [sflag:s4] =	dma.local [hbm:s3], $0xF7A  }
0x26: {  	[smem:$0x3F9F] =	sst s1;
	(tag) =	ssettag s2;
	_ =	strace s9  }
0x27: {  	s1 =	sld [smem:$0x3FAF]  }
0x28: {  	s2 =	sld [smem:$0x3FB0]  }
0x29: {  	s4 =	sld [smem:$0x3FB2]  }
0x2a: {  	p0 =	seq.s32 s5, $0x0;
	s5 =	sld [smem:$0x3FB3]  }
0x2b: {  	s6 =	sld [smem:$0x3FB4]  }
0x2c: {  	s7 =	sld [smem:$0x3FB5]  }
0x2d: {  	s3 =	simm.s32 $0x108;
	s8 =	sld [smem:$0x3FB6]  }
0x2e: {  	s3 =	simm.s32 @!p0 $0x1082;
	s9 =	sld [smem:$0x3FB7]  }
0x2f: {  	lr =	sadd.s32 s0, s3;
	s0 =	sld [smem:$0x3FAE]  }
0x30: {  	s3 =	sld [smem:$0x3FB1]  }
0x31: {  	[smem:$0x3FBA] =	sst s10  }
0x32: {  	s10 =	sld [smem:$0x3FB8];
	_ =	sdelay $0x3  }
0x33: {  	p0 =	seq.s32 s10, $0x1;
	s10 =	sld [smem:$0x3FBA];
	_ =	sdelay $0x3  }
0x34: {  	[smem:$0x3FBA] =	sst s10  }
0x35: {  	s10 =	sld [smem:$0x3FB9];
	_ =	sdelay $0x3  }
0x36: {  	p1 =	seq.s32 s10, $0x1;
	s10 =	sld [smem:$0x3FBA];
	_ =	sdelay $0x3  }
0x37: {  	[smem:$0x3FBA] =	sst s10  }
0x38: {  	s10 =	sld [smem:$0x3FBB]  }
0x39: {  	_ = 	snop;
	(pc) =	sbr.ind lr, $3  }
0x3a: {  	_ = 	snop  }
0x3b: {  	_ = 	snop  }
0x3c: {  	p2 =	seq.s32 s10, $0x1;
	s10 =	sld [smem:$0x3FBA]  }
0x3d: {  	_ =	shalt  }
0x3e: {  	_ =	shalt  }
0x3f: {  	_ =	shalt  }
0x40: {  	_ =	shalt  }
0x41: {  	_ =	shalt  }
0x42: {  	_ =	shalt  }
0x43: {  	_ =	shalt  }
0x44: {  	_ =	shalt  }
0x45: {  	_ =	shalt  }
0x46: {  	_ =	shalt  }
0x47: {  	_ =	shalt  }
0x48: {  	_ =	shalt  }
0x49: {  	_ =	shalt  }
0x4a: {  	_ =	shalt  }
0x4b: {  	_ =	shalt  }
0x4c: {  	_ =	shalt  }
0x4d: {  	_ =	shalt  }
0x4e: {  	_ =	shalt  }
0x4f: {  	_ =	shalt  }
0x50: {  	_ =	shalt  }
0x51: {  	_ =	shalt  }
0x52: {  	_ =	shalt  }
0x53: {  	_ =	shalt  }
0x54: {  	_ =	shalt  }
0x55: {  	_ =	shalt  }
0x56: {  	_ =	shalt  }
0x57: {  	_ =	shalt  }
0x58: {  	_ =	shalt  }
0x59: {  	_ =	shalt  }
0x5a: {  	_ =	shalt  }
0x5b: {  	_ =	shalt  }
0x5c: {  	_ =	shalt  }
0x5d: {  	_ =	shalt  }
0x5e: {  	_ =	shalt  }
0x5f: {  	_ =	shalt  }
0x60: {  	_ =	shalt  }
0x61: {  	_ =	shalt  }
0x62: {  	_ =	shalt  }
0x63: {  	_ =	shalt  }
0x64: {  	_ =	shalt  }
0x65: {  	_ =	shalt  }
0x66: {  	_ =	shalt  }
0x67: {  	_ =	shalt  }
0x68: {  	_ =	shalt  }
0x69: {  	_ =	shalt  }
0x6a: {  	_ =	shalt  }
0x6b: {  	_ =	shalt  }
0x6c: {  	_ =	shalt  }
0x6d: {  	_ =	shalt  }
0x6e: {  	_ =	shalt  }
0x6f: {  	_ =	shalt  }
0x70: {  	_ =	shalt  }
0x71: {  	_ =	shalt  }
0x72: {  	_ =	shalt  }
0x73: {  	_ =	shalt  }
0x74: {  	_ =	shalt  }
0x75: {  	_ =	shalt  }
0x76: {  	_ =	shalt  }
0x77: {  	_ =	shalt  }
0x78: {  	_ =	shalt  }
0x79: {  	_ =	shalt  }
0x7a: {  	_ =	shalt  }
0x7b: {  	_ =	shalt  }
0x7c: {  	_ =	shalt  }
0x7d: {  	_ =	shalt  }
0x7e: {  	_ =	shalt  }
0x7f: {  	_ =	shalt  }
0x80: {  	_ =	shalt  }
0x81: {  	_ =	shalt  }
0x82: {  	_ =	shalt  }
0x83: {  	_ =	shalt  }
0x84: {  	_ =	shalt  }
0x85: {  	_ =	shalt  }
0x86: {  	_ =	shalt  }
0x87: {  	_ =	shalt  }
.Lfunc_end0:
.L_simem_size_0:
called_computation_lowered:
.L_overlay_start_0:
0x88: {  	s2 =	sld [smem:$0x3FD9]  }
0x89: {  	s3 =	sld [smem:$0x3FFE];
	_ =	sdelay $0x1  }
0x8a: {  	s1 =	srdreg.scid  }
0x8b: {  	s0 =	sand.u32 $0x1, s1  }
0x8c: {  	s17 =	sshll.u32 s0, $0xA;
	s2 =	sadd.s32 s3, s2  }
0x8d: {  	s2 =	sadd.s32 s2, s17  }
0x8e: {  	[smem:$0x3FC6] =	sst s2  }
0x8f: {  	_ = 	snop  }
0x90: {  	s2 =	sld [smem:$0x3FC8]  }
0x91: {  	s18 =	sld [smem:$0x3FD0];
	(tm) =	ssettm $0x1  }
0x92: {  	s4 =	sld [smem:$0x3FFB];
	_ =	sdelay $0x3  }
0x93: {  	_ =	strace s4  }
0x94: {  	s4 =	sld [smem:$0x3FFC];
	_ =	sdelay $0x3  }
0x95: {  	_ =	strace s4  }
0x96: {  	s4 =	sld [smem:$0x3FFD];
	_ =	sdelay $0x3  }
0x97: {  	_ =	strace s4  }
0x98: {  	_ =	strace $0x8FFFFFFF  }
0x99: {  	s19 =	sld [smem:$0x3FDB];
	_ =	sdelay $0x1  }
0x9a: {  	s5 =	simm.s32 $_scs_section_size  }
0x9b: {  	s6 =	simm.s32 $_size__tile_overlayer_lowered;
	s7 =	simm.s32 $_tile_overlayer_lowered  }
0x9c: {  	s22 =	simm.s32 $0x1BFF;
	s21 =	sshll.u32 s7, $0x1;
	s4 =	sadd.s32 s5, s19  }
0x9d: {  	s8 =	simm.s32 $0x0;
	s20 =	sshll.u32 s6, $0x1;
	s6 =	sadd.s32 s21, s4  }
0x9e: {  	[timem:s8], [sflag:s22] =	dma.local [hbm:s6], s20  }
0x9f: {  	_ =	swait.ge [sflag:s22], s20  }
0xa0: {  	s5 =	ssub.s32 $0x0, s20;
	[sflag:s22] =	ssyncset.done $0x0  }
0xa1: {  	[sflag:s22] =	ssyncadd.s32 s5;
	_ =	sdelay $0x1  }
0xa2: {  	s23 =	simm.s32 $0x1B8B  }
0xa3: {  	_ =	swait.ge [sflag:s23], $0x1  }
0xa4: {  	[sflag:s23] =	ssyncset.done $0x0  }
0xa5: {  	s25 =	simm.s32 $0x1B8E;
	s24 =	sld [smem:$0x3FFE];
	[sflag:s23] =	ssyncadd.s32 $0xFFFFFFFF  }
0xa6: {  	s26 =	simm.s32 $execute0_lowered;
	[smem:$0x3FD2] =	sst s25  }
0xa7: {  	s6 =	sshll.u32 s26, $0x1;
	_ =	strace $0x80000046;
	[dreg:$0x1] =	wrdreg $0xFFFFFFFF  }
0xa8: {  	s28 =	simm.s32 $_size_execute0_lowered;
	s4 =	sadd.s32 s4, s6;
	[dreg:$0x0] =	wrdreg $0x0  }
0xa9: {  	s6 =	sshll.u32 s28, $0x1;
	[dreg:$0x2] =	wrdreg s4  }
0xaa: {  	[dreg:$0x3] =	wrdreg s6  }
0xab: {  	[dreg:$0x4] =	wrdreg $0xC0  }
0xac: {  	_ =	task [dreg:s8], $0x5FFFF  }
0xad: {  	[dreg:$0x1] =	wrdreg $0xFFFFFFFF  }
0xae: {  	[dreg:$0x0] =	wrdreg $0x60  }
0xaf: {  	[dreg:$0x2] =	wrdreg s2  }
0xb0: {  	[dreg:$0x3] =	wrdreg s18  }
0xb1: {  	[dreg:$0x4] =	wrdreg s24  }
0xb2: {  	[dreg:$0x5] =	wrdreg $0x9  }
0xb3: {  	_ =	task.clear_ibuf [dreg:s8], $0x6FFFF;
	_ =	strace $0x90000046  }
0xb4: {  	s29 =	simm.s32 $0x9;
	_ =	strace $0x80000048  }
0xb5: {  	_ =	swait.ge [sflag:s29], $0x1  }
0xb6: {  	[sflag:s29] =	ssyncadd.s32 $0xFFFFFFFF  }
0xb7: {  	_ =	strace $0x90000048  }
0xb8: {  	_ =	sfence  }
0xb9: {  	s30 =	sld [smem:$0x0];
	_ =	sdelay $0x2  }
0xba: {  	s31 =	sshll.u32 s1, $0xD;
	s1 =	sshrl.u32 s1, $0x2  }
0xbb: {  	s3 =	sand.u32 $0x4000, s31;
	s1 =	sadd.s32 s1, s30  }
0xbc: {  	s0 =	sor.u32 s3, s0;
	s1 =	sshll.u32 s1, $0x11  }
0xbd: {  	s0 =	sor.u32 s1, s0  }
0xbe: {  	s0 =	sadd.s32 $0x8F2B, s0  }
0xbf: {  	[sflag:s0] =	ssyncadd.remote.s32 $0x1  }
0xc0: {  	_ =	sfence.sel $0xFFFF  }
0xc1: {  	[dreg:$0x0] =	wrdreg $0xFFFFFFFF;
	(pc) =	sbr.abs _section_cstart, $3  }
0xc2: {  	[dreg:$0x1] =	wrdreg $0xFFFFFFFF  }
0xc3: {  	_ =	task.clear_ibuf [dreg:s8], $0x2FFFF;
	_ =	strace $0x9FFFFFFF  }
0xc4: {  	(tm) =	ssettm $0x7FFFFFFF  }
0xc5: {  	_ =	shalt  }
tec
execute0_lowered:
.L_overlay_start_1:
0x0: {  	(tag) =	ssettag $0x1  }
0x1: {  	s1 =	rddreg [dreg:$0x0]  }
0x2: {  	s0 =	rddreg [dreg:$0x1]  }
0x3: {  	s4 =	rddreg [dreg:$0x2]  }
0x4: {  	s5 =	srdreg.scid;
	s2 =	stileid.u32;
	s3 =	simm.s32 $0x0  }
0x5: {  	s9 =	simm.s32 $0x200;
	s10 =	simm.s32 $0x2;
	s11 =	simm.s32 $0x3  }
0x6: {  	s12 =	simm.s32 $0x4;
	s13 =	simm.s32 $0x5;
	s14 =	simm.s32 $0x6  }
0x7: {  	s15 =	simm.s32 $0x7;
	s16 =	simm.s32 $0x8;
	s17 =	simm.s32 $0x9  }
0x8: {  	s18 =	simm.s32 $0xA;
	s19 =	simm.s32 $0x14200;
	s20 =	simm.s32 $0xC  }
0x9: {  	s21 =	simm.s32 $0x0;
	s5 =	sand.u32 $0x1, s5;
	s6 =	sshll.u32 s2, $0x1  }
.Ltmp0:
0xa: {  	[smem:$0x7FF] =	sst s3;
	s6 =	sor.u32 s5, s6;
	(pc) =	sbr.rel .LBB2_1-.Ltmp0, $4  }
0xb: {  	v0 =	vlaneseq.u32;
	s5 =	ssub.s32 $0x2, s5;
	_ =	strace $0x80000047;
	s7 =	sshll.u32 s6, $0xC  }
0xc: {  	v0 =	vmul.u32 $0x80, v0;
	s8 =	sshrl.u32 s5, $0x1;
	s31 =	sshll.u32 s6, $0x6;
	s7 =	sadd.s32 s7, s4  }
0xd: {  	s8 =	ssub.s32 s5, s8;
	s4 =	sadd.s32 s0, s31;
	s5 =	sadd.s32 $0x800, s7  }
0xe: {  	v1 =	vor.u32 $0x800, v0;
	v2 =	vor.u32 $0x1000, v0;
	v3 =	vor.u32 $0x1800, v0;
	s6 =	smax.u32 s8, $0x1;
	s7 =	simm.s32 $0xB;
	s8 =	simm.s32 $0x1  }
.LBB2_98:
0xf: {  	s21 =	sadd.s32 $0x1, s21  }
0x10: {  	p0 =	sne.s32 s21, s6  }
.Ltmp1:
0x11: {  	_ = 	snop;
	(pc) =	sbr.rel @!p0 .LBB2_99-.Ltmp1, $4  }
0x12: {  	[hbm4b:s5+s3] =	stream.linear.scatter [tilespmem:s19], [sflag:$0xC], $0x8000, $0x38;
	[tilespmem:$0x1C200] =	vst v63  }
0x13: {  	_ =	swait.ge [sflag:s20], $0x8000  }
0x14: {  	[sflag:s20] =	ssyncset.done $0x0  }
0x15: {  	[sflag:s20] =	ssyncadd.s32 $0xFFFF8000  }
.LBB2_1:
0x16: {  	[tilespmem:s3], [sflag:$0xB] =	stream.linear.gather [hbm4b:s4+s3], $0x200, $0x38;
	[tilespmem:$0x1C200] =	vst v63  }
0x17: {  	_ =	swait.ge [sflag:s7], $0x200  }
0x18: {  	[sflag:s7] =	ssyncset.done $0x0  }
0x19: {  	s23 =	simm.s32 $0x0;
	[sflag:s7] =	ssyncadd.s32 $0xFFFFFE00  }
0x1a: {  	v5 =	vld [tilespmem:s23+$0x0];
	_ =	sdelay $0x4  }
0x1b: {  	(v2sf) =	vpush v5, $0x0  }
0x1c: {  	(v2sf) =	vpush v5, $0x1;
	_ =	sdelay $0x1  }
0x1d: {  	(v2sf) =	vpush v5, $0x2  }
0x1e: {  	(v2sf) =	vpush v5, $0x3  }
0x1f: {  	(v2sf) =	vpush v5, $0x4  }
0x20: {  	(v2sf) =	vpush v5, $0x5  }
0x21: {  	(v2sf) =	vpush v5, $0x6  }
0x22: {  	(v2sf) =	vpush v5, $0x7  }
0x23: {  	(v2sf) =	vpush v5, $0x8  }
0x24: {  	(v2sf) =	vpush v5, $0x9  }
0x25: {  	s22 =	simm.s32 $0x10;
	(v2sf) =	vpush v5, $0xA  }
0x26: {  	v4 =	vld [tilespmem:s22+$0x0];
	(v2sf) =	vpush v5, $0xB  }
0x27: {  	(v2sf) =	vpush v5, $0xC  }
0x28: {  	(v2sf) =	vpush v5, $0xD  }
0x29: {  	(v2sf) =	vpush v5, $0xE;
	s0 =	spop (v2sf)  }
0x2a: {  	(v2sf) =	vpush v5, $0xF;
	[smem:s23] =	sst s0;
	s31 =	spop (v2sf)  }
0x2b: {  	(v2sf) =	vpush v4, $0x0;
	[smem:$0x1] =	sst s31  }
0x2c: {  	s0 =	spop (v2sf)  }
0x2d: {  	(v2sf) =	vpush v4, $0x1;
	[smem:$0x2] =	sst s0  }
0x2e: {  	s0 =	spop (v2sf)  }
0x2f: {  	(v2sf) =	vpush v4, $0x2;
	[smem:$0x3] =	sst s0  }
0x30: {  	s0 =	spop (v2sf)  }
0x31: {  	(v2sf) =	vpush v4, $0x3;
	[smem:$0x4] =	sst s0  }
0x32: {  	s0 =	spop (v2sf)  }
0x33: {  	(v2sf) =	vpush v4, $0x4;
	[smem:$0x5] =	sst s0  }
0x34: {  	s0 =	spop (v2sf)  }
0x35: {  	(v2sf) =	vpush v4, $0x5;
	[smem:$0x6] =	sst s0  }
0x36: {  	s0 =	spop (v2sf)  }
0x37: {  	(v2sf) =	vpush v4, $0x6;
	[smem:$0x7] =	sst s0  }
0x38: {  	s0 =	spop (v2sf)  }
0x39: {  	(v2sf) =	vpush v4, $0x7;
	[smem:$0x8] =	sst s0  }
0x3a: {  	s0 =	spop (v2sf)  }
0x3b: {  	(v2sf) =	vpush v4, $0x8;
	[smem:$0x9] =	sst s0  }
0x3c: {  	s0 =	spop (v2sf)  }
0x3d: {  	(v2sf) =	vpush v4, $0x9;
	[smem:$0xA] =	sst s0  }
0x3e: {  	s0 =	spop (v2sf)  }
0x3f: {  	(v2sf) =	vpush v4, $0xA;
	[smem:$0xB] =	sst s0  }
0x40: {  	s0 =	spop (v2sf)  }
0x41: {  	(v2sf) =	vpush v4, $0xB;
	[smem:$0xC] =	sst s0  }
0x42: {  	s24 =	simm.s32 $0x20;
	s0 =	spop (v2sf)  }
0x43: {  	v5 =	vld [tilespmem:s24+$0x0];
	(v2sf) =	vpush v4, $0xC;
	[smem:$0xD] =	sst s0  }
0x44: {  	s0 =	spop (v2sf)  }
0x45: {  	(v2sf) =	vpush v4, $0xD;
	[smem:$0xE] =	sst s0  }
0x46: {  	s25 =	simm.s32 $0xC0;
	s0 =	spop (v2sf)  }
.LBB2_2:
0x47: {  	p0 =	sne.s32 s25, $0x7C0;
	[smem:s23+$0xF] =	sst s0;
	s0 =	smov.u32 s25  }
0x48: {  	(v2sf) =	vpush v4, $0xE;
	s25 =	sadd.s32 $0x40, s25;
	s23 =	smov.u32 s22;
	s22 =	smov.u32 s24  }
0x49: {  	s24 =	spop (v2sf);
	(v2sf) =	vpush v4, $0xF  }
0x4a: {  	[smem:s23] =	sst s24;
	s24 =	spop (v2sf)  }
0x4b: {  	(v2sf) =	vpush v5, $0x0;
	[smem:s23+$0x1] =	sst s24;
	s24 =	spop (v2sf);
	v4 =	vmov v5  }
0x4c: {  	(v2sf) =	vpush v4, $0x1;
	[smem:s23+$0x2] =	sst s24;
	s24 =	spop (v2sf)  }
0x4d: {  	(v2sf) =	vpush v4, $0x2;
	[smem:s23+$0x3] =	sst s24;
	s24 =	spop (v2sf)  }
0x4e: {  	(v2sf) =	vpush v4, $0x3;
	[smem:s23+$0x4] =	sst s24;
	s24 =	spop (v2sf)  }
0x4f: {  	(v2sf) =	vpush v4, $0x4;
	[smem:s23+$0x5] =	sst s24;
	s24 =	spop (v2sf)  }
0x50: {  	(v2sf) =	vpush v4, $0x5;
	[smem:s23+$0x6] =	sst s24;
	s24 =	spop (v2sf)  }
0x51: {  	(v2sf) =	vpush v4, $0x6;
	[smem:s23+$0x7] =	sst s24;
	s24 =	spop (v2sf)  }
0x52: {  	(v2sf) =	vpush v4, $0x7;
	[smem:s23+$0x8] =	sst s24;
	s24 =	spop (v2sf)  }
0x53: {  	(v2sf) =	vpush v4, $0x8;
	[smem:s23+$0x9] =	sst s24;
	s24 =	spop (v2sf)  }
0x54: {  	[smem:s23+$0xA] =	sst s24  }
.Ltmp2:
0x55: {  	(v2sf) =	vpush v4, $0x9;
	s24 =	spop (v2sf);
	(pc) =	sbr.rel @p0 .LBB2_2-.Ltmp2, $4  }
0x56: {  	(v2sf) =	vpush v4, $0xA;
	[smem:s23+$0xB] =	sst s24;
	s26 =	spop (v2sf)  }
0x57: {  	s24 =	sshra.s32 s0, $0x2;
	(v2sf) =	vpush v4, $0xB;
	[smem:s23+$0xC] =	sst s26;
	s0 =	spop (v2sf)  }
0x58: {  	v5 =	vld [tilespmem:s24+$0x0];
	(v2sf) =	vpush v4, $0xC;
	[smem:s23+$0xD] =	sst s0;
	s0 =	spop (v2sf)  }
0x59: {  	(v2sf) =	vpush v4, $0xD;
	[smem:s23+$0xE] =	sst s0;
	s0 =	spop (v2sf)  }
0x5a: {  	_ = 	snop  }
0x5b: {  	(v2sf) =	vpush v4, $0xE  }
0x5c: {  	[smem:s23+$0xF] =	sst s0;
	s30 =	spop (v2sf);
	(v2sf) =	vpush v4, $0xF  }
0x5d: {  	[smem:s22] =	sst s30;
	s31 =	spop (v2sf);
	(v2sf) =	vpush v5, $0x0  }
0x5e: {  	[smem:s22+$0x1] =	sst s31;
	s23 =	spop (v2sf);
	(v2sf) =	vpush v5, $0x1  }
0x5f: {  	[smem:s22+$0x2] =	sst s23;
	s25 =	spop (v2sf);
	(v2sf) =	vpush v5, $0x2  }
0x60: {  	[smem:s22+$0x3] =	sst s25;
	s26 =	spop (v2sf);
	(v2sf) =	vpush v5, $0x3  }
0x61: {  	[smem:s22+$0x4] =	sst s26;
	s28 =	spop (v2sf);
	(v2sf) =	vpush v5, $0x4  }
0x62: {  	[smem:s22+$0x5] =	sst s28;
	s29 =	spop (v2sf);
	(v2sf) =	vpush v5, $0x5  }
0x63: {  	[smem:s22+$0x6] =	sst s29;
	s30 =	spop (v2sf);
	(v2sf) =	vpush v5, $0x6  }
0x64: {  	[smem:s22+$0x7] =	sst s30;
	s31 =	spop (v2sf);
	(v2sf) =	vpush v5, $0x7  }
0x65: {  	[smem:s22+$0x8] =	sst s31;
	s23 =	spop (v2sf);
	(v2sf) =	vpush v5, $0x8  }
0x66: {  	[smem:s22+$0x9] =	sst s23;
	s25 =	spop (v2sf);
	(v2sf) =	vpush v5, $0x9  }
0x67: {  	[smem:s22+$0xA] =	sst s25;
	s26 =	spop (v2sf);
	(v2sf) =	vpush v5, $0xA  }
0x68: {  	[smem:s22+$0xB] =	sst s26;
	s28 =	spop (v2sf);
	(v2sf) =	vpush v5, $0xB  }
0x69: {  	[smem:s22+$0xC] =	sst s28;
	s29 =	spop (v2sf);
	(v2sf) =	vpush v5, $0xC  }
0x6a: {  	[smem:s22+$0xD] =	sst s29;
	s30 =	spop (v2sf);
	(v2sf) =	vpush v5, $0xD  }
0x6b: {  	[smem:s22+$0xE] =	sst s30;
	s31 =	spop (v2sf);
	(v2sf) =	vpush v5, $0xE  }
0x6c: {  	[smem:s22+$0xF] =	sst s31;
	s22 =	spop (v2sf);
	(v2sf) =	vpush v5, $0xF  }
0x6d: {  	[smem:s24] =	sst s22;
	s23 =	spop (v2sf)  }
0x6e: {  	[smem:s24+$0x1] =	sst s23;
	s25 =	spop (v2sf)  }
0x6f: {  	[smem:s24+$0x2] =	sst s25;
	s26 =	spop (v2sf)  }
0x70: {  	[smem:s24+$0x3] =	sst s26;
	s28 =	spop (v2sf)  }
0x71: {  	[smem:s24+$0x4] =	sst s28;
	s29 =	spop (v2sf)  }
0x72: {  	[smem:s24+$0x5] =	sst s29;
	s30 =	spop (v2sf)  }
0x73: {  	[smem:s24+$0x6] =	sst s30;
	s31 =	spop (v2sf)  }
0x74: {  	[smem:s24+$0x7] =	sst s31;
	s22 =	spop (v2sf)  }
0x75: {  	[smem:s24+$0x8] =	sst s22;
	s23 =	spop (v2sf)  }
0x76: {  	[smem:s24+$0x9] =	sst s23;
	s25 =	spop (v2sf)  }
0x77: {  	[smem:s24+$0xA] =	sst s25;
	s26 =	spop (v2sf)  }
0x78: {  	[smem:s24+$0xB] =	sst s26;
	s28 =	spop (v2sf)  }
0x79: {  	[smem:s24+$0xC] =	sst s28;
	s29 =	spop (v2sf)  }
0x7a: {  	[smem:s24+$0xD] =	sst s29;
	s30 =	spop (v2sf)  }
0x7b: {  	[smem:s24+$0xE] =	sst s30;
	s31 =	spop (v2sf)  }
0x7c: {  	[smem:s24+$0xF] =	sst s31  }
0x7d: {  	s0 =	sld [smem:$0x0];
	_ =	sdelay $0x1  }
0x7e: {  	s22 =	simm.s32 $0x0  }
0x7f: {  	s23 =	simm.s32 $0x0;
	s25 =	simm.s32 $0x1;
	s24 =	sshrl.u32 s0, $0x7  }
0x80: {  	s26 =	simm.s32 $0x1;
	p0 =	seq.s32 s24, $0xFFFFFFFF;
	p1 =	sne.s32 s24, $0xFFFFFFFF  }
0x81: {  	s0 =	simm.s32 $0x1;
	[smem:$0x200] =	sst @!p0 s24;
	s26 =	simm.s32 @!p1 $0x0  }
.LBB2_4:
0x82: {  	[smem:s23+$0x400] =	sst @!p0 s22;
	s23 =	sadd.s32 s26, s23  }
0x83: {  	s22 =	smov.u32 s0;
	s0 =	sadd.s32 $0x1, s0;
	s26 =	smov.u32 s24  }
0x84: {  	s24 =	sld [smem:s25+$0x0];
	p1 =	sne.s32 s0, $0x200  }
.Ltmp3:
0x85: {  	(pc) =	sbr.rel @p1 .LBB2_4-.Ltmp3, $4  }
0x86: {  	_ = 	snop  }
0x87: {  	s24 =	sshrl.u32 s24, $0x7  }
0x88: {  	p0 =	seq.s32 s24, s26;
	p2 =	sne.s32 s24, s26;
	s26 =	simm.s32 $0x1  }
0x89: {  	s25 =	sadd.s32 $0x1, s25;
	[smem:s23+$0x200] =	sst @!p0 s24;
	s26 =	simm.s32 @!p2 $0x0  }
0x8a: {  	[smem:s23+$0x400] =	sst @!p0 s22;
	s22 =	sadd.s32 s26, s23  }
0x8b: {  	[smem:s22+$0x400] =	sst s9;
	p0 =	slt.s32 s22, $0x1  }
0x8c: {  	s0 =	sld @!p0 [smem:$0x200];
	_ =	sdelay $0x1  }
0x8d: {  	p3 =	seq.s32 @!p0 s22, $0x1  }
0x8e: {  	s25 =	simm.s32 @!p0 $0x7A1400;
	p1 =	por p3, p0;
	s0 =	sshll.u32 @!p0 s0, $0x7  }
0x8f: {  	s24 =	simm.s32 @!p0 $0x400;
	s23 =	sld @!p1 [smem:$0x201];
	s0 =	sand.u32 @!p0 $0x1FFFFF80, s0  }
0x90: {  	s26 =	simm.s32 @!p0 $0x200;
	p2 =	slt.u32 @!p1 s22, $0x3;
	s0 =	sadd.s32 @!p0 s1, s0  }
0x91: {  	[tilespmem:s26], [sflag:$0x1] =	stream.strided.gather @!p0 [hbm4b:s0+s24], $0x2000, s25, s24, $0x38;
	[tilespmem:$0x1C200] =	vst v63  }
0x92: {  	s0 =	sshll.u32 @!p1 s23, $0x7;
	s23 =	simm.s32 @!p3 $0x0;
	s24 =	simm.s32 @!p1 $0x7A1400  }
0x93: {  	s25 =	simm.s32 @!p1 $0x2200;
	s23 =	simm.s32 @p3 $0x1;
	p3 =	por @!p0 p3, p2  }
0x94: {  	s0 =	sand.u32 @!p1 $0x1FFFFF80, s0;
	[smem:$0x7F9] =	sst s23;
	p2 =	por p3, p0  }
0x95: {  	s0 =	sadd.s32 @!p1 s1, s0;
	s23 =	simm.s32 @!p1 $0x400;
	s26 =	sld @!p2 [smem:$0x202]  }
0x96: {  	[tilespmem:s25], [sflag:$0x2] =	stream.strided.gather @!p1 [hbm4b:s0+s23], $0x2000, s24, s23, $0x38;
	[tilespmem:$0x1C200] =	vst v63  }
0x97: {  	p1 =	seq.s32 @!p2 s22, $0x3;
	s23 =	simm.s32 @!p3 $0x0  }
0x98: {  	s23 =	simm.s32 @p3 $0x1;
	p3 =	por @!p0 p3, p1  }
0x99: {  	[smem:$0x7FA] =	sst s23;
	p1 =	por p3, p0;
	s0 =	sshll.u32 @!p2 s26, $0x7  }
0x9a: {  	s24 =	simm.s32 @!p2 $0x400;
	s23 =	sld @!p1 [smem:$0x203];
	s0 =	sand.u32 @!p2 $0x1FFFFF80, s0  }
0x9b: {  	s25 =	simm.s32 @!p2 $0x7A1400;
	s26 =	simm.s32 @!p2 $0x4200;
	s0 =	sadd.s32 @!p2 s1, s0  }
0x9c: {  	[tilespmem:s26], [sflag:$0x3] =	stream.strided.gather @!p2 [hbm4b:s0+s24], $0x2000, s25, s24, $0x38;
	[tilespmem:$0x1C200] =	vst v63  }
0x9d: {  	s0 =	sshll.u32 @!p1 s23, $0x7  }
0x9e: {  	p2 =	slt.u32 @!p1 s22, $0x5;
	s23 =	simm.s32 @!p3 $0x0;
	s24 =	simm.s32 @!p1 $0x7A1400  }
0x9f: {  	s25 =	simm.s32 @!p1 $0x6200;
	s23 =	simm.s32 @p3 $0x1;
	p3 =	por @!p0 p3, p2  }
0xa0: {  	s0 =	sand.u32 @!p1 $0x1FFFFF80, s0;
	[smem:$0x7FB] =	sst s23;
	p2 =	por p3, p0  }
0xa1: {  	s0 =	sadd.s32 @!p1 s1, s0;
	s23 =	simm.s32 @!p1 $0x400;
	s26 =	sld @!p2 [smem:$0x204]  }
0xa2: {  	[tilespmem:s25], [sflag:$0x4] =	stream.strided.gather @!p1 [hbm4b:s0+s23], $0x2000, s24, s23, $0x38;
	[tilespmem:$0x1C200] =	vst v63  }
0xa3: {  	p1 =	seq.s32 @!p2 s22, $0x5;
	s23 =	simm.s32 @!p3 $0x0  }
0xa4: {  	s23 =	simm.s32 @p3 $0x1;
	p3 =	por @!p0 p3, p1  }
0xa5: {  	[smem:$0x7FC] =	sst s23;
	p1 =	por p3, p0;
	s0 =	sshll.u32 @!p2 s26, $0x7  }
0xa6: {  	s24 =	simm.s32 @!p2 $0x400;
	s23 =	sld @!p1 [smem:$0x205];
	s0 =	sand.u32 @!p2 $0x1FFFFF80, s0  }
0xa7: {  	s25 =	simm.s32 @!p2 $0x7A1400;
	s26 =	simm.s32 @!p2 $0x8200;
	s0 =	sadd.s32 @!p2 s1, s0  }
0xa8: {  	[tilespmem:s26], [sflag:$0x5] =	stream.strided.gather @!p2 [hbm4b:s0+s24], $0x2000, s25, s24, $0x38;
	[tilespmem:$0x1C200] =	vst v63  }
0xa9: {  	s0 =	sshll.u32 @!p1 s23, $0x7  }
0xaa: {  	p2 =	slt.u32 @!p1 s22, $0x7;
	s23 =	simm.s32 @!p3 $0x0;
	s24 =	simm.s32 @!p1 $0x7A1400  }
0xab: {  	s25 =	simm.s32 @!p1 $0xA200;
	s23 =	simm.s32 @p3 $0x1;
	p6 =	por @!p0 p3, p2  }
0xac: {  	s0 =	sand.u32 @!p1 $0x1FFFFF80, s0;
	[smem:$0x7FD] =	sst s23;
	p2 =	por p6, p0  }
0xad: {  	s0 =	sadd.s32 @!p1 s1, s0;
	s23 =	simm.s32 @!p1 $0x400;
	s26 =	sld @!p2 [smem:$0x206]  }
0xae: {  	[tilespmem:s25], [sflag:$0x6] =	stream.strided.gather @!p1 [hbm4b:s0+s23], $0x2000, s24, s23, $0x38;
	[tilespmem:$0x1C200] =	vst v63  }
0xaf: {  	p1 =	seq.s32 @!p2 s22, $0x7  }
0xb0: {  	s24 =	simm.s32 @!p2 $0x400;
	p1 =	por @!p0 p6, p1;
	s0 =	sshll.u32 @!p2 s26, $0x7  }
0xb1: {  	s25 =	simm.s32 @!p2 $0x7A1400;
	p3 =	por p1, p0;
	s0 =	sand.u32 @!p2 $0x1FFFFF80, s0  }
0xb2: {  	s23 =	sld @!p3 [smem:$0x207];
	s26 =	simm.s32 @!p2 $0xC200;
	s0 =	sadd.s32 @!p2 s1, s0  }
0xb3: {  	[tilespmem:s26], [sflag:$0x7] =	stream.strided.gather @!p2 [hbm4b:s0+s24], $0x2000, s25, s24, $0x38;
	[tilespmem:$0x1C200] =	vst v63  }
0xb4: {  	p2 =	slt.u32 @!p3 s22, $0x9  }
0xb5: {  	s0 =	sshll.u32 @!p3 s23, $0x7;
	s23 =	simm.s32 @!p3 $0x400;
	p2 =	por @!p0 p1, p2  }
0xb6: {  	s24 =	simm.s32 @!p3 $0x7A1400;
	s0 =	sand.u32 @!p3 $0x1FFFFF80, s0;
	p5 =	por p2, p0  }
0xb7: {  	s25 =	simm.s32 @!p3 $0xE200;
	s0 =	sadd.s32 @!p3 s1, s0;
	s26 =	sld @!p5 [smem:$0x208]  }
0xb8: {  	[tilespmem:s25], [sflag:$0x8] =	stream.strided.gather @!p3 [hbm4b:s0+s23], $0x2000, s24, s23, $0x38;
	[tilespmem:$0x1C200] =	vst v63  }
0xb9: {  	p3 =	seq.s32 @!p5 s22, $0x9  }
0xba: {  	p3 =	por @!p0 p2, p3  }
0xbb: {  	p4 =	por p3, p0;
	s0 =	sshll.u32 @!p5 s26, $0x7  }
0xbc: {  	s24 =	simm.s32 @!p5 $0x400;
	s23 =	sld @!p4 [smem:$0x209];
	s0 =	sand.u32 @!p5 $0x1FFFFF80, s0  }
0xbd: {  	s25 =	simm.s32 @!p5 $0x7A1400;
	s26 =	simm.s32 @!p5 $0x10200;
	s0 =	sadd.s32 @!p5 s1, s0  }
0xbe: {  	[tilespmem:s26], [sflag:$0x9] =	stream.strided.gather @!p5 [hbm4b:s0+s24], $0x2000, s25, s24, $0x38;
	[tilespmem:$0x1C200] =	vst v63  }
0xbf: {  	s0 =	sshll.u32 @!p4 s23, $0x7  }
0xc0: {  	s23 =	simm.s32 @!p4 $0x400;
	s0 =	sand.u32 @!p4 $0x1FFFFF80, s0  }
0xc1: {  	s24 =	simm.s32 @!p4 $0x7A1400;
	s25 =	simm.s32 @!p4 $0x12200;
	s0 =	sadd.s32 @!p4 s1, s0  }
0xc2: {  	[tilespmem:s25], [sflag:$0xA] =	stream.strided.gather @!p4 [hbm4b:s0+s23], $0x2000, s24, s23, $0x38;
	[tilespmem:$0x1C200] =	vst v63  }
0xc3: {  	s0 =	sadd.s32 @!p4 $0x9, s22  }
0xc4: {  	p5 =	slt.s32 @!p4 s0, $0xA  }
0xc5: {  	p5 =	por @!p0 p3, !p5  }
0xc6: {  	p5 =	por p0, !p5  }
.Ltmp4:
0xc7: {  	_ = 	snop;
	(pc) =	sbr.rel @p5 .LBB2_98-.Ltmp4, $1  }
0xc8: {  	_ =	sdelay $0x3  }
0xc9: {  	s24 =	sld [smem:$0x7F9];
	_ =	sdelay $0x1  }
0xca: {  	s28 =	sld [smem:$0x7FA]  }
0xcb: {  	p5 =	seq.s32 s24, $0x1  }
0xcc: {  	s23 =	simm.s32 @!p0 $0x1;
	s29 =	sld [smem:$0x7FB];
	p5 =	por !p5, p0  }
0xcd: {  	s23 =	simm.s32 @p5 $0x1;
	p5 =	seq.s32 s28, $0x1  }
0xce: {  	s30 =	sld [smem:$0x7FC];
	p5 =	por !p5, p0  }
0xcf: {  	s23 =	simm.s32 @p5 $0x1;
	p5 =	seq.s32 s29, $0x1  }
0xd0: {  	s31 =	sld [smem:$0x7FD];
	p5 =	por !p5, p0  }
0xd1: {  	s23 =	simm.s32 @p5 $0x1;
	p5 =	seq.s32 s30, $0x1  }
0xd2: {  	p5 =	por !p5, p0  }
0xd3: {  	s23 =	simm.s32 @p5 $0x1;
	p5 =	seq.s32 s31, $0x1  }
0xd4: {  	p5 =	por !p5, p0  }
.Ltmp5:
0xd5: {  	s23 =	simm.s32 @p5 $0x1;
	p5 =	por !p6, p0;
	(pc) =	sbr.rel .LBB2_7-.Ltmp5, $4  }
0xd6: {  	p1 =	por !p1, p0;
	s0 =	smulhi.u32 @!p4 $0xCCCCCCCD, s0;
	s23 =	simm.s32 @p5 $0x1  }
0xd7: {  	s23 =	simm.s32 @p1 $0x1;
	p1 =	por !p2, p0  }
0xd8: {  	s0 =	sshrl.u32 @!p4 s0, $0x3;
	p0 =	por !p3, p0;
	s23 =	simm.s32 @p1 $0x1  }
0xd9: {  	s24 =	simm.s32 $0x0;
	s23 =	smov.u32 @p0 s0  }
.LBB2_91:
0xda: {  	s29 =	smov.u32 s28  }
.LBB2_95:
0xdb: {  	_ =	sdelay $0x2  }
0xdc: {  	[tilespmem:s29+$0x0] =	vst @p0 v4  }
0xdd: {  	s0 =	sand.u32 $0x7F, s0;
	v4 =	vld.idx.msk @p0 [tilespmem:v5+s26+$0x0], $0xffff  }
0xde: {  	v5 =	vor.u32 s0, v0;
	_ =	sdelay $0x3  }
0xdf: {  	[tilespmem:s29+$0x10] =	vst @p0 v4  }
0xe0: {  	v4 =	vld.idx.msk [tilespmem:v5+s26+$0x0], $0xffff  }
0xe1: {  	v5 =	vor.u32 s0, v1;
	_ =	sdelay $0x1  }
0xe2: {  	s29 =	sadd.s32 @p0 $0x40, s29  }
0xe3: {  	s28 =	smov.u32 @p0 s29  }
0xe4: {  	[tilespmem:s28+$0xFFFFFFE0] =	vst v4  }
0xe5: {  	v4 =	vld.idx.msk [tilespmem:v5+s26+$0x0], $0xffff  }
0xe6: {  	v5 =	vor.u32 s0, v2;
	_ =	sdelay $0x3  }
0xe7: {  	[tilespmem:s28+$0xFFFFFFF0] =	vst v4  }
0xe8: {  	v4 =	vld.idx.msk [tilespmem:v5+s26+$0x0], $0xffff  }
0xe9: {  	v5 =	vor.u32 s0, v3;
	_ =	sdelay $0x3  }
0xea: {  	[tilespmem:s28+$0x0] =	vst v4  }
0xeb: {  	v4 =	vld.idx.msk [tilespmem:v5+s26+$0x0], $0xffff;
	_ =	sdelay $0x4  }
0xec: {  	[tilespmem:s28+$0x10] =	vst v4  }
.LBB2_96:
0xed: {  	s0 =	sadd.s32 $0x13, s25  }
0xee: {  	p0 =	sge.s32 s0, s22  }
0xef: {  	s25 =	smulhi.u32 @!p0 $0x66666667, s0;
	s26 =	sshra.s32 @!p0 s0, $0x1F  }
0xf0: {  	s26 =	smul.u32 @!p0 $0x66666667, s26;
	_ =	sdelay $0x1  }
0xf1: {  	s25 =	sadd.s32 @!p0 s26, s25  }
0xf2: {  	s26 =	sshrl.u32 @!p0 s25, $0x1F;
	s25 =	sshrl.u32 @!p0 s25, $0x2  }
0xf3: {  	s25 =	sadd.s32 @!p0 s26, s25  }
0xf4: {  	s26 =	sld @!p0 [smem:s0+$0x200];
	s25 =	smul.u32 @!p0 $0xA, s25  }
0xf5: {  	_ = 	snop  }
0xf6: {  	s0 =	ssub.s32 @!p0 s0, s25  }
0xf7: {  	s25 =	sshll.u32 @!p0 s26, $0x7;
	s0 =	sshll.u32 @!p0 s0, $0xF  }
0xf8: {  	s28 =	simm.s32 @!p0 $0x7A1400;
	s25 =	sand.u32 @!p0 $0x1FFFFF80, s25;
	s0 =	sshra.s32 @!p0 s0, $0x2  }
0xf9: {  	s26 =	simm.s32 @!p0 $0x400;
	s25 =	sadd.s32 @!p0 s1, s25;
	s0 =	sor.u32 @!p0 $0x200, s0  }
0xfa: {  	[tilespmem:s0], [sflag:$0xA] =	stream.strided.gather @!p0 [hbm4b:s25+s26], $0x2000, s28, s26, $0x38;
	[tilespmem:$0x1C200] =	vst v63  }
.LBB2_97:
0xfb: {  	s24 =	sadd.s32 $0x1, s24  }
0xfc: {  	p0 =	sne.s32 s24, s23  }
.Ltmp6:
0xfd: {  	_ = 	snop;
	(pc) =	sbr.rel @!p0 .LBB2_98-.Ltmp6, $1  }
0xfe: {  	_ =	sdelay $0x3  }
.LBB2_7:
0xff: {  	s25 =	smul.u32 $0xA, s24;
	_ =	sdelay $0x1  }
0x100: {  	p0 =	sge.s32 s25, s22  }
.Ltmp7:
0x101: {  	_ = 	snop;
	(pc) =	sbr.rel @p0 .LBB2_16-.Ltmp7, $1  }
0x102: {  	_ =	sdelay $0x3  }
0x103: {  	_ =	swait.ge [sflag:s8], $0x2000  }
0x104: {  	[sflag:s8] =	ssyncset.done $0x0  }
0x105: {  	[sflag:s8] =	ssyncadd.s32 $0xFFFFE000  }
0x106: {  	s0 =	sld [smem:s25+$0x400]  }
0x107: {  	s26 =	sld [smem:s25+$0x401];
	_ =	sdelay $0x2  }
0x108: {  	s29 =	ssub.s32 s26, s0  }
0x109: {  	p0 =	slt.s32 s29, $0x1  }
.Ltmp8:
0x10a: {  	_ = 	snop;
	(pc) =	sbr.rel @p0 .LBB2_15-.Ltmp8, $1  }
0x10b: {  	_ =	sdelay $0x3  }
0x10c: {  	s26 =	smulhi.u32 $0x66666667, s25;
	s28 =	sshra.s32 s25, $0x1F  }
0x10d: {  	s28 =	smul.u32 $0x66666667, s28;
	_ =	sdelay $0x1  }
0x10e: {  	s26 =	sadd.s32 s28, s26  }
0x10f: {  	s28 =	sshrl.u32 s26, $0x1F;
	s26 =	sshrl.u32 s26, $0x2  }
0x110: {  	s26 =	sadd.s32 s28, s26  }
0x111: {  	p1 =	sne.s32 s29, $0x1;
	s26 =	smul.u32 $0xA, s26  }
.Ltmp9:
0x112: {  	_ = 	snop;
	(pc) =	sbr.rel @!p1 .LBB2_10-.Ltmp9, $4  }
0x113: {  	s31 =	sshll.u32 s0, $0x2;
	s29 =	sadd.s32 $0xFFFFFFFF, s29;
	s26 =	ssub.s32 s25, s26  }
0x114: {  	p0 =	por $0x0, $0x0;
	s28 =	sshll.u32 s0, $0x8;
	s26 =	sshll.u32 s26, $0xF  }
0x115: {  	s30 =	sshra.s32 s31, $0x2;
	s28 =	sshra.s32 s28, $0x2;
	s26 =	sshra.s32 s26, $0x2  }
0x116: {  	s0 =	sld [smem:s30+$0x0];
	s28 =	sadd.s32 $0x14220, s28;
	s26 =	sor.u32 $0x200, s26  }
0x117: {  	_ =	sdelay $0x1  }
0x118: {  	s0 =	sand.u32 $0x7F, s0  }
0x119: {  	v4 =	vor.u32 s0, v0;
	_ =	sdelay $0x4  }
0x11a: {  	v4 =	vld.idx.msk [tilespmem:v4+s26+$0x0], $0xffff  }
0x11b: {  	v5 =	vor.u32 s0, v1;
	_ =	sdelay $0x3  }
0x11c: {  	[tilespmem:s28+$0xFFFFFFE0] =	vst v4  }
0x11d: {  	v4 =	vld.idx.msk [tilespmem:v5+s26+$0x0], $0xffff  }
0x11e: {  	v5 =	vor.u32 s0, v2;
	_ =	sdelay $0x3  }
0x11f: {  	p1 =	sne.s32 s29, $0x1;
	[tilespmem:s28+$0xFFFFFFF0] =	vst v4  }
.Ltmp10:
0x120: {  	v4 =	vld.idx.msk [tilespmem:v5+s26+$0x0], $0xffff;
	(pc) =	sbr.rel @!p1 .LBB2_12-.Ltmp10, $3  }
0x121: {  	v5 =	vor.u32 s0, v3;
	_ =	sdelay $0x1  }
0x122: {  	s30 =	sadd.s32 $0x1, s30;
	s31 =	sadd.s32 $0xFFFFFFFF, s29  }
0x123: {  	p0 =	por $0x1, $0x1;
	s29 =	smov.u32 s28;
	s0 =	sld [smem:s30+$0x0]  }
.LBB2_13:
0x124: {  	p1 =	sne.s32 s31, $0x1;
	[tilespmem:s29+$0x0] =	vst v4  }
0x125: {  	v4 =	vld.idx.msk [tilespmem:v5+s26+$0x0], $0xffff  }
0x126: {  	s0 =	sand.u32 $0x7F, s0  }
0x127: {  	v5 =	vor.u32 s0, v0;
	_ =	sdelay $0x3  }
0x128: {  	[tilespmem:s29+$0x10] =	vst v4  }
0x129: {  	v4 =	vld.idx.msk [tilespmem:v5+s26+$0x0], $0xffff;
	_ =	sdelay $0x1  }
0x12a: {  	v5 =	vor.u32 s0, v1;
	_ =	sdelay $0x2  }
0x12b: {  	s29 =	sadd.s32 $0x40, s29  }
0x12c: {  	[tilespmem:s29+$0xFFFFFFE0] =	vst v4  }
0x12d: {  	v4 =	vld.idx.msk [tilespmem:v5+s26+$0x0], $0xffff;
	_ =	sdelay $0x1  }
0x12e: {  	v5 =	vor.u32 s0, v2;
	_ =	sdelay $0x3  }
0x12f: {  	[tilespmem:s29+$0xFFFFFFF0] =	vst v4  }
0x130: {  	v4 =	vld.idx.msk [tilespmem:v5+s26+$0x0], $0xffff  }
.Ltmp11:
0x131: {  	(pc) =	sbr.rel @p1 .LBB2_13-.Ltmp11, $3  }
0x132: {  	v5 =	vor.u32 s0, v3;
	_ =	sdelay $0x1  }
0x133: {  	s30 =	sadd.s32 $0x1, s30  }
0x134: {  	s31 =	sadd.s32 $0xFFFFFFFF, s31;
	s0 =	sld [smem:s30+$0x0]  }
.LBB2_14:
0x135: {  	_ =	sdelay $0x2  }
0x136: {  	[tilespmem:s29+$0x0] =	vst @p0 v4  }
0x137: {  	v4 =	vld.idx.msk @p0 [tilespmem:v5+s26+$0x0], $0xffff;
	s0 =	sand.u32 $0x7F, s0  }
0x138: {  	v5 =	vor.u32 s0, v0;
	_ =	sdelay $0x3  }
0x139: {  	[tilespmem:s29+$0x10] =	vst @p0 v4  }
0x13a: {  	v4 =	vld.idx.msk [tilespmem:v5+s26+$0x0], $0xffff  }
0x13b: {  	v5 =	vor.u32 s0, v1;
	_ =	sdelay $0x1  }
0x13c: {  	s29 =	sadd.s32 @p0 $0x40, s29  }
0x13d: {  	s28 =	smov.u32 @p0 s29  }
0x13e: {  	[tilespmem:s28+$0xFFFFFFE0] =	vst v4  }
0x13f: {  	v4 =	vld.idx.msk [tilespmem:v5+s26+$0x0], $0xffff  }
0x140: {  	v5 =	vor.u32 s0, v2;
	_ =	sdelay $0x3  }
0x141: {  	[tilespmem:s28+$0xFFFFFFF0] =	vst v4  }
0x142: {  	v4 =	vld.idx.msk [tilespmem:v5+s26+$0x0], $0xffff  }
0x143: {  	v5 =	vor.u32 s0, v3;
	_ =	sdelay $0x3  }
0x144: {  	[tilespmem:s28+$0x0] =	vst v4  }
0x145: {  	v4 =	vld.idx.msk [tilespmem:v5+s26+$0x0], $0xffff;
	_ =	sdelay $0x4  }
0x146: {  	[tilespmem:s28+$0x10] =	vst v4  }
.LBB2_15:
0x147: {  	s0 =	sadd.s32 $0xA, s25  }
0x148: {  	p0 =	sge.s32 s0, s22  }
0x149: {  	s26 =	smulhi.u32 @!p0 $0x66666667, s0;
	s28 =	sshra.s32 @!p0 s0, $0x1F  }
0x14a: {  	s28 =	smul.u32 @!p0 $0x66666667, s28;
	_ =	sdelay $0x1  }
0x14b: {  	s26 =	sadd.s32 @!p0 s28, s26  }
0x14c: {  	s28 =	sshrl.u32 @!p0 s26, $0x1F;
	s26 =	sshrl.u32 @!p0 s26, $0x2  }
0x14d: {  	s26 =	sadd.s32 @!p0 s28, s26  }
0x14e: {  	s28 =	sld @!p0 [smem:s0+$0x200];
	s26 =	smul.u32 @!p0 $0xA, s26  }
0x14f: {  	_ = 	snop  }
0x150: {  	s0 =	ssub.s32 @!p0 s0, s26  }
0x151: {  	s26 =	sshll.u32 @!p0 s28, $0x7;
	s0 =	sshll.u32 @!p0 s0, $0xF  }
0x152: {  	s29 =	simm.s32 @!p0 $0x7A1400;
	s26 =	sand.u32 @!p0 $0x1FFFFF80, s26;
	s0 =	sshra.s32 @!p0 s0, $0x2  }
0x153: {  	s28 =	simm.s32 @!p0 $0x400;
	s26 =	sadd.s32 @!p0 s1, s26;
	s0 =	sor.u32 @!p0 $0x200, s0  }
0x154: {  	[tilespmem:s0], [sflag:$0x1] =	stream.strided.gather @!p0 [hbm4b:s26+s28], $0x2000, s29, s28, $0x38;
	[tilespmem:$0x1C200] =	vst v63  }
.LBB2_16:
0x155: {  	s0 =	sor.u32 $0x1, s25  }
0x156: {  	p0 =	sge.s32 s0, s22  }
.Ltmp12:
0x157: {  	_ = 	snop;
	(pc) =	sbr.rel @p0 .LBB2_25-.Ltmp12, $1  }
0x158: {  	_ =	sdelay $0x3  }
0x159: {  	_ =	swait.ge [sflag:s10], $0x2000  }
0x15a: {  	[sflag:s10] =	ssyncset.done $0x0  }
0x15b: {  	[sflag:s10] =	ssyncadd.s32 $0xFFFFE000  }
0x15c: {  	s28 =	sld [smem:s25+$0x401]  }
0x15d: {  	s26 =	sld [smem:s25+$0x402];
	_ =	sdelay $0x2  }
0x15e: {  	s29 =	ssub.s32 s26, s28  }
0x15f: {  	p0 =	slt.s32 s29, $0x1  }
.Ltmp13:
0x160: {  	_ = 	snop;
	(pc) =	sbr.rel @p0 .LBB2_24-.Ltmp13, $1  }
0x161: {  	_ =	sdelay $0x3  }
0x162: {  	s26 =	smulhi.u32 $0x66666667, s0;
	s30 =	sshra.s32 s0, $0x1F  }
0x163: {  	s30 =	smul.u32 $0x66666667, s30;
	_ =	sdelay $0x1  }
0x164: {  	s26 =	sadd.s32 s30, s26  }
0x165: {  	s30 =	sshrl.u32 s26, $0x1F;
	s26 =	sshrl.u32 s26, $0x2  }
0x166: {  	s26 =	sadd.s32 s30, s26  }
0x167: {  	p1 =	sne.s32 s29, $0x1;
	s26 =	smul.u32 $0xA, s26  }
.Ltmp14:
0x168: {  	_ = 	snop;
	(pc) =	sbr.rel @!p1 .LBB2_19-.Ltmp14, $4  }
0x169: {  	s29 =	sadd.s32 $0xFFFFFFFF, s29;
	s30 =	sshll.u32 s28, $0x8;
	s26 =	ssub.s32 s0, s26  }
0x16a: {  	s31 =	sshra.s32 s30, $0x2;
	s30 =	sshll.u32 s28, $0x2;
	s0 =	sshll.u32 s26, $0xF  }
0x16b: {  	p0 =	por $0x0, $0x0;
	s30 =	sshra.s32 s30, $0x2;
	s0 =	sshra.s32 s0, $0x2  }
0x16c: {  	s28 =	sadd.s32 $0x14220, s31;
	s26 =	sor.u32 $0x200, s0;
	s0 =	sld [smem:s30+$0x0]  }
0x16d: {  	_ =	sdelay $0x1  }
0x16e: {  	s0 =	sand.u32 $0x7F, s0  }
0x16f: {  	v4 =	vor.u32 s0, v0;
	_ =	sdelay $0x4  }
0x170: {  	v4 =	vld.idx.msk [tilespmem:v4+s26+$0x0], $0xffff  }
0x171: {  	v5 =	vor.u32 s0, v1;
	_ =	sdelay $0x3  }
0x172: {  	[tilespmem:s28+$0xFFFFFFE0] =	vst v4  }
0x173: {  	v4 =	vld.idx.msk [tilespmem:v5+s26+$0x0], $0xffff  }
0x174: {  	v5 =	vor.u32 s0, v2;
	_ =	sdelay $0x3  }
0x175: {  	p1 =	sne.s32 s29, $0x1;
	[tilespmem:s28+$0xFFFFFFF0] =	vst v4  }
.Ltmp15:
0x176: {  	v4 =	vld.idx.msk [tilespmem:v5+s26+$0x0], $0xffff;
	(pc) =	sbr.rel @!p1 .LBB2_21-.Ltmp15, $3  }
0x177: {  	v5 =	vor.u32 s0, v3;
	_ =	sdelay $0x1  }
0x178: {  	s30 =	sadd.s32 $0x1, s30;
	s31 =	sadd.s32 $0xFFFFFFFF, s29  }
0x179: {  	p0 =	por $0x1, $0x1;
	s29 =	smov.u32 s28;
	s0 =	sld [smem:s30+$0x0]  }
.LBB2_22:
0x17a: {  	p1 =	sne.s32 s31, $0x1;
	[tilespmem:s29+$0x0] =	vst v4  }
0x17b: {  	v4 =	vld.idx.msk [tilespmem:v5+s26+$0x0], $0xffff  }
0x17c: {  	s0 =	sand.u32 $0x7F, s0  }
0x17d: {  	v5 =	vor.u32 s0, v0;
	_ =	sdelay $0x3  }
0x17e: {  	[tilespmem:s29+$0x10] =	vst v4  }
0x17f: {  	v4 =	vld.idx.msk [tilespmem:v5+s26+$0x0], $0xffff;
	_ =	sdelay $0x1  }
0x180: {  	v5 =	vor.u32 s0, v1;
	_ =	sdelay $0x2  }
0x181: {  	s29 =	sadd.s32 $0x40, s29  }
0x182: {  	[tilespmem:s29+$0xFFFFFFE0] =	vst v4  }
0x183: {  	v4 =	vld.idx.msk [tilespmem:v5+s26+$0x0], $0xffff;
	_ =	sdelay $0x1  }
0x184: {  	v5 =	vor.u32 s0, v2;
	_ =	sdelay $0x3  }
0x185: {  	[tilespmem:s29+$0xFFFFFFF0] =	vst v4  }
0x186: {  	v4 =	vld.idx.msk [tilespmem:v5+s26+$0x0], $0xffff  }
.Ltmp16:
0x187: {  	(pc) =	sbr.rel @p1 .LBB2_22-.Ltmp16, $3  }
0x188: {  	v5 =	vor.u32 s0, v3;
	_ =	sdelay $0x1  }
0x189: {  	s30 =	sadd.s32 $0x1, s30  }
0x18a: {  	s31 =	sadd.s32 $0xFFFFFFFF, s31;
	s0 =	sld [smem:s30+$0x0]  }
.LBB2_23:
0x18b: {  	_ =	sdelay $0x2  }
0x18c: {  	[tilespmem:s29+$0x0] =	vst @p0 v4  }
0x18d: {  	v4 =	vld.idx.msk @p0 [tilespmem:v5+s26+$0x0], $0xffff;
	s0 =	sand.u32 $0x7F, s0  }
0x18e: {  	v5 =	vor.u32 s0, v0;
	_ =	sdelay $0x3  }
0x18f: {  	[tilespmem:s29+$0x10] =	vst @p0 v4  }
0x190: {  	v4 =	vld.idx.msk [tilespmem:v5+s26+$0x0], $0xffff  }
0x191: {  	v5 =	vor.u32 s0, v1;
	_ =	sdelay $0x1  }
0x192: {  	s29 =	sadd.s32 @p0 $0x40, s29  }
0x193: {  	s28 =	smov.u32 @p0 s29  }
0x194: {  	[tilespmem:s28+$0xFFFFFFE0] =	vst v4  }
0x195: {  	v4 =	vld.idx.msk [tilespmem:v5+s26+$0x0], $0xffff  }
0x196: {  	v5 =	vor.u32 s0, v2;
	_ =	sdelay $0x3  }
0x197: {  	[tilespmem:s28+$0xFFFFFFF0] =	vst v4  }
0x198: {  	v4 =	vld.idx.msk [tilespmem:v5+s26+$0x0], $0xffff  }
0x199: {  	v5 =	vor.u32 s0, v3;
	_ =	sdelay $0x3  }
0x19a: {  	[tilespmem:s28+$0x0] =	vst v4  }
0x19b: {  	v4 =	vld.idx.msk [tilespmem:v5+s26+$0x0], $0xffff;
	_ =	sdelay $0x4  }
0x19c: {  	[tilespmem:s28+$0x10] =	vst v4  }
.LBB2_24:
0x19d: {  	s0 =	sadd.s32 $0xB, s25  }
0x19e: {  	p0 =	sge.s32 s0, s22  }
0x19f: {  	s26 =	smulhi.u32 @!p0 $0x66666667, s0;
	s28 =	sshra.s32 @!p0 s0, $0x1F  }
0x1a0: {  	s28 =	smul.u32 @!p0 $0x66666667, s28;
	_ =	sdelay $0x1  }
0x1a1: {  	s26 =	sadd.s32 @!p0 s28, s26  }
0x1a2: {  	s28 =	sshrl.u32 @!p0 s26, $0x1F;
	s26 =	sshrl.u32 @!p0 s26, $0x2  }
0x1a3: {  	s26 =	sadd.s32 @!p0 s28, s26  }
0x1a4: {  	s28 =	sld @!p0 [smem:s0+$0x200];
	s26 =	smul.u32 @!p0 $0xA, s26  }
0x1a5: {  	_ = 	snop  }
0x1a6: {  	s0 =	ssub.s32 @!p0 s0, s26  }
0x1a7: {  	s26 =	sshll.u32 @!p0 s28, $0x7;
	s0 =	sshll.u32 @!p0 s0, $0xF  }
0x1a8: {  	s29 =	simm.s32 @!p0 $0x7A1400;
	s26 =	sand.u32 @!p0 $0x1FFFFF80, s26;
	s0 =	sshra.s32 @!p0 s0, $0x2  }
0x1a9: {  	s28 =	simm.s32 @!p0 $0x400;
	s26 =	sadd.s32 @!p0 s1, s26;
	s0 =	sor.u32 @!p0 $0x200, s0  }
0x1aa: {  	[tilespmem:s0], [sflag:$0x2] =	stream.strided.gather @!p0 [hbm4b:s26+s28], $0x2000, s29, s28, $0x38;
	[tilespmem:$0x1C200] =	vst v63  }
.LBB2_25:
0x1ab: {  	s0 =	sadd.s32 $0x2, s25  }
0x1ac: {  	p0 =	sge.s32 s0, s22  }
.Ltmp17:
0x1ad: {  	_ = 	snop;
	(pc) =	sbr.rel @p0 .LBB2_34-.Ltmp17, $1  }
0x1ae: {  	_ =	sdelay $0x3  }
0x1af: {  	_ =	swait.ge [sflag:s11], $0x2000  }
0x1b0: {  	[sflag:s11] =	ssyncset.done $0x0  }
0x1b1: {  	[sflag:s11] =	ssyncadd.s32 $0xFFFFE000  }
0x1b2: {  	s28 =	sld [smem:s0+$0x400]  }
0x1b3: {  	s26 =	sld [smem:s25+$0x403];
	_ =	sdelay $0x2  }
0x1b4: {  	s29 =	ssub.s32 s26, s28  }
0x1b5: {  	p0 =	slt.s32 s29, $0x1  }
.Ltmp18:
0x1b6: {  	_ = 	snop;
	(pc) =	sbr.rel @p0 .LBB2_33-.Ltmp18, $1  }
0x1b7: {  	_ =	sdelay $0x3  }
0x1b8: {  	s26 =	smulhi.u32 $0x66666667, s0;
	s30 =	sshra.s32 s0, $0x1F  }
0x1b9: {  	s30 =	smul.u32 $0x66666667, s30;
	_ =	sdelay $0x1  }
0x1ba: {  	s26 =	sadd.s32 s30, s26  }
0x1bb: {  	s30 =	sshrl.u32 s26, $0x1F;
	s26 =	sshrl.u32 s26, $0x2  }
0x1bc: {  	s26 =	sadd.s32 s30, s26  }
0x1bd: {  	p1 =	sne.s32 s29, $0x1;
	s26 =	smul.u32 $0xA, s26  }
.Ltmp19:
0x1be: {  	_ = 	snop;
	(pc) =	sbr.rel @!p1 .LBB2_28-.Ltmp19, $4  }
0x1bf: {  	s29 =	sadd.s32 $0xFFFFFFFF, s29;
	s30 =	sshll.u32 s28, $0x8;
	s26 =	ssub.s32 s0, s26  }
0x1c0: {  	s31 =	sshra.s32 s30, $0x2;
	s30 =	sshll.u32 s28, $0x2;
	s0 =	sshll.u32 s26, $0xF  }
0x1c1: {  	p0 =	por $0x0, $0x0;
	s30 =	sshra.s32 s30, $0x2;
	s0 =	sshra.s32 s0, $0x2  }
0x1c2: {  	s28 =	sadd.s32 $0x14220, s31;
	s26 =	sor.u32 $0x200, s0;
	s0 =	sld [smem:s30+$0x0]  }
0x1c3: {  	_ =	sdelay $0x1  }
0x1c4: {  	s0 =	sand.u32 $0x7F, s0  }
0x1c5: {  	v4 =	vor.u32 s0, v0;
	_ =	sdelay $0x4  }
0x1c6: {  	v4 =	vld.idx.msk [tilespmem:v4+s26+$0x0], $0xffff  }
0x1c7: {  	v5 =	vor.u32 s0, v1;
	_ =	sdelay $0x3  }
0x1c8: {  	[tilespmem:s28+$0xFFFFFFE0] =	vst v4  }
0x1c9: {  	v4 =	vld.idx.msk [tilespmem:v5+s26+$0x0], $0xffff  }
0x1ca: {  	v5 =	vor.u32 s0, v2;
	_ =	sdelay $0x3  }
0x1cb: {  	p1 =	sne.s32 s29, $0x1;
	[tilespmem:s28+$0xFFFFFFF0] =	vst v4  }
.Ltmp20:
0x1cc: {  	v4 =	vld.idx.msk [tilespmem:v5+s26+$0x0], $0xffff;
	(pc) =	sbr.rel @!p1 .LBB2_30-.Ltmp20, $3  }
0x1cd: {  	v5 =	vor.u32 s0, v3;
	_ =	sdelay $0x1  }
0x1ce: {  	s30 =	sadd.s32 $0x1, s30;
	s31 =	sadd.s32 $0xFFFFFFFF, s29  }
0x1cf: {  	p0 =	por $0x1, $0x1;
	s29 =	smov.u32 s28;
	s0 =	sld [smem:s30+$0x0]  }
.LBB2_31:
0x1d0: {  	p1 =	sne.s32 s31, $0x1;
	[tilespmem:s29+$0x0] =	vst v4  }
0x1d1: {  	v4 =	vld.idx.msk [tilespmem:v5+s26+$0x0], $0xffff  }
0x1d2: {  	s0 =	sand.u32 $0x7F, s0  }
0x1d3: {  	v5 =	vor.u32 s0, v0;
	_ =	sdelay $0x3  }
0x1d4: {  	[tilespmem:s29+$0x10] =	vst v4  }
0x1d5: {  	v4 =	vld.idx.msk [tilespmem:v5+s26+$0x0], $0xffff;
	_ =	sdelay $0x1  }
0x1d6: {  	v5 =	vor.u32 s0, v1;
	_ =	sdelay $0x2  }
0x1d7: {  	s29 =	sadd.s32 $0x40, s29  }
0x1d8: {  	[tilespmem:s29+$0xFFFFFFE0] =	vst v4  }
0x1d9: {  	v4 =	vld.idx.msk [tilespmem:v5+s26+$0x0], $0xffff;
	_ =	sdelay $0x1  }
0x1da: {  	v5 =	vor.u32 s0, v2;
	_ =	sdelay $0x3  }
0x1db: {  	[tilespmem:s29+$0xFFFFFFF0] =	vst v4  }
0x1dc: {  	v4 =	vld.idx.msk [tilespmem:v5+s26+$0x0], $0xffff  }
.Ltmp21:
0x1dd: {  	(pc) =	sbr.rel @p1 .LBB2_31-.Ltmp21, $3  }
0x1de: {  	v5 =	vor.u32 s0, v3;
	_ =	sdelay $0x1  }
0x1df: {  	s30 =	sadd.s32 $0x1, s30  }
0x1e0: {  	s31 =	sadd.s32 $0xFFFFFFFF, s31;
	s0 =	sld [smem:s30+$0x0]  }
.LBB2_32:
0x1e1: {  	_ =	sdelay $0x2  }
0x1e2: {  	[tilespmem:s29+$0x0] =	vst @p0 v4  }
0x1e3: {  	v4 =	vld.idx.msk @p0 [tilespmem:v5+s26+$0x0], $0xffff;
	s0 =	sand.u32 $0x7F, s0  }
0x1e4: {  	v5 =	vor.u32 s0, v0;
	_ =	sdelay $0x3  }
0x1e5: {  	[tilespmem:s29+$0x10] =	vst @p0 v4  }
0x1e6: {  	v4 =	vld.idx.msk [tilespmem:v5+s26+$0x0], $0xffff  }
0x1e7: {  	v5 =	vor.u32 s0, v1;
	_ =	sdelay $0x1  }
0x1e8: {  	s29 =	sadd.s32 @p0 $0x40, s29  }
0x1e9: {  	s28 =	smov.u32 @p0 s29  }
0x1ea: {  	[tilespmem:s28+$0xFFFFFFE0] =	vst v4  }
0x1eb: {  	v4 =	vld.idx.msk [tilespmem:v5+s26+$0x0], $0xffff  }
0x1ec: {  	v5 =	vor.u32 s0, v2;
	_ =	sdelay $0x3  }
0x1ed: {  	[tilespmem:s28+$0xFFFFFFF0] =	vst v4  }
0x1ee: {  	v4 =	vld.idx.msk [tilespmem:v5+s26+$0x0], $0xffff  }
0x1ef: {  	v5 =	vor.u32 s0, v3;
	_ =	sdelay $0x3  }
0x1f0: {  	[tilespmem:s28+$0x0] =	vst v4  }
0x1f1: {  	v4 =	vld.idx.msk [tilespmem:v5+s26+$0x0], $0xffff;
	_ =	sdelay $0x4  }
0x1f2: {  	[tilespmem:s28+$0x10] =	vst v4  }
.LBB2_33:
0x1f3: {  	s0 =	sadd.s32 $0xC, s25  }
0x1f4: {  	p0 =	sge.s32 s0, s22  }
0x1f5: {  	s26 =	smulhi.u32 @!p0 $0x66666667, s0;
	s28 =	sshra.s32 @!p0 s0, $0x1F  }
0x1f6: {  	s28 =	smul.u32 @!p0 $0x66666667, s28;
	_ =	sdelay $0x1  }
0x1f7: {  	s26 =	sadd.s32 @!p0 s28, s26  }
0x1f8: {  	s28 =	sshrl.u32 @!p0 s26, $0x1F;
	s26 =	sshrl.u32 @!p0 s26, $0x2  }
0x1f9: {  	s26 =	sadd.s32 @!p0 s28, s26  }
0x1fa: {  	s28 =	sld @!p0 [smem:s0+$0x200];
	s26 =	smul.u32 @!p0 $0xA, s26  }
0x1fb: {  	_ = 	snop  }
0x1fc: {  	s0 =	ssub.s32 @!p0 s0, s26  }
0x1fd: {  	s26 =	sshll.u32 @!p0 s28, $0x7;
	s0 =	sshll.u32 @!p0 s0, $0xF  }
0x1fe: {  	s29 =	simm.s32 @!p0 $0x7A1400;
	s26 =	sand.u32 @!p0 $0x1FFFFF80, s26;
	s0 =	sshra.s32 @!p0 s0, $0x2  }
0x1ff: {  	s28 =	simm.s32 @!p0 $0x400;
	s26 =	sadd.s32 @!p0 s1, s26;
	s0 =	sor.u32 @!p0 $0x200, s0  }
0x200: {  	[tilespmem:s0], [sflag:$0x3] =	stream.strided.gather @!p0 [hbm4b:s26+s28], $0x2000, s29, s28, $0x38;
	[tilespmem:$0x1C200] =	vst v63  }
.LBB2_34:
0x201: {  	s0 =	sadd.s32 $0x3, s25  }
0x202: {  	p0 =	sge.s32 s0, s22  }
.Ltmp22:
0x203: {  	_ = 	snop;
	(pc) =	sbr.rel @p0 .LBB2_43-.Ltmp22, $1  }
0x204: {  	_ =	sdelay $0x3  }
0x205: {  	_ =	swait.ge [sflag:s12], $0x2000  }
0x206: {  	[sflag:s12] =	ssyncset.done $0x0  }
0x207: {  	[sflag:s12] =	ssyncadd.s32 $0xFFFFE000  }
0x208: {  	s28 =	sld [smem:s0+$0x400]  }
0x209: {  	s26 =	sld [smem:s25+$0x404];
	_ =	sdelay $0x2  }
0x20a: {  	s29 =	ssub.s32 s26, s28  }
0x20b: {  	p0 =	slt.s32 s29, $0x1  }
.Ltmp23:
0x20c: {  	_ = 	snop;
	(pc) =	sbr.rel @p0 .LBB2_42-.Ltmp23, $1  }
0x20d: {  	_ =	sdelay $0x3  }
0x20e: {  	s26 =	smulhi.u32 $0x66666667, s0;
	s30 =	sshra.s32 s0, $0x1F  }
0x20f: {  	s30 =	smul.u32 $0x66666667, s30;
	_ =	sdelay $0x1  }
0x210: {  	s26 =	sadd.s32 s30, s26  }
0x211: {  	s30 =	sshrl.u32 s26, $0x1F;
	s26 =	sshrl.u32 s26, $0x2  }
0x212: {  	s26 =	sadd.s32 s30, s26  }
0x213: {  	p1 =	sne.s32 s29, $0x1;
	s26 =	smul.u32 $0xA, s26  }
.Ltmp24:
0x214: {  	_ = 	snop;
	(pc) =	sbr.rel @!p1 .LBB2_37-.Ltmp24, $4  }
0x215: {  	s29 =	sadd.s32 $0xFFFFFFFF, s29;
	s30 =	sshll.u32 s28, $0x8;
	s26 =	ssub.s32 s0, s26  }
0x216: {  	s31 =	sshra.s32 s30, $0x2;
	s30 =	sshll.u32 s28, $0x2;
	s0 =	sshll.u32 s26, $0xF  }
0x217: {  	p0 =	por $0x0, $0x0;
	s30 =	sshra.s32 s30, $0x2;
	s0 =	sshra.s32 s0, $0x2  }
0x218: {  	s28 =	sadd.s32 $0x14220, s31;
	s26 =	sor.u32 $0x200, s0;
	s0 =	sld [smem:s30+$0x0]  }
0x219: {  	_ =	sdelay $0x1  }
0x21a: {  	s0 =	sand.u32 $0x7F, s0  }
0x21b: {  	v4 =	vor.u32 s0, v0;
	_ =	sdelay $0x4  }
0x21c: {  	v4 =	vld.idx.msk [tilespmem:v4+s26+$0x0], $0xffff  }
0x21d: {  	v5 =	vor.u32 s0, v1;
	_ =	sdelay $0x3  }
0x21e: {  	[tilespmem:s28+$0xFFFFFFE0] =	vst v4  }
0x21f: {  	v4 =	vld.idx.msk [tilespmem:v5+s26+$0x0], $0xffff  }
0x220: {  	v5 =	vor.u32 s0, v2;
	_ =	sdelay $0x3  }
0x221: {  	p1 =	sne.s32 s29, $0x1;
	[tilespmem:s28+$0xFFFFFFF0] =	vst v4  }
.Ltmp25:
0x222: {  	v4 =	vld.idx.msk [tilespmem:v5+s26+$0x0], $0xffff;
	(pc) =	sbr.rel @!p1 .LBB2_39-.Ltmp25, $3  }
0x223: {  	v5 =	vor.u32 s0, v3;
	_ =	sdelay $0x1  }
0x224: {  	s30 =	sadd.s32 $0x1, s30;
	s31 =	sadd.s32 $0xFFFFFFFF, s29  }
0x225: {  	p0 =	por $0x1, $0x1;
	s29 =	smov.u32 s28;
	s0 =	sld [smem:s30+$0x0]  }
.LBB2_40:
0x226: {  	p1 =	sne.s32 s31, $0x1;
	[tilespmem:s29+$0x0] =	vst v4  }
0x227: {  	v4 =	vld.idx.msk [tilespmem:v5+s26+$0x0], $0xffff  }
0x228: {  	s0 =	sand.u32 $0x7F, s0  }
0x229: {  	v5 =	vor.u32 s0, v0;
	_ =	sdelay $0x3  }
0x22a: {  	[tilespmem:s29+$0x10] =	vst v4  }
0x22b: {  	v4 =	vld.idx.msk [tilespmem:v5+s26+$0x0], $0xffff;
	_ =	sdelay $0x1  }
0x22c: {  	v5 =	vor.u32 s0, v1;
	_ =	sdelay $0x2  }
0x22d: {  	s29 =	sadd.s32 $0x40, s29  }
0x22e: {  	[tilespmem:s29+$0xFFFFFFE0] =	vst v4  }
0x22f: {  	v4 =	vld.idx.msk [tilespmem:v5+s26+$0x0], $0xffff;
	_ =	sdelay $0x1  }
0x230: {  	v5 =	vor.u32 s0, v2;
	_ =	sdelay $0x3  }
0x231: {  	[tilespmem:s29+$0xFFFFFFF0] =	vst v4  }
0x232: {  	v4 =	vld.idx.msk [tilespmem:v5+s26+$0x0], $0xffff  }
.Ltmp26:
0x233: {  	(pc) =	sbr.rel @p1 .LBB2_40-.Ltmp26, $3  }
0x234: {  	v5 =	vor.u32 s0, v3;
	_ =	sdelay $0x1  }
0x235: {  	s30 =	sadd.s32 $0x1, s30  }
0x236: {  	s31 =	sadd.s32 $0xFFFFFFFF, s31;
	s0 =	sld [smem:s30+$0x0]  }
.LBB2_41:
0x237: {  	_ =	sdelay $0x2  }
0x238: {  	[tilespmem:s29+$0x0] =	vst @p0 v4  }
0x239: {  	v4 =	vld.idx.msk @p0 [tilespmem:v5+s26+$0x0], $0xffff;
	s0 =	sand.u32 $0x7F, s0  }
0x23a: {  	v5 =	vor.u32 s0, v0;
	_ =	sdelay $0x3  }
0x23b: {  	[tilespmem:s29+$0x10] =	vst @p0 v4  }
0x23c: {  	v4 =	vld.idx.msk [tilespmem:v5+s26+$0x0], $0xffff  }
0x23d: {  	v5 =	vor.u32 s0, v1;
	_ =	sdelay $0x1  }
0x23e: {  	s29 =	sadd.s32 @p0 $0x40, s29  }
0x23f: {  	s28 =	smov.u32 @p0 s29  }
0x240: {  	[tilespmem:s28+$0xFFFFFFE0] =	vst v4  }
0x241: {  	v4 =	vld.idx.msk [tilespmem:v5+s26+$0x0], $0xffff  }
0x242: {  	v5 =	vor.u32 s0, v2;
	_ =	sdelay $0x3  }
0x243: {  	[tilespmem:s28+$0xFFFFFFF0] =	vst v4  }
0x244: {  	v4 =	vld.idx.msk [tilespmem:v5+s26+$0x0], $0xffff  }
0x245: {  	v5 =	vor.u32 s0, v3;
	_ =	sdelay $0x3  }
0x246: {  	[tilespmem:s28+$0x0] =	vst v4  }
0x247: {  	v4 =	vld.idx.msk [tilespmem:v5+s26+$0x0], $0xffff;
	_ =	sdelay $0x4  }
0x248: {  	[tilespmem:s28+$0x10] =	vst v4  }
.LBB2_42:
0x249: {  	s0 =	sadd.s32 $0xD, s25  }
0x24a: {  	p0 =	sge.s32 s0, s22  }
0x24b: {  	s26 =	smulhi.u32 @!p0 $0x66666667, s0;
	s28 =	sshra.s32 @!p0 s0, $0x1F  }
0x24c: {  	s28 =	smul.u32 @!p0 $0x66666667, s28;
	_ =	sdelay $0x1  }
0x24d: {  	s26 =	sadd.s32 @!p0 s28, s26  }
0x24e: {  	s28 =	sshrl.u32 @!p0 s26, $0x1F;
	s26 =	sshrl.u32 @!p0 s26, $0x2  }
0x24f: {  	s26 =	sadd.s32 @!p0 s28, s26  }
0x250: {  	s28 =	sld @!p0 [smem:s0+$0x200];
	s26 =	smul.u32 @!p0 $0xA, s26  }
0x251: {  	_ = 	snop  }
0x252: {  	s0 =	ssub.s32 @!p0 s0, s26  }
0x253: {  	s26 =	sshll.u32 @!p0 s28, $0x7;
	s0 =	sshll.u32 @!p0 s0, $0xF  }
0x254: {  	s29 =	simm.s32 @!p0 $0x7A1400;
	s26 =	sand.u32 @!p0 $0x1FFFFF80, s26;
	s0 =	sshra.s32 @!p0 s0, $0x2  }
0x255: {  	s28 =	simm.s32 @!p0 $0x400;
	s26 =	sadd.s32 @!p0 s1, s26;
	s0 =	sor.u32 @!p0 $0x200, s0  }
0x256: {  	[tilespmem:s0], [sflag:$0x4] =	stream.strided.gather @!p0 [hbm4b:s26+s28], $0x2000, s29, s28, $0x38;
	[tilespmem:$0x1C200] =	vst v63  }
.LBB2_43:
0x257: {  	s0 =	sadd.s32 $0x4, s25  }
0x258: {  	p0 =	sge.s32 s0, s22  }
.Ltmp27:
0x259: {  	_ = 	snop;
	(pc) =	sbr.rel @p0 .LBB2_52-.Ltmp27, $1  }
0x25a: {  	_ =	sdelay $0x3  }
0x25b: {  	_ =	swait.ge [sflag:s13], $0x2000  }
0x25c: {  	[sflag:s13] =	ssyncset.done $0x0  }
0x25d: {  	[sflag:s13] =	ssyncadd.s32 $0xFFFFE000  }
0x25e: {  	s28 =	sld [smem:s0+$0x400]  }
0x25f: {  	s26 =	sld [smem:s25+$0x405];
	_ =	sdelay $0x2  }
0x260: {  	s29 =	ssub.s32 s26, s28  }
0x261: {  	p0 =	slt.s32 s29, $0x1  }
.Ltmp28:
0x262: {  	_ = 	snop;
	(pc) =	sbr.rel @p0 .LBB2_51-.Ltmp28, $1  }
0x263: {  	_ =	sdelay $0x3  }
0x264: {  	s26 =	smulhi.u32 $0x66666667, s0;
	s30 =	sshra.s32 s0, $0x1F  }
0x265: {  	s30 =	smul.u32 $0x66666667, s30;
	_ =	sdelay $0x1  }
0x266: {  	s26 =	sadd.s32 s30, s26  }
0x267: {  	s30 =	sshrl.u32 s26, $0x1F;
	s26 =	sshrl.u32 s26, $0x2  }
0x268: {  	s26 =	sadd.s32 s30, s26  }
0x269: {  	p1 =	sne.s32 s29, $0x1;
	s26 =	smul.u32 $0xA, s26  }
.Ltmp29:
0x26a: {  	_ = 	snop;
	(pc) =	sbr.rel @!p1 .LBB2_46-.Ltmp29, $4  }
0x26b: {  	s29 =	sadd.s32 $0xFFFFFFFF, s29;
	s30 =	sshll.u32 s28, $0x8;
	s26 =	ssub.s32 s0, s26  }
0x26c: {  	s31 =	sshra.s32 s30, $0x2;
	s30 =	sshll.u32 s28, $0x2;
	s0 =	sshll.u32 s26, $0xF  }
0x26d: {  	p0 =	por $0x0, $0x0;
	s30 =	sshra.s32 s30, $0x2;
	s0 =	sshra.s32 s0, $0x2  }
0x26e: {  	s28 =	sadd.s32 $0x14220, s31;
	s26 =	sor.u32 $0x200, s0;
	s0 =	sld [smem:s30+$0x0]  }
0x26f: {  	_ =	sdelay $0x1  }
0x270: {  	s0 =	sand.u32 $0x7F, s0  }
0x271: {  	v4 =	vor.u32 s0, v0;
	_ =	sdelay $0x4  }
0x272: {  	v4 =	vld.idx.msk [tilespmem:v4+s26+$0x0], $0xffff  }
0x273: {  	v5 =	vor.u32 s0, v1;
	_ =	sdelay $0x3  }
0x274: {  	[tilespmem:s28+$0xFFFFFFE0] =	vst v4  }
0x275: {  	v4 =	vld.idx.msk [tilespmem:v5+s26+$0x0], $0xffff  }
0x276: {  	v5 =	vor.u32 s0, v2;
	_ =	sdelay $0x3  }
0x277: {  	p1 =	sne.s32 s29, $0x1;
	[tilespmem:s28+$0xFFFFFFF0] =	vst v4  }
.Ltmp30:
0x278: {  	v4 =	vld.idx.msk [tilespmem:v5+s26+$0x0], $0xffff;
	(pc) =	sbr.rel @!p1 .LBB2_48-.Ltmp30, $3  }
0x279: {  	v5 =	vor.u32 s0, v3;
	_ =	sdelay $0x1  }
0x27a: {  	s30 =	sadd.s32 $0x1, s30;
	s31 =	sadd.s32 $0xFFFFFFFF, s29  }
0x27b: {  	p0 =	por $0x1, $0x1;
	s29 =	smov.u32 s28;
	s0 =	sld [smem:s30+$0x0]  }
.LBB2_49:
0x27c: {  	p1 =	sne.s32 s31, $0x1;
	[tilespmem:s29+$0x0] =	vst v4  }
0x27d: {  	v4 =	vld.idx.msk [tilespmem:v5+s26+$0x0], $0xffff  }
0x27e: {  	s0 =	sand.u32 $0x7F, s0  }
0x27f: {  	v5 =	vor.u32 s0, v0;
	_ =	sdelay $0x3  }
0x280: {  	[tilespmem:s29+$0x10] =	vst v4  }
0x281: {  	v4 =	vld.idx.msk [tilespmem:v5+s26+$0x0], $0xffff;
	_ =	sdelay $0x1  }
0x282: {  	v5 =	vor.u32 s0, v1;
	_ =	sdelay $0x2  }
0x283: {  	s29 =	sadd.s32 $0x40, s29  }
0x284: {  	[tilespmem:s29+$0xFFFFFFE0] =	vst v4  }
0x285: {  	v4 =	vld.idx.msk [tilespmem:v5+s26+$0x0], $0xffff;
	_ =	sdelay $0x1  }
0x286: {  	v5 =	vor.u32 s0, v2;
	_ =	sdelay $0x3  }
0x287: {  	[tilespmem:s29+$0xFFFFFFF0] =	vst v4  }
0x288: {  	v4 =	vld.idx.msk [tilespmem:v5+s26+$0x0], $0xffff  }
.Ltmp31:
0x289: {  	(pc) =	sbr.rel @p1 .LBB2_49-.Ltmp31, $3  }
0x28a: {  	v5 =	vor.u32 s0, v3;
	_ =	sdelay $0x1  }
0x28b: {  	s30 =	sadd.s32 $0x1, s30  }
0x28c: {  	s31 =	sadd.s32 $0xFFFFFFFF, s31;
	s0 =	sld [smem:s30+$0x0]  }
.LBB2_50:
0x28d: {  	_ =	sdelay $0x2  }
0x28e: {  	[tilespmem:s29+$0x0] =	vst @p0 v4  }
0x28f: {  	v4 =	vld.idx.msk @p0 [tilespmem:v5+s26+$0x0], $0xffff;
	s0 =	sand.u32 $0x7F, s0  }
0x290: {  	v5 =	vor.u32 s0, v0;
	_ =	sdelay $0x3  }
0x291: {  	[tilespmem:s29+$0x10] =	vst @p0 v4  }
0x292: {  	v4 =	vld.idx.msk [tilespmem:v5+s26+$0x0], $0xffff  }
0x293: {  	v5 =	vor.u32 s0, v1;
	_ =	sdelay $0x1  }
0x294: {  	s29 =	sadd.s32 @p0 $0x40, s29  }
0x295: {  	s28 =	smov.u32 @p0 s29  }
0x296: {  	[tilespmem:s28+$0xFFFFFFE0] =	vst v4  }
0x297: {  	v4 =	vld.idx.msk [tilespmem:v5+s26+$0x0], $0xffff  }
0x298: {  	v5 =	vor.u32 s0, v2;
	_ =	sdelay $0x3  }
0x299: {  	[tilespmem:s28+$0xFFFFFFF0] =	vst v4  }
0x29a: {  	v4 =	vld.idx.msk [tilespmem:v5+s26+$0x0], $0xffff  }
0x29b: {  	v5 =	vor.u32 s0, v3;
	_ =	sdelay $0x3  }
0x29c: {  	[tilespmem:s28+$0x0] =	vst v4  }
0x29d: {  	v4 =	vld.idx.msk [tilespmem:v5+s26+$0x0], $0xffff;
	_ =	sdelay $0x4  }
0x29e: {  	[tilespmem:s28+$0x10] =	vst v4  }
.LBB2_51:
0x29f: {  	s0 =	sadd.s32 $0xE, s25  }
0x2a0: {  	p0 =	sge.s32 s0, s22  }
0x2a1: {  	s26 =	smulhi.u32 @!p0 $0x66666667, s0;
	s28 =	sshra.s32 @!p0 s0, $0x1F  }
0x2a2: {  	s28 =	smul.u32 @!p0 $0x66666667, s28;
	_ =	sdelay $0x1  }
0x2a3: {  	s26 =	sadd.s32 @!p0 s28, s26  }
0x2a4: {  	s28 =	sshrl.u32 @!p0 s26, $0x1F;
	s26 =	sshrl.u32 @!p0 s26, $0x2  }
0x2a5: {  	s26 =	sadd.s32 @!p0 s28, s26  }
0x2a6: {  	s28 =	sld @!p0 [smem:s0+$0x200];
	s26 =	smul.u32 @!p0 $0xA, s26  }
0x2a7: {  	_ = 	snop  }
0x2a8: {  	s0 =	ssub.s32 @!p0 s0, s26  }
0x2a9: {  	s26 =	sshll.u32 @!p0 s28, $0x7;
	s0 =	sshll.u32 @!p0 s0, $0xF  }
0x2aa: {  	s29 =	simm.s32 @!p0 $0x7A1400;
	s26 =	sand.u32 @!p0 $0x1FFFFF80, s26;
	s0 =	sshra.s32 @!p0 s0, $0x2  }
0x2ab: {  	s28 =	simm.s32 @!p0 $0x400;
	s26 =	sadd.s32 @!p0 s1, s26;
	s0 =	sor.u32 @!p0 $0x200, s0  }
0x2ac: {  	[tilespmem:s0], [sflag:$0x5] =	stream.strided.gather @!p0 [hbm4b:s26+s28], $0x2000, s29, s28, $0x38;
	[tilespmem:$0x1C200] =	vst v63  }
.LBB2_52:
0x2ad: {  	s0 =	sadd.s32 $0x5, s25  }
0x2ae: {  	p0 =	sge.s32 s0, s22  }
.Ltmp32:
0x2af: {  	_ = 	snop;
	(pc) =	sbr.rel @p0 .LBB2_61-.Ltmp32, $1  }
0x2b0: {  	_ =	sdelay $0x3  }
0x2b1: {  	_ =	swait.ge [sflag:s14], $0x2000  }
0x2b2: {  	[sflag:s14] =	ssyncset.done $0x0  }
0x2b3: {  	[sflag:s14] =	ssyncadd.s32 $0xFFFFE000  }
0x2b4: {  	s28 =	sld [smem:s0+$0x400]  }
0x2b5: {  	s26 =	sld [smem:s25+$0x406];
	_ =	sdelay $0x2  }
0x2b6: {  	s29 =	ssub.s32 s26, s28  }
0x2b7: {  	p0 =	slt.s32 s29, $0x1  }
.Ltmp33:
0x2b8: {  	_ = 	snop;
	(pc) =	sbr.rel @p0 .LBB2_60-.Ltmp33, $1  }
0x2b9: {  	_ =	sdelay $0x3  }
0x2ba: {  	s26 =	smulhi.u32 $0x66666667, s0;
	s30 =	sshra.s32 s0, $0x1F  }
0x2bb: {  	s30 =	smul.u32 $0x66666667, s30;
	_ =	sdelay $0x1  }
0x2bc: {  	s26 =	sadd.s32 s30, s26  }
0x2bd: {  	s30 =	sshrl.u32 s26, $0x1F;
	s26 =	sshrl.u32 s26, $0x2  }
0x2be: {  	s26 =	sadd.s32 s30, s26  }
0x2bf: {  	p1 =	sne.s32 s29, $0x1;
	s26 =	smul.u32 $0xA, s26  }
.Ltmp34:
0x2c0: {  	_ = 	snop;
	(pc) =	sbr.rel @!p1 .LBB2_55-.Ltmp34, $4  }
0x2c1: {  	s29 =	sadd.s32 $0xFFFFFFFF, s29;
	s30 =	sshll.u32 s28, $0x8;
	s26 =	ssub.s32 s0, s26  }
0x2c2: {  	s31 =	sshra.s32 s30, $0x2;
	s30 =	sshll.u32 s28, $0x2;
	s0 =	sshll.u32 s26, $0xF  }
0x2c3: {  	p0 =	por $0x0, $0x0;
	s30 =	sshra.s32 s30, $0x2;
	s0 =	sshra.s32 s0, $0x2  }
0x2c4: {  	s28 =	sadd.s32 $0x14220, s31;
	s26 =	sor.u32 $0x200, s0;
	s0 =	sld [smem:s30+$0x0]  }
0x2c5: {  	_ =	sdelay $0x1  }
0x2c6: {  	s0 =	sand.u32 $0x7F, s0  }
0x2c7: {  	v4 =	vor.u32 s0, v0;
	_ =	sdelay $0x4  }
0x2c8: {  	v4 =	vld.idx.msk [tilespmem:v4+s26+$0x0], $0xffff  }
0x2c9: {  	v5 =	vor.u32 s0, v1;
	_ =	sdelay $0x3  }
0x2ca: {  	[tilespmem:s28+$0xFFFFFFE0] =	vst v4  }
0x2cb: {  	v4 =	vld.idx.msk [tilespmem:v5+s26+$0x0], $0xffff  }
0x2cc: {  	v5 =	vor.u32 s0, v2;
	_ =	sdelay $0x3  }
0x2cd: {  	p1 =	sne.s32 s29, $0x1;
	[tilespmem:s28+$0xFFFFFFF0] =	vst v4  }
.Ltmp35:
0x2ce: {  	v4 =	vld.idx.msk [tilespmem:v5+s26+$0x0], $0xffff;
	(pc) =	sbr.rel @!p1 .LBB2_57-.Ltmp35, $3  }
0x2cf: {  	v5 =	vor.u32 s0, v3;
	_ =	sdelay $0x1  }
0x2d0: {  	s30 =	sadd.s32 $0x1, s30;
	s31 =	sadd.s32 $0xFFFFFFFF, s29  }
0x2d1: {  	p0 =	por $0x1, $0x1;
	s29 =	smov.u32 s28;
	s0 =	sld [smem:s30+$0x0]  }
.LBB2_58:
0x2d2: {  	p1 =	sne.s32 s31, $0x1;
	[tilespmem:s29+$0x0] =	vst v4  }
0x2d3: {  	v4 =	vld.idx.msk [tilespmem:v5+s26+$0x0], $0xffff  }
0x2d4: {  	s0 =	sand.u32 $0x7F, s0  }
0x2d5: {  	v5 =	vor.u32 s0, v0;
	_ =	sdelay $0x3  }
0x2d6: {  	[tilespmem:s29+$0x10] =	vst v4  }
0x2d7: {  	v4 =	vld.idx.msk [tilespmem:v5+s26+$0x0], $0xffff;
	_ =	sdelay $0x1  }
0x2d8: {  	v5 =	vor.u32 s0, v1;
	_ =	sdelay $0x2  }
0x2d9: {  	s29 =	sadd.s32 $0x40, s29  }
0x2da: {  	[tilespmem:s29+$0xFFFFFFE0] =	vst v4  }
0x2db: {  	v4 =	vld.idx.msk [tilespmem:v5+s26+$0x0], $0xffff;
	_ =	sdelay $0x1  }
0x2dc: {  	v5 =	vor.u32 s0, v2;
	_ =	sdelay $0x3  }
0x2dd: {  	[tilespmem:s29+$0xFFFFFFF0] =	vst v4  }
0x2de: {  	v4 =	vld.idx.msk [tilespmem:v5+s26+$0x0], $0xffff  }
.Ltmp36:
0x2df: {  	(pc) =	sbr.rel @p1 .LBB2_58-.Ltmp36, $3  }
0x2e0: {  	v5 =	vor.u32 s0, v3;
	_ =	sdelay $0x1  }
0x2e1: {  	s30 =	sadd.s32 $0x1, s30  }
0x2e2: {  	s31 =	sadd.s32 $0xFFFFFFFF, s31;
	s0 =	sld [smem:s30+$0x0]  }
.LBB2_59:
0x2e3: {  	_ =	sdelay $0x2  }
0x2e4: {  	[tilespmem:s29+$0x0] =	vst @p0 v4  }
0x2e5: {  	v4 =	vld.idx.msk @p0 [tilespmem:v5+s26+$0x0], $0xffff;
	s0 =	sand.u32 $0x7F, s0  }
0x2e6: {  	v5 =	vor.u32 s0, v0;
	_ =	sdelay $0x3  }
0x2e7: {  	[tilespmem:s29+$0x10] =	vst @p0 v4  }
0x2e8: {  	v4 =	vld.idx.msk [tilespmem:v5+s26+$0x0], $0xffff  }
0x2e9: {  	v5 =	vor.u32 s0, v1;
	_ =	sdelay $0x1  }
0x2ea: {  	s29 =	sadd.s32 @p0 $0x40, s29  }
0x2eb: {  	s28 =	smov.u32 @p0 s29  }
0x2ec: {  	[tilespmem:s28+$0xFFFFFFE0] =	vst v4  }
0x2ed: {  	v4 =	vld.idx.msk [tilespmem:v5+s26+$0x0], $0xffff  }
0x2ee: {  	v5 =	vor.u32 s0, v2;
	_ =	sdelay $0x3  }
0x2ef: {  	[tilespmem:s28+$0xFFFFFFF0] =	vst v4  }
0x2f0: {  	v4 =	vld.idx.msk [tilespmem:v5+s26+$0x0], $0xffff  }
0x2f1: {  	v5 =	vor.u32 s0, v3;
	_ =	sdelay $0x3  }
0x2f2: {  	[tilespmem:s28+$0x0] =	vst v4  }
0x2f3: {  	v4 =	vld.idx.msk [tilespmem:v5+s26+$0x0], $0xffff;
	_ =	sdelay $0x4  }
0x2f4: {  	[tilespmem:s28+$0x10] =	vst v4  }
.LBB2_60:
0x2f5: {  	s0 =	sadd.s32 $0xF, s25  }
0x2f6: {  	p0 =	sge.s32 s0, s22  }
0x2f7: {  	s26 =	smulhi.u32 @!p0 $0x66666667, s0;
	s28 =	sshra.s32 @!p0 s0, $0x1F  }
0x2f8: {  	s28 =	smul.u32 @!p0 $0x66666667, s28;
	_ =	sdelay $0x1  }
0x2f9: {  	s26 =	sadd.s32 @!p0 s28, s26  }
0x2fa: {  	s28 =	sshrl.u32 @!p0 s26, $0x1F;
	s26 =	sshrl.u32 @!p0 s26, $0x2  }
0x2fb: {  	s26 =	sadd.s32 @!p0 s28, s26  }
0x2fc: {  	s28 =	sld @!p0 [smem:s0+$0x200];
	s26 =	smul.u32 @!p0 $0xA, s26  }
0x2fd: {  	_ = 	snop  }
0x2fe: {  	s0 =	ssub.s32 @!p0 s0, s26  }
0x2ff: {  	s26 =	sshll.u32 @!p0 s28, $0x7;
	s0 =	sshll.u32 @!p0 s0, $0xF  }
0x300: {  	s29 =	simm.s32 @!p0 $0x7A1400;
	s26 =	sand.u32 @!p0 $0x1FFFFF80, s26;
	s0 =	sshra.s32 @!p0 s0, $0x2  }
0x301: {  	s28 =	simm.s32 @!p0 $0x400;
	s26 =	sadd.s32 @!p0 s1, s26;
	s0 =	sor.u32 @!p0 $0x200, s0  }
0x302: {  	[tilespmem:s0], [sflag:$0x6] =	stream.strided.gather @!p0 [hbm4b:s26+s28], $0x2000, s29, s28, $0x38;
	[tilespmem:$0x1C200] =	vst v63  }
.LBB2_61:
0x303: {  	s0 =	sadd.s32 $0x6, s25  }
0x304: {  	p0 =	sge.s32 s0, s22  }
.Ltmp37:
0x305: {  	_ = 	snop;
	(pc) =	sbr.rel @p0 .LBB2_70-.Ltmp37, $1  }
0x306: {  	_ =	sdelay $0x3  }
0x307: {  	_ =	swait.ge [sflag:s15], $0x2000  }
0x308: {  	[sflag:s15] =	ssyncset.done $0x0  }
0x309: {  	[sflag:s15] =	ssyncadd.s32 $0xFFFFE000  }
0x30a: {  	s28 =	sld [smem:s0+$0x400]  }
0x30b: {  	s26 =	sld [smem:s25+$0x407];
	_ =	sdelay $0x2  }
0x30c: {  	s29 =	ssub.s32 s26, s28  }
0x30d: {  	p0 =	slt.s32 s29, $0x1  }
.Ltmp38:
0x30e: {  	_ = 	snop;
	(pc) =	sbr.rel @p0 .LBB2_69-.Ltmp38, $1  }
0x30f: {  	_ =	sdelay $0x3  }
0x310: {  	s26 =	smulhi.u32 $0x66666667, s0;
	s30 =	sshra.s32 s0, $0x1F  }
0x311: {  	s30 =	smul.u32 $0x66666667, s30;
	_ =	sdelay $0x1  }
0x312: {  	s26 =	sadd.s32 s30, s26  }
0x313: {  	s30 =	sshrl.u32 s26, $0x1F;
	s26 =	sshrl.u32 s26, $0x2  }
0x314: {  	s26 =	sadd.s32 s30, s26  }
0x315: {  	p1 =	sne.s32 s29, $0x1;
	s26 =	smul.u32 $0xA, s26  }
.Ltmp39:
0x316: {  	_ = 	snop;
	(pc) =	sbr.rel @!p1 .LBB2_64-.Ltmp39, $4  }
0x317: {  	s29 =	sadd.s32 $0xFFFFFFFF, s29;
	s30 =	sshll.u32 s28, $0x8;
	s26 =	ssub.s32 s0, s26  }
0x318: {  	s31 =	sshra.s32 s30, $0x2;
	s30 =	sshll.u32 s28, $0x2;
	s0 =	sshll.u32 s26, $0xF  }
0x319: {  	p0 =	por $0x0, $0x0;
	s30 =	sshra.s32 s30, $0x2;
	s0 =	sshra.s32 s0, $0x2  }
0x31a: {  	s28 =	sadd.s32 $0x14220, s31;
	s26 =	sor.u32 $0x200, s0;
	s0 =	sld [smem:s30+$0x0]  }
0x31b: {  	_ =	sdelay $0x1  }
0x31c: {  	s0 =	sand.u32 $0x7F, s0  }
0x31d: {  	v4 =	vor.u32 s0, v0;
	_ =	sdelay $0x4  }
0x31e: {  	v4 =	vld.idx.msk [tilespmem:v4+s26+$0x0], $0xffff  }
0x31f: {  	v5 =	vor.u32 s0, v1;
	_ =	sdelay $0x3  }
0x320: {  	[tilespmem:s28+$0xFFFFFFE0] =	vst v4  }
0x321: {  	v4 =	vld.idx.msk [tilespmem:v5+s26+$0x0], $0xffff  }
0x322: {  	v5 =	vor.u32 s0, v2;
	_ =	sdelay $0x3  }
0x323: {  	p1 =	sne.s32 s29, $0x1;
	[tilespmem:s28+$0xFFFFFFF0] =	vst v4  }
.Ltmp40:
0x324: {  	v4 =	vld.idx.msk [tilespmem:v5+s26+$0x0], $0xffff;
	(pc) =	sbr.rel @!p1 .LBB2_66-.Ltmp40, $3  }
0x325: {  	v5 =	vor.u32 s0, v3;
	_ =	sdelay $0x1  }
0x326: {  	s30 =	sadd.s32 $0x1, s30;
	s31 =	sadd.s32 $0xFFFFFFFF, s29  }
0x327: {  	p0 =	por $0x1, $0x1;
	s29 =	smov.u32 s28;
	s0 =	sld [smem:s30+$0x0]  }
.LBB2_67:
0x328: {  	p1 =	sne.s32 s31, $0x1;
	[tilespmem:s29+$0x0] =	vst v4  }
0x329: {  	v4 =	vld.idx.msk [tilespmem:v5+s26+$0x0], $0xffff  }
0x32a: {  	s0 =	sand.u32 $0x7F, s0  }
0x32b: {  	v5 =	vor.u32 s0, v0;
	_ =	sdelay $0x3  }
0x32c: {  	[tilespmem:s29+$0x10] =	vst v4  }
0x32d: {  	v4 =	vld.idx.msk [tilespmem:v5+s26+$0x0], $0xffff;
	_ =	sdelay $0x1  }
0x32e: {  	v5 =	vor.u32 s0, v1;
	_ =	sdelay $0x2  }
0x32f: {  	s29 =	sadd.s32 $0x40, s29  }
0x330: {  	[tilespmem:s29+$0xFFFFFFE0] =	vst v4  }
0x331: {  	v4 =	vld.idx.msk [tilespmem:v5+s26+$0x0], $0xffff;
	_ =	sdelay $0x1  }
0x332: {  	v5 =	vor.u32 s0, v2;
	_ =	sdelay $0x3  }
0x333: {  	[tilespmem:s29+$0xFFFFFFF0] =	vst v4  }
0x334: {  	v4 =	vld.idx.msk [tilespmem:v5+s26+$0x0], $0xffff  }
.Ltmp41:
0x335: {  	(pc) =	sbr.rel @p1 .LBB2_67-.Ltmp41, $3  }
0x336: {  	v5 =	vor.u32 s0, v3;
	_ =	sdelay $0x1  }
0x337: {  	s30 =	sadd.s32 $0x1, s30  }
0x338: {  	s31 =	sadd.s32 $0xFFFFFFFF, s31;
	s0 =	sld [smem:s30+$0x0]  }
.LBB2_68:
0x339: {  	_ =	sdelay $0x2  }
0x33a: {  	[tilespmem:s29+$0x0] =	vst @p0 v4  }
0x33b: {  	v4 =	vld.idx.msk @p0 [tilespmem:v5+s26+$0x0], $0xffff;
	s0 =	sand.u32 $0x7F, s0  }
0x33c: {  	v5 =	vor.u32 s0, v0;
	_ =	sdelay $0x3  }
0x33d: {  	[tilespmem:s29+$0x10] =	vst @p0 v4  }
0x33e: {  	v4 =	vld.idx.msk [tilespmem:v5+s26+$0x0], $0xffff  }
0x33f: {  	v5 =	vor.u32 s0, v1;
	_ =	sdelay $0x1  }
0x340: {  	s29 =	sadd.s32 @p0 $0x40, s29  }
0x341: {  	s28 =	smov.u32 @p0 s29  }
0x342: {  	[tilespmem:s28+$0xFFFFFFE0] =	vst v4  }
0x343: {  	v4 =	vld.idx.msk [tilespmem:v5+s26+$0x0], $0xffff  }
0x344: {  	v5 =	vor.u32 s0, v2;
	_ =	sdelay $0x3  }
0x345: {  	[tilespmem:s28+$0xFFFFFFF0] =	vst v4  }
0x346: {  	v4 =	vld.idx.msk [tilespmem:v5+s26+$0x0], $0xffff  }
0x347: {  	v5 =	vor.u32 s0, v3;
	_ =	sdelay $0x3  }
0x348: {  	[tilespmem:s28+$0x0] =	vst v4  }
0x349: {  	v4 =	vld.idx.msk [tilespmem:v5+s26+$0x0], $0xffff;
	_ =	sdelay $0x4  }
0x34a: {  	[tilespmem:s28+$0x10] =	vst v4  }
.LBB2_69:
0x34b: {  	s0 =	sadd.s32 $0x10, s25  }
0x34c: {  	p0 =	sge.s32 s0, s22  }
0x34d: {  	s26 =	smulhi.u32 @!p0 $0x66666667, s0;
	s28 =	sshra.s32 @!p0 s0, $0x1F  }
0x34e: {  	s28 =	smul.u32 @!p0 $0x66666667, s28;
	_ =	sdelay $0x1  }
0x34f: {  	s26 =	sadd.s32 @!p0 s28, s26  }
0x350: {  	s28 =	sshrl.u32 @!p0 s26, $0x1F;
	s26 =	sshrl.u32 @!p0 s26, $0x2  }
0x351: {  	s26 =	sadd.s32 @!p0 s28, s26  }
0x352: {  	s28 =	sld @!p0 [smem:s0+$0x200];
	s26 =	smul.u32 @!p0 $0xA, s26  }
0x353: {  	_ = 	snop  }
0x354: {  	s0 =	ssub.s32 @!p0 s0, s26  }
0x355: {  	s26 =	sshll.u32 @!p0 s28, $0x7;
	s0 =	sshll.u32 @!p0 s0, $0xF  }
0x356: {  	s29 =	simm.s32 @!p0 $0x7A1400;
	s26 =	sand.u32 @!p0 $0x1FFFFF80, s26;
	s0 =	sshra.s32 @!p0 s0, $0x2  }
0x357: {  	s28 =	simm.s32 @!p0 $0x400;
	s26 =	sadd.s32 @!p0 s1, s26;
	s0 =	sor.u32 @!p0 $0x200, s0  }
0x358: {  	[tilespmem:s0], [sflag:$0x7] =	stream.strided.gather @!p0 [hbm4b:s26+s28], $0x2000, s29, s28, $0x38;
	[tilespmem:$0x1C200] =	vst v63  }
.LBB2_70:
0x359: {  	s0 =	sadd.s32 $0x7, s25  }
0x35a: {  	p0 =	sge.s32 s0, s22  }
.Ltmp42:
0x35b: {  	_ = 	snop;
	(pc) =	sbr.rel @p0 .LBB2_79-.Ltmp42, $1  }
0x35c: {  	_ =	sdelay $0x3  }
0x35d: {  	_ =	swait.ge [sflag:s16], $0x2000  }
0x35e: {  	[sflag:s16] =	ssyncset.done $0x0  }
0x35f: {  	[sflag:s16] =	ssyncadd.s32 $0xFFFFE000  }
0x360: {  	s28 =	sld [smem:s0+$0x400]  }
0x361: {  	s26 =	sld [smem:s25+$0x408];
	_ =	sdelay $0x2  }
0x362: {  	s29 =	ssub.s32 s26, s28  }
0x363: {  	p0 =	slt.s32 s29, $0x1  }
.Ltmp43:
0x364: {  	_ = 	snop;
	(pc) =	sbr.rel @p0 .LBB2_78-.Ltmp43, $1  }
0x365: {  	_ =	sdelay $0x3  }
0x366: {  	s26 =	smulhi.u32 $0x66666667, s0;
	s30 =	sshra.s32 s0, $0x1F  }
0x367: {  	s30 =	smul.u32 $0x66666667, s30;
	_ =	sdelay $0x1  }
0x368: {  	s26 =	sadd.s32 s30, s26  }
0x369: {  	s30 =	sshrl.u32 s26, $0x1F;
	s26 =	sshrl.u32 s26, $0x2  }
0x36a: {  	s26 =	sadd.s32 s30, s26  }
0x36b: {  	p1 =	sne.s32 s29, $0x1;
	s26 =	smul.u32 $0xA, s26  }
.Ltmp44:
0x36c: {  	_ = 	snop;
	(pc) =	sbr.rel @!p1 .LBB2_73-.Ltmp44, $4  }
0x36d: {  	s29 =	sadd.s32 $0xFFFFFFFF, s29;
	s30 =	sshll.u32 s28, $0x8;
	s26 =	ssub.s32 s0, s26  }
0x36e: {  	s31 =	sshra.s32 s30, $0x2;
	s30 =	sshll.u32 s28, $0x2;
	s0 =	sshll.u32 s26, $0xF  }
0x36f: {  	p0 =	por $0x0, $0x0;
	s30 =	sshra.s32 s30, $0x2;
	s0 =	sshra.s32 s0, $0x2  }
0x370: {  	s28 =	sadd.s32 $0x14220, s31;
	s26 =	sor.u32 $0x200, s0;
	s0 =	sld [smem:s30+$0x0]  }
0x371: {  	_ =	sdelay $0x1  }
0x372: {  	s0 =	sand.u32 $0x7F, s0  }
0x373: {  	v4 =	vor.u32 s0, v0;
	_ =	sdelay $0x4  }
0x374: {  	v4 =	vld.idx.msk [tilespmem:v4+s26+$0x0], $0xffff  }
0x375: {  	v5 =	vor.u32 s0, v1;
	_ =	sdelay $0x3  }
0x376: {  	[tilespmem:s28+$0xFFFFFFE0] =	vst v4  }
0x377: {  	v4 =	vld.idx.msk [tilespmem:v5+s26+$0x0], $0xffff  }
0x378: {  	v5 =	vor.u32 s0, v2;
	_ =	sdelay $0x3  }
0x379: {  	p1 =	sne.s32 s29, $0x1;
	[tilespmem:s28+$0xFFFFFFF0] =	vst v4  }
.Ltmp45:
0x37a: {  	v4 =	vld.idx.msk [tilespmem:v5+s26+$0x0], $0xffff;
	(pc) =	sbr.rel @!p1 .LBB2_75-.Ltmp45, $3  }
0x37b: {  	v5 =	vor.u32 s0, v3;
	_ =	sdelay $0x1  }
0x37c: {  	s30 =	sadd.s32 $0x1, s30;
	s31 =	sadd.s32 $0xFFFFFFFF, s29  }
0x37d: {  	p0 =	por $0x1, $0x1;
	s29 =	smov.u32 s28;
	s0 =	sld [smem:s30+$0x0]  }
.LBB2_76:
0x37e: {  	p1 =	sne.s32 s31, $0x1;
	[tilespmem:s29+$0x0] =	vst v4  }
0x37f: {  	v4 =	vld.idx.msk [tilespmem:v5+s26+$0x0], $0xffff  }
0x380: {  	s0 =	sand.u32 $0x7F, s0  }
0x381: {  	v5 =	vor.u32 s0, v0;
	_ =	sdelay $0x3  }
0x382: {  	[tilespmem:s29+$0x10] =	vst v4  }
0x383: {  	v4 =	vld.idx.msk [tilespmem:v5+s26+$0x0], $0xffff;
	_ =	sdelay $0x1  }
0x384: {  	v5 =	vor.u32 s0, v1;
	_ =	sdelay $0x2  }
0x385: {  	s29 =	sadd.s32 $0x40, s29  }
0x386: {  	[tilespmem:s29+$0xFFFFFFE0] =	vst v4  }
0x387: {  	v4 =	vld.idx.msk [tilespmem:v5+s26+$0x0], $0xffff;
	_ =	sdelay $0x1  }
0x388: {  	v5 =	vor.u32 s0, v2;
	_ =	sdelay $0x3  }
0x389: {  	[tilespmem:s29+$0xFFFFFFF0] =	vst v4  }
0x38a: {  	v4 =	vld.idx.msk [tilespmem:v5+s26+$0x0], $0xffff  }
.Ltmp46:
0x38b: {  	(pc) =	sbr.rel @p1 .LBB2_76-.Ltmp46, $3  }
0x38c: {  	v5 =	vor.u32 s0, v3;
	_ =	sdelay $0x1  }
0x38d: {  	s30 =	sadd.s32 $0x1, s30  }
0x38e: {  	s31 =	sadd.s32 $0xFFFFFFFF, s31;
	s0 =	sld [smem:s30+$0x0]  }
.LBB2_77:
0x38f: {  	_ =	sdelay $0x2  }
0x390: {  	[tilespmem:s29+$0x0] =	vst @p0 v4  }
0x391: {  	v4 =	vld.idx.msk @p0 [tilespmem:v5+s26+$0x0], $0xffff;
	s0 =	sand.u32 $0x7F, s0  }
0x392: {  	v5 =	vor.u32 s0, v0;
	_ =	sdelay $0x3  }
0x393: {  	[tilespmem:s29+$0x10] =	vst @p0 v4  }
0x394: {  	v4 =	vld.idx.msk [tilespmem:v5+s26+$0x0], $0xffff  }
0x395: {  	v5 =	vor.u32 s0, v1;
	_ =	sdelay $0x1  }
0x396: {  	s29 =	sadd.s32 @p0 $0x40, s29  }
0x397: {  	s28 =	smov.u32 @p0 s29  }
0x398: {  	[tilespmem:s28+$0xFFFFFFE0] =	vst v4  }
0x399: {  	v4 =	vld.idx.msk [tilespmem:v5+s26+$0x0], $0xffff  }
0x39a: {  	v5 =	vor.u32 s0, v2;
	_ =	sdelay $0x3  }
0x39b: {  	[tilespmem:s28+$0xFFFFFFF0] =	vst v4  }
0x39c: {  	v4 =	vld.idx.msk [tilespmem:v5+s26+$0x0], $0xffff  }
0x39d: {  	v5 =	vor.u32 s0, v3;
	_ =	sdelay $0x3  }
0x39e: {  	[tilespmem:s28+$0x0] =	vst v4  }
0x39f: {  	v4 =	vld.idx.msk [tilespmem:v5+s26+$0x0], $0xffff;
	_ =	sdelay $0x4  }
0x3a0: {  	[tilespmem:s28+$0x10] =	vst v4  }
.LBB2_78:
0x3a1: {  	s0 =	sadd.s32 $0x11, s25  }
0x3a2: {  	p0 =	sge.s32 s0, s22  }
0x3a3: {  	s26 =	smulhi.u32 @!p0 $0x66666667, s0;
	s28 =	sshra.s32 @!p0 s0, $0x1F  }
0x3a4: {  	s28 =	smul.u32 @!p0 $0x66666667, s28;
	_ =	sdelay $0x1  }
0x3a5: {  	s26 =	sadd.s32 @!p0 s28, s26  }
0x3a6: {  	s28 =	sshrl.u32 @!p0 s26, $0x1F;
	s26 =	sshrl.u32 @!p0 s26, $0x2  }
0x3a7: {  	s26 =	sadd.s32 @!p0 s28, s26  }
0x3a8: {  	s28 =	sld @!p0 [smem:s0+$0x200];
	s26 =	smul.u32 @!p0 $0xA, s26  }
0x3a9: {  	_ = 	snop  }
0x3aa: {  	s0 =	ssub.s32 @!p0 s0, s26  }
0x3ab: {  	s26 =	sshll.u32 @!p0 s28, $0x7;
	s0 =	sshll.u32 @!p0 s0, $0xF  }
0x3ac: {  	s29 =	simm.s32 @!p0 $0x7A1400;
	s26 =	sand.u32 @!p0 $0x1FFFFF80, s26;
	s0 =	sshra.s32 @!p0 s0, $0x2  }
0x3ad: {  	s28 =	simm.s32 @!p0 $0x400;
	s26 =	sadd.s32 @!p0 s1, s26;
	s0 =	sor.u32 @!p0 $0x200, s0  }
0x3ae: {  	[tilespmem:s0], [sflag:$0x8] =	stream.strided.gather @!p0 [hbm4b:s26+s28], $0x2000, s29, s28, $0x38;
	[tilespmem:$0x1C200] =	vst v63  }
.LBB2_79:
0x3af: {  	s0 =	sadd.s32 $0x8, s25  }
0x3b0: {  	p0 =	sge.s32 s0, s22  }
.Ltmp47:
0x3b1: {  	_ = 	snop;
	(pc) =	sbr.rel @p0 .LBB2_88-.Ltmp47, $1  }
0x3b2: {  	_ =	sdelay $0x3  }
0x3b3: {  	_ =	swait.ge [sflag:s17], $0x2000  }
0x3b4: {  	[sflag:s17] =	ssyncset.done $0x0  }
0x3b5: {  	[sflag:s17] =	ssyncadd.s32 $0xFFFFE000  }
0x3b6: {  	s28 =	sld [smem:s0+$0x400]  }
0x3b7: {  	s26 =	sld [smem:s25+$0x409];
	_ =	sdelay $0x2  }
0x3b8: {  	s29 =	ssub.s32 s26, s28  }
0x3b9: {  	p0 =	slt.s32 s29, $0x1  }
.Ltmp48:
0x3ba: {  	_ = 	snop;
	(pc) =	sbr.rel @p0 .LBB2_87-.Ltmp48, $1  }
0x3bb: {  	_ =	sdelay $0x3  }
0x3bc: {  	s26 =	smulhi.u32 $0x66666667, s0;
	s30 =	sshra.s32 s0, $0x1F  }
0x3bd: {  	s30 =	smul.u32 $0x66666667, s30;
	_ =	sdelay $0x1  }
0x3be: {  	s26 =	sadd.s32 s30, s26  }
0x3bf: {  	s30 =	sshrl.u32 s26, $0x1F;
	s26 =	sshrl.u32 s26, $0x2  }
0x3c0: {  	s26 =	sadd.s32 s30, s26  }
0x3c1: {  	p1 =	sne.s32 s29, $0x1;
	s26 =	smul.u32 $0xA, s26  }
.Ltmp49:
0x3c2: {  	_ = 	snop;
	(pc) =	sbr.rel @!p1 .LBB2_82-.Ltmp49, $4  }
0x3c3: {  	s29 =	sadd.s32 $0xFFFFFFFF, s29;
	s30 =	sshll.u32 s28, $0x8;
	s26 =	ssub.s32 s0, s26  }
0x3c4: {  	s31 =	sshra.s32 s30, $0x2;
	s30 =	sshll.u32 s28, $0x2;
	s0 =	sshll.u32 s26, $0xF  }
0x3c5: {  	p0 =	por $0x0, $0x0;
	s30 =	sshra.s32 s30, $0x2;
	s0 =	sshra.s32 s0, $0x2  }
0x3c6: {  	s28 =	sadd.s32 $0x14220, s31;
	s26 =	sor.u32 $0x200, s0;
	s0 =	sld [smem:s30+$0x0]  }
0x3c7: {  	_ =	sdelay $0x1  }
0x3c8: {  	s0 =	sand.u32 $0x7F, s0  }
0x3c9: {  	v4 =	vor.u32 s0, v0;
	_ =	sdelay $0x4  }
0x3ca: {  	v4 =	vld.idx.msk [tilespmem:v4+s26+$0x0], $0xffff  }
0x3cb: {  	v5 =	vor.u32 s0, v1;
	_ =	sdelay $0x3  }
0x3cc: {  	[tilespmem:s28+$0xFFFFFFE0] =	vst v4  }
0x3cd: {  	v4 =	vld.idx.msk [tilespmem:v5+s26+$0x0], $0xffff  }
0x3ce: {  	v5 =	vor.u32 s0, v2;
	_ =	sdelay $0x3  }
0x3cf: {  	p1 =	sne.s32 s29, $0x1;
	[tilespmem:s28+$0xFFFFFFF0] =	vst v4  }
.Ltmp50:
0x3d0: {  	v4 =	vld.idx.msk [tilespmem:v5+s26+$0x0], $0xffff;
	(pc) =	sbr.rel @!p1 .LBB2_84-.Ltmp50, $3  }
0x3d1: {  	v5 =	vor.u32 s0, v3;
	_ =	sdelay $0x1  }
0x3d2: {  	s30 =	sadd.s32 $0x1, s30;
	s31 =	sadd.s32 $0xFFFFFFFF, s29  }
0x3d3: {  	p0 =	por $0x1, $0x1;
	s29 =	smov.u32 s28;
	s0 =	sld [smem:s30+$0x0]  }
.LBB2_85:
0x3d4: {  	p1 =	sne.s32 s31, $0x1;
	[tilespmem:s29+$0x0] =	vst v4  }
0x3d5: {  	v4 =	vld.idx.msk [tilespmem:v5+s26+$0x0], $0xffff  }
0x3d6: {  	s0 =	sand.u32 $0x7F, s0  }
0x3d7: {  	v5 =	vor.u32 s0, v0;
	_ =	sdelay $0x3  }
0x3d8: {  	[tilespmem:s29+$0x10] =	vst v4  }
0x3d9: {  	v4 =	vld.idx.msk [tilespmem:v5+s26+$0x0], $0xffff;
	_ =	sdelay $0x1  }
0x3da: {  	v5 =	vor.u32 s0, v1;
	_ =	sdelay $0x2  }
0x3db: {  	s29 =	sadd.s32 $0x40, s29  }
0x3dc: {  	[tilespmem:s29+$0xFFFFFFE0] =	vst v4  }
0x3dd: {  	v4 =	vld.idx.msk [tilespmem:v5+s26+$0x0], $0xffff;
	_ =	sdelay $0x1  }
0x3de: {  	v5 =	vor.u32 s0, v2;
	_ =	sdelay $0x3  }
0x3df: {  	[tilespmem:s29+$0xFFFFFFF0] =	vst v4  }
0x3e0: {  	v4 =	vld.idx.msk [tilespmem:v5+s26+$0x0], $0xffff  }
.Ltmp51:
0x3e1: {  	(pc) =	sbr.rel @p1 .LBB2_85-.Ltmp51, $3  }
0x3e2: {  	v5 =	vor.u32 s0, v3;
	_ =	sdelay $0x1  }
0x3e3: {  	s30 =	sadd.s32 $0x1, s30  }
0x3e4: {  	s31 =	sadd.s32 $0xFFFFFFFF, s31;
	s0 =	sld [smem:s30+$0x0]  }
.LBB2_86:
0x3e5: {  	_ =	sdelay $0x2  }
0x3e6: {  	[tilespmem:s29+$0x0] =	vst @p0 v4  }
0x3e7: {  	v4 =	vld.idx.msk @p0 [tilespmem:v5+s26+$0x0], $0xffff;
	s0 =	sand.u32 $0x7F, s0  }
0x3e8: {  	v5 =	vor.u32 s0, v0;
	_ =	sdelay $0x3  }
0x3e9: {  	[tilespmem:s29+$0x10] =	vst @p0 v4  }
0x3ea: {  	v4 =	vld.idx.msk [tilespmem:v5+s26+$0x0], $0xffff  }
0x3eb: {  	v5 =	vor.u32 s0, v1;
	_ =	sdelay $0x1  }
0x3ec: {  	s29 =	sadd.s32 @p0 $0x40, s29  }
0x3ed: {  	s28 =	smov.u32 @p0 s29  }
0x3ee: {  	[tilespmem:s28+$0xFFFFFFE0] =	vst v4  }
0x3ef: {  	v4 =	vld.idx.msk [tilespmem:v5+s26+$0x0], $0xffff  }
0x3f0: {  	v5 =	vor.u32 s0, v2;
	_ =	sdelay $0x3  }
0x3f1: {  	[tilespmem:s28+$0xFFFFFFF0] =	vst v4  }
0x3f2: {  	v4 =	vld.idx.msk [tilespmem:v5+s26+$0x0], $0xffff  }
0x3f3: {  	v5 =	vor.u32 s0, v3;
	_ =	sdelay $0x3  }
0x3f4: {  	[tilespmem:s28+$0x0] =	vst v4  }
0x3f5: {  	v4 =	vld.idx.msk [tilespmem:v5+s26+$0x0], $0xffff;
	_ =	sdelay $0x4  }
0x3f6: {  	[tilespmem:s28+$0x10] =	vst v4  }
.LBB2_87:
0x3f7: {  	s0 =	sadd.s32 $0x12, s25  }
0x3f8: {  	p0 =	sge.s32 s0, s22  }
0x3f9: {  	s26 =	smulhi.u32 @!p0 $0x66666667, s0;
	s28 =	sshra.s32 @!p0 s0, $0x1F  }
0x3fa: {  	s28 =	smul.u32 @!p0 $0x66666667, s28;
	_ =	sdelay $0x1  }
0x3fb: {  	s26 =	sadd.s32 @!p0 s28, s26  }
0x3fc: {  	s28 =	sshrl.u32 @!p0 s26, $0x1F;
	s26 =	sshrl.u32 @!p0 s26, $0x2  }
0x3fd: {  	s26 =	sadd.s32 @!p0 s28, s26  }
0x3fe: {  	s28 =	sld @!p0 [smem:s0+$0x200];
	s26 =	smul.u32 @!p0 $0xA, s26  }
0x3ff: {  	_ = 	snop  }
0x400: {  	s0 =	ssub.s32 @!p0 s0, s26  }
0x401: {  	s26 =	sshll.u32 @!p0 s28, $0x7;
	s0 =	sshll.u32 @!p0 s0, $0xF  }
0x402: {  	s29 =	simm.s32 @!p0 $0x7A1400;
	s26 =	sand.u32 @!p0 $0x1FFFFF80, s26;
	s0 =	sshra.s32 @!p0 s0, $0x2  }
0x403: {  	s28 =	simm.s32 @!p0 $0x400;
	s26 =	sadd.s32 @!p0 s1, s26;
	s0 =	sor.u32 @!p0 $0x200, s0  }
0x404: {  	[tilespmem:s0], [sflag:$0x9] =	stream.strided.gather @!p0 [hbm4b:s26+s28], $0x2000, s29, s28, $0x38;
	[tilespmem:$0x1C200] =	vst v63  }
.LBB2_88:
0x405: {  	s0 =	sadd.s32 $0x9, s25  }
0x406: {  	p0 =	sge.s32 s0, s22  }
.Ltmp52:
0x407: {  	_ = 	snop;
	(pc) =	sbr.rel @p0 .LBB2_97-.Ltmp52, $1  }
0x408: {  	_ =	sdelay $0x3  }
0x409: {  	_ =	swait.ge [sflag:s18], $0x2000  }
0x40a: {  	[sflag:s18] =	ssyncset.done $0x0  }
0x40b: {  	[sflag:s18] =	ssyncadd.s32 $0xFFFFE000  }
0x40c: {  	s28 =	sld [smem:s0+$0x400]  }
0x40d: {  	s26 =	sld [smem:s25+$0x40A];
	_ =	sdelay $0x2  }
0x40e: {  	s29 =	ssub.s32 s26, s28  }
0x40f: {  	p0 =	slt.s32 s29, $0x1  }
.Ltmp53:
0x410: {  	_ = 	snop;
	(pc) =	sbr.rel @p0 .LBB2_96-.Ltmp53, $1  }
0x411: {  	_ =	sdelay $0x3  }
0x412: {  	s26 =	smulhi.u32 $0x66666667, s0;
	s30 =	sshra.s32 s0, $0x1F  }
0x413: {  	s30 =	smul.u32 $0x66666667, s30;
	_ =	sdelay $0x1  }
0x414: {  	s26 =	sadd.s32 s30, s26  }
0x415: {  	s30 =	sshrl.u32 s26, $0x1F;
	s26 =	sshrl.u32 s26, $0x2  }
0x416: {  	s26 =	sadd.s32 s30, s26  }
0x417: {  	p1 =	sne.s32 s29, $0x1;
	s26 =	smul.u32 $0xA, s26  }
.Ltmp54:
0x418: {  	_ = 	snop;
	(pc) =	sbr.rel @!p1 .LBB2_91-.Ltmp54, $4  }
0x419: {  	s29 =	sadd.s32 $0xFFFFFFFF, s29;
	s30 =	sshll.u32 s28, $0x8;
	s26 =	ssub.s32 s0, s26  }
0x41a: {  	s31 =	sshra.s32 s30, $0x2;
	s30 =	sshll.u32 s28, $0x2;
	s0 =	sshll.u32 s26, $0xF  }
0x41b: {  	p0 =	por $0x0, $0x0;
	s30 =	sshra.s32 s30, $0x2;
	s0 =	sshra.s32 s0, $0x2  }
0x41c: {  	s28 =	sadd.s32 $0x14220, s31;
	s26 =	sor.u32 $0x200, s0;
	s0 =	sld [smem:s30+$0x0]  }
0x41d: {  	_ =	sdelay $0x1  }
0x41e: {  	s0 =	sand.u32 $0x7F, s0  }
0x41f: {  	v4 =	vor.u32 s0, v0;
	_ =	sdelay $0x4  }
0x420: {  	v4 =	vld.idx.msk [tilespmem:v4+s26+$0x0], $0xffff  }
0x421: {  	v5 =	vor.u32 s0, v1;
	_ =	sdelay $0x3  }
0x422: {  	[tilespmem:s28+$0xFFFFFFE0] =	vst v4  }
0x423: {  	v4 =	vld.idx.msk [tilespmem:v5+s26+$0x0], $0xffff  }
0x424: {  	v5 =	vor.u32 s0, v2;
	_ =	sdelay $0x3  }
0x425: {  	p1 =	sne.s32 s29, $0x1;
	[tilespmem:s28+$0xFFFFFFF0] =	vst v4  }
.Ltmp55:
0x426: {  	v4 =	vld.idx.msk [tilespmem:v5+s26+$0x0], $0xffff;
	(pc) =	sbr.rel @!p1 .LBB2_93-.Ltmp55, $3  }
0x427: {  	v5 =	vor.u32 s0, v3;
	_ =	sdelay $0x1  }
0x428: {  	s30 =	sadd.s32 $0x1, s30;
	s31 =	sadd.s32 $0xFFFFFFFF, s29  }
0x429: {  	p0 =	por $0x1, $0x1;
	s29 =	smov.u32 s28;
	s0 =	sld [smem:s30+$0x0]  }
.LBB2_94:
0x42a: {  	p1 =	sne.s32 s31, $0x1;
	[tilespmem:s29+$0x0] =	vst v4  }
0x42b: {  	v4 =	vld.idx.msk [tilespmem:v5+s26+$0x0], $0xffff  }
0x42c: {  	s0 =	sand.u32 $0x7F, s0  }
0x42d: {  	v5 =	vor.u32 s0, v0;
	_ =	sdelay $0x3  }
0x42e: {  	[tilespmem:s29+$0x10] =	vst v4  }
0x42f: {  	v4 =	vld.idx.msk [tilespmem:v5+s26+$0x0], $0xffff;
	_ =	sdelay $0x1  }
0x430: {  	v5 =	vor.u32 s0, v1;
	_ =	sdelay $0x2  }
0x431: {  	s29 =	sadd.s32 $0x40, s29  }
0x432: {  	[tilespmem:s29+$0xFFFFFFE0] =	vst v4  }
0x433: {  	v4 =	vld.idx.msk [tilespmem:v5+s26+$0x0], $0xffff;
	_ =	sdelay $0x1  }
0x434: {  	v5 =	vor.u32 s0, v2;
	_ =	sdelay $0x3  }
0x435: {  	[tilespmem:s29+$0xFFFFFFF0] =	vst v4  }
0x436: {  	v4 =	vld.idx.msk [tilespmem:v5+s26+$0x0], $0xffff  }
.Ltmp56:
0x437: {  	(pc) =	sbr.rel @p1 .LBB2_94-.Ltmp56, $3  }
0x438: {  	v5 =	vor.u32 s0, v3;
	_ =	sdelay $0x1  }
0x439: {  	s30 =	sadd.s32 $0x1, s30  }
0x43a: {  	s31 =	sadd.s32 $0xFFFFFFFF, s31;
	s0 =	sld [smem:s30+$0x0]  }
.Ltmp57:
0x43b: {  	_ = 	snop;
	(pc) =	sbr.rel .LBB2_95-.Ltmp57, $1  }
0x43c: {  	_ =	sdelay $0x3  }
.LBB2_10:
.Ltmp58:
0x43d: {  	(pc) =	sbr.rel .LBB2_14-.Ltmp58, $2  }
0x43e: {  	_ =	sdelay $0x2  }
0x43f: {  	s29 =	smov.u32 s28  }
.LBB2_19:
.Ltmp59:
0x440: {  	(pc) =	sbr.rel .LBB2_23-.Ltmp59, $2  }
0x441: {  	_ =	sdelay $0x2  }
0x442: {  	s29 =	smov.u32 s28  }
.LBB2_28:
.Ltmp60:
0x443: {  	(pc) =	sbr.rel .LBB2_32-.Ltmp60, $2  }
0x444: {  	_ =	sdelay $0x2  }
0x445: {  	s29 =	smov.u32 s28  }
.LBB2_37:
.Ltmp61:
0x446: {  	(pc) =	sbr.rel .LBB2_41-.Ltmp61, $2  }
0x447: {  	_ =	sdelay $0x2  }
0x448: {  	s29 =	smov.u32 s28  }
.LBB2_46:
.Ltmp62:
0x449: {  	(pc) =	sbr.rel .LBB2_50-.Ltmp62, $2  }
0x44a: {  	_ =	sdelay $0x2  }
0x44b: {  	s29 =	smov.u32 s28  }
.LBB2_55:
.Ltmp63:
0x44c: {  	(pc) =	sbr.rel .LBB2_59-.Ltmp63, $2  }
0x44d: {  	_ =	sdelay $0x2  }
0x44e: {  	s29 =	smov.u32 s28  }
.LBB2_64:
.Ltmp64:
0x44f: {  	(pc) =	sbr.rel .LBB2_68-.Ltmp64, $2  }
0x450: {  	_ =	sdelay $0x2  }
0x451: {  	s29 =	smov.u32 s28  }
.LBB2_73:
.Ltmp65:
0x452: {  	(pc) =	sbr.rel .LBB2_77-.Ltmp65, $2  }
0x453: {  	_ =	sdelay $0x2  }
0x454: {  	s29 =	smov.u32 s28  }
.LBB2_82:
.Ltmp66:
0x455: {  	(pc) =	sbr.rel .LBB2_86-.Ltmp66, $2  }
0x456: {  	_ =	sdelay $0x2  }
0x457: {  	s29 =	smov.u32 s28  }
.LBB2_12:
.Ltmp67:
0x458: {  	(pc) =	sbr.rel .LBB2_14-.Ltmp67, $2  }
0x459: {  	_ =	sdelay $0x2  }
0x45a: {  	s29 =	smov.u32 s28  }
.LBB2_21:
.Ltmp68:
0x45b: {  	(pc) =	sbr.rel .LBB2_23-.Ltmp68, $2  }
0x45c: {  	_ =	sdelay $0x2  }
0x45d: {  	s29 =	smov.u32 s28  }
.LBB2_30:
.Ltmp69:
0x45e: {  	(pc) =	sbr.rel .LBB2_32-.Ltmp69, $2  }
0x45f: {  	_ =	sdelay $0x2  }
0x460: {  	s29 =	smov.u32 s28  }
.LBB2_39:
.Ltmp70:
0x461: {  	(pc) =	sbr.rel .LBB2_41-.Ltmp70, $2  }
0x462: {  	_ =	sdelay $0x2  }
0x463: {  	s29 =	smov.u32 s28  }
.LBB2_48:
.Ltmp71:
0x464: {  	(pc) =	sbr.rel .LBB2_50-.Ltmp71, $2  }
0x465: {  	_ =	sdelay $0x2  }
0x466: {  	s29 =	smov.u32 s28  }
.LBB2_57:
.Ltmp72:
0x467: {  	(pc) =	sbr.rel .LBB2_59-.Ltmp72, $2  }
0x468: {  	_ =	sdelay $0x2  }
0x469: {  	s29 =	smov.u32 s28  }
.LBB2_66:
.Ltmp73:
0x46a: {  	(pc) =	sbr.rel .LBB2_68-.Ltmp73, $2  }
0x46b: {  	_ =	sdelay $0x2  }
0x46c: {  	s29 =	smov.u32 s28  }
.LBB2_75:
.Ltmp74:
0x46d: {  	(pc) =	sbr.rel .LBB2_77-.Ltmp74, $2  }
0x46e: {  	_ =	sdelay $0x2  }
0x46f: {  	s29 =	smov.u32 s28  }
.LBB2_84:
.Ltmp75:
0x470: {  	(pc) =	sbr.rel .LBB2_86-.Ltmp75, $2  }
0x471: {  	_ =	sdelay $0x2  }
0x472: {  	s29 =	smov.u32 s28  }
.LBB2_93:
.Ltmp76:
0x473: {  	(pc) =	sbr.rel .LBB2_95-.Ltmp76, $2  }
0x474: {  	_ =	sdelay $0x2  }
0x475: {  	s29 =	smov.u32 s28  }
.LBB2_99:
0x476: {  	_ =	sfence.sel $0x180000  }
0x477: {  	[bflag:$0x0] =	sbarrier.arrive $0xFFFF  }
0x478: {  	_ =	strace $0x90000047  }
0x479: {  	[bflag:$0x2] =	sbarrier.arrive $0xFFFF  }
0x47a: {  	p0 =	sne.s32 s2, $0x0;
	s0 =	rddreg [dreg:$0x3]  }
0x47b: {  	s0 =	sadd.s32 @!p0 $0x100000, s0  }
0x47c: {  	[sflag:s0] =	ssyncadd.tile.s32 @!p0 $0x1;
	_ =	shalt  }
.Lfunc_end2:
_tile_overlayer_lowered:
.L_overlay_start_2:
0x47d: {  	(tag) =	ssettag $0x2  }
0x47e: {  	s0 =	rddreg [dreg:$0x0];
	s2 =	stileid.u32  }
0x47f: {  	s1 =	rddreg [dreg:$0x1];
	p0 =	sne.s32 s2, $0x0  }
0x480: {  	s3 =	rddreg [dreg:$0x2];
	[bflag:$0x3] =	sbarrier.arrive $0xFFFF;
	s2 =	simm.s32 @!p0 $0x1C0C  }
0x481: {  	[timem:s3], [sflag:s2] =	dma.local @!p0 [hbm:s0], s1  }
0x482: {  	s0 =	simm.s32 @!p0 $0xC  }
0x483: {  	_ =	swait.ge @!p0 [sflag:s0], s1  }
0x484: {  	s1 =	ssub.s32 @!p0 $0x0, s1;
	[sflag:s0] =	ssyncset.done @!p0 $0x0  }
0x485: {  	[sflag:s0] =	ssyncadd.s32 @!p0 s1  }
0x486: {  	[bflag:$0x3] =	sbarrier.arrive $0xFFFF  }
0x487: {  	_ =	shalt  }

// kernel: kernel.7.cloned.1.call-start
scs
__scs_entry_jumppad:
0x0: {  	(pc) =	sbr.rel $0x88, $3  }
0x1: {  	(tag) =	ssettag $0x0;
	lr =	simm.s32 $0x1  }
0x2: {  	[smem:$0x3F9F] =	sst lr;
	_ =	strace $0xD0000000  }
0x3: {  	_ = 	snop  }
0x4: {  	_ = 	snop  }
0x5: {  	_ = 	snop  }
0x6: {  	_ = 	snop  }
0x7: {  	_ = 	snop  }
__scs_overlays_trampoline_lowered:
0x8: {  	[smem:$0x3FAE] =	sst s0  }
0x9: {  	[smem:$0x3FAF] =	sst s1  }
0xa: {  	[smem:$0x3FB0] =	sst s2  }
0xb: {  	[smem:$0x3FB1] =	sst s3  }
0xc: {  	[smem:$0x3FB2] =	sst s4  }
0xd: {  	[smem:$0x3FB3] =	sst s5  }
0xe: {  	[smem:$0x3FB4] =	sst s6  }
0xf: {  	[smem:$0x3FB5] =	sst s7  }
0x10: {  	[smem:$0x3FB6] =	sst s8  }
0x11: {  	[smem:$0x3FB7] =	sst s9;
	s0 =	simm.s32 @!p0 $0x0  }
0x12: {  	s1 =	sld [smem:$0x3F9D];
	s0 =	simm.s32 @p0 $0x1  }
0x13: {  	[smem:$0x3FB8] =	sst s0;
	s0 =	simm.s32 @!p1 $0x0  }
0x14: {  	s2 =	sld [smem:$0x3F9C];
	s0 =	simm.s32 @p1 $0x1  }
0x15: {  	[smem:$0x3FB9] =	sst s0;
	s0 =	simm.s32 @!p2 $0x0  }
0x16: {  	s3 =	sld [smem:$0x3FDB];
	s0 =	simm.s32 @p2 $0x1  }
0x17: {  	s4 =	simm.s32 $0x1BF5;
	[smem:$0x3FBB] =	sst s0  }
0x18: {  	s0 =	sld [smem:$0x3F9E];
	_ =	swait.ge [sflag:s4], $0x0  }
0x19: {  	s7 =	sld [smem:$0x3F9F]  }
0x1a: {  	s8 =	sadd.s32 $0xFFFFE003, lr  }
0x1b: {  	s9 =	sadd.s32 $0xFFFFFEF7, lr;
	s5 =	simm.s32 $0xFFFFFFFF;
	p2 =	slt.u32 s8, $0xFFFFF086  }
0x1c: {  	p1 =	slt.u32 s9, $0xF7A;
	s5 =	simm.s32 @!p2 $0x0  }
0x1d: {  	s5 =	simm.s32 @p1 $0x1;
	p0 =	seq.s32 s7, s2  }
0x1e: {  	s7 =	smul.u32 @!p0 $0xF7A, s2;
	p2 =	seq.s32 @!p0 s5, $0x0  }
0x1f: {  	s9 =	smul.u32 $0xF7A, s1;
	s8 =	simm.s32 @!p0 $0x1BF5;
	p2 =	por !p2, p0  }
0x20: {  	[sflag:s8] =	ssyncset.s32 @!p0 $0xFFFFF086;
	s6 =	sadd.s32 @!p0 s3, s7;
	s7 =	simm.s32 @!p0 $0x108  }
0x21: {  	s3 =	sadd.s32 s3, s9;
	s6 =	sadd.s32 @!p0 $0x88, s6;
	s7 =	simm.s32 @p2 $0x1082  }
0x22: {  	[simem:s7], [sflag:s8] =	dma.local @!p0 [hbm:s6], $0xF7A  }
0x23: {  	s9 =	sor.u32 $0xD0000000, s2;
	s6 =	simm.s32 $0x108;
	_ =	swait.ge @!p0 [sflag:s8], $0x0  }
0x24: {  	s3 =	sadd.s32 $0x88, s3;
	s6 =	simm.s32 @!p1 $0x1082;
	[sflag:s4] =	ssyncset.s32 $0xFFFFF086  }
0x25: {  	[simem:s6], [sflag:s4] =	dma.local [hbm:s3], $0xF7A  }
0x26: {  	[smem:$0x3F9F] =	sst s1;
	(tag) =	ssettag s2;
	_ =	strace s9  }
0x27: {  	s1 =	sld [smem:$0x3FAF]  }
0x28: {  	s2 =	sld [smem:$0x3FB0]  }
0x29: {  	s4 =	sld [smem:$0x3FB2]  }
0x2a: {  	p0 =	seq.s32 s5, $0x0;
	s5 =	sld [smem:$0x3FB3]  }
0x2b: {  	s6 =	sld [smem:$0x3FB4]  }
0x2c: {  	s7 =	sld [smem:$0x3FB5]  }
0x2d: {  	s3 =	simm.s32 $0x108;
	s8 =	sld [smem:$0x3FB6]  }
0x2e: {  	s3 =	simm.s32 @!p0 $0x1082;
	s9 =	sld [smem:$0x3FB7]  }
0x2f: {  	lr =	sadd.s32 s0, s3;
	s0 =	sld [smem:$0x3FAE]  }
0x30: {  	s3 =	sld [smem:$0x3FB1]  }
0x31: {  	[smem:$0x3FBA] =	sst s10  }
0x32: {  	s10 =	sld [smem:$0x3FB8];
	_ =	sdelay $0x3  }
0x33: {  	p0 =	seq.s32 s10, $0x1;
	s10 =	sld [smem:$0x3FBA];
	_ =	sdelay $0x3  }
0x34: {  	[smem:$0x3FBA] =	sst s10  }
0x35: {  	s10 =	sld [smem:$0x3FB9];
	_ =	sdelay $0x3  }
0x36: {  	p1 =	seq.s32 s10, $0x1;
	s10 =	sld [smem:$0x3FBA];
	_ =	sdelay $0x3  }
0x37: {  	[smem:$0x3FBA] =	sst s10  }
0x38: {  	s10 =	sld [smem:$0x3FBB]  }
0x39: {  	_ = 	snop;
	(pc) =	sbr.ind lr, $3  }
0x3a: {  	_ = 	snop  }
0x3b: {  	_ = 	snop  }
0x3c: {  	p2 =	seq.s32 s10, $0x1;
	s10 =	sld [smem:$0x3FBA]  }
0x3d: {  	_ =	shalt  }
0x3e: {  	_ =	shalt  }
0x3f: {  	_ =	shalt  }
0x40: {  	_ =	shalt  }
0x41: {  	_ =	shalt  }
0x42: {  	_ =	shalt  }
0x43: {  	_ =	shalt  }
0x44: {  	_ =	shalt  }
0x45: {  	_ =	shalt  }
0x46: {  	_ =	shalt  }
0x47: {  	_ =	shalt  }
0x48: {  	_ =	shalt  }
0x49: {  	_ =	shalt  }
0x4a: {  	_ =	shalt  }
0x4b: {  	_ =	shalt  }
0x4c: {  	_ =	shalt  }
0x4d: {  	_ =	shalt  }
0x4e: {  	_ =	shalt  }
0x4f: {  	_ =	shalt  }
0x50: {  	_ =	shalt  }
0x51: {  	_ =	shalt  }
0x52: {  	_ =	shalt  }
0x53: {  	_ =	shalt  }
0x54: {  	_ =	shalt  }
0x55: {  	_ =	shalt  }
0x56: {  	_ =	shalt  }
0x57: {  	_ =	shalt  }
0x58: {  	_ =	shalt  }
0x59: {  	_ =	shalt  }
0x5a: {  	_ =	shalt  }
0x5b: {  	_ =	shalt  }
0x5c: {  	_ =	shalt  }
0x5d: {  	_ =	shalt  }
0x5e: {  	_ =	shalt  }
0x5f: {  	_ =	shalt  }
0x60: {  	_ =	shalt  }
0x61: {  	_ =	shalt  }
0x62: {  	_ =	shalt  }
0x63: {  	_ =	shalt  }
0x64: {  	_ =	shalt  }
0x65: {  	_ =	shalt  }
0x66: {  	_ =	shalt  }
0x67: {  	_ =	shalt  }
0x68: {  	_ =	shalt  }
0x69: {  	_ =	shalt  }
0x6a: {  	_ =	shalt  }
0x6b: {  	_ =	shalt  }
0x6c: {  	_ =	shalt  }
0x6d: {  	_ =	shalt  }
0x6e: {  	_ =	shalt  }
0x6f: {  	_ =	shalt  }
0x70: {  	_ =	shalt  }
0x71: {  	_ =	shalt  }
0x72: {  	_ =	shalt  }
0x73: {  	_ =	shalt  }
0x74: {  	_ =	shalt  }
0x75: {  	_ =	shalt  }
0x76: {  	_ =	shalt  }
0x77: {  	_ =	shalt  }
0x78: {  	_ =	shalt  }
0x79: {  	_ =	shalt  }
0x7a: {  	_ =	shalt  }
0x7b: {  	_ =	shalt  }
0x7c: {  	_ =	shalt  }
0x7d: {  	_ =	shalt  }
0x7e: {  	_ =	shalt  }
0x7f: {  	_ =	shalt  }
0x80: {  	_ =	shalt  }
0x81: {  	_ =	shalt  }
0x82: {  	_ =	shalt  }
0x83: {  	_ =	shalt  }
0x84: {  	_ =	shalt  }
0x85: {  	_ =	shalt  }
0x86: {  	_ =	shalt  }
0x87: {  	_ =	shalt  }
.Lfunc_end0:
.L_simem_size_0:
called_computation.1_lowered:
.L_overlay_start_0:
0x88: {  	s2 =	sld [smem:$0x3FD9]  }
0x89: {  	s3 =	sld [smem:$0x3FFE];
	_ =	sdelay $0x1  }
0x8a: {  	s1 =	srdreg.scid  }
0x8b: {  	s0 =	sand.u32 $0x1, s1  }
0x8c: {  	s17 =	sshll.u32 s0, $0xA;
	s2 =	sadd.s32 s3, s2  }
0x8d: {  	s2 =	sadd.s32 s2, s17  }
0x8e: {  	[smem:$0x3FC6] =	sst s2  }
0x8f: {  	_ = 	snop  }
0x90: {  	s2 =	sld [smem:$0x3FD0];
	(tm) =	ssettm $0x1  }
0x91: {  	s18 =	sld [smem:$0x3FFB];
	_ =	sdelay $0x3  }
0x92: {  	_ =	strace s18  }
0x93: {  	s3 =	sld [smem:$0x3FFC];
	_ =	sdelay $0x3  }
0x94: {  	_ =	strace s3  }
0x95: {  	s3 =	sld [smem:$0x3FFD];
	_ =	sdelay $0x3  }
0x96: {  	_ =	strace s3  }
0x97: {  	_ =	strace $0x8FFFFFFF  }
0x98: {  	s19 =	sld [smem:$0x3FDB];
	_ =	sdelay $0x1  }
0x99: {  	s4 =	simm.s32 $_scs_section_size  }
0x9a: {  	s5 =	simm.s32 $_size__tile_overlayer_lowered;
	s6 =	simm.s32 $_tile_overlayer_lowered  }
0x9b: {  	s22 =	simm.s32 $0x1BFF;
	s21 =	sshll.u32 s6, $0x1;
	s3 =	sadd.s32 s4, s19  }
0x9c: {  	s7 =	simm.s32 $0x0;
	s20 =	sshll.u32 s5, $0x1;
	s5 =	sadd.s32 s21, s3  }
0x9d: {  	[timem:s7], [sflag:s22] =	dma.local [hbm:s5], s20  }
0x9e: {  	_ =	swait.ge [sflag:s22], s20  }
0x9f: {  	s4 =	ssub.s32 $0x0, s20;
	[sflag:s22] =	ssyncset.done $0x0  }
0xa0: {  	[sflag:s22] =	ssyncadd.s32 s4;
	_ =	sdelay $0x1  }
0xa1: {  	s23 =	simm.s32 $0x1B8B  }
0xa2: {  	_ =	swait.ge [sflag:s23], $0x1  }
0xa3: {  	[sflag:s23] =	ssyncset.done $0x0  }
0xa4: {  	s25 =	simm.s32 $0x1B8E;
	s24 =	sld [smem:$0x3FFE];
	[sflag:s23] =	ssyncadd.s32 $0xFFFFFFFF  }
0xa5: {  	s26 =	simm.s32 $execute0_lowered;
	[smem:$0x3FD2] =	sst s25  }
0xa6: {  	s5 =	sshll.u32 s26, $0x1;
	_ =	strace $0x80000049;
	[dreg:$0x1] =	wrdreg $0xFFFFFFFF  }
0xa7: {  	s28 =	simm.s32 $_size_execute0_lowered;
	s3 =	sadd.s32 s3, s5;
	[dreg:$0x0] =	wrdreg $0x0  }
0xa8: {  	s5 =	sshll.u32 s28, $0x1;
	[dreg:$0x2] =	wrdreg s3  }
0xa9: {  	[dreg:$0x3] =	wrdreg s5  }
0xaa: {  	[dreg:$0x4] =	wrdreg $0xC0  }
0xab: {  	_ =	task [dreg:s7], $0x5FFFF  }
0xac: {  	[dreg:$0x1] =	wrdreg $0xFFFFFFFF  }
0xad: {  	[dreg:$0x0] =	wrdreg $0x60  }
0xae: {  	[dreg:$0x2] =	wrdreg s24  }
0xaf: {  	[dreg:$0x3] =	wrdreg s2  }
0xb0: {  	[dreg:$0x4] =	wrdreg $0x9  }
0xb1: {  	_ =	task.clear_ibuf [dreg:s7], $0x5FFFF;
	_ =	strace $0x90000049  }
0xb2: {  	s29 =	simm.s32 $0x9;
	_ =	strace $0x8000004B  }
0xb3: {  	_ =	swait.ge [sflag:s29], $0x1  }
0xb4: {  	[sflag:s29] =	ssyncadd.s32 $0xFFFFFFFF  }
0xb5: {  	_ =	strace $0x9000004B  }
0xb6: {  	_ =	sfence  }
0xb7: {  	s30 =	sld [smem:$0x0];
	_ =	sdelay $0x2  }
0xb8: {  	s31 =	sshll.u32 s1, $0xD;
	s1 =	sshrl.u32 s1, $0x2  }
0xb9: {  	s3 =	sand.u32 $0x4000, s31;
	s1 =	sadd.s32 s1, s30  }
0xba: {  	s0 =	sor.u32 s3, s0;
	s1 =	sshll.u32 s1, $0x11  }
0xbb: {  	s0 =	sor.u32 s1, s0  }
0xbc: {  	s0 =	sadd.s32 $0x8F2B, s0  }
0xbd: {  	[sflag:s0] =	ssyncadd.remote.s32 $0x1  }
0xbe: {  	_ =	sfence.sel $0xFFFF  }
0xbf: {  	[dreg:$0x0] =	wrdreg $0xFFFFFFFF;
	(pc) =	sbr.abs _section_cstart, $3  }
0xc0: {  	[dreg:$0x1] =	wrdreg $0xFFFFFFFF  }
0xc1: {  	_ =	task.clear_ibuf [dreg:s7], $0x2FFFF;
	_ =	strace $0x9FFFFFFF  }
0xc2: {  	(tm) =	ssettm $0x7FFFFFFF  }
0xc3: {  	_ =	shalt  }
tec
execute0_lowered:
.L_overlay_start_1:
0x0: {  	(tag) =	ssettag $0x1  }
0x1: {  	s4 =	rddreg [dreg:$0x0]  }
0x2: {  	s1 =	srdreg.scid;
	s0 =	stileid.u32  }
0x3: {  	s2 =	rddreg [dreg:$0x1];
	s15 =	sand.u32 $0x1, s1;
	s5 =	sshll.u32 s0, $0x1  }
0x4: {  	s3 =	simm.s32 $0x0;
	s1 =	rddreg [dreg:$0x2];
	s5 =	sor.u32 s15, s5  }
0x5: {  	[smem:$0x7FF] =	sst s3;
	s6 =	sshll.u32 s5, $0xC;
	s5 =	sshll.u32 s5, $0x6  }
0x6: {  	_ =	strace $0x8000004A;
	s6 =	sadd.s32 s6, s4;
	s4 =	sadd.s32 s4, s5  }
0x7: {  	[tilespmem:s3], [sflag:$0x2] =	stream.linear.gather [hbm4b:s4+s3], $0x200, $0x38;
	[tilespmem:$0x8200] =	vst v63  }
0x8: {  	s7 =	simm.s32 $0x2;
	s5 =	sadd.s32 $0x800, s6;
	s6 =	simm.s32 $0x200  }
0x9: {  	[tilespmem:s6], [sflag:$0x1] =	stream.linear.gather [hbm4b:s5+s3], $0x8000, $0x38;
	[tilespmem:$0x8200] =	vst v63  }
0xa: {  	_ =	swait.ge [sflag:s7], $0x200  }
0xb: {  	[sflag:s7] =	ssyncset.done $0x0  }
0xc: {  	s8 =	simm.s32 $0x1;
	[sflag:s7] =	ssyncadd.s32 $0xFFFFFE00  }
0xd: {  	_ =	swait.ge [sflag:s8], $0x8000  }
0xe: {  	[sflag:s8] =	ssyncset.done $0x0  }
0xf: {  	s9 =	simm.s32 $0x80;
	[sflag:s8] =	ssyncadd.s32 $0xFFFF8000  }
0x10: {  	[hbm4b:s2+s9] =	stream.indirect.scatter [tilespmem:s6], [sflag:$0x1], $0x40, s3, s9, $0xb8;
	[tilespmem:$0x8200] =	vst v63  }
0x11: {  	s10 =	simm.s32 $0x2200  }
0x12: {  	[hbm4b:s2+s9] =	stream.indirect.scatter [tilespmem:s10], [sflag:$0x1], $0x40, s9, s9, $0xb8;
	[tilespmem:$0x8200] =	vst v63  }
0x13: {  	s11 =	simm.s32 $0x100;
	s12 =	simm.s32 $0x4200  }
0x14: {  	[hbm4b:s2+s9] =	stream.indirect.scatter [tilespmem:s12], [sflag:$0x1], $0x40, s11, s9, $0xb8;
	[tilespmem:$0x8200] =	vst v63  }
0x15: {  	s13 =	simm.s32 $0x180;
	s14 =	simm.s32 $0x6200  }
0x16: {  	[hbm4b:s2+s9] =	stream.indirect.scatter [tilespmem:s14], [sflag:$0x1], $0x40, s13, s9, $0xb8;
	[tilespmem:$0x8200] =	vst v63  }
0x17: {  	_ =	swait.ge [sflag:s8], $0x2000  }
0x18: {  	s15 =	ssub.s32 $0x2, s15;
	[sflag:s8] =	ssyncset.done $0x0  }
0x19: {  	s16 =	sshrl.u32 s15, $0x1;
	[sflag:s8] =	ssyncadd.s32 $0xFFFFE000  }
0x1a: {  	s15 =	ssub.s32 s15, s16;
	_ =	swait.ge [sflag:s8], $0x2000  }
0x1b: {  	s15 =	smax.u32 s15, $0x1;
	[sflag:s8] =	ssyncset.done $0x0  }
0x1c: {  	p0 =	sne.s32 s15, $0x1;
	[sflag:s8] =	ssyncadd.s32 $0xFFFFE000  }
.Ltmp0:
0x1d: {  	_ =	swait.ge [sflag:s8], $0x2000;
	(pc) =	sbr.rel @!p0 .LBB2_2-.Ltmp0, $4  }
0x1e: {  	[sflag:s8] =	ssyncset.done $0x0  }
0x1f: {  	[sflag:s8] =	ssyncadd.s32 $0xFFFFE000  }
0x20: {  	_ =	swait.ge [sflag:s8], $0x2000  }
0x21: {  	s15 =	sadd.s32 $0xFFFFFFFF, s15;
	[sflag:s8] =	ssyncset.done $0x0  }
.LBB2_1:
0x22: {  	p0 =	sne.s32 s15, $0x1;
	s15 =	sadd.s32 $0xFFFFFFFF, s15;
	[sflag:s8] =	ssyncadd.s32 $0xFFFFE000  }
0x23: {  	[tilespmem:s3], [sflag:$0x2] =	stream.linear.gather [hbm4b:s4+s3], $0x200, $0x38;
	[tilespmem:$0x8200] =	vst v63  }
0x24: {  	_ = 	snop  }
0x25: {  	[tilespmem:s6], [sflag:$0x1] =	stream.linear.gather [hbm4b:s5+s3], $0x8000, $0x38;
	[tilespmem:$0x8200] =	vst v63  }
0x26: {  	_ =	swait.ge [sflag:s7], $0x200  }
0x27: {  	[sflag:s7] =	ssyncset.done $0x0  }
0x28: {  	[sflag:s7] =	ssyncadd.s32 $0xFFFFFE00  }
0x29: {  	_ =	swait.ge [sflag:s8], $0x8000  }
0x2a: {  	[sflag:s8] =	ssyncset.done $0x0  }
0x2b: {  	[sflag:s8] =	ssyncadd.s32 $0xFFFF8000  }
0x2c: {  	[hbm4b:s2+s9] =	stream.indirect.scatter [tilespmem:s6], [sflag:$0x1], $0x40, s3, s9, $0xb8;
	[tilespmem:$0x8200] =	vst v63  }
0x2d: {  	_ = 	snop  }
0x2e: {  	[hbm4b:s2+s9] =	stream.indirect.scatter [tilespmem:s10], [sflag:$0x1], $0x40, s9, s9, $0xb8;
	[tilespmem:$0x8200] =	vst v63  }
0x2f: {  	_ = 	snop  }
0x30: {  	[hbm4b:s2+s9] =	stream.indirect.scatter [tilespmem:s12], [sflag:$0x1], $0x40, s11, s9, $0xb8;
	[tilespmem:$0x8200] =	vst v63  }
0x31: {  	_ = 	snop  }
0x32: {  	[hbm4b:s2+s9] =	stream.indirect.scatter [tilespmem:s14], [sflag:$0x1], $0x40, s13, s9, $0xb8;
	[tilespmem:$0x8200] =	vst v63  }
0x33: {  	_ =	swait.ge [sflag:s8], $0x2000  }
0x34: {  	[sflag:s8] =	ssyncset.done $0x0  }
0x35: {  	[sflag:s8] =	ssyncadd.s32 $0xFFFFE000  }
0x36: {  	_ =	swait.ge [sflag:s8], $0x2000  }
0x37: {  	[sflag:s8] =	ssyncset.done $0x0  }
0x38: {  	[sflag:s8] =	ssyncadd.s32 $0xFFFFE000  }
.Ltmp1:
0x39: {  	_ =	swait.ge [sflag:s8], $0x2000;
	(pc) =	sbr.rel @p0 .LBB2_1-.Ltmp1, $4  }
0x3a: {  	[sflag:s8] =	ssyncset.done $0x0  }
0x3b: {  	[sflag:s8] =	ssyncadd.s32 $0xFFFFE000  }
0x3c: {  	_ =	swait.ge [sflag:s8], $0x2000  }
0x3d: {  	[sflag:s8] =	ssyncset.done $0x0  }
.LBB2_2:
0x3e: {  	[sflag:s8] =	ssyncadd.s32 $0xFFFFE000  }
0x3f: {  	_ =	sfence.sel $0x180000  }
0x40: {  	[bflag:$0x0] =	sbarrier.arrive $0xFFFF  }
0x41: {  	p0 =	sne.s32 s0, $0x0;
	_ =	strace $0x9000004A  }
0x42: {  	s0 =	sadd.s32 @!p0 $0x100000, s1;
	[bflag:$0x2] =	sbarrier.arrive $0xFFFF  }
0x43: {  	[sflag:s0] =	ssyncadd.tile.s32 @!p0 $0x1;
	_ =	shalt  }
.Lfunc_end2:
_tile_overlayer_lowered:
.L_overlay_start_2:
0x44: {  	(tag) =	ssettag $0x2  }
0x45: {  	s0 =	rddreg [dreg:$0x0];
	s2 =	stileid.u32  }
0x46: {  	s1 =	rddreg [dreg:$0x1];
	p0 =	sne.s32 s2, $0x0  }
0x47: {  	s3 =	rddreg [dreg:$0x2];
	[bflag:$0x3] =	sbarrier.arrive $0xFFFF;
	s2 =	simm.s32 @!p0 $0x1C03  }
0x48: {  	[timem:s3], [sflag:s2] =	dma.local @!p0 [hbm:s0], s1  }
0x49: {  	s0 =	simm.s32 @!p0 $0x3  }
0x4a: {  	_ =	swait.ge @!p0 [sflag:s0], s1  }
0x4b: {  	s1 =	ssub.s32 @!p0 $0x0, s1;
	[sflag:s0] =	ssyncset.done @!p0 $0x0  }
0x4c: {  	[sflag:s0] =	ssyncadd.s32 @!p0 s1  }
0x4d: {  	[bflag:$0x3] =	sbarrier.arrive $0xFFFF  }
0x4e: {  	_ =	shalt  }

</sc_bundles>
